<compile_context>
chip_gen: v7x
topology: tpu7x:2x2x1
jax: 0.10.2.dev20260603
libtpu: 0.0.44.dev20260713+nightly
codegen_flags: <defaults>
</compile_context>

<pallas_src>
import jax
import jax.numpy as jnp
from jax import lax
from jax.experimental import pallas as pl
from jax.experimental.pallas import tpu as pltpu
from jax.experimental.pallas import tpu_sc as plsc

_B = 16384
_L = 200
_PAD = 1000
_TAB = 1008
_NC = 2
_NS = 16
_NW = _NC * _NS
_ROWS = _B // _NW
_LN = 16
_Q = _ROWS // 4


def _noisy_or_body(rt_hbm, w_hbm, out_hbm, buf, tab_v, out_v, sw, s0, s1, s2, s3):
    wid = lax.axis_index("s") * _NC + lax.axis_index("c")
    base = wid * _ROWS

    cw = pltpu.make_async_copy(w_hbm, tab_v, sw)
    cw.start()
    qsems = [s0, s1, s2, s3]
    qcopies = [
        pltpu.make_async_copy(
            rt_hbm.at[:, pl.ds(base + q * _Q, _Q)],
            buf.at[:, pl.ds(q * _Q, _Q)],
            qsems[q],
        )
        for q in range(4)
    ]
    for cp in qcopies:
        cp.start()

    lanes = lax.broadcasted_iota(jnp.int32, (_LN,), 0)

    cw.wait()

    def tbuild(j, c):
        w = tab_v[pl.ds(j * _LN, _LN)]
        p = 1.0 / (1.0 + jnp.exp(w))
        gidx = j * _LN + lanes
        tab_v[pl.ds(j * _LN, _LN)] = jnp.where(gidx == _PAD, 1.0, p)
        return c

    lax.fori_loop(0, _TAB // _LN, tbuild, 0)

    def group_pair(h, c):
        for q in range(4):
            @pl.when(h == q * (_Q // (2 * _LN)))
            def _(q=q):
                qcopies[q].wait()

        cols = [h * 2 * _LN, (h * 2 + 1) * _LN]
        accs = [[None] * 8, [None] * 8]
        for i in range(_L):
            k = i % 8
            for g in range(2):
                ids = buf[i, pl.ds(cols[g], _LN)]
                vals = plsc.load_gather(tab_v, [ids])
                accs[g][k] = vals if accs[g][k] is None else accs[g][k] * vals
        for g in range(2):
            a = accs[g]
            acc = ((a[0] * a[1]) * (a[2] * a[3])) * (
                (a[4] * a[5]) * (a[6] * a[7])
            )
            out_v[pl.ds(cols[g], _LN)] = jnp.clip(1.0 - acc, 1e-4, 1.0 - 1e-5)
        return c

    lax.fori_loop(0, _ROWS // (2 * _LN), group_pair, 0)

    pltpu.sync_copy(out_v, out_hbm.at[pl.ds(base, _ROWS)])


def kernel(rules, W):
    f = pl.kernel(
        _noisy_or_body,
        mesh=plsc.VectorSubcoreMesh(core_axis_name="c", subcore_axis_name="s"),
        compiler_params=pltpu.CompilerParams(
            needs_layout_passes=False, use_tc_tiling_on_sc=True
        ),
        out_type=jax.ShapeDtypeStruct((_B,), jnp.float32),
        scratch_types=[
            pltpu.VMEM((_L, _ROWS), jnp.int32),
            pltpu.VMEM((_TAB,), jnp.float32),
            pltpu.VMEM((_ROWS,), jnp.float32),
            pltpu.SemaphoreType.DMA,
            pltpu.SemaphoreType.DMA,
            pltpu.SemaphoreType.DMA,
            pltpu.SemaphoreType.DMA,
            pltpu.SemaphoreType.DMA,
        ],
    )
    wp = jnp.concatenate(
        [W.reshape(-1).astype(jnp.float32),
         jnp.zeros((_TAB - _PAD - 1,), jnp.float32)]
    )
    return f(rules.astype(jnp.int32).T, wp).reshape(_B, 1)

# --- scband reference (transcript-rebuilt; emitter-appended) ---
"""Pipeline reference for scband-noisy-or-aggregator-85255100826365 (READ-ONLY COPY).

The authoritative reference and input builder live on the scoring server;
editing this copy changes nothing except your own understanding.
"""

import jax, jax.numpy as jnp
import numpy as np

NUM_RULES = 1000
PAD_TOK = 1000
B, L = 16384, 200


def setup_inputs(seed: int = 0) -> dict:
    key = jax.random.key(seed)
    rules = jax.random.randint(jax.random.fold_in(key, 0), (B, L), 0, NUM_RULES + 1)
    confs = np.clip(np.full((NUM_RULES,), 0.005, dtype=np.float64), 1e-06, 1 - 1e-06)
    W = np.zeros((NUM_RULES + 1, 1), dtype=np.float32)
    W[:NUM_RULES, 0] = np.log(confs / (1.0 - confs)).astype(np.float32)
    return {"rules": rules, "W": jnp.asarray(W)}


def reference(rules, W):
    # mask = rules == padding_idx
    mask = rules == PAD_TOK
    # x = self.rules(rules)  -> embedding gather, [B, L, 1]
    x = jnp.take(W, rules, axis=0)
    # x.masked_fill_(mask.unsqueeze(2), -inf)
    x = jnp.where(mask[..., None], -jnp.inf, x)
    # noisy-or: 1 - prod(1 - sigmoid(x)) over rule dim
    no = 1.0 - jnp.prod(1.0 - jax.nn.sigmoid(x), axis=1)
    return jnp.clip(no, 0.0001, 1.0 - 1e-05)

if __name__ == "__main__":
    import jax
    _d = setup_inputs()
    print(jax.jit(kernel)(*tuple(_d.values())))

</pallas_src>

<mosaic_0001>
#map = affine_map<(d0, d1) -> (0, 0)>
#map1 = affine_map<(d0, d1) -> (0)>
module attributes {stable_mosaic.version = 14 : i64} {
  func.func @_noisy_or_body(%arg0: i32, %arg1: i32, %arg2: memref<200x16384xi32, #tpu.memory_space<hbm>>, %arg3: memref<1008xf32, #tpu.memory_space<hbm>>, %arg4: memref<16384xf32, #tpu.memory_space<hbm>>, %arg5: memref<200x512xi32, #tpu.memory_space<vmem>>, %arg6: memref<1008xf32, #tpu.memory_space<vmem>>, %arg7: memref<512xf32, #tpu.memory_space<vmem>>, %arg8: memref<!tpu.dma_semaphore, #tpu.memory_space<semaphore_mem>>, %arg9: memref<!tpu.dma_semaphore, #tpu.memory_space<semaphore_mem>>, %arg10: memref<!tpu.dma_semaphore, #tpu.memory_space<semaphore_mem>>, %arg11: memref<!tpu.dma_semaphore, #tpu.memory_space<semaphore_mem>>, %arg12: memref<!tpu.dma_semaphore, #tpu.memory_space<semaphore_mem>>) attributes {dimension_semantics = [#tpu.dimension_semantics<core_parallel>, #tpu.dimension_semantics<subcore_parallel>], iteration_bounds = array<i64: 2, 16>, scalar_prefetch = 0 : i64, scratch_operands = 8 : i64, tpu.core_type = #tpu.core_type<sc_vector_subcore>, window_params = [{transform_indices = #map}, {transform_indices = #map1}, {transform_indices = #map1}]} {
    %mul3A = arith.constant 2 : i32
    %mul3A_0 = arith.muli %arg1, %mul3A : i32
    %add3A = arith.addi %mul3A_0, %arg0 : i32
    %mul3A_1 = arith.constant 512 : i32
    %mul3A_2 = arith.muli %add3A, %mul3A_1 : i32
    tpu.enqueue_dma source(%arg3 : memref<1008xf32, #tpu.memory_space<hbm>>) target(%arg6 : memref<1008xf32, #tpu.memory_space<vmem>>) target_semaphore(%arg8 : memref<!tpu.dma_semaphore, #tpu.memory_space<semaphore_mem>>)
    %add3A_3 = arith.constant 0 : i32
    %add3A_4 = arith.addi %mul3A_2, %add3A_3 : i32
    %add3A_5 = arith.constant 128 : i32
    %add3A_6 = arith.addi %mul3A_2, %add3A_5 : i32
    %add3A_7 = arith.constant 256 : i32
    %add3A_8 = arith.addi %mul3A_2, %add3A_7 : i32
    %add3A_9 = arith.constant 384 : i32
    %add3A_10 = arith.addi %mul3A_2, %add3A_9 : i32
    %dma_start3A = arith.constant 0 : i32
    %dma_start3A_11 = arith.constant 0 : i32
    %dma_start3A_12 = tpu.memref_slice %arg5[%dma_start3A, %dma_start3A_11] : memref<200x512xi32, #tpu.memory_space<vmem>> -> memref<200x128xi32, #tpu.memory_space<vmem>>
    %dma_start3A_13 = arith.constant 0 : i32
    %dma_start3A_14 = tpu.memref_slice %arg2[%dma_start3A_13, %add3A_4] : memref<200x16384xi32, #tpu.memory_space<hbm>> -> memref<200x128xi32, #tpu.memory_space<hbm>>
    %dma_start3A_15 = arith.constant 0 : i32
    %dma_start3A_16 = arith.constant 0 : i32
    %dma_start3A_17 = tpu.memref_slice %arg5[%dma_start3A_15, %dma_start3A_16] : memref<200x512xi32, #tpu.memory_space<vmem>> -> memref<200x128xi32, #tpu.memory_space<vmem>>
    %dma_start3A_18 = arith.constant 0 : i32
    %dma_start3A_19 = tpu.memref_slice %arg2[%dma_start3A_18, %add3A_4] : memref<200x16384xi32, #tpu.memory_space<hbm>> -> memref<200x128xi32, #tpu.memory_space<hbm>>
    tpu.enqueue_dma source(%dma_start3A_19 : memref<200x128xi32, #tpu.memory_space<hbm>>) target(%dma_start3A_17 : memref<200x128xi32, #tpu.memory_space<vmem>>) target_semaphore(%arg9 : memref<!tpu.dma_semaphore, #tpu.memory_space<semaphore_mem>>)
    %dma_start3A_20 = arith.constant 0 : i32
    %dma_start3A_21 = arith.constant 128 : i32
    %dma_start3A_22 = tpu.memref_slice %arg5[%dma_start3A_20, %dma_start3A_21] : memref<200x512xi32, #tpu.memory_space<vmem>> -> memref<200x128xi32, #tpu.memory_space<vmem>>
    %dma_start3A_23 = arith.constant 0 : i32
    %dma_start3A_24 = tpu.memref_slice %arg2[%dma_start3A_23, %add3A_6] : memref<200x16384xi32, #tpu.memory_space<hbm>> -> memref<200x128xi32, #tpu.memory_space<hbm>>
    %dma_start3A_25 = arith.constant 0 : i32
    %dma_start3A_26 = arith.constant 128 : i32
    %dma_start3A_27 = tpu.memref_slice %arg5[%dma_start3A_25, %dma_start3A_26] : memref<200x512xi32, #tpu.memory_space<vmem>> -> memref<200x128xi32, #tpu.memory_space<vmem>>
    %dma_start3A_28 = arith.constant 0 : i32
    %dma_start3A_29 = tpu.memref_slice %arg2[%dma_start3A_28, %add3A_6] : memref<200x16384xi32, #tpu.memory_space<hbm>> -> memref<200x128xi32, #tpu.memory_space<hbm>>
    tpu.enqueue_dma source(%dma_start3A_29 : memref<200x128xi32, #tpu.memory_space<hbm>>) target(%dma_start3A_27 : memref<200x128xi32, #tpu.memory_space<vmem>>) target_semaphore(%arg10 : memref<!tpu.dma_semaphore, #tpu.memory_space<semaphore_mem>>)
    %dma_start3A_30 = arith.constant 0 : i32
    %dma_start3A_31 = arith.constant 256 : i32
    %dma_start3A_32 = tpu.memref_slice %arg5[%dma_start3A_30, %dma_start3A_31] : memref<200x512xi32, #tpu.memory_space<vmem>> -> memref<200x128xi32, #tpu.memory_space<vmem>>
    %dma_start3A_33 = arith.constant 0 : i32
    %dma_start3A_34 = tpu.memref_slice %arg2[%dma_start3A_33, %add3A_8] : memref<200x16384xi32, #tpu.memory_space<hbm>> -> memref<200x128xi32, #tpu.memory_space<hbm>>
    %dma_start3A_35 = arith.constant 0 : i32
    %dma_start3A_36 = arith.constant 256 : i32
    %dma_start3A_37 = tpu.memref_slice %arg5[%dma_start3A_35, %dma_start3A_36] : memref<200x512xi32, #tpu.memory_space<vmem>> -> memref<200x128xi32, #tpu.memory_space<vmem>>
    %dma_start3A_38 = arith.constant 0 : i32
    %dma_start3A_39 = tpu.memref_slice %arg2[%dma_start3A_38, %add3A_8] : memref<200x16384xi32, #tpu.memory_space<hbm>> -> memref<200x128xi32, #tpu.memory_space<hbm>>
    tpu.enqueue_dma source(%dma_start3A_39 : memref<200x128xi32, #tpu.memory_space<hbm>>) target(%dma_start3A_37 : memref<200x128xi32, #tpu.memory_space<vmem>>) target_semaphore(%arg11 : memref<!tpu.dma_semaphore, #tpu.memory_space<semaphore_mem>>)
    %dma_start3A_40 = arith.constant 0 : i32
    %dma_start3A_41 = arith.constant 384 : i32
    %dma_start3A_42 = tpu.memref_slice %arg5[%dma_start3A_40, %dma_start3A_41] : memref<200x512xi32, #tpu.memory_space<vmem>> -> memref<200x128xi32, #tpu.memory_space<vmem>>
    %dma_start3A_43 = arith.constant 0 : i32
    %dma_start3A_44 = tpu.memref_slice %arg2[%dma_start3A_43, %add3A_10] : memref<200x16384xi32, #tpu.memory_space<hbm>> -> memref<200x128xi32, #tpu.memory_space<hbm>>
    %dma_start3A_45 = arith.constant 0 : i32
    %dma_start3A_46 = arith.constant 384 : i32
    %dma_start3A_47 = tpu.memref_slice %arg5[%dma_start3A_45, %dma_start3A_46] : memref<200x512xi32, #tpu.memory_space<vmem>> -> memref<200x128xi32, #tpu.memory_space<vmem>>
    %dma_start3A_48 = arith.constant 0 : i32
    %dma_start3A_49 = tpu.memref_slice %arg2[%dma_start3A_48, %add3A_10] : memref<200x16384xi32, #tpu.memory_space<hbm>> -> memref<200x128xi32, #tpu.memory_space<hbm>>
    tpu.enqueue_dma source(%dma_start3A_49 : memref<200x128xi32, #tpu.memory_space<hbm>>) target(%dma_start3A_47 : memref<200x128xi32, #tpu.memory_space<vmem>>) target_semaphore(%arg12 : memref<!tpu.dma_semaphore, #tpu.memory_space<semaphore_mem>>)
    %iota3A = tpu.iota {dimensions = array<i32: 0>} : vector<16xi32>
    tpu.wait_dma2 semaphore(%arg8 : memref<!tpu.dma_semaphore, #tpu.memory_space<semaphore_mem>>) src(%arg3 : memref<1008xf32, #tpu.memory_space<hbm>>) dst(%arg6 : memref<1008xf32, #tpu.memory_space<vmem>>)
    %scan3A = arith.constant 0 : i32
    %scan3A_50 = arith.constant 0 : i32
    %scan3A_51 = arith.constant 63 : i32
    %scan3A_52 = arith.addi %scan3A_50, %scan3A_51 : i32
    %scan3A_53 = arith.constant 1 : i32
    scf.for %scan3A_61 = %scan3A_50 to %scan3A_52 step %scan3A_53  : i32 {
      %mul3A_62 = arith.constant 16 : i32
      %mul3A_63 = arith.muli %scan3A_61, %mul3A_62 : i32
      %get3A = arith.index_cast %mul3A_63 : i32 to index
      %get3A_64 = tpu.vector_load %arg6[%get3A] {strides = array<i32>} : memref<1008xf32, #tpu.memory_space<vmem>>, vector<16xf32>,
      %exp3A = math.exp %get3A_64 : vector<16xf32>
      %add3A_65 = arith.constant 1.000000e+00 : f32
      %add3A_66 = vector.broadcast %add3A_65 : f32 to vector<16xf32>
      %add3A_67 = arith.addf %add3A_66, %exp3A : vector<16xf32>
      %div3A = arith.constant 1.000000e+00 : f32
      %div3A_68 = vector.broadcast %div3A : f32 to vector<16xf32>
      %div3A_69 = arith.divf %div3A_68, %add3A_67 : vector<16xf32>
      %mul3A_70 = arith.constant 16 : i32
      %mul3A_71 = arith.muli %scan3A_61, %mul3A_70 : i32
      %add3A_72 = vector.broadcast %mul3A_71 : i32 to vector<16xi32>
      %add3A_73 = arith.addi %add3A_72, %iota3A : vector<16xi32>
      %eq3A = arith.constant 1000 : i32
      %eq3A_74 = vector.broadcast %eq3A : i32 to vector<16xi32>
      %eq3A_75 = arith.cmpi eq, %add3A_73, %eq3A_74 : vector<16xi32>
      %jit3A = arith.constant 1.000000e+00 : f32
      %broadcast_in_dim3A = vector.broadcast %jit3A : f32 to vector<16xf32>
      %select_n3A = arith.select %eq3A_75, %broadcast_in_dim3A, %div3A_69 : vector<16xi1>, vector<16xf32>
      %mul3A_76 = arith.constant 16 : i32
      %mul3A_77 = arith.muli %scan3A_61, %mul3A_76 : i32
      %swap3A = arith.index_cast %mul3A_77 : i32 to index
      %swap3A_78 = tpu.vector_load %arg6[%swap3A] {strides = array<i32>} : memref<1008xf32, #tpu.memory_space<vmem>>, vector<16xf32>,
      tpu.vector_store %arg6[%swap3A], %select_n3A {strides = array<i32>} : memref<1008xf32, #tpu.memory_space<vmem>>, vector<16xf32>,
    }
    %scan3A_54 = arith.constant 63 : i32
    %scan3A_55 = arith.constant 0 : i32
    %scan3A_56 = arith.constant 0 : i32
    %scan3A_57 = arith.constant 16 : i32
    %scan3A_58 = arith.addi %scan3A_56, %scan3A_57 : i32
    %scan3A_59 = arith.constant 1 : i32
    scf.for %scan3A_61 = %scan3A_56 to %scan3A_58 step %scan3A_59  : i32 {
      %eq3A = arith.constant 0 : i32
      %eq3A_62 = arith.cmpi eq, %scan3A_61, %eq3A : i32
      %convert_element_type3A = arith.extui %eq3A_62 : i1 to i32
      %cond3A = arith.constant 0 : i32
      %cond3A_63 = arith.cmpi ne, %convert_element_type3A, %cond3A : i32
      scf.if %cond3A_63 {
        %dma_wait3A = arith.constant 0 : i32
        %dma_wait3A_2502 = arith.constant 0 : i32
        %dma_wait3A_2503 = tpu.memref_slice %arg5[%dma_wait3A, %dma_wait3A_2502] : memref<200x512xi32, #tpu.memory_space<vmem>> -> memref<200x128xi32, #tpu.memory_space<vmem>>
        %dma_wait3A_2504 = arith.constant 0 : i32
        %dma_wait3A_2505 = tpu.memref_slice %arg2[%dma_wait3A_2504, %add3A_4] : memref<200x16384xi32, #tpu.memory_space<hbm>> -> memref<200x128xi32, #tpu.memory_space<hbm>>
        %dma_wait3A_2506 = arith.constant 0 : i32
        %dma_wait3A_2507 = arith.constant 0 : i32
        %dma_wait3A_2508 = tpu.memref_slice %arg5[%dma_wait3A_2506, %dma_wait3A_2507] : memref<200x512xi32, #tpu.memory_space<vmem>> -> memref<200x128xi32, #tpu.memory_space<vmem>>
        %dma_wait3A_2509 = arith.constant 0 : i32
        %dma_wait3A_2510 = tpu.memref_slice %arg2[%dma_wait3A_2509, %add3A_4] : memref<200x16384xi32, #tpu.memory_space<hbm>> -> memref<200x128xi32, #tpu.memory_space<hbm>>
        tpu.wait_dma2 semaphore(%arg9 : memref<!tpu.dma_semaphore, #tpu.memory_space<semaphore_mem>>) src(%dma_wait3A_2510 : memref<200x128xi32, #tpu.memory_space<hbm>>) dst(%dma_wait3A_2508 : memref<200x128xi32, #tpu.memory_space<vmem>>)
      } else {
      }
      %eq3A_64 = arith.constant 4 : i32
      %eq3A_65 = arith.cmpi eq, %scan3A_61, %eq3A_64 : i32
      %convert_element_type3A_66 = arith.extui %eq3A_65 : i1 to i32
      %cond3A_67 = arith.constant 0 : i32
      %cond3A_68 = arith.cmpi ne, %convert_element_type3A_66, %cond3A_67 : i32
      scf.if %cond3A_68 {
        %dma_wait3A = arith.constant 0 : i32
        %dma_wait3A_2502 = arith.constant 128 : i32
        %dma_wait3A_2503 = tpu.memref_slice %arg5[%dma_wait3A, %dma_wait3A_2502] : memref<200x512xi32, #tpu.memory_space<vmem>> -> memref<200x128xi32, #tpu.memory_space<vmem>>
        %dma_wait3A_2504 = arith.constant 0 : i32
        %dma_wait3A_2505 = tpu.memref_slice %arg2[%dma_wait3A_2504, %add3A_6] : memref<200x16384xi32, #tpu.memory_space<hbm>> -> memref<200x128xi32, #tpu.memory_space<hbm>>
        %dma_wait3A_2506 = arith.constant 0 : i32
        %dma_wait3A_2507 = arith.constant 128 : i32
        %dma_wait3A_2508 = tpu.memref_slice %arg5[%dma_wait3A_2506, %dma_wait3A_2507] : memref<200x512xi32, #tpu.memory_space<vmem>> -> memref<200x128xi32, #tpu.memory_space<vmem>>
        %dma_wait3A_2509 = arith.constant 0 : i32
        %dma_wait3A_2510 = tpu.memref_slice %arg2[%dma_wait3A_2509, %add3A_6] : memref<200x16384xi32, #tpu.memory_space<hbm>> -> memref<200x128xi32, #tpu.memory_space<hbm>>
        tpu.wait_dma2 semaphore(%arg10 : memref<!tpu.dma_semaphore, #tpu.memory_space<semaphore_mem>>) src(%dma_wait3A_2510 : memref<200x128xi32, #tpu.memory_space<hbm>>) dst(%dma_wait3A_2508 : memref<200x128xi32, #tpu.memory_space<vmem>>)
      } else {
      }
      %eq3A_69 = arith.constant 8 : i32
      %eq3A_70 = arith.cmpi eq, %scan3A_61, %eq3A_69 : i32
      %convert_element_type3A_71 = arith.extui %eq3A_70 : i1 to i32
      %cond3A_72 = arith.constant 0 : i32
      %cond3A_73 = arith.cmpi ne, %convert_element_type3A_71, %cond3A_72 : i32
      scf.if %cond3A_73 {
        %dma_wait3A = arith.constant 0 : i32
        %dma_wait3A_2502 = arith.constant 256 : i32
        %dma_wait3A_2503 = tpu.memref_slice %arg5[%dma_wait3A, %dma_wait3A_2502] : memref<200x512xi32, #tpu.memory_space<vmem>> -> memref<200x128xi32, #tpu.memory_space<vmem>>
        %dma_wait3A_2504 = arith.constant 0 : i32
        %dma_wait3A_2505 = tpu.memref_slice %arg2[%dma_wait3A_2504, %add3A_8] : memref<200x16384xi32, #tpu.memory_space<hbm>> -> memref<200x128xi32, #tpu.memory_space<hbm>>
        %dma_wait3A_2506 = arith.constant 0 : i32
        %dma_wait3A_2507 = arith.constant 256 : i32
        %dma_wait3A_2508 = tpu.memref_slice %arg5[%dma_wait3A_2506, %dma_wait3A_2507] : memref<200x512xi32, #tpu.memory_space<vmem>> -> memref<200x128xi32, #tpu.memory_space<vmem>>
        %dma_wait3A_2509 = arith.constant 0 : i32
        %dma_wait3A_2510 = tpu.memref_slice %arg2[%dma_wait3A_2509, %add3A_8] : memref<200x16384xi32, #tpu.memory_space<hbm>> -> memref<200x128xi32, #tpu.memory_space<hbm>>
        tpu.wait_dma2 semaphore(%arg11 : memref<!tpu.dma_semaphore, #tpu.memory_space<semaphore_mem>>) src(%dma_wait3A_2510 : memref<200x128xi32, #tpu.memory_space<hbm>>) dst(%dma_wait3A_2508 : memref<200x128xi32, #tpu.memory_space<vmem>>)
      } else {
      }
      %eq3A_74 = arith.constant 12 : i32
      %eq3A_75 = arith.cmpi eq, %scan3A_61, %eq3A_74 : i32
      %convert_element_type3A_76 = arith.extui %eq3A_75 : i1 to i32
      %cond3A_77 = arith.constant 0 : i32
      %cond3A_78 = arith.cmpi ne, %convert_element_type3A_76, %cond3A_77 : i32
      scf.if %cond3A_78 {
        %dma_wait3A = arith.constant 0 : i32
        %dma_wait3A_2502 = arith.constant 384 : i32
        %dma_wait3A_2503 = tpu.memref_slice %arg5[%dma_wait3A, %dma_wait3A_2502] : memref<200x512xi32, #tpu.memory_space<vmem>> -> memref<200x128xi32, #tpu.memory_space<vmem>>
        %dma_wait3A_2504 = arith.constant 0 : i32
        %dma_wait3A_2505 = tpu.memref_slice %arg2[%dma_wait3A_2504, %add3A_10] : memref<200x16384xi32, #tpu.memory_space<hbm>> -> memref<200x128xi32, #tpu.memory_space<hbm>>
        %dma_wait3A_2506 = arith.constant 0 : i32
        %dma_wait3A_2507 = arith.constant 384 : i32
        %dma_wait3A_2508 = tpu.memref_slice %arg5[%dma_wait3A_2506, %dma_wait3A_2507] : memref<200x512xi32, #tpu.memory_space<vmem>> -> memref<200x128xi32, #tpu.memory_space<vmem>>
        %dma_wait3A_2509 = arith.constant 0 : i32
        %dma_wait3A_2510 = tpu.memref_slice %arg2[%dma_wait3A_2509, %add3A_10] : memref<200x16384xi32, #tpu.memory_space<hbm>> -> memref<200x128xi32, #tpu.memory_space<hbm>>
        tpu.wait_dma2 semaphore(%arg12 : memref<!tpu.dma_semaphore, #tpu.memory_space<semaphore_mem>>) src(%dma_wait3A_2510 : memref<200x128xi32, #tpu.memory_space<hbm>>) dst(%dma_wait3A_2508 : memref<200x128xi32, #tpu.memory_space<vmem>>)
      } else {
      }
      %mul3A_79 = arith.constant 2 : i32
      %mul3A_80 = arith.muli %scan3A_61, %mul3A_79 : i32
      %mul3A_81 = arith.constant 16 : i32
      %mul3A_82 = arith.muli %mul3A_80, %mul3A_81 : i32
      %mul3A_83 = arith.constant 2 : i32
      %mul3A_84 = arith.muli %scan3A_61, %mul3A_83 : i32
      %add3A_85 = arith.constant 1 : i32
      %add3A_86 = arith.addi %mul3A_84, %add3A_85 : i32
      %mul3A_87 = arith.constant 16 : i32
      %mul3A_88 = arith.muli %add3A_86, %mul3A_87 : i32
      %get3A = arith.constant 0 : i32
      %get3A_89 = arith.index_cast %get3A : i32 to index
      %get3A_90 = arith.index_cast %mul3A_82 : i32 to index
      %get3A_91 = tpu.vector_load %arg5[%get3A_89, %get3A_90] {strides = array<i32>} : memref<200x512xi32, #tpu.memory_space<vmem>>, vector<16xi32>,
      %gather3A = tpu.vector_load_idx %arg6[%get3A_91] : memref<1008xf32, #tpu.memory_space<vmem>>[vector<16xi32>], vector<16xf32>,
      %get3A_92 = arith.constant 0 : i32
      %get3A_93 = arith.index_cast %get3A_92 : i32 to index
      %get3A_94 = arith.index_cast %mul3A_88 : i32 to index
      %get3A_95 = tpu.vector_load %arg5[%get3A_93, %get3A_94] {strides = array<i32>} : memref<200x512xi32, #tpu.memory_space<vmem>>, vector<16xi32>,
      %gather3A_96 = tpu.vector_load_idx %arg6[%get3A_95] : memref<1008xf32, #tpu.memory_space<vmem>>[vector<16xi32>], vector<16xf32>,
      %get3A_97 = arith.constant 1 : i32
      %get3A_98 = arith.index_cast %get3A_97 : i32 to index
      %get3A_99 = arith.index_cast %mul3A_82 : i32 to index
      %get3A_100 = tpu.vector_load %arg5[%get3A_98, %get3A_99] {strides = array<i32>} : memref<200x512xi32, #tpu.memory_space<vmem>>, vector<16xi32>,
      %gather3A_101 = tpu.vector_load_idx %arg6[%get3A_100] : memref<1008xf32, #tpu.memory_space<vmem>>[vector<16xi32>], vector<16xf32>,
      %get3A_102 = arith.constant 1 : i32
      %get3A_103 = arith.index_cast %get3A_102 : i32 to index
      %get3A_104 = arith.index_cast %mul3A_88 : i32 to index
      %get3A_105 = tpu.vector_load %arg5[%get3A_103, %get3A_104] {strides = array<i32>} : memref<200x512xi32, #tpu.memory_space<vmem>>, vector<16xi32>,
      %gather3A_106 = tpu.vector_load_idx %arg6[%get3A_105] : memref<1008xf32, #tpu.memory_space<vmem>>[vector<16xi32>], vector<16xf32>,
      %get3A_107 = arith.constant 2 : i32
      %get3A_108 = arith.index_cast %get3A_107 : i32 to index
      %get3A_109 = arith.index_cast %mul3A_82 : i32 to index
      %get3A_110 = tpu.vector_load %arg5[%get3A_108, %get3A_109] {strides = array<i32>} : memref<200x512xi32, #tpu.memory_space<vmem>>, vector<16xi32>,
      %gather3A_111 = tpu.vector_load_idx %arg6[%get3A_110] : memref<1008xf32, #tpu.memory_space<vmem>>[vector<16xi32>], vector<16xf32>,
      %get3A_112 = arith.constant 2 : i32
      %get3A_113 = arith.index_cast %get3A_112 : i32 to index
      %get3A_114 = arith.index_cast %mul3A_88 : i32 to index
      %get3A_115 = tpu.vector_load %arg5[%get3A_113, %get3A_114] {strides = array<i32>} : memref<200x512xi32, #tpu.memory_space<vmem>>, vector<16xi32>,
      %gather3A_116 = tpu.vector_load_idx %arg6[%get3A_115] : memref<1008xf32, #tpu.memory_space<vmem>>[vector<16xi32>], vector<16xf32>,
      %get3A_117 = arith.constant 3 : i32
      %get3A_118 = arith.index_cast %get3A_117 : i32 to index
      %get3A_119 = arith.index_cast %mul3A_82 : i32 to index
      %get3A_120 = tpu.vector_load %arg5[%get3A_118, %get3A_119] {strides = array<i32>} : memref<200x512xi32, #tpu.memory_space<vmem>>, vector<16xi32>,
      %gather3A_121 = tpu.vector_load_idx %arg6[%get3A_120] : memref<1008xf32, #tpu.memory_space<vmem>>[vector<16xi32>], vector<16xf32>,
      %get3A_122 = arith.constant 3 : i32
      %get3A_123 = arith.index_cast %get3A_122 : i32 to index
      %get3A_124 = arith.index_cast %mul3A_88 : i32 to index
      %get3A_125 = tpu.vector_load %arg5[%get3A_123, %get3A_124] {strides = array<i32>} : memref<200x512xi32, #tpu.memory_space<vmem>>, vector<16xi32>,
      %gather3A_126 = tpu.vector_load_idx %arg6[%get3A_125] : memref<1008xf32, #tpu.memory_space<vmem>>[vector<16xi32>], vector<16xf32>,
      %get3A_127 = arith.constant 4 : i32
      %get3A_128 = arith.index_cast %get3A_127 : i32 to index
      %get3A_129 = arith.index_cast %mul3A_82 : i32 to index
      %get3A_130 = tpu.vector_load %arg5[%get3A_128, %get3A_129] {strides = array<i32>} : memref<200x512xi32, #tpu.memory_space<vmem>>, vector<16xi32>,
      %gather3A_131 = tpu.vector_load_idx %arg6[%get3A_130] : memref<1008xf32, #tpu.memory_space<vmem>>[vector<16xi32>], vector<16xf32>,
      %get3A_132 = arith.constant 4 : i32
      %get3A_133 = arith.index_cast %get3A_132 : i32 to index
      %get3A_134 = arith.index_cast %mul3A_88 : i32 to index
      %get3A_135 = tpu.vector_load %arg5[%get3A_133, %get3A_134] {strides = array<i32>} : memref<200x512xi32, #tpu.memory_space<vmem>>, vector<16xi32>,
      %gather3A_136 = tpu.vector_load_idx %arg6[%get3A_135] : memref<1008xf32, #tpu.memory_space<vmem>>[vector<16xi32>], vector<16xf32>,
      %get3A_137 = arith.constant 5 : i32
      %get3A_138 = arith.index_cast %get3A_137 : i32 to index
      %get3A_139 = arith.index_cast %mul3A_82 : i32 to index
      %get3A_140 = tpu.vector_load %arg5[%get3A_138, %get3A_139] {strides = array<i32>} : memref<200x512xi32, #tpu.memory_space<vmem>>, vector<16xi32>,
      %gather3A_141 = tpu.vector_load_idx %arg6[%get3A_140] : memref<1008xf32, #tpu.memory_space<vmem>>[vector<16xi32>], vector<16xf32>,
      %get3A_142 = arith.constant 5 : i32
      %get3A_143 = arith.index_cast %get3A_142 : i32 to index
      %get3A_144 = arith.index_cast %mul3A_88 : i32 to index
      %get3A_145 = tpu.vector_load %arg5[%get3A_143, %get3A_144] {strides = array<i32>} : memref<200x512xi32, #tpu.memory_space<vmem>>, vector<16xi32>,
      %gather3A_146 = tpu.vector_load_idx %arg6[%get3A_145] : memref<1008xf32, #tpu.memory_space<vmem>>[vector<16xi32>], vector<16xf32>,
      %get3A_147 = arith.constant 6 : i32
      %get3A_148 = arith.index_cast %get3A_147 : i32 to index
      %get3A_149 = arith.index_cast %mul3A_82 : i32 to index
      %get3A_150 = tpu.vector_load %arg5[%get3A_148, %get3A_149] {strides = array<i32>} : memref<200x512xi32, #tpu.memory_space<vmem>>, vector<16xi32>,
      %gather3A_151 = tpu.vector_load_idx %arg6[%get3A_150] : memref<1008xf32, #tpu.memory_space<vmem>>[vector<16xi32>], vector<16xf32>,
      %get3A_152 = arith.constant 6 : i32
      %get3A_153 = arith.index_cast %get3A_152 : i32 to index
      %get3A_154 = arith.index_cast %mul3A_88 : i32 to index
      %get3A_155 = tpu.vector_load %arg5[%get3A_153, %get3A_154] {strides = array<i32>} : memref<200x512xi32, #tpu.memory_space<vmem>>, vector<16xi32>,
      %gather3A_156 = tpu.vector_load_idx %arg6[%get3A_155] : memref<1008xf32, #tpu.memory_space<vmem>>[vector<16xi32>], vector<16xf32>,
      %get3A_157 = arith.constant 7 : i32
      %get3A_158 = arith.index_cast %get3A_157 : i32 to index
      %get3A_159 = arith.index_cast %mul3A_82 : i32 to index
      %get3A_160 = tpu.vector_load %arg5[%get3A_158, %get3A_159] {strides = array<i32>} : memref<200x512xi32, #tpu.memory_space<vmem>>, vector<16xi32>,
      %gather3A_161 = tpu.vector_load_idx %arg6[%get3A_160] : memref<1008xf32, #tpu.memory_space<vmem>>[vector<16xi32>], vector<16xf32>,
      %get3A_162 = arith.constant 7 : i32
      %get3A_163 = arith.index_cast %get3A_162 : i32 to index
      %get3A_164 = arith.index_cast %mul3A_88 : i32 to index
      %get3A_165 = tpu.vector_load %arg5[%get3A_163, %get3A_164] {strides = array<i32>} : memref<200x512xi32, #tpu.memory_space<vmem>>, vector<16xi32>,
      %gather3A_166 = tpu.vector_load_idx %arg6[%get3A_165] : memref<1008xf32, #tpu.memory_space<vmem>>[vector<16xi32>], vector<16xf32>,
      %get3A_167 = arith.constant 8 : i32
      %get3A_168 = arith.index_cast %get3A_167 : i32 to index
      %get3A_169 = arith.index_cast %mul3A_82 : i32 to index
      %get3A_170 = tpu.vector_load %arg5[%get3A_168, %get3A_169] {strides = array<i32>} : memref<200x512xi32, #tpu.memory_space<vmem>>, vector<16xi32>,
      %gather3A_171 = tpu.vector_load_idx %arg6[%get3A_170] : memref<1008xf32, #tpu.memory_space<vmem>>[vector<16xi32>], vector<16xf32>,
      %mul3A_172 = arith.mulf %gather3A, %gather3A_171 : vector<16xf32>
      %get3A_173 = arith.constant 8 : i32
      %get3A_174 = arith.index_cast %get3A_173 : i32 to index
      %get3A_175 = arith.index_cast %mul3A_88 : i32 to index
      %get3A_176 = tpu.vector_load %arg5[%get3A_174, %get3A_175] {strides = array<i32>} : memref<200x512xi32, #tpu.memory_space<vmem>>, vector<16xi32>,
      %gather3A_177 = tpu.vector_load_idx %arg6[%get3A_176] : memref<1008xf32, #tpu.memory_space<vmem>>[vector<16xi32>], vector<16xf32>,
      %mul3A_178 = arith.mulf %gather3A_96, %gather3A_177 : vector<16xf32>
      %get3A_179 = arith.constant 9 : i32
      %get3A_180 = arith.index_cast %get3A_179 : i32 to index
      %get3A_181 = arith.index_cast %mul3A_82 : i32 to index
      %get3A_182 = tpu.vector_load %arg5[%get3A_180, %get3A_181] {strides = array<i32>} : memref<200x512xi32, #tpu.memory_space<vmem>>, vector<16xi32>,
      %gather3A_183 = tpu.vector_load_idx %arg6[%get3A_182] : memref<1008xf32, #tpu.memory_space<vmem>>[vector<16xi32>], vector<16xf32>,
      %mul3A_184 = arith.mulf %gather3A_101, %gather3A_183 : vector<16xf32>
      %get3A_185 = arith.constant 9 : i32
      %get3A_186 = arith.index_cast %get3A_185 : i32 to index
      %get3A_187 = arith.index_cast %mul3A_88 : i32 to index
      %get3A_188 = tpu.vector_load %arg5[%get3A_186, %get3A_187] {strides = array<i32>} : memref<200x512xi32, #tpu.memory_space<vmem>>, vector<16xi32>,
      %gather3A_189 = tpu.vector_load_idx %arg6[%get3A_188] : memref<1008xf32, #tpu.memory_space<vmem>>[vector<16xi32>], vector<16xf32>,
      %mul3A_190 = arith.mulf %gather3A_106, %gather3A_189 : vector<16xf32>
      %get3A_191 = arith.constant 10 : i32
      %get3A_192 = arith.index_cast %get3A_191 : i32 to index
      %get3A_193 = arith.index_cast %mul3A_82 : i32 to index
      %get3A_194 = tpu.vector_load %arg5[%get3A_192, %get3A_193] {strides = array<i32>} : memref<200x512xi32, #tpu.memory_space<vmem>>, vector<16xi32>,
      %gather3A_195 = tpu.vector_load_idx %arg6[%get3A_194] : memref<1008xf32, #tpu.memory_space<vmem>>[vector<16xi32>], vector<16xf32>,
      %mul3A_196 = arith.mulf %gather3A_111, %gather3A_195 : vector<16xf32>
      %get3A_197 = arith.constant 10 : i32
      %get3A_198 = arith.index_cast %get3A_197 : i32 to index
      %get3A_199 = arith.index_cast %mul3A_88 : i32 to index
      %get3A_200 = tpu.vector_load %arg5[%get3A_198, %get3A_199] {strides = array<i32>} : memref<200x512xi32, #tpu.memory_space<vmem>>, vector<16xi32>,
      %gather3A_201 = tpu.vector_load_idx %arg6[%get3A_200] : memref<1008xf32, #tpu.memory_space<vmem>>[vector<16xi32>], vector<16xf32>,
      %mul3A_202 = arith.mulf %gather3A_116, %gather3A_201 : vector<16xf32>
      %get3A_203 = arith.constant 11 : i32
      %get3A_204 = arith.index_cast %get3A_203 : i32 to index
      %get3A_205 = arith.index_cast %mul3A_82 : i32 to index
      %get3A_206 = tpu.vector_load %arg5[%get3A_204, %get3A_205] {strides = array<i32>} : memref<200x512xi32, #tpu.memory_space<vmem>>, vector<16xi32>,
      %gather3A_207 = tpu.vector_load_idx %arg6[%get3A_206] : memref<1008xf32, #tpu.memory_space<vmem>>[vector<16xi32>], vector<16xf32>,
      %mul3A_208 = arith.mulf %gather3A_121, %gather3A_207 : vector<16xf32>
      %get3A_209 = arith.constant 11 : i32
      %get3A_210 = arith.index_cast %get3A_209 : i32 to index
      %get3A_211 = arith.index_cast %mul3A_88 : i32 to index
      %get3A_212 = tpu.vector_load %arg5[%get3A_210, %get3A_211] {strides = array<i32>} : memref<200x512xi32, #tpu.memory_space<vmem>>, vector<16xi32>,
      %gather3A_213 = tpu.vector_load_idx %arg6[%get3A_212] : memref<1008xf32, #tpu.memory_space<vmem>>[vector<16xi32>], vector<16xf32>,
      %mul3A_214 = arith.mulf %gather3A_126, %gather3A_213 : vector<16xf32>
      %get3A_215 = arith.constant 12 : i32
      %get3A_216 = arith.index_cast %get3A_215 : i32 to index
      %get3A_217 = arith.index_cast %mul3A_82 : i32 to index
      %get3A_218 = tpu.vector_load %arg5[%get3A_216, %get3A_217] {strides = array<i32>} : memref<200x512xi32, #tpu.memory_space<vmem>>, vector<16xi32>,
      %gather3A_219 = tpu.vector_load_idx %arg6[%get3A_218] : memref<1008xf32, #tpu.memory_space<vmem>>[vector<16xi32>], vector<16xf32>,
      %mul3A_220 = arith.mulf %gather3A_131, %gather3A_219 : vector<16xf32>
      %get3A_221 = arith.constant 12 : i32
      %get3A_222 = arith.index_cast %get3A_221 : i32 to index
      %get3A_223 = arith.index_cast %mul3A_88 : i32 to index
      %get3A_224 = tpu.vector_load %arg5[%get3A_222, %get3A_223] {strides = array<i32>} : memref<200x512xi32, #tpu.memory_space<vmem>>, vector<16xi32>,
      %gather3A_225 = tpu.vector_load_idx %arg6[%get3A_224] : memref<1008xf32, #tpu.memory_space<vmem>>[vector<16xi32>], vector<16xf32>,
      %mul3A_226 = arith.mulf %gather3A_136, %gather3A_225 : vector<16xf32>
      %get3A_227 = arith.constant 13 : i32
      %get3A_228 = arith.index_cast %get3A_227 : i32 to index
      %get3A_229 = arith.index_cast %mul3A_82 : i32 to index
      %get3A_230 = tpu.vector_load %arg5[%get3A_228, %get3A_229] {strides = array<i32>} : memref<200x512xi32, #tpu.memory_space<vmem>>, vector<16xi32>,
      %gather3A_231 = tpu.vector_load_idx %arg6[%get3A_230] : memref<1008xf32, #tpu.memory_space<vmem>>[vector<16xi32>], vector<16xf32>,
      %mul3A_232 = arith.mulf %gather3A_141, %gather3A_231 : vector<16xf32>
      %get3A_233 = arith.constant 13 : i32
      %get3A_234 = arith.index_cast %get3A_233 : i32 to index
      %get3A_235 = arith.index_cast %mul3A_88 : i32 to index
      %get3A_236 = tpu.vector_load %arg5[%get3A_234, %get3A_235] {strides = array<i32>} : memref<200x512xi32, #tpu.memory_space<vmem>>, vector<16xi32>,
      %gather3A_237 = tpu.vector_load_idx %arg6[%get3A_236] : memref<1008xf32, #tpu.memory_space<vmem>>[vector<16xi32>], vector<16xf32>,
      %mul3A_238 = arith.mulf %gather3A_146, %gather3A_237 : vector<16xf32>
      %get3A_239 = arith.constant 14 : i32
      %get3A_240 = arith.index_cast %get3A_239 : i32 to index
      %get3A_241 = arith.index_cast %mul3A_82 : i32 to index
      %get3A_242 = tpu.vector_load %arg5[%get3A_240, %get3A_241] {strides = array<i32>} : memref<200x512xi32, #tpu.memory_space<vmem>>, vector<16xi32>,
      %gather3A_243 = tpu.vector_load_idx %arg6[%get3A_242] : memref<1008xf32, #tpu.memory_space<vmem>>[vector<16xi32>], vector<16xf32>,
      %mul3A_244 = arith.mulf %gather3A_151, %gather3A_243 : vector<16xf32>
      %get3A_245 = arith.constant 14 : i32
      %get3A_246 = arith.index_cast %get3A_245 : i32 to index
      %get3A_247 = arith.index_cast %mul3A_88 : i32 to index
      %get3A_248 = tpu.vector_load %arg5[%get3A_246, %get3A_247] {strides = array<i32>} : memref<200x512xi32, #tpu.memory_space<vmem>>, vector<16xi32>,
      %gather3A_249 = tpu.vector_load_idx %arg6[%get3A_248] : memref<1008xf32, #tpu.memory_space<vmem>>[vector<16xi32>], vector<16xf32>,
      %mul3A_250 = arith.mulf %gather3A_156, %gather3A_249 : vector<16xf32>
      %get3A_251 = arith.constant 15 : i32
      %get3A_252 = arith.index_cast %get3A_251 : i32 to index
      %get3A_253 = arith.index_cast %mul3A_82 : i32 to index
      %get3A_254 = tpu.vector_load %arg5[%get3A_252, %get3A_253] {strides = array<i32>} : memref<200x512xi32, #tpu.memory_space<vmem>>, vector<16xi32>,
      %gather3A_255 = tpu.vector_load_idx %arg6[%get3A_254] : memref<1008xf32, #tpu.memory_space<vmem>>[vector<16xi32>], vector<16xf32>,
      %mul3A_256 = arith.mulf %gather3A_161, %gather3A_255 : vector<16xf32>
      %get3A_257 = arith.constant 15 : i32
      %get3A_258 = arith.index_cast %get3A_257 : i32 to index
      %get3A_259 = arith.index_cast %mul3A_88 : i32 to index
      %get3A_260 = tpu.vector_load %arg5[%get3A_258, %get3A_259] {strides = array<i32>} : memref<200x512xi32, #tpu.memory_space<vmem>>, vector<16xi32>,
      %gather3A_261 = tpu.vector_load_idx %arg6[%get3A_260] : memref<1008xf32, #tpu.memory_space<vmem>>[vector<16xi32>], vector<16xf32>,
      %mul3A_262 = arith.mulf %gather3A_166, %gather3A_261 : vector<16xf32>
      %get3A_263 = arith.constant 16 : i32
      %get3A_264 = arith.index_cast %get3A_263 : i32 to index
      %get3A_265 = arith.index_cast %mul3A_82 : i32 to index
      %get3A_266 = tpu.vector_load %arg5[%get3A_264, %get3A_265] {strides = array<i32>} : memref<200x512xi32, #tpu.memory_space<vmem>>, vector<16xi32>,
      %gather3A_267 = tpu.vector_load_idx %arg6[%get3A_266] : memref<1008xf32, #tpu.memory_space<vmem>>[vector<16xi32>], vector<16xf32>,
      %mul3A_268 = arith.mulf %mul3A_172, %gather3A_267 : vector<16xf32>
      %get3A_269 = arith.constant 16 : i32
      %get3A_270 = arith.index_cast %get3A_269 : i32 to index
      %get3A_271 = arith.index_cast %mul3A_88 : i32 to index
      %get3A_272 = tpu.vector_load %arg5[%get3A_270, %get3A_271] {strides = array<i32>} : memref<200x512xi32, #tpu.memory_space<vmem>>, vector<16xi32>,
      %gather3A_273 = tpu.vector_load_idx %arg6[%get3A_272] : memref<1008xf32, #tpu.memory_space<vmem>>[vector<16xi32>], vector<16xf32>,
      %mul3A_274 = arith.mulf %mul3A_178, %gather3A_273 : vector<16xf32>
      %get3A_275 = arith.constant 17 : i32
      %get3A_276 = arith.index_cast %get3A_275 : i32 to index
      %get3A_277 = arith.index_cast %mul3A_82 : i32 to index
      %get3A_278 = tpu.vector_load %arg5[%get3A_276, %get3A_277] {strides = array<i32>} : memref<200x512xi32, #tpu.memory_space<vmem>>, vector<16xi32>,
      %gather3A_279 = tpu.vector_load_idx %arg6[%get3A_278] : memref<1008xf32, #tpu.memory_space<vmem>>[vector<16xi32>], vector<16xf32>,
      %mul3A_280 = arith.mulf %mul3A_184, %gather3A_279 : vector<16xf32>
      %get3A_281 = arith.constant 17 : i32
      %get3A_282 = arith.index_cast %get3A_281 : i32 to index
      %get3A_283 = arith.index_cast %mul3A_88 : i32 to index
      %get3A_284 = tpu.vector_load %arg5[%get3A_282, %get3A_283] {strides = array<i32>} : memref<200x512xi32, #tpu.memory_space<vmem>>, vector<16xi32>,
      %gather3A_285 = tpu.vector_load_idx %arg6[%get3A_284] : memref<1008xf32, #tpu.memory_space<vmem>>[vector<16xi32>], vector<16xf32>,
      %mul3A_286 = arith.mulf %mul3A_190, %gather3A_285 : vector<16xf32>
      %get3A_287 = arith.constant 18 : i32
      %get3A_288 = arith.index_cast %get3A_287 : i32 to index
      %get3A_289 = arith.index_cast %mul3A_82 : i32 to index
      %get3A_290 = tpu.vector_load %arg5[%get3A_288, %get3A_289] {strides = array<i32>} : memref<200x512xi32, #tpu.memory_space<vmem>>, vector<16xi32>,
      %gather3A_291 = tpu.vector_load_idx %arg6[%get3A_290] : memref<1008xf32, #tpu.memory_space<vmem>>[vector<16xi32>], vector<16xf32>,
      %mul3A_292 = arith.mulf %mul3A_196, %gather3A_291 : vector<16xf32>
      %get3A_293 = arith.constant 18 : i32
      %get3A_294 = arith.index_cast %get3A_293 : i32 to index
      %get3A_295 = arith.index_cast %mul3A_88 : i32 to index
      %get3A_296 = tpu.vector_load %arg5[%get3A_294, %get3A_295] {strides = array<i32>} : memref<200x512xi32, #tpu.memory_space<vmem>>, vector<16xi32>,
      %gather3A_297 = tpu.vector_load_idx %arg6[%get3A_296] : memref<1008xf32, #tpu.memory_space<vmem>>[vector<16xi32>], vector<16xf32>,
      %mul3A_298 = arith.mulf %mul3A_202, %gather3A_297 : vector<16xf32>
      %get3A_299 = arith.constant 19 : i32
      %get3A_300 = arith.index_cast %get3A_299 : i32 to index
      %get3A_301 = arith.index_cast %mul3A_82 : i32 to index
      %get3A_302 = tpu.vector_load %arg5[%get3A_300, %get3A_301] {strides = array<i32>} : memref<200x512xi32, #tpu.memory_space<vmem>>, vector<16xi32>,
      %gather3A_303 = tpu.vector_load_idx %arg6[%get3A_302] : memref<1008xf32, #tpu.memory_space<vmem>>[vector<16xi32>], vector<16xf32>,
      %mul3A_304 = arith.mulf %mul3A_208, %gather3A_303 : vector<16xf32>
      %get3A_305 = arith.constant 19 : i32
      %get3A_306 = arith.index_cast %get3A_305 : i32 to index
      %get3A_307 = arith.index_cast %mul3A_88 : i32 to index
      %get3A_308 = tpu.vector_load %arg5[%get3A_306, %get3A_307] {strides = array<i32>} : memref<200x512xi32, #tpu.memory_space<vmem>>, vector<16xi32>,
      %gather3A_309 = tpu.vector_load_idx %arg6[%get3A_308] : memref<1008xf32, #tpu.memory_space<vmem>>[vector<16xi32>], vector<16xf32>,
      %mul3A_310 = arith.mulf %mul3A_214, %gather3A_309 : vector<16xf32>
      %get3A_311 = arith.constant 20 : i32
      %get3A_312 = arith.index_cast %get3A_311 : i32 to index
      %get3A_313 = arith.index_cast %mul3A_82 : i32 to index
      %get3A_314 = tpu.vector_load %arg5[%get3A_312, %get3A_313] {strides = array<i32>} : memref<200x512xi32, #tpu.memory_space<vmem>>, vector<16xi32>,
      %gather3A_315 = tpu.vector_load_idx %arg6[%get3A_314] : memref<1008xf32, #tpu.memory_space<vmem>>[vector<16xi32>], vector<16xf32>,
      %mul3A_316 = arith.mulf %mul3A_220, %gather3A_315 : vector<16xf32>
      %get3A_317 = arith.constant 20 : i32
      %get3A_318 = arith.index_cast %get3A_317 : i32 to index
      %get3A_319 = arith.index_cast %mul3A_88 : i32 to index
      %get3A_320 = tpu.vector_load %arg5[%get3A_318, %get3A_319] {strides = array<i32>} : memref<200x512xi32, #tpu.memory_space<vmem>>, vector<16xi32>,
      %gather3A_321 = tpu.vector_load_idx %arg6[%get3A_320] : memref<1008xf32, #tpu.memory_space<vmem>>[vector<16xi32>], vector<16xf32>,
      %mul3A_322 = arith.mulf %mul3A_226, %gather3A_321 : vector<16xf32>
      %get3A_323 = arith.constant 21 : i32
      %get3A_324 = arith.index_cast %get3A_323 : i32 to index
      %get3A_325 = arith.index_cast %mul3A_82 : i32 to index
      %get3A_326 = tpu.vector_load %arg5[%get3A_324, %get3A_325] {strides = array<i32>} : memref<200x512xi32, #tpu.memory_space<vmem>>, vector<16xi32>,
      %gather3A_327 = tpu.vector_load_idx %arg6[%get3A_326] : memref<1008xf32, #tpu.memory_space<vmem>>[vector<16xi32>], vector<16xf32>,
      %mul3A_328 = arith.mulf %mul3A_232, %gather3A_327 : vector<16xf32>
      %get3A_329 = arith.constant 21 : i32
      %get3A_330 = arith.index_cast %get3A_329 : i32 to index
      %get3A_331 = arith.index_cast %mul3A_88 : i32 to index
      %get3A_332 = tpu.vector_load %arg5[%get3A_330, %get3A_331] {strides = array<i32>} : memref<200x512xi32, #tpu.memory_space<vmem>>, vector<16xi32>,
      %gather3A_333 = tpu.vector_load_idx %arg6[%get3A_332] : memref<1008xf32, #tpu.memory_space<vmem>>[vector<16xi32>], vector<16xf32>,
      %mul3A_334 = arith.mulf %mul3A_238, %gather3A_333 : vector<16xf32>
      %get3A_335 = arith.constant 22 : i32
      %get3A_336 = arith.index_cast %get3A_335 : i32 to index
      %get3A_337 = arith.index_cast %mul3A_82 : i32 to index
      %get3A_338 = tpu.vector_load %arg5[%get3A_336, %get3A_337] {strides = array<i32>} : memref<200x512xi32, #tpu.memory_space<vmem>>, vector<16xi32>,
      %gather3A_339 = tpu.vector_load_idx %arg6[%get3A_338] : memref<1008xf32, #tpu.memory_space<vmem>>[vector<16xi32>], vector<16xf32>,
      %mul3A_340 = arith.mulf %mul3A_244, %gather3A_339 : vector<16xf32>
      %get3A_341 = arith.constant 22 : i32
      %get3A_342 = arith.index_cast %get3A_341 : i32 to index
      %get3A_343 = arith.index_cast %mul3A_88 : i32 to index
      %get3A_344 = tpu.vector_load %arg5[%get3A_342, %get3A_343] {strides = array<i32>} : memref<200x512xi32, #tpu.memory_space<vmem>>, vector<16xi32>,
      %gather3A_345 = tpu.vector_load_idx %arg6[%get3A_344] : memref<1008xf32, #tpu.memory_space<vmem>>[vector<16xi32>], vector<16xf32>,
      %mul3A_346 = arith.mulf %mul3A_250, %gather3A_345 : vector<16xf32>
      %get3A_347 = arith.constant 23 : i32
      %get3A_348 = arith.index_cast %get3A_347 : i32 to index
      %get3A_349 = arith.index_cast %mul3A_82 : i32 to index
      %get3A_350 = tpu.vector_load %arg5[%get3A_348, %get3A_349] {strides = array<i32>} : memref<200x512xi32, #tpu.memory_space<vmem>>, vector<16xi32>,
      %gather3A_351 = tpu.vector_load_idx %arg6[%get3A_350] : memref<1008xf32, #tpu.memory_space<vmem>>[vector<16xi32>], vector<16xf32>,
      %mul3A_352 = arith.mulf %mul3A_256, %gather3A_351 : vector<16xf32>
      %get3A_353 = arith.constant 23 : i32
      %get3A_354 = arith.index_cast %get3A_353 : i32 to index
      %get3A_355 = arith.index_cast %mul3A_88 : i32 to index
      %get3A_356 = tpu.vector_load %arg5[%get3A_354, %get3A_355] {strides = array<i32>} : memref<200x512xi32, #tpu.memory_space<vmem>>, vector<16xi32>,
      %gather3A_357 = tpu.vector_load_idx %arg6[%get3A_356] : memref<1008xf32, #tpu.memory_space<vmem>>[vector<16xi32>], vector<16xf32>,
      %mul3A_358 = arith.mulf %mul3A_262, %gather3A_357 : vector<16xf32>
      %get3A_359 = arith.constant 24 : i32
      %get3A_360 = arith.index_cast %get3A_359 : i32 to index
      %get3A_361 = arith.index_cast %mul3A_82 : i32 to index
      %get3A_362 = tpu.vector_load %arg5[%get3A_360, %get3A_361] {strides = array<i32>} : memref<200x512xi32, #tpu.memory_space<vmem>>, vector<16xi32>,
      %gather3A_363 = tpu.vector_load_idx %arg6[%get3A_362] : memref<1008xf32, #tpu.memory_space<vmem>>[vector<16xi32>], vector<16xf32>,
      %mul3A_364 = arith.mulf %mul3A_268, %gather3A_363 : vector<16xf32>
      %get3A_365 = arith.constant 24 : i32
      %get3A_366 = arith.index_cast %get3A_365 : i32 to index
      %get3A_367 = arith.index_cast %mul3A_88 : i32 to index
      %get3A_368 = tpu.vector_load %arg5[%get3A_366, %get3A_367] {strides = array<i32>} : memref<200x512xi32, #tpu.memory_space<vmem>>, vector<16xi32>,
      %gather3A_369 = tpu.vector_load_idx %arg6[%get3A_368] : memref<1008xf32, #tpu.memory_space<vmem>>[vector<16xi32>], vector<16xf32>,
      %mul3A_370 = arith.mulf %mul3A_274, %gather3A_369 : vector<16xf32>
      %get3A_371 = arith.constant 25 : i32
      %get3A_372 = arith.index_cast %get3A_371 : i32 to index
      %get3A_373 = arith.index_cast %mul3A_82 : i32 to index
      %get3A_374 = tpu.vector_load %arg5[%get3A_372, %get3A_373] {strides = array<i32>} : memref<200x512xi32, #tpu.memory_space<vmem>>, vector<16xi32>,
      %gather3A_375 = tpu.vector_load_idx %arg6[%get3A_374] : memref<1008xf32, #tpu.memory_space<vmem>>[vector<16xi32>], vector<16xf32>,
      %mul3A_376 = arith.mulf %mul3A_280, %gather3A_375 : vector<16xf32>
      %get3A_377 = arith.constant 25 : i32
      %get3A_378 = arith.index_cast %get3A_377 : i32 to index
      %get3A_379 = arith.index_cast %mul3A_88 : i32 to index
      %get3A_380 = tpu.vector_load %arg5[%get3A_378, %get3A_379] {strides = array<i32>} : memref<200x512xi32, #tpu.memory_space<vmem>>, vector<16xi32>,
      %gather3A_381 = tpu.vector_load_idx %arg6[%get3A_380] : memref<1008xf32, #tpu.memory_space<vmem>>[vector<16xi32>], vector<16xf32>,
      %mul3A_382 = arith.mulf %mul3A_286, %gather3A_381 : vector<16xf32>
      %get3A_383 = arith.constant 26 : i32
      %get3A_384 = arith.index_cast %get3A_383 : i32 to index
      %get3A_385 = arith.index_cast %mul3A_82 : i32 to index
      %get3A_386 = tpu.vector_load %arg5[%get3A_384, %get3A_385] {strides = array<i32>} : memref<200x512xi32, #tpu.memory_space<vmem>>, vector<16xi32>,
      %gather3A_387 = tpu.vector_load_idx %arg6[%get3A_386] : memref<1008xf32, #tpu.memory_space<vmem>>[vector<16xi32>], vector<16xf32>,
      %mul3A_388 = arith.mulf %mul3A_292, %gather3A_387 : vector<16xf32>
      %get3A_389 = arith.constant 26 : i32
      %get3A_390 = arith.index_cast %get3A_389 : i32 to index
      %get3A_391 = arith.index_cast %mul3A_88 : i32 to index
      %get3A_392 = tpu.vector_load %arg5[%get3A_390, %get3A_391] {strides = array<i32>} : memref<200x512xi32, #tpu.memory_space<vmem>>, vector<16xi32>,
      %gather3A_393 = tpu.vector_load_idx %arg6[%get3A_392] : memref<1008xf32, #tpu.memory_space<vmem>>[vector<16xi32>], vector<16xf32>,
      %mul3A_394 = arith.mulf %mul3A_298, %gather3A_393 : vector<16xf32>
      %get3A_395 = arith.constant 27 : i32
      %get3A_396 = arith.index_cast %get3A_395 : i32 to index
      %get3A_397 = arith.index_cast %mul3A_82 : i32 to index
      %get3A_398 = tpu.vector_load %arg5[%get3A_396, %get3A_397] {strides = array<i32>} : memref<200x512xi32, #tpu.memory_space<vmem>>, vector<16xi32>,
      %gather3A_399 = tpu.vector_load_idx %arg6[%get3A_398] : memref<1008xf32, #tpu.memory_space<vmem>>[vector<16xi32>], vector<16xf32>,
      %mul3A_400 = arith.mulf %mul3A_304, %gather3A_399 : vector<16xf32>
      %get3A_401 = arith.constant 27 : i32
      %get3A_402 = arith.index_cast %get3A_401 : i32 to index
      %get3A_403 = arith.index_cast %mul3A_88 : i32 to index
      %get3A_404 = tpu.vector_load %arg5[%get3A_402, %get3A_403] {strides = array<i32>} : memref<200x512xi32, #tpu.memory_space<vmem>>, vector<16xi32>,
      %gather3A_405 = tpu.vector_load_idx %arg6[%get3A_404] : memref<1008xf32, #tpu.memory_space<vmem>>[vector<16xi32>], vector<16xf32>,
      %mul3A_406 = arith.mulf %mul3A_310, %gather3A_405 : vector<16xf32>
      %get3A_407 = arith.constant 28 : i32
      %get3A_408 = arith.index_cast %get3A_407 : i32 to index
      %get3A_409 = arith.index_cast %mul3A_82 : i32 to index
      %get3A_410 = tpu.vector_load %arg5[%get3A_408, %get3A_409] {strides = array<i32>} : memref<200x512xi32, #tpu.memory_space<vmem>>, vector<16xi32>,
      %gather3A_411 = tpu.vector_load_idx %arg6[%get3A_410] : memref<1008xf32, #tpu.memory_space<vmem>>[vector<16xi32>], vector<16xf32>,
      %mul3A_412 = arith.mulf %mul3A_316, %gather3A_411 : vector<16xf32>
      %get3A_413 = arith.constant 28 : i32
      %get3A_414 = arith.index_cast %get3A_413 : i32 to index
      %get3A_415 = arith.index_cast %mul3A_88 : i32 to index
      %get3A_416 = tpu.vector_load %arg5[%get3A_414, %get3A_415] {strides = array<i32>} : memref<200x512xi32, #tpu.memory_space<vmem>>, vector<16xi32>,
      %gather3A_417 = tpu.vector_load_idx %arg6[%get3A_416] : memref<1008xf32, #tpu.memory_space<vmem>>[vector<16xi32>], vector<16xf32>,
      %mul3A_418 = arith.mulf %mul3A_322, %gather3A_417 : vector<16xf32>
      %get3A_419 = arith.constant 29 : i32
      %get3A_420 = arith.index_cast %get3A_419 : i32 to index
      %get3A_421 = arith.index_cast %mul3A_82 : i32 to index
      %get3A_422 = tpu.vector_load %arg5[%get3A_420, %get3A_421] {strides = array<i32>} : memref<200x512xi32, #tpu.memory_space<vmem>>, vector<16xi32>,
      %gather3A_423 = tpu.vector_load_idx %arg6[%get3A_422] : memref<1008xf32, #tpu.memory_space<vmem>>[vector<16xi32>], vector<16xf32>,
      %mul3A_424 = arith.mulf %mul3A_328, %gather3A_423 : vector<16xf32>
      %get3A_425 = arith.constant 29 : i32
      %get3A_426 = arith.index_cast %get3A_425 : i32 to index
      %get3A_427 = arith.index_cast %mul3A_88 : i32 to index
      %get3A_428 = tpu.vector_load %arg5[%get3A_426, %get3A_427] {strides = array<i32>} : memref<200x512xi32, #tpu.memory_space<vmem>>, vector<16xi32>,
      %gather3A_429 = tpu.vector_load_idx %arg6[%get3A_428] : memref<1008xf32, #tpu.memory_space<vmem>>[vector<16xi32>], vector<16xf32>,
      %mul3A_430 = arith.mulf %mul3A_334, %gather3A_429 : vector<16xf32>
      %get3A_431 = arith.constant 30 : i32
      %get3A_432 = arith.index_cast %get3A_431 : i32 to index
      %get3A_433 = arith.index_cast %mul3A_82 : i32 to index
      %get3A_434 = tpu.vector_load %arg5[%get3A_432, %get3A_433] {strides = array<i32>} : memref<200x512xi32, #tpu.memory_space<vmem>>, vector<16xi32>,
      %gather3A_435 = tpu.vector_load_idx %arg6[%get3A_434] : memref<1008xf32, #tpu.memory_space<vmem>>[vector<16xi32>], vector<16xf32>,
      %mul3A_436 = arith.mulf %mul3A_340, %gather3A_435 : vector<16xf32>
      %get3A_437 = arith.constant 30 : i32
      %get3A_438 = arith.index_cast %get3A_437 : i32 to index
      %get3A_439 = arith.index_cast %mul3A_88 : i32 to index
      %get3A_440 = tpu.vector_load %arg5[%get3A_438, %get3A_439] {strides = array<i32>} : memref<200x512xi32, #tpu.memory_space<vmem>>, vector<16xi32>,
      %gather3A_441 = tpu.vector_load_idx %arg6[%get3A_440] : memref<1008xf32, #tpu.memory_space<vmem>>[vector<16xi32>], vector<16xf32>,
      %mul3A_442 = arith.mulf %mul3A_346, %gather3A_441 : vector<16xf32>
      %get3A_443 = arith.constant 31 : i32
      %get3A_444 = arith.index_cast %get3A_443 : i32 to index
      %get3A_445 = arith.index_cast %mul3A_82 : i32 to index
      %get3A_446 = tpu.vector_load %arg5[%get3A_444, %get3A_445] {strides = array<i32>} : memref<200x512xi32, #tpu.memory_space<vmem>>, vector<16xi32>,
      %gather3A_447 = tpu.vector_load_idx %arg6[%get3A_446] : memref<1008xf32, #tpu.memory_space<vmem>>[vector<16xi32>], vector<16xf32>,
      %mul3A_448 = arith.mulf %mul3A_352, %gather3A_447 : vector<16xf32>
      %get3A_449 = arith.constant 31 : i32
      %get3A_450 = arith.index_cast %get3A_449 : i32 to index
      %get3A_451 = arith.index_cast %mul3A_88 : i32 to index
      %get3A_452 = tpu.vector_load %arg5[%get3A_450, %get3A_451] {strides = array<i32>} : memref<200x512xi32, #tpu.memory_space<vmem>>, vector<16xi32>,
      %gather3A_453 = tpu.vector_load_idx %arg6[%get3A_452] : memref<1008xf32, #tpu.memory_space<vmem>>[vector<16xi32>], vector<16xf32>,
      %mul3A_454 = arith.mulf %mul3A_358, %gather3A_453 : vector<16xf32>
      %get3A_455 = arith.constant 32 : i32
      %get3A_456 = arith.index_cast %get3A_455 : i32 to index
      %get3A_457 = arith.index_cast %mul3A_82 : i32 to index
      %get3A_458 = tpu.vector_load %arg5[%get3A_456, %get3A_457] {strides = array<i32>} : memref<200x512xi32, #tpu.memory_space<vmem>>, vector<16xi32>,
      %gather3A_459 = tpu.vector_load_idx %arg6[%get3A_458] : memref<1008xf32, #tpu.memory_space<vmem>>[vector<16xi32>], vector<16xf32>,
      %mul3A_460 = arith.mulf %mul3A_364, %gather3A_459 : vector<16xf32>
      %get3A_461 = arith.constant 32 : i32
      %get3A_462 = arith.index_cast %get3A_461 : i32 to index
      %get3A_463 = arith.index_cast %mul3A_88 : i32 to index
      %get3A_464 = tpu.vector_load %arg5[%get3A_462, %get3A_463] {strides = array<i32>} : memref<200x512xi32, #tpu.memory_space<vmem>>, vector<16xi32>,
      %gather3A_465 = tpu.vector_load_idx %arg6[%get3A_464] : memref<1008xf32, #tpu.memory_space<vmem>>[vector<16xi32>], vector<16xf32>,
      %mul3A_466 = arith.mulf %mul3A_370, %gather3A_465 : vector<16xf32>
      %get3A_467 = arith.constant 33 : i32
      %get3A_468 = arith.index_cast %get3A_467 : i32 to index
      %get3A_469 = arith.index_cast %mul3A_82 : i32 to index
      %get3A_470 = tpu.vector_load %arg5[%get3A_468, %get3A_469] {strides = array<i32>} : memref<200x512xi32, #tpu.memory_space<vmem>>, vector<16xi32>,
      %gather3A_471 = tpu.vector_load_idx %arg6[%get3A_470] : memref<1008xf32, #tpu.memory_space<vmem>>[vector<16xi32>], vector<16xf32>,
      %mul3A_472 = arith.mulf %mul3A_376, %gather3A_471 : vector<16xf32>
      %get3A_473 = arith.constant 33 : i32
      %get3A_474 = arith.index_cast %get3A_473 : i32 to index
      %get3A_475 = arith.index_cast %mul3A_88 : i32 to index
      %get3A_476 = tpu.vector_load %arg5[%get3A_474, %get3A_475] {strides = array<i32>} : memref<200x512xi32, #tpu.memory_space<vmem>>, vector<16xi32>,
      %gather3A_477 = tpu.vector_load_idx %arg6[%get3A_476] : memref<1008xf32, #tpu.memory_space<vmem>>[vector<16xi32>], vector<16xf32>,
      %mul3A_478 = arith.mulf %mul3A_382, %gather3A_477 : vector<16xf32>
      %get3A_479 = arith.constant 34 : i32
      %get3A_480 = arith.index_cast %get3A_479 : i32 to index
      %get3A_481 = arith.index_cast %mul3A_82 : i32 to index
      %get3A_482 = tpu.vector_load %arg5[%get3A_480, %get3A_481] {strides = array<i32>} : memref<200x512xi32, #tpu.memory_space<vmem>>, vector<16xi32>,
      %gather3A_483 = tpu.vector_load_idx %arg6[%get3A_482] : memref<1008xf32, #tpu.memory_space<vmem>>[vector<16xi32>], vector<16xf32>,
      %mul3A_484 = arith.mulf %mul3A_388, %gather3A_483 : vector<16xf32>
      %get3A_485 = arith.constant 34 : i32
      %get3A_486 = arith.index_cast %get3A_485 : i32 to index
      %get3A_487 = arith.index_cast %mul3A_88 : i32 to index
      %get3A_488 = tpu.vector_load %arg5[%get3A_486, %get3A_487] {strides = array<i32>} : memref<200x512xi32, #tpu.memory_space<vmem>>, vector<16xi32>,
      %gather3A_489 = tpu.vector_load_idx %arg6[%get3A_488] : memref<1008xf32, #tpu.memory_space<vmem>>[vector<16xi32>], vector<16xf32>,
      %mul3A_490 = arith.mulf %mul3A_394, %gather3A_489 : vector<16xf32>
      %get3A_491 = arith.constant 35 : i32
      %get3A_492 = arith.index_cast %get3A_491 : i32 to index
      %get3A_493 = arith.index_cast %mul3A_82 : i32 to index
      %get3A_494 = tpu.vector_load %arg5[%get3A_492, %get3A_493] {strides = array<i32>} : memref<200x512xi32, #tpu.memory_space<vmem>>, vector<16xi32>,
      %gather3A_495 = tpu.vector_load_idx %arg6[%get3A_494] : memref<1008xf32, #tpu.memory_space<vmem>>[vector<16xi32>], vector<16xf32>,
      %mul3A_496 = arith.mulf %mul3A_400, %gather3A_495 : vector<16xf32>
      %get3A_497 = arith.constant 35 : i32
      %get3A_498 = arith.index_cast %get3A_497 : i32 to index
      %get3A_499 = arith.index_cast %mul3A_88 : i32 to index
      %get3A_500 = tpu.vector_load %arg5[%get3A_498, %get3A_499] {strides = array<i32>} : memref<200x512xi32, #tpu.memory_space<vmem>>, vector<16xi32>,
      %gather3A_501 = tpu.vector_load_idx %arg6[%get3A_500] : memref<1008xf32, #tpu.memory_space<vmem>>[vector<16xi32>], vector<16xf32>,
      %mul3A_502 = arith.mulf %mul3A_406, %gather3A_501 : vector<16xf32>
      %get3A_503 = arith.constant 36 : i32
      %get3A_504 = arith.index_cast %get3A_503 : i32 to index
      %get3A_505 = arith.index_cast %mul3A_82 : i32 to index
      %get3A_506 = tpu.vector_load %arg5[%get3A_504, %get3A_505] {strides = array<i32>} : memref<200x512xi32, #tpu.memory_space<vmem>>, vector<16xi32>,
      %gather3A_507 = tpu.vector_load_idx %arg6[%get3A_506] : memref<1008xf32, #tpu.memory_space<vmem>>[vector<16xi32>], vector<16xf32>,
      %mul3A_508 = arith.mulf %mul3A_412, %gather3A_507 : vector<16xf32>
      %get3A_509 = arith.constant 36 : i32
      %get3A_510 = arith.index_cast %get3A_509 : i32 to index
      %get3A_511 = arith.index_cast %mul3A_88 : i32 to index
      %get3A_512 = tpu.vector_load %arg5[%get3A_510, %get3A_511] {strides = array<i32>} : memref<200x512xi32, #tpu.memory_space<vmem>>, vector<16xi32>,
      %gather3A_513 = tpu.vector_load_idx %arg6[%get3A_512] : memref<1008xf32, #tpu.memory_space<vmem>>[vector<16xi32>], vector<16xf32>,
      %mul3A_514 = arith.mulf %mul3A_418, %gather3A_513 : vector<16xf32>
      %get3A_515 = arith.constant 37 : i32
      %get3A_516 = arith.index_cast %get3A_515 : i32 to index
      %get3A_517 = arith.index_cast %mul3A_82 : i32 to index
      %get3A_518 = tpu.vector_load %arg5[%get3A_516, %get3A_517] {strides = array<i32>} : memref<200x512xi32, #tpu.memory_space<vmem>>, vector<16xi32>,
      %gather3A_519 = tpu.vector_load_idx %arg6[%get3A_518] : memref<1008xf32, #tpu.memory_space<vmem>>[vector<16xi32>], vector<16xf32>,
      %mul3A_520 = arith.mulf %mul3A_424, %gather3A_519 : vector<16xf32>
      %get3A_521 = arith.constant 37 : i32
      %get3A_522 = arith.index_cast %get3A_521 : i32 to index
      %get3A_523 = arith.index_cast %mul3A_88 : i32 to index
      %get3A_524 = tpu.vector_load %arg5[%get3A_522, %get3A_523] {strides = array<i32>} : memref<200x512xi32, #tpu.memory_space<vmem>>, vector<16xi32>,
      %gather3A_525 = tpu.vector_load_idx %arg6[%get3A_524] : memref<1008xf32, #tpu.memory_space<vmem>>[vector<16xi32>], vector<16xf32>,
      %mul3A_526 = arith.mulf %mul3A_430, %gather3A_525 : vector<16xf32>
      %get3A_527 = arith.constant 38 : i32
      %get3A_528 = arith.index_cast %get3A_527 : i32 to index
      %get3A_529 = arith.index_cast %mul3A_82 : i32 to index
      %get3A_530 = tpu.vector_load %arg5[%get3A_528, %get3A_529] {strides = array<i32>} : memref<200x512xi32, #tpu.memory_space<vmem>>, vector<16xi32>,
      %gather3A_531 = tpu.vector_load_idx %arg6[%get3A_530] : memref<1008xf32, #tpu.memory_space<vmem>>[vector<16xi32>], vector<16xf32>,
      %mul3A_532 = arith.mulf %mul3A_436, %gather3A_531 : vector<16xf32>
      %get3A_533 = arith.constant 38 : i32
      %get3A_534 = arith.index_cast %get3A_533 : i32 to index
      %get3A_535 = arith.index_cast %mul3A_88 : i32 to index
      %get3A_536 = tpu.vector_load %arg5[%get3A_534, %get3A_535] {strides = array<i32>} : memref<200x512xi32, #tpu.memory_space<vmem>>, vector<16xi32>,
      %gather3A_537 = tpu.vector_load_idx %arg6[%get3A_536] : memref<1008xf32, #tpu.memory_space<vmem>>[vector<16xi32>], vector<16xf32>,
      %mul3A_538 = arith.mulf %mul3A_442, %gather3A_537 : vector<16xf32>
      %get3A_539 = arith.constant 39 : i32
      %get3A_540 = arith.index_cast %get3A_539 : i32 to index
      %get3A_541 = arith.index_cast %mul3A_82 : i32 to index
      %get3A_542 = tpu.vector_load %arg5[%get3A_540, %get3A_541] {strides = array<i32>} : memref<200x512xi32, #tpu.memory_space<vmem>>, vector<16xi32>,
      %gather3A_543 = tpu.vector_load_idx %arg6[%get3A_542] : memref<1008xf32, #tpu.memory_space<vmem>>[vector<16xi32>], vector<16xf32>,
      %mul3A_544 = arith.mulf %mul3A_448, %gather3A_543 : vector<16xf32>
      %get3A_545 = arith.constant 39 : i32
      %get3A_546 = arith.index_cast %get3A_545 : i32 to index
      %get3A_547 = arith.index_cast %mul3A_88 : i32 to index
      %get3A_548 = tpu.vector_load %arg5[%get3A_546, %get3A_547] {strides = array<i32>} : memref<200x512xi32, #tpu.memory_space<vmem>>, vector<16xi32>,
      %gather3A_549 = tpu.vector_load_idx %arg6[%get3A_548] : memref<1008xf32, #tpu.memory_space<vmem>>[vector<16xi32>], vector<16xf32>,
      %mul3A_550 = arith.mulf %mul3A_454, %gather3A_549 : vector<16xf32>
      %get3A_551 = arith.constant 40 : i32
      %get3A_552 = arith.index_cast %get3A_551 : i32 to index
      %get3A_553 = arith.index_cast %mul3A_82 : i32 to index
      %get3A_554 = tpu.vector_load %arg5[%get3A_552, %get3A_553] {strides = array<i32>} : memref<200x512xi32, #tpu.memory_space<vmem>>, vector<16xi32>,
      %gather3A_555 = tpu.vector_load_idx %arg6[%get3A_554] : memref<1008xf32, #tpu.memory_space<vmem>>[vector<16xi32>], vector<16xf32>,
      %mul3A_556 = arith.mulf %mul3A_460, %gather3A_555 : vector<16xf32>
      %get3A_557 = arith.constant 40 : i32
      %get3A_558 = arith.index_cast %get3A_557 : i32 to index
      %get3A_559 = arith.index_cast %mul3A_88 : i32 to index
      %get3A_560 = tpu.vector_load %arg5[%get3A_558, %get3A_559] {strides = array<i32>} : memref<200x512xi32, #tpu.memory_space<vmem>>, vector<16xi32>,
      %gather3A_561 = tpu.vector_load_idx %arg6[%get3A_560] : memref<1008xf32, #tpu.memory_space<vmem>>[vector<16xi32>], vector<16xf32>,
      %mul3A_562 = arith.mulf %mul3A_466, %gather3A_561 : vector<16xf32>
      %get3A_563 = arith.constant 41 : i32
      %get3A_564 = arith.index_cast %get3A_563 : i32 to index
      %get3A_565 = arith.index_cast %mul3A_82 : i32 to index
      %get3A_566 = tpu.vector_load %arg5[%get3A_564, %get3A_565] {strides = array<i32>} : memref<200x512xi32, #tpu.memory_space<vmem>>, vector<16xi32>,
      %gather3A_567 = tpu.vector_load_idx %arg6[%get3A_566] : memref<1008xf32, #tpu.memory_space<vmem>>[vector<16xi32>], vector<16xf32>,
      %mul3A_568 = arith.mulf %mul3A_472, %gather3A_567 : vector<16xf32>
      %get3A_569 = arith.constant 41 : i32
      %get3A_570 = arith.index_cast %get3A_569 : i32 to index
      %get3A_571 = arith.index_cast %mul3A_88 : i32 to index
      %get3A_572 = tpu.vector_load %arg5[%get3A_570, %get3A_571] {strides = array<i32>} : memref<200x512xi32, #tpu.memory_space<vmem>>, vector<16xi32>,
      %gather3A_573 = tpu.vector_load_idx %arg6[%get3A_572] : memref<1008xf32, #tpu.memory_space<vmem>>[vector<16xi32>], vector<16xf32>,
      %mul3A_574 = arith.mulf %mul3A_478, %gather3A_573 : vector<16xf32>
      %get3A_575 = arith.constant 42 : i32
      %get3A_576 = arith.index_cast %get3A_575 : i32 to index
      %get3A_577 = arith.index_cast %mul3A_82 : i32 to index
      %get3A_578 = tpu.vector_load %arg5[%get3A_576, %get3A_577] {strides = array<i32>} : memref<200x512xi32, #tpu.memory_space<vmem>>, vector<16xi32>,
      %gather3A_579 = tpu.vector_load_idx %arg6[%get3A_578] : memref<1008xf32, #tpu.memory_space<vmem>>[vector<16xi32>], vector<16xf32>,
      %mul3A_580 = arith.mulf %mul3A_484, %gather3A_579 : vector<16xf32>
      %get3A_581 = arith.constant 42 : i32
      %get3A_582 = arith.index_cast %get3A_581 : i32 to index
      %get3A_583 = arith.index_cast %mul3A_88 : i32 to index
      %get3A_584 = tpu.vector_load %arg5[%get3A_582, %get3A_583] {strides = array<i32>} : memref<200x512xi32, #tpu.memory_space<vmem>>, vector<16xi32>,
      %gather3A_585 = tpu.vector_load_idx %arg6[%get3A_584] : memref<1008xf32, #tpu.memory_space<vmem>>[vector<16xi32>], vector<16xf32>,
      %mul3A_586 = arith.mulf %mul3A_490, %gather3A_585 : vector<16xf32>
      %get3A_587 = arith.constant 43 : i32
      %get3A_588 = arith.index_cast %get3A_587 : i32 to index
      %get3A_589 = arith.index_cast %mul3A_82 : i32 to index
      %get3A_590 = tpu.vector_load %arg5[%get3A_588, %get3A_589] {strides = array<i32>} : memref<200x512xi32, #tpu.memory_space<vmem>>, vector<16xi32>,
      %gather3A_591 = tpu.vector_load_idx %arg6[%get3A_590] : memref<1008xf32, #tpu.memory_space<vmem>>[vector<16xi32>], vector<16xf32>,
      %mul3A_592 = arith.mulf %mul3A_496, %gather3A_591 : vector<16xf32>
      %get3A_593 = arith.constant 43 : i32
      %get3A_594 = arith.index_cast %get3A_593 : i32 to index
      %get3A_595 = arith.index_cast %mul3A_88 : i32 to index
      %get3A_596 = tpu.vector_load %arg5[%get3A_594, %get3A_595] {strides = array<i32>} : memref<200x512xi32, #tpu.memory_space<vmem>>, vector<16xi32>,
      %gather3A_597 = tpu.vector_load_idx %arg6[%get3A_596] : memref<1008xf32, #tpu.memory_space<vmem>>[vector<16xi32>], vector<16xf32>,
      %mul3A_598 = arith.mulf %mul3A_502, %gather3A_597 : vector<16xf32>
      %get3A_599 = arith.constant 44 : i32
      %get3A_600 = arith.index_cast %get3A_599 : i32 to index
      %get3A_601 = arith.index_cast %mul3A_82 : i32 to index
      %get3A_602 = tpu.vector_load %arg5[%get3A_600, %get3A_601] {strides = array<i32>} : memref<200x512xi32, #tpu.memory_space<vmem>>, vector<16xi32>,
      %gather3A_603 = tpu.vector_load_idx %arg6[%get3A_602] : memref<1008xf32, #tpu.memory_space<vmem>>[vector<16xi32>], vector<16xf32>,
      %mul3A_604 = arith.mulf %mul3A_508, %gather3A_603 : vector<16xf32>
      %get3A_605 = arith.constant 44 : i32
      %get3A_606 = arith.index_cast %get3A_605 : i32 to index
      %get3A_607 = arith.index_cast %mul3A_88 : i32 to index
      %get3A_608 = tpu.vector_load %arg5[%get3A_606, %get3A_607] {strides = array<i32>} : memref<200x512xi32, #tpu.memory_space<vmem>>, vector<16xi32>,
      %gather3A_609 = tpu.vector_load_idx %arg6[%get3A_608] : memref<1008xf32, #tpu.memory_space<vmem>>[vector<16xi32>], vector<16xf32>,
      %mul3A_610 = arith.mulf %mul3A_514, %gather3A_609 : vector<16xf32>
      %get3A_611 = arith.constant 45 : i32
      %get3A_612 = arith.index_cast %get3A_611 : i32 to index
      %get3A_613 = arith.index_cast %mul3A_82 : i32 to index
      %get3A_614 = tpu.vector_load %arg5[%get3A_612, %get3A_613] {strides = array<i32>} : memref<200x512xi32, #tpu.memory_space<vmem>>, vector<16xi32>,
      %gather3A_615 = tpu.vector_load_idx %arg6[%get3A_614] : memref<1008xf32, #tpu.memory_space<vmem>>[vector<16xi32>], vector<16xf32>,
      %mul3A_616 = arith.mulf %mul3A_520, %gather3A_615 : vector<16xf32>
      %get3A_617 = arith.constant 45 : i32
      %get3A_618 = arith.index_cast %get3A_617 : i32 to index
      %get3A_619 = arith.index_cast %mul3A_88 : i32 to index
      %get3A_620 = tpu.vector_load %arg5[%get3A_618, %get3A_619] {strides = array<i32>} : memref<200x512xi32, #tpu.memory_space<vmem>>, vector<16xi32>,
      %gather3A_621 = tpu.vector_load_idx %arg6[%get3A_620] : memref<1008xf32, #tpu.memory_space<vmem>>[vector<16xi32>], vector<16xf32>,
      %mul3A_622 = arith.mulf %mul3A_526, %gather3A_621 : vector<16xf32>
      %get3A_623 = arith.constant 46 : i32
      %get3A_624 = arith.index_cast %get3A_623 : i32 to index
      %get3A_625 = arith.index_cast %mul3A_82 : i32 to index
      %get3A_626 = tpu.vector_load %arg5[%get3A_624, %get3A_625] {strides = array<i32>} : memref<200x512xi32, #tpu.memory_space<vmem>>, vector<16xi32>,
      %gather3A_627 = tpu.vector_load_idx %arg6[%get3A_626] : memref<1008xf32, #tpu.memory_space<vmem>>[vector<16xi32>], vector<16xf32>,
      %mul3A_628 = arith.mulf %mul3A_532, %gather3A_627 : vector<16xf32>
      %get3A_629 = arith.constant 46 : i32
      %get3A_630 = arith.index_cast %get3A_629 : i32 to index
      %get3A_631 = arith.index_cast %mul3A_88 : i32 to index
      %get3A_632 = tpu.vector_load %arg5[%get3A_630, %get3A_631] {strides = array<i32>} : memref<200x512xi32, #tpu.memory_space<vmem>>, vector<16xi32>,
      %gather3A_633 = tpu.vector_load_idx %arg6[%get3A_632] : memref<1008xf32, #tpu.memory_space<vmem>>[vector<16xi32>], vector<16xf32>,
      %mul3A_634 = arith.mulf %mul3A_538, %gather3A_633 : vector<16xf32>
      %get3A_635 = arith.constant 47 : i32
      %get3A_636 = arith.index_cast %get3A_635 : i32 to index
      %get3A_637 = arith.index_cast %mul3A_82 : i32 to index
      %get3A_638 = tpu.vector_load %arg5[%get3A_636, %get3A_637] {strides = array<i32>} : memref<200x512xi32, #tpu.memory_space<vmem>>, vector<16xi32>,
      %gather3A_639 = tpu.vector_load_idx %arg6[%get3A_638] : memref<1008xf32, #tpu.memory_space<vmem>>[vector<16xi32>], vector<16xf32>,
      %mul3A_640 = arith.mulf %mul3A_544, %gather3A_639 : vector<16xf32>
      %get3A_641 = arith.constant 47 : i32
      %get3A_642 = arith.index_cast %get3A_641 : i32 to index
      %get3A_643 = arith.index_cast %mul3A_88 : i32 to index
      %get3A_644 = tpu.vector_load %arg5[%get3A_642, %get3A_643] {strides = array<i32>} : memref<200x512xi32, #tpu.memory_space<vmem>>, vector<16xi32>,
      %gather3A_645 = tpu.vector_load_idx %arg6[%get3A_644] : memref<1008xf32, #tpu.memory_space<vmem>>[vector<16xi32>], vector<16xf32>,
      %mul3A_646 = arith.mulf %mul3A_550, %gather3A_645 : vector<16xf32>
      %get3A_647 = arith.constant 48 : i32
      %get3A_648 = arith.index_cast %get3A_647 : i32 to index
      %get3A_649 = arith.index_cast %mul3A_82 : i32 to index
      %get3A_650 = tpu.vector_load %arg5[%get3A_648, %get3A_649] {strides = array<i32>} : memref<200x512xi32, #tpu.memory_space<vmem>>, vector<16xi32>,
      %gather3A_651 = tpu.vector_load_idx %arg6[%get3A_650] : memref<1008xf32, #tpu.memory_space<vmem>>[vector<16xi32>], vector<16xf32>,
      %mul3A_652 = arith.mulf %mul3A_556, %gather3A_651 : vector<16xf32>
      %get3A_653 = arith.constant 48 : i32
      %get3A_654 = arith.index_cast %get3A_653 : i32 to index
      %get3A_655 = arith.index_cast %mul3A_88 : i32 to index
      %get3A_656 = tpu.vector_load %arg5[%get3A_654, %get3A_655] {strides = array<i32>} : memref<200x512xi32, #tpu.memory_space<vmem>>, vector<16xi32>,
      %gather3A_657 = tpu.vector_load_idx %arg6[%get3A_656] : memref<1008xf32, #tpu.memory_space<vmem>>[vector<16xi32>], vector<16xf32>,
      %mul3A_658 = arith.mulf %mul3A_562, %gather3A_657 : vector<16xf32>
      %get3A_659 = arith.constant 49 : i32
      %get3A_660 = arith.index_cast %get3A_659 : i32 to index
      %get3A_661 = arith.index_cast %mul3A_82 : i32 to index
      %get3A_662 = tpu.vector_load %arg5[%get3A_660, %get3A_661] {strides = array<i32>} : memref<200x512xi32, #tpu.memory_space<vmem>>, vector<16xi32>,
      %gather3A_663 = tpu.vector_load_idx %arg6[%get3A_662] : memref<1008xf32, #tpu.memory_space<vmem>>[vector<16xi32>], vector<16xf32>,
      %mul3A_664 = arith.mulf %mul3A_568, %gather3A_663 : vector<16xf32>
      %get3A_665 = arith.constant 49 : i32
      %get3A_666 = arith.index_cast %get3A_665 : i32 to index
      %get3A_667 = arith.index_cast %mul3A_88 : i32 to index
      %get3A_668 = tpu.vector_load %arg5[%get3A_666, %get3A_667] {strides = array<i32>} : memref<200x512xi32, #tpu.memory_space<vmem>>, vector<16xi32>,
      %gather3A_669 = tpu.vector_load_idx %arg6[%get3A_668] : memref<1008xf32, #tpu.memory_space<vmem>>[vector<16xi32>], vector<16xf32>,
      %mul3A_670 = arith.mulf %mul3A_574, %gather3A_669 : vector<16xf32>
      %get3A_671 = arith.constant 50 : i32
      %get3A_672 = arith.index_cast %get3A_671 : i32 to index
      %get3A_673 = arith.index_cast %mul3A_82 : i32 to index
      %get3A_674 = tpu.vector_load %arg5[%get3A_672, %get3A_673] {strides = array<i32>} : memref<200x512xi32, #tpu.memory_space<vmem>>, vector<16xi32>,
      %gather3A_675 = tpu.vector_load_idx %arg6[%get3A_674] : memref<1008xf32, #tpu.memory_space<vmem>>[vector<16xi32>], vector<16xf32>,
      %mul3A_676 = arith.mulf %mul3A_580, %gather3A_675 : vector<16xf32>
      %get3A_677 = arith.constant 50 : i32
      %get3A_678 = arith.index_cast %get3A_677 : i32 to index
      %get3A_679 = arith.index_cast %mul3A_88 : i32 to index
      %get3A_680 = tpu.vector_load %arg5[%get3A_678, %get3A_679] {strides = array<i32>} : memref<200x512xi32, #tpu.memory_space<vmem>>, vector<16xi32>,
      %gather3A_681 = tpu.vector_load_idx %arg6[%get3A_680] : memref<1008xf32, #tpu.memory_space<vmem>>[vector<16xi32>], vector<16xf32>,
      %mul3A_682 = arith.mulf %mul3A_586, %gather3A_681 : vector<16xf32>
      %get3A_683 = arith.constant 51 : i32
      %get3A_684 = arith.index_cast %get3A_683 : i32 to index
      %get3A_685 = arith.index_cast %mul3A_82 : i32 to index
      %get3A_686 = tpu.vector_load %arg5[%get3A_684, %get3A_685] {strides = array<i32>} : memref<200x512xi32, #tpu.memory_space<vmem>>, vector<16xi32>,
      %gather3A_687 = tpu.vector_load_idx %arg6[%get3A_686] : memref<1008xf32, #tpu.memory_space<vmem>>[vector<16xi32>], vector<16xf32>,
      %mul3A_688 = arith.mulf %mul3A_592, %gather3A_687 : vector<16xf32>
      %get3A_689 = arith.constant 51 : i32
      %get3A_690 = arith.index_cast %get3A_689 : i32 to index
      %get3A_691 = arith.index_cast %mul3A_88 : i32 to index
      %get3A_692 = tpu.vector_load %arg5[%get3A_690, %get3A_691] {strides = array<i32>} : memref<200x512xi32, #tpu.memory_space<vmem>>, vector<16xi32>,
      %gather3A_693 = tpu.vector_load_idx %arg6[%get3A_692] : memref<1008xf32, #tpu.memory_space<vmem>>[vector<16xi32>], vector<16xf32>,
      %mul3A_694 = arith.mulf %mul3A_598, %gather3A_693 : vector<16xf32>
      %get3A_695 = arith.constant 52 : i32
      %get3A_696 = arith.index_cast %get3A_695 : i32 to index
      %get3A_697 = arith.index_cast %mul3A_82 : i32 to index
      %get3A_698 = tpu.vector_load %arg5[%get3A_696, %get3A_697] {strides = array<i32>} : memref<200x512xi32, #tpu.memory_space<vmem>>, vector<16xi32>,
      %gather3A_699 = tpu.vector_load_idx %arg6[%get3A_698] : memref<1008xf32, #tpu.memory_space<vmem>>[vector<16xi32>], vector<16xf32>,
      %mul3A_700 = arith.mulf %mul3A_604, %gather3A_699 : vector<16xf32>
      %get3A_701 = arith.constant 52 : i32
      %get3A_702 = arith.index_cast %get3A_701 : i32 to index
      %get3A_703 = arith.index_cast %mul3A_88 : i32 to index
      %get3A_704 = tpu.vector_load %arg5[%get3A_702, %get3A_703] {strides = array<i32>} : memref<200x512xi32, #tpu.memory_space<vmem>>, vector<16xi32>,
      %gather3A_705 = tpu.vector_load_idx %arg6[%get3A_704] : memref<1008xf32, #tpu.memory_space<vmem>>[vector<16xi32>], vector<16xf32>,
      %mul3A_706 = arith.mulf %mul3A_610, %gather3A_705 : vector<16xf32>
      %get3A_707 = arith.constant 53 : i32
      %get3A_708 = arith.index_cast %get3A_707 : i32 to index
      %get3A_709 = arith.index_cast %mul3A_82 : i32 to index
      %get3A_710 = tpu.vector_load %arg5[%get3A_708, %get3A_709] {strides = array<i32>} : memref<200x512xi32, #tpu.memory_space<vmem>>, vector<16xi32>,
      %gather3A_711 = tpu.vector_load_idx %arg6[%get3A_710] : memref<1008xf32, #tpu.memory_space<vmem>>[vector<16xi32>], vector<16xf32>,
      %mul3A_712 = arith.mulf %mul3A_616, %gather3A_711 : vector<16xf32>
      %get3A_713 = arith.constant 53 : i32
      %get3A_714 = arith.index_cast %get3A_713 : i32 to index
      %get3A_715 = arith.index_cast %mul3A_88 : i32 to index
      %get3A_716 = tpu.vector_load %arg5[%get3A_714, %get3A_715] {strides = array<i32>} : memref<200x512xi32, #tpu.memory_space<vmem>>, vector<16xi32>,
      %gather3A_717 = tpu.vector_load_idx %arg6[%get3A_716] : memref<1008xf32, #tpu.memory_space<vmem>>[vector<16xi32>], vector<16xf32>,
      %mul3A_718 = arith.mulf %mul3A_622, %gather3A_717 : vector<16xf32>
      %get3A_719 = arith.constant 54 : i32
      %get3A_720 = arith.index_cast %get3A_719 : i32 to index
      %get3A_721 = arith.index_cast %mul3A_82 : i32 to index
      %get3A_722 = tpu.vector_load %arg5[%get3A_720, %get3A_721] {strides = array<i32>} : memref<200x512xi32, #tpu.memory_space<vmem>>, vector<16xi32>,
      %gather3A_723 = tpu.vector_load_idx %arg6[%get3A_722] : memref<1008xf32, #tpu.memory_space<vmem>>[vector<16xi32>], vector<16xf32>,
      %mul3A_724 = arith.mulf %mul3A_628, %gather3A_723 : vector<16xf32>
      %get3A_725 = arith.constant 54 : i32
      %get3A_726 = arith.index_cast %get3A_725 : i32 to index
      %get3A_727 = arith.index_cast %mul3A_88 : i32 to index
      %get3A_728 = tpu.vector_load %arg5[%get3A_726, %get3A_727] {strides = array<i32>} : memref<200x512xi32, #tpu.memory_space<vmem>>, vector<16xi32>,
      %gather3A_729 = tpu.vector_load_idx %arg6[%get3A_728] : memref<1008xf32, #tpu.memory_space<vmem>>[vector<16xi32>], vector<16xf32>,
      %mul3A_730 = arith.mulf %mul3A_634, %gather3A_729 : vector<16xf32>
      %get3A_731 = arith.constant 55 : i32
      %get3A_732 = arith.index_cast %get3A_731 : i32 to index
      %get3A_733 = arith.index_cast %mul3A_82 : i32 to index
      %get3A_734 = tpu.vector_load %arg5[%get3A_732, %get3A_733] {strides = array<i32>} : memref<200x512xi32, #tpu.memory_space<vmem>>, vector<16xi32>,
      %gather3A_735 = tpu.vector_load_idx %arg6[%get3A_734] : memref<1008xf32, #tpu.memory_space<vmem>>[vector<16xi32>], vector<16xf32>,
      %mul3A_736 = arith.mulf %mul3A_640, %gather3A_735 : vector<16xf32>
      %get3A_737 = arith.constant 55 : i32
      %get3A_738 = arith.index_cast %get3A_737 : i32 to index
      %get3A_739 = arith.index_cast %mul3A_88 : i32 to index
      %get3A_740 = tpu.vector_load %arg5[%get3A_738, %get3A_739] {strides = array<i32>} : memref<200x512xi32, #tpu.memory_space<vmem>>, vector<16xi32>,
      %gather3A_741 = tpu.vector_load_idx %arg6[%get3A_740] : memref<1008xf32, #tpu.memory_space<vmem>>[vector<16xi32>], vector<16xf32>,
      %mul3A_742 = arith.mulf %mul3A_646, %gather3A_741 : vector<16xf32>
      %get3A_743 = arith.constant 56 : i32
      %get3A_744 = arith.index_cast %get3A_743 : i32 to index
      %get3A_745 = arith.index_cast %mul3A_82 : i32 to index
      %get3A_746 = tpu.vector_load %arg5[%get3A_744, %get3A_745] {strides = array<i32>} : memref<200x512xi32, #tpu.memory_space<vmem>>, vector<16xi32>,
      %gather3A_747 = tpu.vector_load_idx %arg6[%get3A_746] : memref<1008xf32, #tpu.memory_space<vmem>>[vector<16xi32>], vector<16xf32>,
      %mul3A_748 = arith.mulf %mul3A_652, %gather3A_747 : vector<16xf32>
      %get3A_749 = arith.constant 56 : i32
      %get3A_750 = arith.index_cast %get3A_749 : i32 to index
      %get3A_751 = arith.index_cast %mul3A_88 : i32 to index
      %get3A_752 = tpu.vector_load %arg5[%get3A_750, %get3A_751] {strides = array<i32>} : memref<200x512xi32, #tpu.memory_space<vmem>>, vector<16xi32>,
      %gather3A_753 = tpu.vector_load_idx %arg6[%get3A_752] : memref<1008xf32, #tpu.memory_space<vmem>>[vector<16xi32>], vector<16xf32>,
      %mul3A_754 = arith.mulf %mul3A_658, %gather3A_753 : vector<16xf32>
      %get3A_755 = arith.constant 57 : i32
      %get3A_756 = arith.index_cast %get3A_755 : i32 to index
      %get3A_757 = arith.index_cast %mul3A_82 : i32 to index
      %get3A_758 = tpu.vector_load %arg5[%get3A_756, %get3A_757] {strides = array<i32>} : memref<200x512xi32, #tpu.memory_space<vmem>>, vector<16xi32>,
      %gather3A_759 = tpu.vector_load_idx %arg6[%get3A_758] : memref<1008xf32, #tpu.memory_space<vmem>>[vector<16xi32>], vector<16xf32>,
      %mul3A_760 = arith.mulf %mul3A_664, %gather3A_759 : vector<16xf32>
      %get3A_761 = arith.constant 57 : i32
      %get3A_762 = arith.index_cast %get3A_761 : i32 to index
      %get3A_763 = arith.index_cast %mul3A_88 : i32 to index
      %get3A_764 = tpu.vector_load %arg5[%get3A_762, %get3A_763] {strides = array<i32>} : memref<200x512xi32, #tpu.memory_space<vmem>>, vector<16xi32>,
      %gather3A_765 = tpu.vector_load_idx %arg6[%get3A_764] : memref<1008xf32, #tpu.memory_space<vmem>>[vector<16xi32>], vector<16xf32>,
      %mul3A_766 = arith.mulf %mul3A_670, %gather3A_765 : vector<16xf32>
      %get3A_767 = arith.constant 58 : i32
      %get3A_768 = arith.index_cast %get3A_767 : i32 to index
      %get3A_769 = arith.index_cast %mul3A_82 : i32 to index
      %get3A_770 = tpu.vector_load %arg5[%get3A_768, %get3A_769] {strides = array<i32>} : memref<200x512xi32, #tpu.memory_space<vmem>>, vector<16xi32>,
      %gather3A_771 = tpu.vector_load_idx %arg6[%get3A_770] : memref<1008xf32, #tpu.memory_space<vmem>>[vector<16xi32>], vector<16xf32>,
      %mul3A_772 = arith.mulf %mul3A_676, %gather3A_771 : vector<16xf32>
      %get3A_773 = arith.constant 58 : i32
      %get3A_774 = arith.index_cast %get3A_773 : i32 to index
      %get3A_775 = arith.index_cast %mul3A_88 : i32 to index
      %get3A_776 = tpu.vector_load %arg5[%get3A_774, %get3A_775] {strides = array<i32>} : memref<200x512xi32, #tpu.memory_space<vmem>>, vector<16xi32>,
      %gather3A_777 = tpu.vector_load_idx %arg6[%get3A_776] : memref<1008xf32, #tpu.memory_space<vmem>>[vector<16xi32>], vector<16xf32>,
      %mul3A_778 = arith.mulf %mul3A_682, %gather3A_777 : vector<16xf32>
      %get3A_779 = arith.constant 59 : i32
      %get3A_780 = arith.index_cast %get3A_779 : i32 to index
      %get3A_781 = arith.index_cast %mul3A_82 : i32 to index
      %get3A_782 = tpu.vector_load %arg5[%get3A_780, %get3A_781] {strides = array<i32>} : memref<200x512xi32, #tpu.memory_space<vmem>>, vector<16xi32>,
      %gather3A_783 = tpu.vector_load_idx %arg6[%get3A_782] : memref<1008xf32, #tpu.memory_space<vmem>>[vector<16xi32>], vector<16xf32>,
      %mul3A_784 = arith.mulf %mul3A_688, %gather3A_783 : vector<16xf32>
      %get3A_785 = arith.constant 59 : i32
      %get3A_786 = arith.index_cast %get3A_785 : i32 to index
      %get3A_787 = arith.index_cast %mul3A_88 : i32 to index
      %get3A_788 = tpu.vector_load %arg5[%get3A_786, %get3A_787] {strides = array<i32>} : memref<200x512xi32, #tpu.memory_space<vmem>>, vector<16xi32>,
      %gather3A_789 = tpu.vector_load_idx %arg6[%get3A_788] : memref<1008xf32, #tpu.memory_space<vmem>>[vector<16xi32>], vector<16xf32>,
      %mul3A_790 = arith.mulf %mul3A_694, %gather3A_789 : vector<16xf32>
      %get3A_791 = arith.constant 60 : i32
      %get3A_792 = arith.index_cast %get3A_791 : i32 to index
      %get3A_793 = arith.index_cast %mul3A_82 : i32 to index
      %get3A_794 = tpu.vector_load %arg5[%get3A_792, %get3A_793] {strides = array<i32>} : memref<200x512xi32, #tpu.memory_space<vmem>>, vector<16xi32>,
      %gather3A_795 = tpu.vector_load_idx %arg6[%get3A_794] : memref<1008xf32, #tpu.memory_space<vmem>>[vector<16xi32>], vector<16xf32>,
      %mul3A_796 = arith.mulf %mul3A_700, %gather3A_795 : vector<16xf32>
      %get3A_797 = arith.constant 60 : i32
      %get3A_798 = arith.index_cast %get3A_797 : i32 to index
      %get3A_799 = arith.index_cast %mul3A_88 : i32 to index
      %get3A_800 = tpu.vector_load %arg5[%get3A_798, %get3A_799] {strides = array<i32>} : memref<200x512xi32, #tpu.memory_space<vmem>>, vector<16xi32>,
      %gather3A_801 = tpu.vector_load_idx %arg6[%get3A_800] : memref<1008xf32, #tpu.memory_space<vmem>>[vector<16xi32>], vector<16xf32>,
      %mul3A_802 = arith.mulf %mul3A_706, %gather3A_801 : vector<16xf32>
      %get3A_803 = arith.constant 61 : i32
      %get3A_804 = arith.index_cast %get3A_803 : i32 to index
      %get3A_805 = arith.index_cast %mul3A_82 : i32 to index
      %get3A_806 = tpu.vector_load %arg5[%get3A_804, %get3A_805] {strides = array<i32>} : memref<200x512xi32, #tpu.memory_space<vmem>>, vector<16xi32>,
      %gather3A_807 = tpu.vector_load_idx %arg6[%get3A_806] : memref<1008xf32, #tpu.memory_space<vmem>>[vector<16xi32>], vector<16xf32>,
      %mul3A_808 = arith.mulf %mul3A_712, %gather3A_807 : vector<16xf32>
      %get3A_809 = arith.constant 61 : i32
      %get3A_810 = arith.index_cast %get3A_809 : i32 to index
      %get3A_811 = arith.index_cast %mul3A_88 : i32 to index
      %get3A_812 = tpu.vector_load %arg5[%get3A_810, %get3A_811] {strides = array<i32>} : memref<200x512xi32, #tpu.memory_space<vmem>>, vector<16xi32>,
      %gather3A_813 = tpu.vector_load_idx %arg6[%get3A_812] : memref<1008xf32, #tpu.memory_space<vmem>>[vector<16xi32>], vector<16xf32>,
      %mul3A_814 = arith.mulf %mul3A_718, %gather3A_813 : vector<16xf32>
      %get3A_815 = arith.constant 62 : i32
      %get3A_816 = arith.index_cast %get3A_815 : i32 to index
      %get3A_817 = arith.index_cast %mul3A_82 : i32 to index
      %get3A_818 = tpu.vector_load %arg5[%get3A_816, %get3A_817] {strides = array<i32>} : memref<200x512xi32, #tpu.memory_space<vmem>>, vector<16xi32>,
      %gather3A_819 = tpu.vector_load_idx %arg6[%get3A_818] : memref<1008xf32, #tpu.memory_space<vmem>>[vector<16xi32>], vector<16xf32>,
      %mul3A_820 = arith.mulf %mul3A_724, %gather3A_819 : vector<16xf32>
      %get3A_821 = arith.constant 62 : i32
      %get3A_822 = arith.index_cast %get3A_821 : i32 to index
      %get3A_823 = arith.index_cast %mul3A_88 : i32 to index
      %get3A_824 = tpu.vector_load %arg5[%get3A_822, %get3A_823] {strides = array<i32>} : memref<200x512xi32, #tpu.memory_space<vmem>>, vector<16xi32>,
      %gather3A_825 = tpu.vector_load_idx %arg6[%get3A_824] : memref<1008xf32, #tpu.memory_space<vmem>>[vector<16xi32>], vector<16xf32>,
      %mul3A_826 = arith.mulf %mul3A_730, %gather3A_825 : vector<16xf32>
      %get3A_827 = arith.constant 63 : i32
      %get3A_828 = arith.index_cast %get3A_827 : i32 to index
      %get3A_829 = arith.index_cast %mul3A_82 : i32 to index
      %get3A_830 = tpu.vector_load %arg5[%get3A_828, %get3A_829] {strides = array<i32>} : memref<200x512xi32, #tpu.memory_space<vmem>>, vector<16xi32>,
      %gather3A_831 = tpu.vector_load_idx %arg6[%get3A_830] : memref<1008xf32, #tpu.memory_space<vmem>>[vector<16xi32>], vector<16xf32>,
      %mul3A_832 = arith.mulf %mul3A_736, %gather3A_831 : vector<16xf32>
      %get3A_833 = arith.constant 63 : i32
      %get3A_834 = arith.index_cast %get3A_833 : i32 to index
      %get3A_835 = arith.index_cast %mul3A_88 : i32 to index
      %get3A_836 = tpu.vector_load %arg5[%get3A_834, %get3A_835] {strides = array<i32>} : memref<200x512xi32, #tpu.memory_space<vmem>>, vector<16xi32>,
      %gather3A_837 = tpu.vector_load_idx %arg6[%get3A_836] : memref<1008xf32, #tpu.memory_space<vmem>>[vector<16xi32>], vector<16xf32>,
      %mul3A_838 = arith.mulf %mul3A_742, %gather3A_837 : vector<16xf32>
      %get3A_839 = arith.constant 64 : i32
      %get3A_840 = arith.index_cast %get3A_839 : i32 to index
      %get3A_841 = arith.index_cast %mul3A_82 : i32 to index
      %get3A_842 = tpu.vector_load %arg5[%get3A_840, %get3A_841] {strides = array<i32>} : memref<200x512xi32, #tpu.memory_space<vmem>>, vector<16xi32>,
      %gather3A_843 = tpu.vector_load_idx %arg6[%get3A_842] : memref<1008xf32, #tpu.memory_space<vmem>>[vector<16xi32>], vector<16xf32>,
      %mul3A_844 = arith.mulf %mul3A_748, %gather3A_843 : vector<16xf32>
      %get3A_845 = arith.constant 64 : i32
      %get3A_846 = arith.index_cast %get3A_845 : i32 to index
      %get3A_847 = arith.index_cast %mul3A_88 : i32 to index
      %get3A_848 = tpu.vector_load %arg5[%get3A_846, %get3A_847] {strides = array<i32>} : memref<200x512xi32, #tpu.memory_space<vmem>>, vector<16xi32>,
      %gather3A_849 = tpu.vector_load_idx %arg6[%get3A_848] : memref<1008xf32, #tpu.memory_space<vmem>>[vector<16xi32>], vector<16xf32>,
      %mul3A_850 = arith.mulf %mul3A_754, %gather3A_849 : vector<16xf32>
      %get3A_851 = arith.constant 65 : i32
      %get3A_852 = arith.index_cast %get3A_851 : i32 to index
      %get3A_853 = arith.index_cast %mul3A_82 : i32 to index
      %get3A_854 = tpu.vector_load %arg5[%get3A_852, %get3A_853] {strides = array<i32>} : memref<200x512xi32, #tpu.memory_space<vmem>>, vector<16xi32>,
      %gather3A_855 = tpu.vector_load_idx %arg6[%get3A_854] : memref<1008xf32, #tpu.memory_space<vmem>>[vector<16xi32>], vector<16xf32>,
      %mul3A_856 = arith.mulf %mul3A_760, %gather3A_855 : vector<16xf32>
      %get3A_857 = arith.constant 65 : i32
      %get3A_858 = arith.index_cast %get3A_857 : i32 to index
      %get3A_859 = arith.index_cast %mul3A_88 : i32 to index
      %get3A_860 = tpu.vector_load %arg5[%get3A_858, %get3A_859] {strides = array<i32>} : memref<200x512xi32, #tpu.memory_space<vmem>>, vector<16xi32>,
      %gather3A_861 = tpu.vector_load_idx %arg6[%get3A_860] : memref<1008xf32, #tpu.memory_space<vmem>>[vector<16xi32>], vector<16xf32>,
      %mul3A_862 = arith.mulf %mul3A_766, %gather3A_861 : vector<16xf32>
      %get3A_863 = arith.constant 66 : i32
      %get3A_864 = arith.index_cast %get3A_863 : i32 to index
      %get3A_865 = arith.index_cast %mul3A_82 : i32 to index
      %get3A_866 = tpu.vector_load %arg5[%get3A_864, %get3A_865] {strides = array<i32>} : memref<200x512xi32, #tpu.memory_space<vmem>>, vector<16xi32>,
      %gather3A_867 = tpu.vector_load_idx %arg6[%get3A_866] : memref<1008xf32, #tpu.memory_space<vmem>>[vector<16xi32>], vector<16xf32>,
      %mul3A_868 = arith.mulf %mul3A_772, %gather3A_867 : vector<16xf32>
      %get3A_869 = arith.constant 66 : i32
      %get3A_870 = arith.index_cast %get3A_869 : i32 to index
      %get3A_871 = arith.index_cast %mul3A_88 : i32 to index
      %get3A_872 = tpu.vector_load %arg5[%get3A_870, %get3A_871] {strides = array<i32>} : memref<200x512xi32, #tpu.memory_space<vmem>>, vector<16xi32>,
      %gather3A_873 = tpu.vector_load_idx %arg6[%get3A_872] : memref<1008xf32, #tpu.memory_space<vmem>>[vector<16xi32>], vector<16xf32>,
      %mul3A_874 = arith.mulf %mul3A_778, %gather3A_873 : vector<16xf32>
      %get3A_875 = arith.constant 67 : i32
      %get3A_876 = arith.index_cast %get3A_875 : i32 to index
      %get3A_877 = arith.index_cast %mul3A_82 : i32 to index
      %get3A_878 = tpu.vector_load %arg5[%get3A_876, %get3A_877] {strides = array<i32>} : memref<200x512xi32, #tpu.memory_space<vmem>>, vector<16xi32>,
      %gather3A_879 = tpu.vector_load_idx %arg6[%get3A_878] : memref<1008xf32, #tpu.memory_space<vmem>>[vector<16xi32>], vector<16xf32>,
      %mul3A_880 = arith.mulf %mul3A_784, %gather3A_879 : vector<16xf32>
      %get3A_881 = arith.constant 67 : i32
      %get3A_882 = arith.index_cast %get3A_881 : i32 to index
      %get3A_883 = arith.index_cast %mul3A_88 : i32 to index
      %get3A_884 = tpu.vector_load %arg5[%get3A_882, %get3A_883] {strides = array<i32>} : memref<200x512xi32, #tpu.memory_space<vmem>>, vector<16xi32>,
      %gather3A_885 = tpu.vector_load_idx %arg6[%get3A_884] : memref<1008xf32, #tpu.memory_space<vmem>>[vector<16xi32>], vector<16xf32>,
      %mul3A_886 = arith.mulf %mul3A_790, %gather3A_885 : vector<16xf32>
      %get3A_887 = arith.constant 68 : i32
      %get3A_888 = arith.index_cast %get3A_887 : i32 to index
      %get3A_889 = arith.index_cast %mul3A_82 : i32 to index
      %get3A_890 = tpu.vector_load %arg5[%get3A_888, %get3A_889] {strides = array<i32>} : memref<200x512xi32, #tpu.memory_space<vmem>>, vector<16xi32>,
      %gather3A_891 = tpu.vector_load_idx %arg6[%get3A_890] : memref<1008xf32, #tpu.memory_space<vmem>>[vector<16xi32>], vector<16xf32>,
      %mul3A_892 = arith.mulf %mul3A_796, %gather3A_891 : vector<16xf32>
      %get3A_893 = arith.constant 68 : i32
      %get3A_894 = arith.index_cast %get3A_893 : i32 to index
      %get3A_895 = arith.index_cast %mul3A_88 : i32 to index
      %get3A_896 = tpu.vector_load %arg5[%get3A_894, %get3A_895] {strides = array<i32>} : memref<200x512xi32, #tpu.memory_space<vmem>>, vector<16xi32>,
      %gather3A_897 = tpu.vector_load_idx %arg6[%get3A_896] : memref<1008xf32, #tpu.memory_space<vmem>>[vector<16xi32>], vector<16xf32>,
      %mul3A_898 = arith.mulf %mul3A_802, %gather3A_897 : vector<16xf32>
      %get3A_899 = arith.constant 69 : i32
      %get3A_900 = arith.index_cast %get3A_899 : i32 to index
      %get3A_901 = arith.index_cast %mul3A_82 : i32 to index
      %get3A_902 = tpu.vector_load %arg5[%get3A_900, %get3A_901] {strides = array<i32>} : memref<200x512xi32, #tpu.memory_space<vmem>>, vector<16xi32>,
      %gather3A_903 = tpu.vector_load_idx %arg6[%get3A_902] : memref<1008xf32, #tpu.memory_space<vmem>>[vector<16xi32>], vector<16xf32>,
      %mul3A_904 = arith.mulf %mul3A_808, %gather3A_903 : vector<16xf32>
      %get3A_905 = arith.constant 69 : i32
      %get3A_906 = arith.index_cast %get3A_905 : i32 to index
      %get3A_907 = arith.index_cast %mul3A_88 : i32 to index
      %get3A_908 = tpu.vector_load %arg5[%get3A_906, %get3A_907] {strides = array<i32>} : memref<200x512xi32, #tpu.memory_space<vmem>>, vector<16xi32>,
      %gather3A_909 = tpu.vector_load_idx %arg6[%get3A_908] : memref<1008xf32, #tpu.memory_space<vmem>>[vector<16xi32>], vector<16xf32>,
      %mul3A_910 = arith.mulf %mul3A_814, %gather3A_909 : vector<16xf32>
      %get3A_911 = arith.constant 70 : i32
      %get3A_912 = arith.index_cast %get3A_911 : i32 to index
      %get3A_913 = arith.index_cast %mul3A_82 : i32 to index
      %get3A_914 = tpu.vector_load %arg5[%get3A_912, %get3A_913] {strides = array<i32>} : memref<200x512xi32, #tpu.memory_space<vmem>>, vector<16xi32>,
      %gather3A_915 = tpu.vector_load_idx %arg6[%get3A_914] : memref<1008xf32, #tpu.memory_space<vmem>>[vector<16xi32>], vector<16xf32>,
      %mul3A_916 = arith.mulf %mul3A_820, %gather3A_915 : vector<16xf32>
      %get3A_917 = arith.constant 70 : i32
      %get3A_918 = arith.index_cast %get3A_917 : i32 to index
      %get3A_919 = arith.index_cast %mul3A_88 : i32 to index
      %get3A_920 = tpu.vector_load %arg5[%get3A_918, %get3A_919] {strides = array<i32>} : memref<200x512xi32, #tpu.memory_space<vmem>>, vector<16xi32>,
      %gather3A_921 = tpu.vector_load_idx %arg6[%get3A_920] : memref<1008xf32, #tpu.memory_space<vmem>>[vector<16xi32>], vector<16xf32>,
      %mul3A_922 = arith.mulf %mul3A_826, %gather3A_921 : vector<16xf32>
      %get3A_923 = arith.constant 71 : i32
      %get3A_924 = arith.index_cast %get3A_923 : i32 to index
      %get3A_925 = arith.index_cast %mul3A_82 : i32 to index
      %get3A_926 = tpu.vector_load %arg5[%get3A_924, %get3A_925] {strides = array<i32>} : memref<200x512xi32, #tpu.memory_space<vmem>>, vector<16xi32>,
      %gather3A_927 = tpu.vector_load_idx %arg6[%get3A_926] : memref<1008xf32, #tpu.memory_space<vmem>>[vector<16xi32>], vector<16xf32>,
      %mul3A_928 = arith.mulf %mul3A_832, %gather3A_927 : vector<16xf32>
      %get3A_929 = arith.constant 71 : i32
      %get3A_930 = arith.index_cast %get3A_929 : i32 to index
      %get3A_931 = arith.index_cast %mul3A_88 : i32 to index
      %get3A_932 = tpu.vector_load %arg5[%get3A_930, %get3A_931] {strides = array<i32>} : memref<200x512xi32, #tpu.memory_space<vmem>>, vector<16xi32>,
      %gather3A_933 = tpu.vector_load_idx %arg6[%get3A_932] : memref<1008xf32, #tpu.memory_space<vmem>>[vector<16xi32>], vector<16xf32>,
      %mul3A_934 = arith.mulf %mul3A_838, %gather3A_933 : vector<16xf32>
      %get3A_935 = arith.constant 72 : i32
      %get3A_936 = arith.index_cast %get3A_935 : i32 to index
      %get3A_937 = arith.index_cast %mul3A_82 : i32 to index
      %get3A_938 = tpu.vector_load %arg5[%get3A_936, %get3A_937] {strides = array<i32>} : memref<200x512xi32, #tpu.memory_space<vmem>>, vector<16xi32>,
      %gather3A_939 = tpu.vector_load_idx %arg6[%get3A_938] : memref<1008xf32, #tpu.memory_space<vmem>>[vector<16xi32>], vector<16xf32>,
      %mul3A_940 = arith.mulf %mul3A_844, %gather3A_939 : vector<16xf32>
      %get3A_941 = arith.constant 72 : i32
      %get3A_942 = arith.index_cast %get3A_941 : i32 to index
      %get3A_943 = arith.index_cast %mul3A_88 : i32 to index
      %get3A_944 = tpu.vector_load %arg5[%get3A_942, %get3A_943] {strides = array<i32>} : memref<200x512xi32, #tpu.memory_space<vmem>>, vector<16xi32>,
      %gather3A_945 = tpu.vector_load_idx %arg6[%get3A_944] : memref<1008xf32, #tpu.memory_space<vmem>>[vector<16xi32>], vector<16xf32>,
      %mul3A_946 = arith.mulf %mul3A_850, %gather3A_945 : vector<16xf32>
      %get3A_947 = arith.constant 73 : i32
      %get3A_948 = arith.index_cast %get3A_947 : i32 to index
      %get3A_949 = arith.index_cast %mul3A_82 : i32 to index
      %get3A_950 = tpu.vector_load %arg5[%get3A_948, %get3A_949] {strides = array<i32>} : memref<200x512xi32, #tpu.memory_space<vmem>>, vector<16xi32>,
      %gather3A_951 = tpu.vector_load_idx %arg6[%get3A_950] : memref<1008xf32, #tpu.memory_space<vmem>>[vector<16xi32>], vector<16xf32>,
      %mul3A_952 = arith.mulf %mul3A_856, %gather3A_951 : vector<16xf32>
      %get3A_953 = arith.constant 73 : i32
      %get3A_954 = arith.index_cast %get3A_953 : i32 to index
      %get3A_955 = arith.index_cast %mul3A_88 : i32 to index
      %get3A_956 = tpu.vector_load %arg5[%get3A_954, %get3A_955] {strides = array<i32>} : memref<200x512xi32, #tpu.memory_space<vmem>>, vector<16xi32>,
      %gather3A_957 = tpu.vector_load_idx %arg6[%get3A_956] : memref<1008xf32, #tpu.memory_space<vmem>>[vector<16xi32>], vector<16xf32>,
      %mul3A_958 = arith.mulf %mul3A_862, %gather3A_957 : vector<16xf32>
      %get3A_959 = arith.constant 74 : i32
      %get3A_960 = arith.index_cast %get3A_959 : i32 to index
      %get3A_961 = arith.index_cast %mul3A_82 : i32 to index
      %get3A_962 = tpu.vector_load %arg5[%get3A_960, %get3A_961] {strides = array<i32>} : memref<200x512xi32, #tpu.memory_space<vmem>>, vector<16xi32>,
      %gather3A_963 = tpu.vector_load_idx %arg6[%get3A_962] : memref<1008xf32, #tpu.memory_space<vmem>>[vector<16xi32>], vector<16xf32>,
      %mul3A_964 = arith.mulf %mul3A_868, %gather3A_963 : vector<16xf32>
      %get3A_965 = arith.constant 74 : i32
      %get3A_966 = arith.index_cast %get3A_965 : i32 to index
      %get3A_967 = arith.index_cast %mul3A_88 : i32 to index
      %get3A_968 = tpu.vector_load %arg5[%get3A_966, %get3A_967] {strides = array<i32>} : memref<200x512xi32, #tpu.memory_space<vmem>>, vector<16xi32>,
      %gather3A_969 = tpu.vector_load_idx %arg6[%get3A_968] : memref<1008xf32, #tpu.memory_space<vmem>>[vector<16xi32>], vector<16xf32>,
      %mul3A_970 = arith.mulf %mul3A_874, %gather3A_969 : vector<16xf32>
      %get3A_971 = arith.constant 75 : i32
      %get3A_972 = arith.index_cast %get3A_971 : i32 to index
      %get3A_973 = arith.index_cast %mul3A_82 : i32 to index
      %get3A_974 = tpu.vector_load %arg5[%get3A_972, %get3A_973] {strides = array<i32>} : memref<200x512xi32, #tpu.memory_space<vmem>>, vector<16xi32>,
      %gather3A_975 = tpu.vector_load_idx %arg6[%get3A_974] : memref<1008xf32, #tpu.memory_space<vmem>>[vector<16xi32>], vector<16xf32>,
      %mul3A_976 = arith.mulf %mul3A_880, %gather3A_975 : vector<16xf32>
      %get3A_977 = arith.constant 75 : i32
      %get3A_978 = arith.index_cast %get3A_977 : i32 to index
      %get3A_979 = arith.index_cast %mul3A_88 : i32 to index
      %get3A_980 = tpu.vector_load %arg5[%get3A_978, %get3A_979] {strides = array<i32>} : memref<200x512xi32, #tpu.memory_space<vmem>>, vector<16xi32>,
      %gather3A_981 = tpu.vector_load_idx %arg6[%get3A_980] : memref<1008xf32, #tpu.memory_space<vmem>>[vector<16xi32>], vector<16xf32>,
      %mul3A_982 = arith.mulf %mul3A_886, %gather3A_981 : vector<16xf32>
      %get3A_983 = arith.constant 76 : i32
      %get3A_984 = arith.index_cast %get3A_983 : i32 to index
      %get3A_985 = arith.index_cast %mul3A_82 : i32 to index
      %get3A_986 = tpu.vector_load %arg5[%get3A_984, %get3A_985] {strides = array<i32>} : memref<200x512xi32, #tpu.memory_space<vmem>>, vector<16xi32>,
      %gather3A_987 = tpu.vector_load_idx %arg6[%get3A_986] : memref<1008xf32, #tpu.memory_space<vmem>>[vector<16xi32>], vector<16xf32>,
      %mul3A_988 = arith.mulf %mul3A_892, %gather3A_987 : vector<16xf32>
      %get3A_989 = arith.constant 76 : i32
      %get3A_990 = arith.index_cast %get3A_989 : i32 to index
      %get3A_991 = arith.index_cast %mul3A_88 : i32 to index
      %get3A_992 = tpu.vector_load %arg5[%get3A_990, %get3A_991] {strides = array<i32>} : memref<200x512xi32, #tpu.memory_space<vmem>>, vector<16xi32>,
      %gather3A_993 = tpu.vector_load_idx %arg6[%get3A_992] : memref<1008xf32, #tpu.memory_space<vmem>>[vector<16xi32>], vector<16xf32>,
      %mul3A_994 = arith.mulf %mul3A_898, %gather3A_993 : vector<16xf32>
      %get3A_995 = arith.constant 77 : i32
      %get3A_996 = arith.index_cast %get3A_995 : i32 to index
      %get3A_997 = arith.index_cast %mul3A_82 : i32 to index
      %get3A_998 = tpu.vector_load %arg5[%get3A_996, %get3A_997] {strides = array<i32>} : memref<200x512xi32, #tpu.memory_space<vmem>>, vector<16xi32>,
      %gather3A_999 = tpu.vector_load_idx %arg6[%get3A_998] : memref<1008xf32, #tpu.memory_space<vmem>>[vector<16xi32>], vector<16xf32>,
      %mul3A_1000 = arith.mulf %mul3A_904, %gather3A_999 : vector<16xf32>
      %get3A_1001 = arith.constant 77 : i32
      %get3A_1002 = arith.index_cast %get3A_1001 : i32 to index
      %get3A_1003 = arith.index_cast %mul3A_88 : i32 to index
      %get3A_1004 = tpu.vector_load %arg5[%get3A_1002, %get3A_1003] {strides = array<i32>} : memref<200x512xi32, #tpu.memory_space<vmem>>, vector<16xi32>,
      %gather3A_1005 = tpu.vector_load_idx %arg6[%get3A_1004] : memref<1008xf32, #tpu.memory_space<vmem>>[vector<16xi32>], vector<16xf32>,
      %mul3A_1006 = arith.mulf %mul3A_910, %gather3A_1005 : vector<16xf32>
      %get3A_1007 = arith.constant 78 : i32
      %get3A_1008 = arith.index_cast %get3A_1007 : i32 to index
      %get3A_1009 = arith.index_cast %mul3A_82 : i32 to index
      %get3A_1010 = tpu.vector_load %arg5[%get3A_1008, %get3A_1009] {strides = array<i32>} : memref<200x512xi32, #tpu.memory_space<vmem>>, vector<16xi32>,
      %gather3A_1011 = tpu.vector_load_idx %arg6[%get3A_1010] : memref<1008xf32, #tpu.memory_space<vmem>>[vector<16xi32>], vector<16xf32>,
      %mul3A_1012 = arith.mulf %mul3A_916, %gather3A_1011 : vector<16xf32>
      %get3A_1013 = arith.constant 78 : i32
      %get3A_1014 = arith.index_cast %get3A_1013 : i32 to index
      %get3A_1015 = arith.index_cast %mul3A_88 : i32 to index
      %get3A_1016 = tpu.vector_load %arg5[%get3A_1014, %get3A_1015] {strides = array<i32>} : memref<200x512xi32, #tpu.memory_space<vmem>>, vector<16xi32>,
      %gather3A_1017 = tpu.vector_load_idx %arg6[%get3A_1016] : memref<1008xf32, #tpu.memory_space<vmem>>[vector<16xi32>], vector<16xf32>,
      %mul3A_1018 = arith.mulf %mul3A_922, %gather3A_1017 : vector<16xf32>
      %get3A_1019 = arith.constant 79 : i32
      %get3A_1020 = arith.index_cast %get3A_1019 : i32 to index
      %get3A_1021 = arith.index_cast %mul3A_82 : i32 to index
      %get3A_1022 = tpu.vector_load %arg5[%get3A_1020, %get3A_1021] {strides = array<i32>} : memref<200x512xi32, #tpu.memory_space<vmem>>, vector<16xi32>,
      %gather3A_1023 = tpu.vector_load_idx %arg6[%get3A_1022] : memref<1008xf32, #tpu.memory_space<vmem>>[vector<16xi32>], vector<16xf32>,
      %mul3A_1024 = arith.mulf %mul3A_928, %gather3A_1023 : vector<16xf32>
      %get3A_1025 = arith.constant 79 : i32
      %get3A_1026 = arith.index_cast %get3A_1025 : i32 to index
      %get3A_1027 = arith.index_cast %mul3A_88 : i32 to index
      %get3A_1028 = tpu.vector_load %arg5[%get3A_1026, %get3A_1027] {strides = array<i32>} : memref<200x512xi32, #tpu.memory_space<vmem>>, vector<16xi32>,
      %gather3A_1029 = tpu.vector_load_idx %arg6[%get3A_1028] : memref<1008xf32, #tpu.memory_space<vmem>>[vector<16xi32>], vector<16xf32>,
      %mul3A_1030 = arith.mulf %mul3A_934, %gather3A_1029 : vector<16xf32>
      %get3A_1031 = arith.constant 80 : i32
      %get3A_1032 = arith.index_cast %get3A_1031 : i32 to index
      %get3A_1033 = arith.index_cast %mul3A_82 : i32 to index
      %get3A_1034 = tpu.vector_load %arg5[%get3A_1032, %get3A_1033] {strides = array<i32>} : memref<200x512xi32, #tpu.memory_space<vmem>>, vector<16xi32>,
      %gather3A_1035 = tpu.vector_load_idx %arg6[%get3A_1034] : memref<1008xf32, #tpu.memory_space<vmem>>[vector<16xi32>], vector<16xf32>,
      %mul3A_1036 = arith.mulf %mul3A_940, %gather3A_1035 : vector<16xf32>
      %get3A_1037 = arith.constant 80 : i32
      %get3A_1038 = arith.index_cast %get3A_1037 : i32 to index
      %get3A_1039 = arith.index_cast %mul3A_88 : i32 to index
      %get3A_1040 = tpu.vector_load %arg5[%get3A_1038, %get3A_1039] {strides = array<i32>} : memref<200x512xi32, #tpu.memory_space<vmem>>, vector<16xi32>,
      %gather3A_1041 = tpu.vector_load_idx %arg6[%get3A_1040] : memref<1008xf32, #tpu.memory_space<vmem>>[vector<16xi32>], vector<16xf32>,
      %mul3A_1042 = arith.mulf %mul3A_946, %gather3A_1041 : vector<16xf32>
      %get3A_1043 = arith.constant 81 : i32
      %get3A_1044 = arith.index_cast %get3A_1043 : i32 to index
      %get3A_1045 = arith.index_cast %mul3A_82 : i32 to index
      %get3A_1046 = tpu.vector_load %arg5[%get3A_1044, %get3A_1045] {strides = array<i32>} : memref<200x512xi32, #tpu.memory_space<vmem>>, vector<16xi32>,
      %gather3A_1047 = tpu.vector_load_idx %arg6[%get3A_1046] : memref<1008xf32, #tpu.memory_space<vmem>>[vector<16xi32>], vector<16xf32>,
      %mul3A_1048 = arith.mulf %mul3A_952, %gather3A_1047 : vector<16xf32>
      %get3A_1049 = arith.constant 81 : i32
      %get3A_1050 = arith.index_cast %get3A_1049 : i32 to index
      %get3A_1051 = arith.index_cast %mul3A_88 : i32 to index
      %get3A_1052 = tpu.vector_load %arg5[%get3A_1050, %get3A_1051] {strides = array<i32>} : memref<200x512xi32, #tpu.memory_space<vmem>>, vector<16xi32>,
      %gather3A_1053 = tpu.vector_load_idx %arg6[%get3A_1052] : memref<1008xf32, #tpu.memory_space<vmem>>[vector<16xi32>], vector<16xf32>,
      %mul3A_1054 = arith.mulf %mul3A_958, %gather3A_1053 : vector<16xf32>
      %get3A_1055 = arith.constant 82 : i32
      %get3A_1056 = arith.index_cast %get3A_1055 : i32 to index
      %get3A_1057 = arith.index_cast %mul3A_82 : i32 to index
      %get3A_1058 = tpu.vector_load %arg5[%get3A_1056, %get3A_1057] {strides = array<i32>} : memref<200x512xi32, #tpu.memory_space<vmem>>, vector<16xi32>,
      %gather3A_1059 = tpu.vector_load_idx %arg6[%get3A_1058] : memref<1008xf32, #tpu.memory_space<vmem>>[vector<16xi32>], vector<16xf32>,
      %mul3A_1060 = arith.mulf %mul3A_964, %gather3A_1059 : vector<16xf32>
      %get3A_1061 = arith.constant 82 : i32
      %get3A_1062 = arith.index_cast %get3A_1061 : i32 to index
      %get3A_1063 = arith.index_cast %mul3A_88 : i32 to index
      %get3A_1064 = tpu.vector_load %arg5[%get3A_1062, %get3A_1063] {strides = array<i32>} : memref<200x512xi32, #tpu.memory_space<vmem>>, vector<16xi32>,
      %gather3A_1065 = tpu.vector_load_idx %arg6[%get3A_1064] : memref<1008xf32, #tpu.memory_space<vmem>>[vector<16xi32>], vector<16xf32>,
      %mul3A_1066 = arith.mulf %mul3A_970, %gather3A_1065 : vector<16xf32>
      %get3A_1067 = arith.constant 83 : i32
      %get3A_1068 = arith.index_cast %get3A_1067 : i32 to index
      %get3A_1069 = arith.index_cast %mul3A_82 : i32 to index
      %get3A_1070 = tpu.vector_load %arg5[%get3A_1068, %get3A_1069] {strides = array<i32>} : memref<200x512xi32, #tpu.memory_space<vmem>>, vector<16xi32>,
      %gather3A_1071 = tpu.vector_load_idx %arg6[%get3A_1070] : memref<1008xf32, #tpu.memory_space<vmem>>[vector<16xi32>], vector<16xf32>,
      %mul3A_1072 = arith.mulf %mul3A_976, %gather3A_1071 : vector<16xf32>
      %get3A_1073 = arith.constant 83 : i32
      %get3A_1074 = arith.index_cast %get3A_1073 : i32 to index
      %get3A_1075 = arith.index_cast %mul3A_88 : i32 to index
      %get3A_1076 = tpu.vector_load %arg5[%get3A_1074, %get3A_1075] {strides = array<i32>} : memref<200x512xi32, #tpu.memory_space<vmem>>, vector<16xi32>,
      %gather3A_1077 = tpu.vector_load_idx %arg6[%get3A_1076] : memref<1008xf32, #tpu.memory_space<vmem>>[vector<16xi32>], vector<16xf32>,
      %mul3A_1078 = arith.mulf %mul3A_982, %gather3A_1077 : vector<16xf32>
      %get3A_1079 = arith.constant 84 : i32
      %get3A_1080 = arith.index_cast %get3A_1079 : i32 to index
      %get3A_1081 = arith.index_cast %mul3A_82 : i32 to index
      %get3A_1082 = tpu.vector_load %arg5[%get3A_1080, %get3A_1081] {strides = array<i32>} : memref<200x512xi32, #tpu.memory_space<vmem>>, vector<16xi32>,
      %gather3A_1083 = tpu.vector_load_idx %arg6[%get3A_1082] : memref<1008xf32, #tpu.memory_space<vmem>>[vector<16xi32>], vector<16xf32>,
      %mul3A_1084 = arith.mulf %mul3A_988, %gather3A_1083 : vector<16xf32>
      %get3A_1085 = arith.constant 84 : i32
      %get3A_1086 = arith.index_cast %get3A_1085 : i32 to index
      %get3A_1087 = arith.index_cast %mul3A_88 : i32 to index
      %get3A_1088 = tpu.vector_load %arg5[%get3A_1086, %get3A_1087] {strides = array<i32>} : memref<200x512xi32, #tpu.memory_space<vmem>>, vector<16xi32>,
      %gather3A_1089 = tpu.vector_load_idx %arg6[%get3A_1088] : memref<1008xf32, #tpu.memory_space<vmem>>[vector<16xi32>], vector<16xf32>,
      %mul3A_1090 = arith.mulf %mul3A_994, %gather3A_1089 : vector<16xf32>
      %get3A_1091 = arith.constant 85 : i32
      %get3A_1092 = arith.index_cast %get3A_1091 : i32 to index
      %get3A_1093 = arith.index_cast %mul3A_82 : i32 to index
      %get3A_1094 = tpu.vector_load %arg5[%get3A_1092, %get3A_1093] {strides = array<i32>} : memref<200x512xi32, #tpu.memory_space<vmem>>, vector<16xi32>,
      %gather3A_1095 = tpu.vector_load_idx %arg6[%get3A_1094] : memref<1008xf32, #tpu.memory_space<vmem>>[vector<16xi32>], vector<16xf32>,
      %mul3A_1096 = arith.mulf %mul3A_1000, %gather3A_1095 : vector<16xf32>
      %get3A_1097 = arith.constant 85 : i32
      %get3A_1098 = arith.index_cast %get3A_1097 : i32 to index
      %get3A_1099 = arith.index_cast %mul3A_88 : i32 to index
      %get3A_1100 = tpu.vector_load %arg5[%get3A_1098, %get3A_1099] {strides = array<i32>} : memref<200x512xi32, #tpu.memory_space<vmem>>, vector<16xi32>,
      %gather3A_1101 = tpu.vector_load_idx %arg6[%get3A_1100] : memref<1008xf32, #tpu.memory_space<vmem>>[vector<16xi32>], vector<16xf32>,
      %mul3A_1102 = arith.mulf %mul3A_1006, %gather3A_1101 : vector<16xf32>
      %get3A_1103 = arith.constant 86 : i32
      %get3A_1104 = arith.index_cast %get3A_1103 : i32 to index
      %get3A_1105 = arith.index_cast %mul3A_82 : i32 to index
      %get3A_1106 = tpu.vector_load %arg5[%get3A_1104, %get3A_1105] {strides = array<i32>} : memref<200x512xi32, #tpu.memory_space<vmem>>, vector<16xi32>,
      %gather3A_1107 = tpu.vector_load_idx %arg6[%get3A_1106] : memref<1008xf32, #tpu.memory_space<vmem>>[vector<16xi32>], vector<16xf32>,
      %mul3A_1108 = arith.mulf %mul3A_1012, %gather3A_1107 : vector<16xf32>
      %get3A_1109 = arith.constant 86 : i32
      %get3A_1110 = arith.index_cast %get3A_1109 : i32 to index
      %get3A_1111 = arith.index_cast %mul3A_88 : i32 to index
      %get3A_1112 = tpu.vector_load %arg5[%get3A_1110, %get3A_1111] {strides = array<i32>} : memref<200x512xi32, #tpu.memory_space<vmem>>, vector<16xi32>,
      %gather3A_1113 = tpu.vector_load_idx %arg6[%get3A_1112] : memref<1008xf32, #tpu.memory_space<vmem>>[vector<16xi32>], vector<16xf32>,
      %mul3A_1114 = arith.mulf %mul3A_1018, %gather3A_1113 : vector<16xf32>
      %get3A_1115 = arith.constant 87 : i32
      %get3A_1116 = arith.index_cast %get3A_1115 : i32 to index
      %get3A_1117 = arith.index_cast %mul3A_82 : i32 to index
      %get3A_1118 = tpu.vector_load %arg5[%get3A_1116, %get3A_1117] {strides = array<i32>} : memref<200x512xi32, #tpu.memory_space<vmem>>, vector<16xi32>,
      %gather3A_1119 = tpu.vector_load_idx %arg6[%get3A_1118] : memref<1008xf32, #tpu.memory_space<vmem>>[vector<16xi32>], vector<16xf32>,
      %mul3A_1120 = arith.mulf %mul3A_1024, %gather3A_1119 : vector<16xf32>
      %get3A_1121 = arith.constant 87 : i32
      %get3A_1122 = arith.index_cast %get3A_1121 : i32 to index
      %get3A_1123 = arith.index_cast %mul3A_88 : i32 to index
      %get3A_1124 = tpu.vector_load %arg5[%get3A_1122, %get3A_1123] {strides = array<i32>} : memref<200x512xi32, #tpu.memory_space<vmem>>, vector<16xi32>,
      %gather3A_1125 = tpu.vector_load_idx %arg6[%get3A_1124] : memref<1008xf32, #tpu.memory_space<vmem>>[vector<16xi32>], vector<16xf32>,
      %mul3A_1126 = arith.mulf %mul3A_1030, %gather3A_1125 : vector<16xf32>
      %get3A_1127 = arith.constant 88 : i32
      %get3A_1128 = arith.index_cast %get3A_1127 : i32 to index
      %get3A_1129 = arith.index_cast %mul3A_82 : i32 to index
      %get3A_1130 = tpu.vector_load %arg5[%get3A_1128, %get3A_1129] {strides = array<i32>} : memref<200x512xi32, #tpu.memory_space<vmem>>, vector<16xi32>,
      %gather3A_1131 = tpu.vector_load_idx %arg6[%get3A_1130] : memref<1008xf32, #tpu.memory_space<vmem>>[vector<16xi32>], vector<16xf32>,
      %mul3A_1132 = arith.mulf %mul3A_1036, %gather3A_1131 : vector<16xf32>
      %get3A_1133 = arith.constant 88 : i32
      %get3A_1134 = arith.index_cast %get3A_1133 : i32 to index
      %get3A_1135 = arith.index_cast %mul3A_88 : i32 to index
      %get3A_1136 = tpu.vector_load %arg5[%get3A_1134, %get3A_1135] {strides = array<i32>} : memref<200x512xi32, #tpu.memory_space<vmem>>, vector<16xi32>,
      %gather3A_1137 = tpu.vector_load_idx %arg6[%get3A_1136] : memref<1008xf32, #tpu.memory_space<vmem>>[vector<16xi32>], vector<16xf32>,
      %mul3A_1138 = arith.mulf %mul3A_1042, %gather3A_1137 : vector<16xf32>
      %get3A_1139 = arith.constant 89 : i32
      %get3A_1140 = arith.index_cast %get3A_1139 : i32 to index
      %get3A_1141 = arith.index_cast %mul3A_82 : i32 to index
      %get3A_1142 = tpu.vector_load %arg5[%get3A_1140, %get3A_1141] {strides = array<i32>} : memref<200x512xi32, #tpu.memory_space<vmem>>, vector<16xi32>,
      %gather3A_1143 = tpu.vector_load_idx %arg6[%get3A_1142] : memref<1008xf32, #tpu.memory_space<vmem>>[vector<16xi32>], vector<16xf32>,
      %mul3A_1144 = arith.mulf %mul3A_1048, %gather3A_1143 : vector<16xf32>
      %get3A_1145 = arith.constant 89 : i32
      %get3A_1146 = arith.index_cast %get3A_1145 : i32 to index
      %get3A_1147 = arith.index_cast %mul3A_88 : i32 to index
      %get3A_1148 = tpu.vector_load %arg5[%get3A_1146, %get3A_1147] {strides = array<i32>} : memref<200x512xi32, #tpu.memory_space<vmem>>, vector<16xi32>,
      %gather3A_1149 = tpu.vector_load_idx %arg6[%get3A_1148] : memref<1008xf32, #tpu.memory_space<vmem>>[vector<16xi32>], vector<16xf32>,
      %mul3A_1150 = arith.mulf %mul3A_1054, %gather3A_1149 : vector<16xf32>
      %get3A_1151 = arith.constant 90 : i32
      %get3A_1152 = arith.index_cast %get3A_1151 : i32 to index
      %get3A_1153 = arith.index_cast %mul3A_82 : i32 to index
      %get3A_1154 = tpu.vector_load %arg5[%get3A_1152, %get3A_1153] {strides = array<i32>} : memref<200x512xi32, #tpu.memory_space<vmem>>, vector<16xi32>,
      %gather3A_1155 = tpu.vector_load_idx %arg6[%get3A_1154] : memref<1008xf32, #tpu.memory_space<vmem>>[vector<16xi32>], vector<16xf32>,
      %mul3A_1156 = arith.mulf %mul3A_1060, %gather3A_1155 : vector<16xf32>
      %get3A_1157 = arith.constant 90 : i32
      %get3A_1158 = arith.index_cast %get3A_1157 : i32 to index
      %get3A_1159 = arith.index_cast %mul3A_88 : i32 to index
      %get3A_1160 = tpu.vector_load %arg5[%get3A_1158, %get3A_1159] {strides = array<i32>} : memref<200x512xi32, #tpu.memory_space<vmem>>, vector<16xi32>,
      %gather3A_1161 = tpu.vector_load_idx %arg6[%get3A_1160] : memref<1008xf32, #tpu.memory_space<vmem>>[vector<16xi32>], vector<16xf32>,
      %mul3A_1162 = arith.mulf %mul3A_1066, %gather3A_1161 : vector<16xf32>
      %get3A_1163 = arith.constant 91 : i32
      %get3A_1164 = arith.index_cast %get3A_1163 : i32 to index
      %get3A_1165 = arith.index_cast %mul3A_82 : i32 to index
      %get3A_1166 = tpu.vector_load %arg5[%get3A_1164, %get3A_1165] {strides = array<i32>} : memref<200x512xi32, #tpu.memory_space<vmem>>, vector<16xi32>,
      %gather3A_1167 = tpu.vector_load_idx %arg6[%get3A_1166] : memref<1008xf32, #tpu.memory_space<vmem>>[vector<16xi32>], vector<16xf32>,
      %mul3A_1168 = arith.mulf %mul3A_1072, %gather3A_1167 : vector<16xf32>
      %get3A_1169 = arith.constant 91 : i32
      %get3A_1170 = arith.index_cast %get3A_1169 : i32 to index
      %get3A_1171 = arith.index_cast %mul3A_88 : i32 to index
      %get3A_1172 = tpu.vector_load %arg5[%get3A_1170, %get3A_1171] {strides = array<i32>} : memref<200x512xi32, #tpu.memory_space<vmem>>, vector<16xi32>,
      %gather3A_1173 = tpu.vector_load_idx %arg6[%get3A_1172] : memref<1008xf32, #tpu.memory_space<vmem>>[vector<16xi32>], vector<16xf32>,
      %mul3A_1174 = arith.mulf %mul3A_1078, %gather3A_1173 : vector<16xf32>
      %get3A_1175 = arith.constant 92 : i32
      %get3A_1176 = arith.index_cast %get3A_1175 : i32 to index
      %get3A_1177 = arith.index_cast %mul3A_82 : i32 to index
      %get3A_1178 = tpu.vector_load %arg5[%get3A_1176, %get3A_1177] {strides = array<i32>} : memref<200x512xi32, #tpu.memory_space<vmem>>, vector<16xi32>,
      %gather3A_1179 = tpu.vector_load_idx %arg6[%get3A_1178] : memref<1008xf32, #tpu.memory_space<vmem>>[vector<16xi32>], vector<16xf32>,
      %mul3A_1180 = arith.mulf %mul3A_1084, %gather3A_1179 : vector<16xf32>
      %get3A_1181 = arith.constant 92 : i32
      %get3A_1182 = arith.index_cast %get3A_1181 : i32 to index
      %get3A_1183 = arith.index_cast %mul3A_88 : i32 to index
      %get3A_1184 = tpu.vector_load %arg5[%get3A_1182, %get3A_1183] {strides = array<i32>} : memref<200x512xi32, #tpu.memory_space<vmem>>, vector<16xi32>,
      %gather3A_1185 = tpu.vector_load_idx %arg6[%get3A_1184] : memref<1008xf32, #tpu.memory_space<vmem>>[vector<16xi32>], vector<16xf32>,
      %mul3A_1186 = arith.mulf %mul3A_1090, %gather3A_1185 : vector<16xf32>
      %get3A_1187 = arith.constant 93 : i32
      %get3A_1188 = arith.index_cast %get3A_1187 : i32 to index
      %get3A_1189 = arith.index_cast %mul3A_82 : i32 to index
      %get3A_1190 = tpu.vector_load %arg5[%get3A_1188, %get3A_1189] {strides = array<i32>} : memref<200x512xi32, #tpu.memory_space<vmem>>, vector<16xi32>,
      %gather3A_1191 = tpu.vector_load_idx %arg6[%get3A_1190] : memref<1008xf32, #tpu.memory_space<vmem>>[vector<16xi32>], vector<16xf32>,
      %mul3A_1192 = arith.mulf %mul3A_1096, %gather3A_1191 : vector<16xf32>
      %get3A_1193 = arith.constant 93 : i32
      %get3A_1194 = arith.index_cast %get3A_1193 : i32 to index
      %get3A_1195 = arith.index_cast %mul3A_88 : i32 to index
      %get3A_1196 = tpu.vector_load %arg5[%get3A_1194, %get3A_1195] {strides = array<i32>} : memref<200x512xi32, #tpu.memory_space<vmem>>, vector<16xi32>,
      %gather3A_1197 = tpu.vector_load_idx %arg6[%get3A_1196] : memref<1008xf32, #tpu.memory_space<vmem>>[vector<16xi32>], vector<16xf32>,
      %mul3A_1198 = arith.mulf %mul3A_1102, %gather3A_1197 : vector<16xf32>
      %get3A_1199 = arith.constant 94 : i32
      %get3A_1200 = arith.index_cast %get3A_1199 : i32 to index
      %get3A_1201 = arith.index_cast %mul3A_82 : i32 to index
      %get3A_1202 = tpu.vector_load %arg5[%get3A_1200, %get3A_1201] {strides = array<i32>} : memref<200x512xi32, #tpu.memory_space<vmem>>, vector<16xi32>,
      %gather3A_1203 = tpu.vector_load_idx %arg6[%get3A_1202] : memref<1008xf32, #tpu.memory_space<vmem>>[vector<16xi32>], vector<16xf32>,
      %mul3A_1204 = arith.mulf %mul3A_1108, %gather3A_1203 : vector<16xf32>
      %get3A_1205 = arith.constant 94 : i32
      %get3A_1206 = arith.index_cast %get3A_1205 : i32 to index
      %get3A_1207 = arith.index_cast %mul3A_88 : i32 to index
      %get3A_1208 = tpu.vector_load %arg5[%get3A_1206, %get3A_1207] {strides = array<i32>} : memref<200x512xi32, #tpu.memory_space<vmem>>, vector<16xi32>,
      %gather3A_1209 = tpu.vector_load_idx %arg6[%get3A_1208] : memref<1008xf32, #tpu.memory_space<vmem>>[vector<16xi32>], vector<16xf32>,
      %mul3A_1210 = arith.mulf %mul3A_1114, %gather3A_1209 : vector<16xf32>
      %get3A_1211 = arith.constant 95 : i32
      %get3A_1212 = arith.index_cast %get3A_1211 : i32 to index
      %get3A_1213 = arith.index_cast %mul3A_82 : i32 to index
      %get3A_1214 = tpu.vector_load %arg5[%get3A_1212, %get3A_1213] {strides = array<i32>} : memref<200x512xi32, #tpu.memory_space<vmem>>, vector<16xi32>,
      %gather3A_1215 = tpu.vector_load_idx %arg6[%get3A_1214] : memref<1008xf32, #tpu.memory_space<vmem>>[vector<16xi32>], vector<16xf32>,
      %mul3A_1216 = arith.mulf %mul3A_1120, %gather3A_1215 : vector<16xf32>
      %get3A_1217 = arith.constant 95 : i32
      %get3A_1218 = arith.index_cast %get3A_1217 : i32 to index
      %get3A_1219 = arith.index_cast %mul3A_88 : i32 to index
      %get3A_1220 = tpu.vector_load %arg5[%get3A_1218, %get3A_1219] {strides = array<i32>} : memref<200x512xi32, #tpu.memory_space<vmem>>, vector<16xi32>,
      %gather3A_1221 = tpu.vector_load_idx %arg6[%get3A_1220] : memref<1008xf32, #tpu.memory_space<vmem>>[vector<16xi32>], vector<16xf32>,
      %mul3A_1222 = arith.mulf %mul3A_1126, %gather3A_1221 : vector<16xf32>
      %get3A_1223 = arith.constant 96 : i32
      %get3A_1224 = arith.index_cast %get3A_1223 : i32 to index
      %get3A_1225 = arith.index_cast %mul3A_82 : i32 to index
      %get3A_1226 = tpu.vector_load %arg5[%get3A_1224, %get3A_1225] {strides = array<i32>} : memref<200x512xi32, #tpu.memory_space<vmem>>, vector<16xi32>,
      %gather3A_1227 = tpu.vector_load_idx %arg6[%get3A_1226] : memref<1008xf32, #tpu.memory_space<vmem>>[vector<16xi32>], vector<16xf32>,
      %mul3A_1228 = arith.mulf %mul3A_1132, %gather3A_1227 : vector<16xf32>
      %get3A_1229 = arith.constant 96 : i32
      %get3A_1230 = arith.index_cast %get3A_1229 : i32 to index
      %get3A_1231 = arith.index_cast %mul3A_88 : i32 to index
      %get3A_1232 = tpu.vector_load %arg5[%get3A_1230, %get3A_1231] {strides = array<i32>} : memref<200x512xi32, #tpu.memory_space<vmem>>, vector<16xi32>,
      %gather3A_1233 = tpu.vector_load_idx %arg6[%get3A_1232] : memref<1008xf32, #tpu.memory_space<vmem>>[vector<16xi32>], vector<16xf32>,
      %mul3A_1234 = arith.mulf %mul3A_1138, %gather3A_1233 : vector<16xf32>
      %get3A_1235 = arith.constant 97 : i32
      %get3A_1236 = arith.index_cast %get3A_1235 : i32 to index
      %get3A_1237 = arith.index_cast %mul3A_82 : i32 to index
      %get3A_1238 = tpu.vector_load %arg5[%get3A_1236, %get3A_1237] {strides = array<i32>} : memref<200x512xi32, #tpu.memory_space<vmem>>, vector<16xi32>,
      %gather3A_1239 = tpu.vector_load_idx %arg6[%get3A_1238] : memref<1008xf32, #tpu.memory_space<vmem>>[vector<16xi32>], vector<16xf32>,
      %mul3A_1240 = arith.mulf %mul3A_1144, %gather3A_1239 : vector<16xf32>
      %get3A_1241 = arith.constant 97 : i32
      %get3A_1242 = arith.index_cast %get3A_1241 : i32 to index
      %get3A_1243 = arith.index_cast %mul3A_88 : i32 to index
      %get3A_1244 = tpu.vector_load %arg5[%get3A_1242, %get3A_1243] {strides = array<i32>} : memref<200x512xi32, #tpu.memory_space<vmem>>, vector<16xi32>,
      %gather3A_1245 = tpu.vector_load_idx %arg6[%get3A_1244] : memref<1008xf32, #tpu.memory_space<vmem>>[vector<16xi32>], vector<16xf32>,
      %mul3A_1246 = arith.mulf %mul3A_1150, %gather3A_1245 : vector<16xf32>
      %get3A_1247 = arith.constant 98 : i32
      %get3A_1248 = arith.index_cast %get3A_1247 : i32 to index
      %get3A_1249 = arith.index_cast %mul3A_82 : i32 to index
      %get3A_1250 = tpu.vector_load %arg5[%get3A_1248, %get3A_1249] {strides = array<i32>} : memref<200x512xi32, #tpu.memory_space<vmem>>, vector<16xi32>,
      %gather3A_1251 = tpu.vector_load_idx %arg6[%get3A_1250] : memref<1008xf32, #tpu.memory_space<vmem>>[vector<16xi32>], vector<16xf32>,
      %mul3A_1252 = arith.mulf %mul3A_1156, %gather3A_1251 : vector<16xf32>
      %get3A_1253 = arith.constant 98 : i32
      %get3A_1254 = arith.index_cast %get3A_1253 : i32 to index
      %get3A_1255 = arith.index_cast %mul3A_88 : i32 to index
      %get3A_1256 = tpu.vector_load %arg5[%get3A_1254, %get3A_1255] {strides = array<i32>} : memref<200x512xi32, #tpu.memory_space<vmem>>, vector<16xi32>,
      %gather3A_1257 = tpu.vector_load_idx %arg6[%get3A_1256] : memref<1008xf32, #tpu.memory_space<vmem>>[vector<16xi32>], vector<16xf32>,
      %mul3A_1258 = arith.mulf %mul3A_1162, %gather3A_1257 : vector<16xf32>
      %get3A_1259 = arith.constant 99 : i32
      %get3A_1260 = arith.index_cast %get3A_1259 : i32 to index
      %get3A_1261 = arith.index_cast %mul3A_82 : i32 to index
      %get3A_1262 = tpu.vector_load %arg5[%get3A_1260, %get3A_1261] {strides = array<i32>} : memref<200x512xi32, #tpu.memory_space<vmem>>, vector<16xi32>,
      %gather3A_1263 = tpu.vector_load_idx %arg6[%get3A_1262] : memref<1008xf32, #tpu.memory_space<vmem>>[vector<16xi32>], vector<16xf32>,
      %mul3A_1264 = arith.mulf %mul3A_1168, %gather3A_1263 : vector<16xf32>
      %get3A_1265 = arith.constant 99 : i32
      %get3A_1266 = arith.index_cast %get3A_1265 : i32 to index
      %get3A_1267 = arith.index_cast %mul3A_88 : i32 to index
      %get3A_1268 = tpu.vector_load %arg5[%get3A_1266, %get3A_1267] {strides = array<i32>} : memref<200x512xi32, #tpu.memory_space<vmem>>, vector<16xi32>,
      %gather3A_1269 = tpu.vector_load_idx %arg6[%get3A_1268] : memref<1008xf32, #tpu.memory_space<vmem>>[vector<16xi32>], vector<16xf32>,
      %mul3A_1270 = arith.mulf %mul3A_1174, %gather3A_1269 : vector<16xf32>
      %get3A_1271 = arith.constant 100 : i32
      %get3A_1272 = arith.index_cast %get3A_1271 : i32 to index
      %get3A_1273 = arith.index_cast %mul3A_82 : i32 to index
      %get3A_1274 = tpu.vector_load %arg5[%get3A_1272, %get3A_1273] {strides = array<i32>} : memref<200x512xi32, #tpu.memory_space<vmem>>, vector<16xi32>,
      %gather3A_1275 = tpu.vector_load_idx %arg6[%get3A_1274] : memref<1008xf32, #tpu.memory_space<vmem>>[vector<16xi32>], vector<16xf32>,
      %mul3A_1276 = arith.mulf %mul3A_1180, %gather3A_1275 : vector<16xf32>
      %get3A_1277 = arith.constant 100 : i32
      %get3A_1278 = arith.index_cast %get3A_1277 : i32 to index
      %get3A_1279 = arith.index_cast %mul3A_88 : i32 to index
      %get3A_1280 = tpu.vector_load %arg5[%get3A_1278, %get3A_1279] {strides = array<i32>} : memref<200x512xi32, #tpu.memory_space<vmem>>, vector<16xi32>,
      %gather3A_1281 = tpu.vector_load_idx %arg6[%get3A_1280] : memref<1008xf32, #tpu.memory_space<vmem>>[vector<16xi32>], vector<16xf32>,
      %mul3A_1282 = arith.mulf %mul3A_1186, %gather3A_1281 : vector<16xf32>
      %get3A_1283 = arith.constant 101 : i32
      %get3A_1284 = arith.index_cast %get3A_1283 : i32 to index
      %get3A_1285 = arith.index_cast %mul3A_82 : i32 to index
      %get3A_1286 = tpu.vector_load %arg5[%get3A_1284, %get3A_1285] {strides = array<i32>} : memref<200x512xi32, #tpu.memory_space<vmem>>, vector<16xi32>,
      %gather3A_1287 = tpu.vector_load_idx %arg6[%get3A_1286] : memref<1008xf32, #tpu.memory_space<vmem>>[vector<16xi32>], vector<16xf32>,
      %mul3A_1288 = arith.mulf %mul3A_1192, %gather3A_1287 : vector<16xf32>
      %get3A_1289 = arith.constant 101 : i32
      %get3A_1290 = arith.index_cast %get3A_1289 : i32 to index
      %get3A_1291 = arith.index_cast %mul3A_88 : i32 to index
      %get3A_1292 = tpu.vector_load %arg5[%get3A_1290, %get3A_1291] {strides = array<i32>} : memref<200x512xi32, #tpu.memory_space<vmem>>, vector<16xi32>,
      %gather3A_1293 = tpu.vector_load_idx %arg6[%get3A_1292] : memref<1008xf32, #tpu.memory_space<vmem>>[vector<16xi32>], vector<16xf32>,
      %mul3A_1294 = arith.mulf %mul3A_1198, %gather3A_1293 : vector<16xf32>
      %get3A_1295 = arith.constant 102 : i32
      %get3A_1296 = arith.index_cast %get3A_1295 : i32 to index
      %get3A_1297 = arith.index_cast %mul3A_82 : i32 to index
      %get3A_1298 = tpu.vector_load %arg5[%get3A_1296, %get3A_1297] {strides = array<i32>} : memref<200x512xi32, #tpu.memory_space<vmem>>, vector<16xi32>,
      %gather3A_1299 = tpu.vector_load_idx %arg6[%get3A_1298] : memref<1008xf32, #tpu.memory_space<vmem>>[vector<16xi32>], vector<16xf32>,
      %mul3A_1300 = arith.mulf %mul3A_1204, %gather3A_1299 : vector<16xf32>
      %get3A_1301 = arith.constant 102 : i32
      %get3A_1302 = arith.index_cast %get3A_1301 : i32 to index
      %get3A_1303 = arith.index_cast %mul3A_88 : i32 to index
      %get3A_1304 = tpu.vector_load %arg5[%get3A_1302, %get3A_1303] {strides = array<i32>} : memref<200x512xi32, #tpu.memory_space<vmem>>, vector<16xi32>,
      %gather3A_1305 = tpu.vector_load_idx %arg6[%get3A_1304] : memref<1008xf32, #tpu.memory_space<vmem>>[vector<16xi32>], vector<16xf32>,
      %mul3A_1306 = arith.mulf %mul3A_1210, %gather3A_1305 : vector<16xf32>
      %get3A_1307 = arith.constant 103 : i32
      %get3A_1308 = arith.index_cast %get3A_1307 : i32 to index
      %get3A_1309 = arith.index_cast %mul3A_82 : i32 to index
      %get3A_1310 = tpu.vector_load %arg5[%get3A_1308, %get3A_1309] {strides = array<i32>} : memref<200x512xi32, #tpu.memory_space<vmem>>, vector<16xi32>,
      %gather3A_1311 = tpu.vector_load_idx %arg6[%get3A_1310] : memref<1008xf32, #tpu.memory_space<vmem>>[vector<16xi32>], vector<16xf32>,
      %mul3A_1312 = arith.mulf %mul3A_1216, %gather3A_1311 : vector<16xf32>
      %get3A_1313 = arith.constant 103 : i32
      %get3A_1314 = arith.index_cast %get3A_1313 : i32 to index
      %get3A_1315 = arith.index_cast %mul3A_88 : i32 to index
      %get3A_1316 = tpu.vector_load %arg5[%get3A_1314, %get3A_1315] {strides = array<i32>} : memref<200x512xi32, #tpu.memory_space<vmem>>, vector<16xi32>,
      %gather3A_1317 = tpu.vector_load_idx %arg6[%get3A_1316] : memref<1008xf32, #tpu.memory_space<vmem>>[vector<16xi32>], vector<16xf32>,
      %mul3A_1318 = arith.mulf %mul3A_1222, %gather3A_1317 : vector<16xf32>
      %get3A_1319 = arith.constant 104 : i32
      %get3A_1320 = arith.index_cast %get3A_1319 : i32 to index
      %get3A_1321 = arith.index_cast %mul3A_82 : i32 to index
      %get3A_1322 = tpu.vector_load %arg5[%get3A_1320, %get3A_1321] {strides = array<i32>} : memref<200x512xi32, #tpu.memory_space<vmem>>, vector<16xi32>,
      %gather3A_1323 = tpu.vector_load_idx %arg6[%get3A_1322] : memref<1008xf32, #tpu.memory_space<vmem>>[vector<16xi32>], vector<16xf32>,
      %mul3A_1324 = arith.mulf %mul3A_1228, %gather3A_1323 : vector<16xf32>
      %get3A_1325 = arith.constant 104 : i32
      %get3A_1326 = arith.index_cast %get3A_1325 : i32 to index
      %get3A_1327 = arith.index_cast %mul3A_88 : i32 to index
      %get3A_1328 = tpu.vector_load %arg5[%get3A_1326, %get3A_1327] {strides = array<i32>} : memref<200x512xi32, #tpu.memory_space<vmem>>, vector<16xi32>,
      %gather3A_1329 = tpu.vector_load_idx %arg6[%get3A_1328] : memref<1008xf32, #tpu.memory_space<vmem>>[vector<16xi32>], vector<16xf32>,
      %mul3A_1330 = arith.mulf %mul3A_1234, %gather3A_1329 : vector<16xf32>
      %get3A_1331 = arith.constant 105 : i32
      %get3A_1332 = arith.index_cast %get3A_1331 : i32 to index
      %get3A_1333 = arith.index_cast %mul3A_82 : i32 to index
      %get3A_1334 = tpu.vector_load %arg5[%get3A_1332, %get3A_1333] {strides = array<i32>} : memref<200x512xi32, #tpu.memory_space<vmem>>, vector<16xi32>,
      %gather3A_1335 = tpu.vector_load_idx %arg6[%get3A_1334] : memref<1008xf32, #tpu.memory_space<vmem>>[vector<16xi32>], vector<16xf32>,
      %mul3A_1336 = arith.mulf %mul3A_1240, %gather3A_1335 : vector<16xf32>
      %get3A_1337 = arith.constant 105 : i32
      %get3A_1338 = arith.index_cast %get3A_1337 : i32 to index
      %get3A_1339 = arith.index_cast %mul3A_88 : i32 to index
      %get3A_1340 = tpu.vector_load %arg5[%get3A_1338, %get3A_1339] {strides = array<i32>} : memref<200x512xi32, #tpu.memory_space<vmem>>, vector<16xi32>,
      %gather3A_1341 = tpu.vector_load_idx %arg6[%get3A_1340] : memref<1008xf32, #tpu.memory_space<vmem>>[vector<16xi32>], vector<16xf32>,
      %mul3A_1342 = arith.mulf %mul3A_1246, %gather3A_1341 : vector<16xf32>
      %get3A_1343 = arith.constant 106 : i32
      %get3A_1344 = arith.index_cast %get3A_1343 : i32 to index
      %get3A_1345 = arith.index_cast %mul3A_82 : i32 to index
      %get3A_1346 = tpu.vector_load %arg5[%get3A_1344, %get3A_1345] {strides = array<i32>} : memref<200x512xi32, #tpu.memory_space<vmem>>, vector<16xi32>,
      %gather3A_1347 = tpu.vector_load_idx %arg6[%get3A_1346] : memref<1008xf32, #tpu.memory_space<vmem>>[vector<16xi32>], vector<16xf32>,
      %mul3A_1348 = arith.mulf %mul3A_1252, %gather3A_1347 : vector<16xf32>
      %get3A_1349 = arith.constant 106 : i32
      %get3A_1350 = arith.index_cast %get3A_1349 : i32 to index
      %get3A_1351 = arith.index_cast %mul3A_88 : i32 to index
      %get3A_1352 = tpu.vector_load %arg5[%get3A_1350, %get3A_1351] {strides = array<i32>} : memref<200x512xi32, #tpu.memory_space<vmem>>, vector<16xi32>,
      %gather3A_1353 = tpu.vector_load_idx %arg6[%get3A_1352] : memref<1008xf32, #tpu.memory_space<vmem>>[vector<16xi32>], vector<16xf32>,
      %mul3A_1354 = arith.mulf %mul3A_1258, %gather3A_1353 : vector<16xf32>
      %get3A_1355 = arith.constant 107 : i32
      %get3A_1356 = arith.index_cast %get3A_1355 : i32 to index
      %get3A_1357 = arith.index_cast %mul3A_82 : i32 to index
      %get3A_1358 = tpu.vector_load %arg5[%get3A_1356, %get3A_1357] {strides = array<i32>} : memref<200x512xi32, #tpu.memory_space<vmem>>, vector<16xi32>,
      %gather3A_1359 = tpu.vector_load_idx %arg6[%get3A_1358] : memref<1008xf32, #tpu.memory_space<vmem>>[vector<16xi32>], vector<16xf32>,
      %mul3A_1360 = arith.mulf %mul3A_1264, %gather3A_1359 : vector<16xf32>
      %get3A_1361 = arith.constant 107 : i32
      %get3A_1362 = arith.index_cast %get3A_1361 : i32 to index
      %get3A_1363 = arith.index_cast %mul3A_88 : i32 to index
      %get3A_1364 = tpu.vector_load %arg5[%get3A_1362, %get3A_1363] {strides = array<i32>} : memref<200x512xi32, #tpu.memory_space<vmem>>, vector<16xi32>,
      %gather3A_1365 = tpu.vector_load_idx %arg6[%get3A_1364] : memref<1008xf32, #tpu.memory_space<vmem>>[vector<16xi32>], vector<16xf32>,
      %mul3A_1366 = arith.mulf %mul3A_1270, %gather3A_1365 : vector<16xf32>
      %get3A_1367 = arith.constant 108 : i32
      %get3A_1368 = arith.index_cast %get3A_1367 : i32 to index
      %get3A_1369 = arith.index_cast %mul3A_82 : i32 to index
      %get3A_1370 = tpu.vector_load %arg5[%get3A_1368, %get3A_1369] {strides = array<i32>} : memref<200x512xi32, #tpu.memory_space<vmem>>, vector<16xi32>,
      %gather3A_1371 = tpu.vector_load_idx %arg6[%get3A_1370] : memref<1008xf32, #tpu.memory_space<vmem>>[vector<16xi32>], vector<16xf32>,
      %mul3A_1372 = arith.mulf %mul3A_1276, %gather3A_1371 : vector<16xf32>
      %get3A_1373 = arith.constant 108 : i32
      %get3A_1374 = arith.index_cast %get3A_1373 : i32 to index
      %get3A_1375 = arith.index_cast %mul3A_88 : i32 to index
      %get3A_1376 = tpu.vector_load %arg5[%get3A_1374, %get3A_1375] {strides = array<i32>} : memref<200x512xi32, #tpu.memory_space<vmem>>, vector<16xi32>,
      %gather3A_1377 = tpu.vector_load_idx %arg6[%get3A_1376] : memref<1008xf32, #tpu.memory_space<vmem>>[vector<16xi32>], vector<16xf32>,
      %mul3A_1378 = arith.mulf %mul3A_1282, %gather3A_1377 : vector<16xf32>
      %get3A_1379 = arith.constant 109 : i32
      %get3A_1380 = arith.index_cast %get3A_1379 : i32 to index
      %get3A_1381 = arith.index_cast %mul3A_82 : i32 to index
      %get3A_1382 = tpu.vector_load %arg5[%get3A_1380, %get3A_1381] {strides = array<i32>} : memref<200x512xi32, #tpu.memory_space<vmem>>, vector<16xi32>,
      %gather3A_1383 = tpu.vector_load_idx %arg6[%get3A_1382] : memref<1008xf32, #tpu.memory_space<vmem>>[vector<16xi32>], vector<16xf32>,
      %mul3A_1384 = arith.mulf %mul3A_1288, %gather3A_1383 : vector<16xf32>
      %get3A_1385 = arith.constant 109 : i32
      %get3A_1386 = arith.index_cast %get3A_1385 : i32 to index
      %get3A_1387 = arith.index_cast %mul3A_88 : i32 to index
      %get3A_1388 = tpu.vector_load %arg5[%get3A_1386, %get3A_1387] {strides = array<i32>} : memref<200x512xi32, #tpu.memory_space<vmem>>, vector<16xi32>,
      %gather3A_1389 = tpu.vector_load_idx %arg6[%get3A_1388] : memref<1008xf32, #tpu.memory_space<vmem>>[vector<16xi32>], vector<16xf32>,
      %mul3A_1390 = arith.mulf %mul3A_1294, %gather3A_1389 : vector<16xf32>
      %get3A_1391 = arith.constant 110 : i32
      %get3A_1392 = arith.index_cast %get3A_1391 : i32 to index
      %get3A_1393 = arith.index_cast %mul3A_82 : i32 to index
      %get3A_1394 = tpu.vector_load %arg5[%get3A_1392, %get3A_1393] {strides = array<i32>} : memref<200x512xi32, #tpu.memory_space<vmem>>, vector<16xi32>,
      %gather3A_1395 = tpu.vector_load_idx %arg6[%get3A_1394] : memref<1008xf32, #tpu.memory_space<vmem>>[vector<16xi32>], vector<16xf32>,
      %mul3A_1396 = arith.mulf %mul3A_1300, %gather3A_1395 : vector<16xf32>
      %get3A_1397 = arith.constant 110 : i32
      %get3A_1398 = arith.index_cast %get3A_1397 : i32 to index
      %get3A_1399 = arith.index_cast %mul3A_88 : i32 to index
      %get3A_1400 = tpu.vector_load %arg5[%get3A_1398, %get3A_1399] {strides = array<i32>} : memref<200x512xi32, #tpu.memory_space<vmem>>, vector<16xi32>,
      %gather3A_1401 = tpu.vector_load_idx %arg6[%get3A_1400] : memref<1008xf32, #tpu.memory_space<vmem>>[vector<16xi32>], vector<16xf32>,
      %mul3A_1402 = arith.mulf %mul3A_1306, %gather3A_1401 : vector<16xf32>
      %get3A_1403 = arith.constant 111 : i32
      %get3A_1404 = arith.index_cast %get3A_1403 : i32 to index
      %get3A_1405 = arith.index_cast %mul3A_82 : i32 to index
      %get3A_1406 = tpu.vector_load %arg5[%get3A_1404, %get3A_1405] {strides = array<i32>} : memref<200x512xi32, #tpu.memory_space<vmem>>, vector<16xi32>,
      %gather3A_1407 = tpu.vector_load_idx %arg6[%get3A_1406] : memref<1008xf32, #tpu.memory_space<vmem>>[vector<16xi32>], vector<16xf32>,
      %mul3A_1408 = arith.mulf %mul3A_1312, %gather3A_1407 : vector<16xf32>
      %get3A_1409 = arith.constant 111 : i32
      %get3A_1410 = arith.index_cast %get3A_1409 : i32 to index
      %get3A_1411 = arith.index_cast %mul3A_88 : i32 to index
      %get3A_1412 = tpu.vector_load %arg5[%get3A_1410, %get3A_1411] {strides = array<i32>} : memref<200x512xi32, #tpu.memory_space<vmem>>, vector<16xi32>,
      %gather3A_1413 = tpu.vector_load_idx %arg6[%get3A_1412] : memref<1008xf32, #tpu.memory_space<vmem>>[vector<16xi32>], vector<16xf32>,
      %mul3A_1414 = arith.mulf %mul3A_1318, %gather3A_1413 : vector<16xf32>
      %get3A_1415 = arith.constant 112 : i32
      %get3A_1416 = arith.index_cast %get3A_1415 : i32 to index
      %get3A_1417 = arith.index_cast %mul3A_82 : i32 to index
      %get3A_1418 = tpu.vector_load %arg5[%get3A_1416, %get3A_1417] {strides = array<i32>} : memref<200x512xi32, #tpu.memory_space<vmem>>, vector<16xi32>,
      %gather3A_1419 = tpu.vector_load_idx %arg6[%get3A_1418] : memref<1008xf32, #tpu.memory_space<vmem>>[vector<16xi32>], vector<16xf32>,
      %mul3A_1420 = arith.mulf %mul3A_1324, %gather3A_1419 : vector<16xf32>
      %get3A_1421 = arith.constant 112 : i32
      %get3A_1422 = arith.index_cast %get3A_1421 : i32 to index
      %get3A_1423 = arith.index_cast %mul3A_88 : i32 to index
      %get3A_1424 = tpu.vector_load %arg5[%get3A_1422, %get3A_1423] {strides = array<i32>} : memref<200x512xi32, #tpu.memory_space<vmem>>, vector<16xi32>,
      %gather3A_1425 = tpu.vector_load_idx %arg6[%get3A_1424] : memref<1008xf32, #tpu.memory_space<vmem>>[vector<16xi32>], vector<16xf32>,
      %mul3A_1426 = arith.mulf %mul3A_1330, %gather3A_1425 : vector<16xf32>
      %get3A_1427 = arith.constant 113 : i32
      %get3A_1428 = arith.index_cast %get3A_1427 : i32 to index
      %get3A_1429 = arith.index_cast %mul3A_82 : i32 to index
      %get3A_1430 = tpu.vector_load %arg5[%get3A_1428, %get3A_1429] {strides = array<i32>} : memref<200x512xi32, #tpu.memory_space<vmem>>, vector<16xi32>,
      %gather3A_1431 = tpu.vector_load_idx %arg6[%get3A_1430] : memref<1008xf32, #tpu.memory_space<vmem>>[vector<16xi32>], vector<16xf32>,
      %mul3A_1432 = arith.mulf %mul3A_1336, %gather3A_1431 : vector<16xf32>
      %get3A_1433 = arith.constant 113 : i32
      %get3A_1434 = arith.index_cast %get3A_1433 : i32 to index
      %get3A_1435 = arith.index_cast %mul3A_88 : i32 to index
      %get3A_1436 = tpu.vector_load %arg5[%get3A_1434, %get3A_1435] {strides = array<i32>} : memref<200x512xi32, #tpu.memory_space<vmem>>, vector<16xi32>,
      %gather3A_1437 = tpu.vector_load_idx %arg6[%get3A_1436] : memref<1008xf32, #tpu.memory_space<vmem>>[vector<16xi32>], vector<16xf32>,
      %mul3A_1438 = arith.mulf %mul3A_1342, %gather3A_1437 : vector<16xf32>
      %get3A_1439 = arith.constant 114 : i32
      %get3A_1440 = arith.index_cast %get3A_1439 : i32 to index
      %get3A_1441 = arith.index_cast %mul3A_82 : i32 to index
      %get3A_1442 = tpu.vector_load %arg5[%get3A_1440, %get3A_1441] {strides = array<i32>} : memref<200x512xi32, #tpu.memory_space<vmem>>, vector<16xi32>,
      %gather3A_1443 = tpu.vector_load_idx %arg6[%get3A_1442] : memref<1008xf32, #tpu.memory_space<vmem>>[vector<16xi32>], vector<16xf32>,
      %mul3A_1444 = arith.mulf %mul3A_1348, %gather3A_1443 : vector<16xf32>
      %get3A_1445 = arith.constant 114 : i32
      %get3A_1446 = arith.index_cast %get3A_1445 : i32 to index
      %get3A_1447 = arith.index_cast %mul3A_88 : i32 to index
      %get3A_1448 = tpu.vector_load %arg5[%get3A_1446, %get3A_1447] {strides = array<i32>} : memref<200x512xi32, #tpu.memory_space<vmem>>, vector<16xi32>,
      %gather3A_1449 = tpu.vector_load_idx %arg6[%get3A_1448] : memref<1008xf32, #tpu.memory_space<vmem>>[vector<16xi32>], vector<16xf32>,
      %mul3A_1450 = arith.mulf %mul3A_1354, %gather3A_1449 : vector<16xf32>
      %get3A_1451 = arith.constant 115 : i32
      %get3A_1452 = arith.index_cast %get3A_1451 : i32 to index
      %get3A_1453 = arith.index_cast %mul3A_82 : i32 to index
      %get3A_1454 = tpu.vector_load %arg5[%get3A_1452, %get3A_1453] {strides = array<i32>} : memref<200x512xi32, #tpu.memory_space<vmem>>, vector<16xi32>,
      %gather3A_1455 = tpu.vector_load_idx %arg6[%get3A_1454] : memref<1008xf32, #tpu.memory_space<vmem>>[vector<16xi32>], vector<16xf32>,
      %mul3A_1456 = arith.mulf %mul3A_1360, %gather3A_1455 : vector<16xf32>
      %get3A_1457 = arith.constant 115 : i32
      %get3A_1458 = arith.index_cast %get3A_1457 : i32 to index
      %get3A_1459 = arith.index_cast %mul3A_88 : i32 to index
      %get3A_1460 = tpu.vector_load %arg5[%get3A_1458, %get3A_1459] {strides = array<i32>} : memref<200x512xi32, #tpu.memory_space<vmem>>, vector<16xi32>,
      %gather3A_1461 = tpu.vector_load_idx %arg6[%get3A_1460] : memref<1008xf32, #tpu.memory_space<vmem>>[vector<16xi32>], vector<16xf32>,
      %mul3A_1462 = arith.mulf %mul3A_1366, %gather3A_1461 : vector<16xf32>
      %get3A_1463 = arith.constant 116 : i32
      %get3A_1464 = arith.index_cast %get3A_1463 : i32 to index
      %get3A_1465 = arith.index_cast %mul3A_82 : i32 to index
      %get3A_1466 = tpu.vector_load %arg5[%get3A_1464, %get3A_1465] {strides = array<i32>} : memref<200x512xi32, #tpu.memory_space<vmem>>, vector<16xi32>,
      %gather3A_1467 = tpu.vector_load_idx %arg6[%get3A_1466] : memref<1008xf32, #tpu.memory_space<vmem>>[vector<16xi32>], vector<16xf32>,
      %mul3A_1468 = arith.mulf %mul3A_1372, %gather3A_1467 : vector<16xf32>
      %get3A_1469 = arith.constant 116 : i32
      %get3A_1470 = arith.index_cast %get3A_1469 : i32 to index
      %get3A_1471 = arith.index_cast %mul3A_88 : i32 to index
      %get3A_1472 = tpu.vector_load %arg5[%get3A_1470, %get3A_1471] {strides = array<i32>} : memref<200x512xi32, #tpu.memory_space<vmem>>, vector<16xi32>,
      %gather3A_1473 = tpu.vector_load_idx %arg6[%get3A_1472] : memref<1008xf32, #tpu.memory_space<vmem>>[vector<16xi32>], vector<16xf32>,
      %mul3A_1474 = arith.mulf %mul3A_1378, %gather3A_1473 : vector<16xf32>
      %get3A_1475 = arith.constant 117 : i32
      %get3A_1476 = arith.index_cast %get3A_1475 : i32 to index
      %get3A_1477 = arith.index_cast %mul3A_82 : i32 to index
      %get3A_1478 = tpu.vector_load %arg5[%get3A_1476, %get3A_1477] {strides = array<i32>} : memref<200x512xi32, #tpu.memory_space<vmem>>, vector<16xi32>,
      %gather3A_1479 = tpu.vector_load_idx %arg6[%get3A_1478] : memref<1008xf32, #tpu.memory_space<vmem>>[vector<16xi32>], vector<16xf32>,
      %mul3A_1480 = arith.mulf %mul3A_1384, %gather3A_1479 : vector<16xf32>
      %get3A_1481 = arith.constant 117 : i32
      %get3A_1482 = arith.index_cast %get3A_1481 : i32 to index
      %get3A_1483 = arith.index_cast %mul3A_88 : i32 to index
      %get3A_1484 = tpu.vector_load %arg5[%get3A_1482, %get3A_1483] {strides = array<i32>} : memref<200x512xi32, #tpu.memory_space<vmem>>, vector<16xi32>,
      %gather3A_1485 = tpu.vector_load_idx %arg6[%get3A_1484] : memref<1008xf32, #tpu.memory_space<vmem>>[vector<16xi32>], vector<16xf32>,
      %mul3A_1486 = arith.mulf %mul3A_1390, %gather3A_1485 : vector<16xf32>
      %get3A_1487 = arith.constant 118 : i32
      %get3A_1488 = arith.index_cast %get3A_1487 : i32 to index
      %get3A_1489 = arith.index_cast %mul3A_82 : i32 to index
      %get3A_1490 = tpu.vector_load %arg5[%get3A_1488, %get3A_1489] {strides = array<i32>} : memref<200x512xi32, #tpu.memory_space<vmem>>, vector<16xi32>,
      %gather3A_1491 = tpu.vector_load_idx %arg6[%get3A_1490] : memref<1008xf32, #tpu.memory_space<vmem>>[vector<16xi32>], vector<16xf32>,
      %mul3A_1492 = arith.mulf %mul3A_1396, %gather3A_1491 : vector<16xf32>
      %get3A_1493 = arith.constant 118 : i32
      %get3A_1494 = arith.index_cast %get3A_1493 : i32 to index
      %get3A_1495 = arith.index_cast %mul3A_88 : i32 to index
      %get3A_1496 = tpu.vector_load %arg5[%get3A_1494, %get3A_1495] {strides = array<i32>} : memref<200x512xi32, #tpu.memory_space<vmem>>, vector<16xi32>,
      %gather3A_1497 = tpu.vector_load_idx %arg6[%get3A_1496] : memref<1008xf32, #tpu.memory_space<vmem>>[vector<16xi32>], vector<16xf32>,
      %mul3A_1498 = arith.mulf %mul3A_1402, %gather3A_1497 : vector<16xf32>
      %get3A_1499 = arith.constant 119 : i32
      %get3A_1500 = arith.index_cast %get3A_1499 : i32 to index
      %get3A_1501 = arith.index_cast %mul3A_82 : i32 to index
      %get3A_1502 = tpu.vector_load %arg5[%get3A_1500, %get3A_1501] {strides = array<i32>} : memref<200x512xi32, #tpu.memory_space<vmem>>, vector<16xi32>,
      %gather3A_1503 = tpu.vector_load_idx %arg6[%get3A_1502] : memref<1008xf32, #tpu.memory_space<vmem>>[vector<16xi32>], vector<16xf32>,
      %mul3A_1504 = arith.mulf %mul3A_1408, %gather3A_1503 : vector<16xf32>
      %get3A_1505 = arith.constant 119 : i32
      %get3A_1506 = arith.index_cast %get3A_1505 : i32 to index
      %get3A_1507 = arith.index_cast %mul3A_88 : i32 to index
      %get3A_1508 = tpu.vector_load %arg5[%get3A_1506, %get3A_1507] {strides = array<i32>} : memref<200x512xi32, #tpu.memory_space<vmem>>, vector<16xi32>,
      %gather3A_1509 = tpu.vector_load_idx %arg6[%get3A_1508] : memref<1008xf32, #tpu.memory_space<vmem>>[vector<16xi32>], vector<16xf32>,
      %mul3A_1510 = arith.mulf %mul3A_1414, %gather3A_1509 : vector<16xf32>
      %get3A_1511 = arith.constant 120 : i32
      %get3A_1512 = arith.index_cast %get3A_1511 : i32 to index
      %get3A_1513 = arith.index_cast %mul3A_82 : i32 to index
      %get3A_1514 = tpu.vector_load %arg5[%get3A_1512, %get3A_1513] {strides = array<i32>} : memref<200x512xi32, #tpu.memory_space<vmem>>, vector<16xi32>,
      %gather3A_1515 = tpu.vector_load_idx %arg6[%get3A_1514] : memref<1008xf32, #tpu.memory_space<vmem>>[vector<16xi32>], vector<16xf32>,
      %mul3A_1516 = arith.mulf %mul3A_1420, %gather3A_1515 : vector<16xf32>
      %get3A_1517 = arith.constant 120 : i32
      %get3A_1518 = arith.index_cast %get3A_1517 : i32 to index
      %get3A_1519 = arith.index_cast %mul3A_88 : i32 to index
      %get3A_1520 = tpu.vector_load %arg5[%get3A_1518, %get3A_1519] {strides = array<i32>} : memref<200x512xi32, #tpu.memory_space<vmem>>, vector<16xi32>,
      %gather3A_1521 = tpu.vector_load_idx %arg6[%get3A_1520] : memref<1008xf32, #tpu.memory_space<vmem>>[vector<16xi32>], vector<16xf32>,
      %mul3A_1522 = arith.mulf %mul3A_1426, %gather3A_1521 : vector<16xf32>
      %get3A_1523 = arith.constant 121 : i32
      %get3A_1524 = arith.index_cast %get3A_1523 : i32 to index
      %get3A_1525 = arith.index_cast %mul3A_82 : i32 to index
      %get3A_1526 = tpu.vector_load %arg5[%get3A_1524, %get3A_1525] {strides = array<i32>} : memref<200x512xi32, #tpu.memory_space<vmem>>, vector<16xi32>,
      %gather3A_1527 = tpu.vector_load_idx %arg6[%get3A_1526] : memref<1008xf32, #tpu.memory_space<vmem>>[vector<16xi32>], vector<16xf32>,
      %mul3A_1528 = arith.mulf %mul3A_1432, %gather3A_1527 : vector<16xf32>
      %get3A_1529 = arith.constant 121 : i32
      %get3A_1530 = arith.index_cast %get3A_1529 : i32 to index
      %get3A_1531 = arith.index_cast %mul3A_88 : i32 to index
      %get3A_1532 = tpu.vector_load %arg5[%get3A_1530, %get3A_1531] {strides = array<i32>} : memref<200x512xi32, #tpu.memory_space<vmem>>, vector<16xi32>,
      %gather3A_1533 = tpu.vector_load_idx %arg6[%get3A_1532] : memref<1008xf32, #tpu.memory_space<vmem>>[vector<16xi32>], vector<16xf32>,
      %mul3A_1534 = arith.mulf %mul3A_1438, %gather3A_1533 : vector<16xf32>
      %get3A_1535 = arith.constant 122 : i32
      %get3A_1536 = arith.index_cast %get3A_1535 : i32 to index
      %get3A_1537 = arith.index_cast %mul3A_82 : i32 to index
      %get3A_1538 = tpu.vector_load %arg5[%get3A_1536, %get3A_1537] {strides = array<i32>} : memref<200x512xi32, #tpu.memory_space<vmem>>, vector<16xi32>,
      %gather3A_1539 = tpu.vector_load_idx %arg6[%get3A_1538] : memref<1008xf32, #tpu.memory_space<vmem>>[vector<16xi32>], vector<16xf32>,
      %mul3A_1540 = arith.mulf %mul3A_1444, %gather3A_1539 : vector<16xf32>
      %get3A_1541 = arith.constant 122 : i32
      %get3A_1542 = arith.index_cast %get3A_1541 : i32 to index
      %get3A_1543 = arith.index_cast %mul3A_88 : i32 to index
      %get3A_1544 = tpu.vector_load %arg5[%get3A_1542, %get3A_1543] {strides = array<i32>} : memref<200x512xi32, #tpu.memory_space<vmem>>, vector<16xi32>,
      %gather3A_1545 = tpu.vector_load_idx %arg6[%get3A_1544] : memref<1008xf32, #tpu.memory_space<vmem>>[vector<16xi32>], vector<16xf32>,
      %mul3A_1546 = arith.mulf %mul3A_1450, %gather3A_1545 : vector<16xf32>
      %get3A_1547 = arith.constant 123 : i32
      %get3A_1548 = arith.index_cast %get3A_1547 : i32 to index
      %get3A_1549 = arith.index_cast %mul3A_82 : i32 to index
      %get3A_1550 = tpu.vector_load %arg5[%get3A_1548, %get3A_1549] {strides = array<i32>} : memref<200x512xi32, #tpu.memory_space<vmem>>, vector<16xi32>,
      %gather3A_1551 = tpu.vector_load_idx %arg6[%get3A_1550] : memref<1008xf32, #tpu.memory_space<vmem>>[vector<16xi32>], vector<16xf32>,
      %mul3A_1552 = arith.mulf %mul3A_1456, %gather3A_1551 : vector<16xf32>
      %get3A_1553 = arith.constant 123 : i32
      %get3A_1554 = arith.index_cast %get3A_1553 : i32 to index
      %get3A_1555 = arith.index_cast %mul3A_88 : i32 to index
      %get3A_1556 = tpu.vector_load %arg5[%get3A_1554, %get3A_1555] {strides = array<i32>} : memref<200x512xi32, #tpu.memory_space<vmem>>, vector<16xi32>,
      %gather3A_1557 = tpu.vector_load_idx %arg6[%get3A_1556] : memref<1008xf32, #tpu.memory_space<vmem>>[vector<16xi32>], vector<16xf32>,
      %mul3A_1558 = arith.mulf %mul3A_1462, %gather3A_1557 : vector<16xf32>
      %get3A_1559 = arith.constant 124 : i32
      %get3A_1560 = arith.index_cast %get3A_1559 : i32 to index
      %get3A_1561 = arith.index_cast %mul3A_82 : i32 to index
      %get3A_1562 = tpu.vector_load %arg5[%get3A_1560, %get3A_1561] {strides = array<i32>} : memref<200x512xi32, #tpu.memory_space<vmem>>, vector<16xi32>,
      %gather3A_1563 = tpu.vector_load_idx %arg6[%get3A_1562] : memref<1008xf32, #tpu.memory_space<vmem>>[vector<16xi32>], vector<16xf32>,
      %mul3A_1564 = arith.mulf %mul3A_1468, %gather3A_1563 : vector<16xf32>
      %get3A_1565 = arith.constant 124 : i32
      %get3A_1566 = arith.index_cast %get3A_1565 : i32 to index
      %get3A_1567 = arith.index_cast %mul3A_88 : i32 to index
      %get3A_1568 = tpu.vector_load %arg5[%get3A_1566, %get3A_1567] {strides = array<i32>} : memref<200x512xi32, #tpu.memory_space<vmem>>, vector<16xi32>,
      %gather3A_1569 = tpu.vector_load_idx %arg6[%get3A_1568] : memref<1008xf32, #tpu.memory_space<vmem>>[vector<16xi32>], vector<16xf32>,
      %mul3A_1570 = arith.mulf %mul3A_1474, %gather3A_1569 : vector<16xf32>
      %get3A_1571 = arith.constant 125 : i32
      %get3A_1572 = arith.index_cast %get3A_1571 : i32 to index
      %get3A_1573 = arith.index_cast %mul3A_82 : i32 to index
      %get3A_1574 = tpu.vector_load %arg5[%get3A_1572, %get3A_1573] {strides = array<i32>} : memref<200x512xi32, #tpu.memory_space<vmem>>, vector<16xi32>,
      %gather3A_1575 = tpu.vector_load_idx %arg6[%get3A_1574] : memref<1008xf32, #tpu.memory_space<vmem>>[vector<16xi32>], vector<16xf32>,
      %mul3A_1576 = arith.mulf %mul3A_1480, %gather3A_1575 : vector<16xf32>
      %get3A_1577 = arith.constant 125 : i32
      %get3A_1578 = arith.index_cast %get3A_1577 : i32 to index
      %get3A_1579 = arith.index_cast %mul3A_88 : i32 to index
      %get3A_1580 = tpu.vector_load %arg5[%get3A_1578, %get3A_1579] {strides = array<i32>} : memref<200x512xi32, #tpu.memory_space<vmem>>, vector<16xi32>,
      %gather3A_1581 = tpu.vector_load_idx %arg6[%get3A_1580] : memref<1008xf32, #tpu.memory_space<vmem>>[vector<16xi32>], vector<16xf32>,
      %mul3A_1582 = arith.mulf %mul3A_1486, %gather3A_1581 : vector<16xf32>
      %get3A_1583 = arith.constant 126 : i32
      %get3A_1584 = arith.index_cast %get3A_1583 : i32 to index
      %get3A_1585 = arith.index_cast %mul3A_82 : i32 to index
      %get3A_1586 = tpu.vector_load %arg5[%get3A_1584, %get3A_1585] {strides = array<i32>} : memref<200x512xi32, #tpu.memory_space<vmem>>, vector<16xi32>,
      %gather3A_1587 = tpu.vector_load_idx %arg6[%get3A_1586] : memref<1008xf32, #tpu.memory_space<vmem>>[vector<16xi32>], vector<16xf32>,
      %mul3A_1588 = arith.mulf %mul3A_1492, %gather3A_1587 : vector<16xf32>
      %get3A_1589 = arith.constant 126 : i32
      %get3A_1590 = arith.index_cast %get3A_1589 : i32 to index
      %get3A_1591 = arith.index_cast %mul3A_88 : i32 to index
      %get3A_1592 = tpu.vector_load %arg5[%get3A_1590, %get3A_1591] {strides = array<i32>} : memref<200x512xi32, #tpu.memory_space<vmem>>, vector<16xi32>,
      %gather3A_1593 = tpu.vector_load_idx %arg6[%get3A_1592] : memref<1008xf32, #tpu.memory_space<vmem>>[vector<16xi32>], vector<16xf32>,
      %mul3A_1594 = arith.mulf %mul3A_1498, %gather3A_1593 : vector<16xf32>
      %get3A_1595 = arith.constant 127 : i32
      %get3A_1596 = arith.index_cast %get3A_1595 : i32 to index
      %get3A_1597 = arith.index_cast %mul3A_82 : i32 to index
      %get3A_1598 = tpu.vector_load %arg5[%get3A_1596, %get3A_1597] {strides = array<i32>} : memref<200x512xi32, #tpu.memory_space<vmem>>, vector<16xi32>,
      %gather3A_1599 = tpu.vector_load_idx %arg6[%get3A_1598] : memref<1008xf32, #tpu.memory_space<vmem>>[vector<16xi32>], vector<16xf32>,
      %mul3A_1600 = arith.mulf %mul3A_1504, %gather3A_1599 : vector<16xf32>
      %get3A_1601 = arith.constant 127 : i32
      %get3A_1602 = arith.index_cast %get3A_1601 : i32 to index
      %get3A_1603 = arith.index_cast %mul3A_88 : i32 to index
      %get3A_1604 = tpu.vector_load %arg5[%get3A_1602, %get3A_1603] {strides = array<i32>} : memref<200x512xi32, #tpu.memory_space<vmem>>, vector<16xi32>,
      %gather3A_1605 = tpu.vector_load_idx %arg6[%get3A_1604] : memref<1008xf32, #tpu.memory_space<vmem>>[vector<16xi32>], vector<16xf32>,
      %mul3A_1606 = arith.mulf %mul3A_1510, %gather3A_1605 : vector<16xf32>
      %get3A_1607 = arith.constant 128 : i32
      %get3A_1608 = arith.index_cast %get3A_1607 : i32 to index
      %get3A_1609 = arith.index_cast %mul3A_82 : i32 to index
      %get3A_1610 = tpu.vector_load %arg5[%get3A_1608, %get3A_1609] {strides = array<i32>} : memref<200x512xi32, #tpu.memory_space<vmem>>, vector<16xi32>,
      %gather3A_1611 = tpu.vector_load_idx %arg6[%get3A_1610] : memref<1008xf32, #tpu.memory_space<vmem>>[vector<16xi32>], vector<16xf32>,
      %mul3A_1612 = arith.mulf %mul3A_1516, %gather3A_1611 : vector<16xf32>
      %get3A_1613 = arith.constant 128 : i32
      %get3A_1614 = arith.index_cast %get3A_1613 : i32 to index
      %get3A_1615 = arith.index_cast %mul3A_88 : i32 to index
      %get3A_1616 = tpu.vector_load %arg5[%get3A_1614, %get3A_1615] {strides = array<i32>} : memref<200x512xi32, #tpu.memory_space<vmem>>, vector<16xi32>,
      %gather3A_1617 = tpu.vector_load_idx %arg6[%get3A_1616] : memref<1008xf32, #tpu.memory_space<vmem>>[vector<16xi32>], vector<16xf32>,
      %mul3A_1618 = arith.mulf %mul3A_1522, %gather3A_1617 : vector<16xf32>
      %get3A_1619 = arith.constant 129 : i32
      %get3A_1620 = arith.index_cast %get3A_1619 : i32 to index
      %get3A_1621 = arith.index_cast %mul3A_82 : i32 to index
      %get3A_1622 = tpu.vector_load %arg5[%get3A_1620, %get3A_1621] {strides = array<i32>} : memref<200x512xi32, #tpu.memory_space<vmem>>, vector<16xi32>,
      %gather3A_1623 = tpu.vector_load_idx %arg6[%get3A_1622] : memref<1008xf32, #tpu.memory_space<vmem>>[vector<16xi32>], vector<16xf32>,
      %mul3A_1624 = arith.mulf %mul3A_1528, %gather3A_1623 : vector<16xf32>
      %get3A_1625 = arith.constant 129 : i32
      %get3A_1626 = arith.index_cast %get3A_1625 : i32 to index
      %get3A_1627 = arith.index_cast %mul3A_88 : i32 to index
      %get3A_1628 = tpu.vector_load %arg5[%get3A_1626, %get3A_1627] {strides = array<i32>} : memref<200x512xi32, #tpu.memory_space<vmem>>, vector<16xi32>,
      %gather3A_1629 = tpu.vector_load_idx %arg6[%get3A_1628] : memref<1008xf32, #tpu.memory_space<vmem>>[vector<16xi32>], vector<16xf32>,
      %mul3A_1630 = arith.mulf %mul3A_1534, %gather3A_1629 : vector<16xf32>
      %get3A_1631 = arith.constant 130 : i32
      %get3A_1632 = arith.index_cast %get3A_1631 : i32 to index
      %get3A_1633 = arith.index_cast %mul3A_82 : i32 to index
      %get3A_1634 = tpu.vector_load %arg5[%get3A_1632, %get3A_1633] {strides = array<i32>} : memref<200x512xi32, #tpu.memory_space<vmem>>, vector<16xi32>,
      %gather3A_1635 = tpu.vector_load_idx %arg6[%get3A_1634] : memref<1008xf32, #tpu.memory_space<vmem>>[vector<16xi32>], vector<16xf32>,
      %mul3A_1636 = arith.mulf %mul3A_1540, %gather3A_1635 : vector<16xf32>
      %get3A_1637 = arith.constant 130 : i32
      %get3A_1638 = arith.index_cast %get3A_1637 : i32 to index
      %get3A_1639 = arith.index_cast %mul3A_88 : i32 to index
      %get3A_1640 = tpu.vector_load %arg5[%get3A_1638, %get3A_1639] {strides = array<i32>} : memref<200x512xi32, #tpu.memory_space<vmem>>, vector<16xi32>,
      %gather3A_1641 = tpu.vector_load_idx %arg6[%get3A_1640] : memref<1008xf32, #tpu.memory_space<vmem>>[vector<16xi32>], vector<16xf32>,
      %mul3A_1642 = arith.mulf %mul3A_1546, %gather3A_1641 : vector<16xf32>
      %get3A_1643 = arith.constant 131 : i32
      %get3A_1644 = arith.index_cast %get3A_1643 : i32 to index
      %get3A_1645 = arith.index_cast %mul3A_82 : i32 to index
      %get3A_1646 = tpu.vector_load %arg5[%get3A_1644, %get3A_1645] {strides = array<i32>} : memref<200x512xi32, #tpu.memory_space<vmem>>, vector<16xi32>,
      %gather3A_1647 = tpu.vector_load_idx %arg6[%get3A_1646] : memref<1008xf32, #tpu.memory_space<vmem>>[vector<16xi32>], vector<16xf32>,
      %mul3A_1648 = arith.mulf %mul3A_1552, %gather3A_1647 : vector<16xf32>
      %get3A_1649 = arith.constant 131 : i32
      %get3A_1650 = arith.index_cast %get3A_1649 : i32 to index
      %get3A_1651 = arith.index_cast %mul3A_88 : i32 to index
      %get3A_1652 = tpu.vector_load %arg5[%get3A_1650, %get3A_1651] {strides = array<i32>} : memref<200x512xi32, #tpu.memory_space<vmem>>, vector<16xi32>,
      %gather3A_1653 = tpu.vector_load_idx %arg6[%get3A_1652] : memref<1008xf32, #tpu.memory_space<vmem>>[vector<16xi32>], vector<16xf32>,
      %mul3A_1654 = arith.mulf %mul3A_1558, %gather3A_1653 : vector<16xf32>
      %get3A_1655 = arith.constant 132 : i32
      %get3A_1656 = arith.index_cast %get3A_1655 : i32 to index
      %get3A_1657 = arith.index_cast %mul3A_82 : i32 to index
      %get3A_1658 = tpu.vector_load %arg5[%get3A_1656, %get3A_1657] {strides = array<i32>} : memref<200x512xi32, #tpu.memory_space<vmem>>, vector<16xi32>,
      %gather3A_1659 = tpu.vector_load_idx %arg6[%get3A_1658] : memref<1008xf32, #tpu.memory_space<vmem>>[vector<16xi32>], vector<16xf32>,
      %mul3A_1660 = arith.mulf %mul3A_1564, %gather3A_1659 : vector<16xf32>
      %get3A_1661 = arith.constant 132 : i32
      %get3A_1662 = arith.index_cast %get3A_1661 : i32 to index
      %get3A_1663 = arith.index_cast %mul3A_88 : i32 to index
      %get3A_1664 = tpu.vector_load %arg5[%get3A_1662, %get3A_1663] {strides = array<i32>} : memref<200x512xi32, #tpu.memory_space<vmem>>, vector<16xi32>,
      %gather3A_1665 = tpu.vector_load_idx %arg6[%get3A_1664] : memref<1008xf32, #tpu.memory_space<vmem>>[vector<16xi32>], vector<16xf32>,
      %mul3A_1666 = arith.mulf %mul3A_1570, %gather3A_1665 : vector<16xf32>
      %get3A_1667 = arith.constant 133 : i32
      %get3A_1668 = arith.index_cast %get3A_1667 : i32 to index
      %get3A_1669 = arith.index_cast %mul3A_82 : i32 to index
      %get3A_1670 = tpu.vector_load %arg5[%get3A_1668, %get3A_1669] {strides = array<i32>} : memref<200x512xi32, #tpu.memory_space<vmem>>, vector<16xi32>,
      %gather3A_1671 = tpu.vector_load_idx %arg6[%get3A_1670] : memref<1008xf32, #tpu.memory_space<vmem>>[vector<16xi32>], vector<16xf32>,
      %mul3A_1672 = arith.mulf %mul3A_1576, %gather3A_1671 : vector<16xf32>
      %get3A_1673 = arith.constant 133 : i32
      %get3A_1674 = arith.index_cast %get3A_1673 : i32 to index
      %get3A_1675 = arith.index_cast %mul3A_88 : i32 to index
      %get3A_1676 = tpu.vector_load %arg5[%get3A_1674, %get3A_1675] {strides = array<i32>} : memref<200x512xi32, #tpu.memory_space<vmem>>, vector<16xi32>,
      %gather3A_1677 = tpu.vector_load_idx %arg6[%get3A_1676] : memref<1008xf32, #tpu.memory_space<vmem>>[vector<16xi32>], vector<16xf32>,
      %mul3A_1678 = arith.mulf %mul3A_1582, %gather3A_1677 : vector<16xf32>
      %get3A_1679 = arith.constant 134 : i32
      %get3A_1680 = arith.index_cast %get3A_1679 : i32 to index
      %get3A_1681 = arith.index_cast %mul3A_82 : i32 to index
      %get3A_1682 = tpu.vector_load %arg5[%get3A_1680, %get3A_1681] {strides = array<i32>} : memref<200x512xi32, #tpu.memory_space<vmem>>, vector<16xi32>,
      %gather3A_1683 = tpu.vector_load_idx %arg6[%get3A_1682] : memref<1008xf32, #tpu.memory_space<vmem>>[vector<16xi32>], vector<16xf32>,
      %mul3A_1684 = arith.mulf %mul3A_1588, %gather3A_1683 : vector<16xf32>
      %get3A_1685 = arith.constant 134 : i32
      %get3A_1686 = arith.index_cast %get3A_1685 : i32 to index
      %get3A_1687 = arith.index_cast %mul3A_88 : i32 to index
      %get3A_1688 = tpu.vector_load %arg5[%get3A_1686, %get3A_1687] {strides = array<i32>} : memref<200x512xi32, #tpu.memory_space<vmem>>, vector<16xi32>,
      %gather3A_1689 = tpu.vector_load_idx %arg6[%get3A_1688] : memref<1008xf32, #tpu.memory_space<vmem>>[vector<16xi32>], vector<16xf32>,
      %mul3A_1690 = arith.mulf %mul3A_1594, %gather3A_1689 : vector<16xf32>
      %get3A_1691 = arith.constant 135 : i32
      %get3A_1692 = arith.index_cast %get3A_1691 : i32 to index
      %get3A_1693 = arith.index_cast %mul3A_82 : i32 to index
      %get3A_1694 = tpu.vector_load %arg5[%get3A_1692, %get3A_1693] {strides = array<i32>} : memref<200x512xi32, #tpu.memory_space<vmem>>, vector<16xi32>,
      %gather3A_1695 = tpu.vector_load_idx %arg6[%get3A_1694] : memref<1008xf32, #tpu.memory_space<vmem>>[vector<16xi32>], vector<16xf32>,
      %mul3A_1696 = arith.mulf %mul3A_1600, %gather3A_1695 : vector<16xf32>
      %get3A_1697 = arith.constant 135 : i32
      %get3A_1698 = arith.index_cast %get3A_1697 : i32 to index
      %get3A_1699 = arith.index_cast %mul3A_88 : i32 to index
      %get3A_1700 = tpu.vector_load %arg5[%get3A_1698, %get3A_1699] {strides = array<i32>} : memref<200x512xi32, #tpu.memory_space<vmem>>, vector<16xi32>,
      %gather3A_1701 = tpu.vector_load_idx %arg6[%get3A_1700] : memref<1008xf32, #tpu.memory_space<vmem>>[vector<16xi32>], vector<16xf32>,
      %mul3A_1702 = arith.mulf %mul3A_1606, %gather3A_1701 : vector<16xf32>
      %get3A_1703 = arith.constant 136 : i32
      %get3A_1704 = arith.index_cast %get3A_1703 : i32 to index
      %get3A_1705 = arith.index_cast %mul3A_82 : i32 to index
      %get3A_1706 = tpu.vector_load %arg5[%get3A_1704, %get3A_1705] {strides = array<i32>} : memref<200x512xi32, #tpu.memory_space<vmem>>, vector<16xi32>,
      %gather3A_1707 = tpu.vector_load_idx %arg6[%get3A_1706] : memref<1008xf32, #tpu.memory_space<vmem>>[vector<16xi32>], vector<16xf32>,
      %mul3A_1708 = arith.mulf %mul3A_1612, %gather3A_1707 : vector<16xf32>
      %get3A_1709 = arith.constant 136 : i32
      %get3A_1710 = arith.index_cast %get3A_1709 : i32 to index
      %get3A_1711 = arith.index_cast %mul3A_88 : i32 to index
      %get3A_1712 = tpu.vector_load %arg5[%get3A_1710, %get3A_1711] {strides = array<i32>} : memref<200x512xi32, #tpu.memory_space<vmem>>, vector<16xi32>,
      %gather3A_1713 = tpu.vector_load_idx %arg6[%get3A_1712] : memref<1008xf32, #tpu.memory_space<vmem>>[vector<16xi32>], vector<16xf32>,
      %mul3A_1714 = arith.mulf %mul3A_1618, %gather3A_1713 : vector<16xf32>
      %get3A_1715 = arith.constant 137 : i32
      %get3A_1716 = arith.index_cast %get3A_1715 : i32 to index
      %get3A_1717 = arith.index_cast %mul3A_82 : i32 to index
      %get3A_1718 = tpu.vector_load %arg5[%get3A_1716, %get3A_1717] {strides = array<i32>} : memref<200x512xi32, #tpu.memory_space<vmem>>, vector<16xi32>,
      %gather3A_1719 = tpu.vector_load_idx %arg6[%get3A_1718] : memref<1008xf32, #tpu.memory_space<vmem>>[vector<16xi32>], vector<16xf32>,
      %mul3A_1720 = arith.mulf %mul3A_1624, %gather3A_1719 : vector<16xf32>
      %get3A_1721 = arith.constant 137 : i32
      %get3A_1722 = arith.index_cast %get3A_1721 : i32 to index
      %get3A_1723 = arith.index_cast %mul3A_88 : i32 to index
      %get3A_1724 = tpu.vector_load %arg5[%get3A_1722, %get3A_1723] {strides = array<i32>} : memref<200x512xi32, #tpu.memory_space<vmem>>, vector<16xi32>,
      %gather3A_1725 = tpu.vector_load_idx %arg6[%get3A_1724] : memref<1008xf32, #tpu.memory_space<vmem>>[vector<16xi32>], vector<16xf32>,
      %mul3A_1726 = arith.mulf %mul3A_1630, %gather3A_1725 : vector<16xf32>
      %get3A_1727 = arith.constant 138 : i32
      %get3A_1728 = arith.index_cast %get3A_1727 : i32 to index
      %get3A_1729 = arith.index_cast %mul3A_82 : i32 to index
      %get3A_1730 = tpu.vector_load %arg5[%get3A_1728, %get3A_1729] {strides = array<i32>} : memref<200x512xi32, #tpu.memory_space<vmem>>, vector<16xi32>,
      %gather3A_1731 = tpu.vector_load_idx %arg6[%get3A_1730] : memref<1008xf32, #tpu.memory_space<vmem>>[vector<16xi32>], vector<16xf32>,
      %mul3A_1732 = arith.mulf %mul3A_1636, %gather3A_1731 : vector<16xf32>
      %get3A_1733 = arith.constant 138 : i32
      %get3A_1734 = arith.index_cast %get3A_1733 : i32 to index
      %get3A_1735 = arith.index_cast %mul3A_88 : i32 to index
      %get3A_1736 = tpu.vector_load %arg5[%get3A_1734, %get3A_1735] {strides = array<i32>} : memref<200x512xi32, #tpu.memory_space<vmem>>, vector<16xi32>,
      %gather3A_1737 = tpu.vector_load_idx %arg6[%get3A_1736] : memref<1008xf32, #tpu.memory_space<vmem>>[vector<16xi32>], vector<16xf32>,
      %mul3A_1738 = arith.mulf %mul3A_1642, %gather3A_1737 : vector<16xf32>
      %get3A_1739 = arith.constant 139 : i32
      %get3A_1740 = arith.index_cast %get3A_1739 : i32 to index
      %get3A_1741 = arith.index_cast %mul3A_82 : i32 to index
      %get3A_1742 = tpu.vector_load %arg5[%get3A_1740, %get3A_1741] {strides = array<i32>} : memref<200x512xi32, #tpu.memory_space<vmem>>, vector<16xi32>,
      %gather3A_1743 = tpu.vector_load_idx %arg6[%get3A_1742] : memref<1008xf32, #tpu.memory_space<vmem>>[vector<16xi32>], vector<16xf32>,
      %mul3A_1744 = arith.mulf %mul3A_1648, %gather3A_1743 : vector<16xf32>
      %get3A_1745 = arith.constant 139 : i32
      %get3A_1746 = arith.index_cast %get3A_1745 : i32 to index
      %get3A_1747 = arith.index_cast %mul3A_88 : i32 to index
      %get3A_1748 = tpu.vector_load %arg5[%get3A_1746, %get3A_1747] {strides = array<i32>} : memref<200x512xi32, #tpu.memory_space<vmem>>, vector<16xi32>,
      %gather3A_1749 = tpu.vector_load_idx %arg6[%get3A_1748] : memref<1008xf32, #tpu.memory_space<vmem>>[vector<16xi32>], vector<16xf32>,
      %mul3A_1750 = arith.mulf %mul3A_1654, %gather3A_1749 : vector<16xf32>
      %get3A_1751 = arith.constant 140 : i32
      %get3A_1752 = arith.index_cast %get3A_1751 : i32 to index
      %get3A_1753 = arith.index_cast %mul3A_82 : i32 to index
      %get3A_1754 = tpu.vector_load %arg5[%get3A_1752, %get3A_1753] {strides = array<i32>} : memref<200x512xi32, #tpu.memory_space<vmem>>, vector<16xi32>,
      %gather3A_1755 = tpu.vector_load_idx %arg6[%get3A_1754] : memref<1008xf32, #tpu.memory_space<vmem>>[vector<16xi32>], vector<16xf32>,
      %mul3A_1756 = arith.mulf %mul3A_1660, %gather3A_1755 : vector<16xf32>
      %get3A_1757 = arith.constant 140 : i32
      %get3A_1758 = arith.index_cast %get3A_1757 : i32 to index
      %get3A_1759 = arith.index_cast %mul3A_88 : i32 to index
      %get3A_1760 = tpu.vector_load %arg5[%get3A_1758, %get3A_1759] {strides = array<i32>} : memref<200x512xi32, #tpu.memory_space<vmem>>, vector<16xi32>,
      %gather3A_1761 = tpu.vector_load_idx %arg6[%get3A_1760] : memref<1008xf32, #tpu.memory_space<vmem>>[vector<16xi32>], vector<16xf32>,
      %mul3A_1762 = arith.mulf %mul3A_1666, %gather3A_1761 : vector<16xf32>
      %get3A_1763 = arith.constant 141 : i32
      %get3A_1764 = arith.index_cast %get3A_1763 : i32 to index
      %get3A_1765 = arith.index_cast %mul3A_82 : i32 to index
      %get3A_1766 = tpu.vector_load %arg5[%get3A_1764, %get3A_1765] {strides = array<i32>} : memref<200x512xi32, #tpu.memory_space<vmem>>, vector<16xi32>,
      %gather3A_1767 = tpu.vector_load_idx %arg6[%get3A_1766] : memref<1008xf32, #tpu.memory_space<vmem>>[vector<16xi32>], vector<16xf32>,
      %mul3A_1768 = arith.mulf %mul3A_1672, %gather3A_1767 : vector<16xf32>
      %get3A_1769 = arith.constant 141 : i32
      %get3A_1770 = arith.index_cast %get3A_1769 : i32 to index
      %get3A_1771 = arith.index_cast %mul3A_88 : i32 to index
      %get3A_1772 = tpu.vector_load %arg5[%get3A_1770, %get3A_1771] {strides = array<i32>} : memref<200x512xi32, #tpu.memory_space<vmem>>, vector<16xi32>,
      %gather3A_1773 = tpu.vector_load_idx %arg6[%get3A_1772] : memref<1008xf32, #tpu.memory_space<vmem>>[vector<16xi32>], vector<16xf32>,
      %mul3A_1774 = arith.mulf %mul3A_1678, %gather3A_1773 : vector<16xf32>
      %get3A_1775 = arith.constant 142 : i32
      %get3A_1776 = arith.index_cast %get3A_1775 : i32 to index
      %get3A_1777 = arith.index_cast %mul3A_82 : i32 to index
      %get3A_1778 = tpu.vector_load %arg5[%get3A_1776, %get3A_1777] {strides = array<i32>} : memref<200x512xi32, #tpu.memory_space<vmem>>, vector<16xi32>,
      %gather3A_1779 = tpu.vector_load_idx %arg6[%get3A_1778] : memref<1008xf32, #tpu.memory_space<vmem>>[vector<16xi32>], vector<16xf32>,
      %mul3A_1780 = arith.mulf %mul3A_1684, %gather3A_1779 : vector<16xf32>
      %get3A_1781 = arith.constant 142 : i32
      %get3A_1782 = arith.index_cast %get3A_1781 : i32 to index
      %get3A_1783 = arith.index_cast %mul3A_88 : i32 to index
      %get3A_1784 = tpu.vector_load %arg5[%get3A_1782, %get3A_1783] {strides = array<i32>} : memref<200x512xi32, #tpu.memory_space<vmem>>, vector<16xi32>,
      %gather3A_1785 = tpu.vector_load_idx %arg6[%get3A_1784] : memref<1008xf32, #tpu.memory_space<vmem>>[vector<16xi32>], vector<16xf32>,
      %mul3A_1786 = arith.mulf %mul3A_1690, %gather3A_1785 : vector<16xf32>
      %get3A_1787 = arith.constant 143 : i32
      %get3A_1788 = arith.index_cast %get3A_1787 : i32 to index
      %get3A_1789 = arith.index_cast %mul3A_82 : i32 to index
      %get3A_1790 = tpu.vector_load %arg5[%get3A_1788, %get3A_1789] {strides = array<i32>} : memref<200x512xi32, #tpu.memory_space<vmem>>, vector<16xi32>,
      %gather3A_1791 = tpu.vector_load_idx %arg6[%get3A_1790] : memref<1008xf32, #tpu.memory_space<vmem>>[vector<16xi32>], vector<16xf32>,
      %mul3A_1792 = arith.mulf %mul3A_1696, %gather3A_1791 : vector<16xf32>
      %get3A_1793 = arith.constant 143 : i32
      %get3A_1794 = arith.index_cast %get3A_1793 : i32 to index
      %get3A_1795 = arith.index_cast %mul3A_88 : i32 to index
      %get3A_1796 = tpu.vector_load %arg5[%get3A_1794, %get3A_1795] {strides = array<i32>} : memref<200x512xi32, #tpu.memory_space<vmem>>, vector<16xi32>,
      %gather3A_1797 = tpu.vector_load_idx %arg6[%get3A_1796] : memref<1008xf32, #tpu.memory_space<vmem>>[vector<16xi32>], vector<16xf32>,
      %mul3A_1798 = arith.mulf %mul3A_1702, %gather3A_1797 : vector<16xf32>
      %get3A_1799 = arith.constant 144 : i32
      %get3A_1800 = arith.index_cast %get3A_1799 : i32 to index
      %get3A_1801 = arith.index_cast %mul3A_82 : i32 to index
      %get3A_1802 = tpu.vector_load %arg5[%get3A_1800, %get3A_1801] {strides = array<i32>} : memref<200x512xi32, #tpu.memory_space<vmem>>, vector<16xi32>,
      %gather3A_1803 = tpu.vector_load_idx %arg6[%get3A_1802] : memref<1008xf32, #tpu.memory_space<vmem>>[vector<16xi32>], vector<16xf32>,
      %mul3A_1804 = arith.mulf %mul3A_1708, %gather3A_1803 : vector<16xf32>
      %get3A_1805 = arith.constant 144 : i32
      %get3A_1806 = arith.index_cast %get3A_1805 : i32 to index
      %get3A_1807 = arith.index_cast %mul3A_88 : i32 to index
      %get3A_1808 = tpu.vector_load %arg5[%get3A_1806, %get3A_1807] {strides = array<i32>} : memref<200x512xi32, #tpu.memory_space<vmem>>, vector<16xi32>,
      %gather3A_1809 = tpu.vector_load_idx %arg6[%get3A_1808] : memref<1008xf32, #tpu.memory_space<vmem>>[vector<16xi32>], vector<16xf32>,
      %mul3A_1810 = arith.mulf %mul3A_1714, %gather3A_1809 : vector<16xf32>
      %get3A_1811 = arith.constant 145 : i32
      %get3A_1812 = arith.index_cast %get3A_1811 : i32 to index
      %get3A_1813 = arith.index_cast %mul3A_82 : i32 to index
      %get3A_1814 = tpu.vector_load %arg5[%get3A_1812, %get3A_1813] {strides = array<i32>} : memref<200x512xi32, #tpu.memory_space<vmem>>, vector<16xi32>,
      %gather3A_1815 = tpu.vector_load_idx %arg6[%get3A_1814] : memref<1008xf32, #tpu.memory_space<vmem>>[vector<16xi32>], vector<16xf32>,
      %mul3A_1816 = arith.mulf %mul3A_1720, %gather3A_1815 : vector<16xf32>
      %get3A_1817 = arith.constant 145 : i32
      %get3A_1818 = arith.index_cast %get3A_1817 : i32 to index
      %get3A_1819 = arith.index_cast %mul3A_88 : i32 to index
      %get3A_1820 = tpu.vector_load %arg5[%get3A_1818, %get3A_1819] {strides = array<i32>} : memref<200x512xi32, #tpu.memory_space<vmem>>, vector<16xi32>,
      %gather3A_1821 = tpu.vector_load_idx %arg6[%get3A_1820] : memref<1008xf32, #tpu.memory_space<vmem>>[vector<16xi32>], vector<16xf32>,
      %mul3A_1822 = arith.mulf %mul3A_1726, %gather3A_1821 : vector<16xf32>
      %get3A_1823 = arith.constant 146 : i32
      %get3A_1824 = arith.index_cast %get3A_1823 : i32 to index
      %get3A_1825 = arith.index_cast %mul3A_82 : i32 to index
      %get3A_1826 = tpu.vector_load %arg5[%get3A_1824, %get3A_1825] {strides = array<i32>} : memref<200x512xi32, #tpu.memory_space<vmem>>, vector<16xi32>,
      %gather3A_1827 = tpu.vector_load_idx %arg6[%get3A_1826] : memref<1008xf32, #tpu.memory_space<vmem>>[vector<16xi32>], vector<16xf32>,
      %mul3A_1828 = arith.mulf %mul3A_1732, %gather3A_1827 : vector<16xf32>
      %get3A_1829 = arith.constant 146 : i32
      %get3A_1830 = arith.index_cast %get3A_1829 : i32 to index
      %get3A_1831 = arith.index_cast %mul3A_88 : i32 to index
      %get3A_1832 = tpu.vector_load %arg5[%get3A_1830, %get3A_1831] {strides = array<i32>} : memref<200x512xi32, #tpu.memory_space<vmem>>, vector<16xi32>,
      %gather3A_1833 = tpu.vector_load_idx %arg6[%get3A_1832] : memref<1008xf32, #tpu.memory_space<vmem>>[vector<16xi32>], vector<16xf32>,
      %mul3A_1834 = arith.mulf %mul3A_1738, %gather3A_1833 : vector<16xf32>
      %get3A_1835 = arith.constant 147 : i32
      %get3A_1836 = arith.index_cast %get3A_1835 : i32 to index
      %get3A_1837 = arith.index_cast %mul3A_82 : i32 to index
      %get3A_1838 = tpu.vector_load %arg5[%get3A_1836, %get3A_1837] {strides = array<i32>} : memref<200x512xi32, #tpu.memory_space<vmem>>, vector<16xi32>,
      %gather3A_1839 = tpu.vector_load_idx %arg6[%get3A_1838] : memref<1008xf32, #tpu.memory_space<vmem>>[vector<16xi32>], vector<16xf32>,
      %mul3A_1840 = arith.mulf %mul3A_1744, %gather3A_1839 : vector<16xf32>
      %get3A_1841 = arith.constant 147 : i32
      %get3A_1842 = arith.index_cast %get3A_1841 : i32 to index
      %get3A_1843 = arith.index_cast %mul3A_88 : i32 to index
      %get3A_1844 = tpu.vector_load %arg5[%get3A_1842, %get3A_1843] {strides = array<i32>} : memref<200x512xi32, #tpu.memory_space<vmem>>, vector<16xi32>,
      %gather3A_1845 = tpu.vector_load_idx %arg6[%get3A_1844] : memref<1008xf32, #tpu.memory_space<vmem>>[vector<16xi32>], vector<16xf32>,
      %mul3A_1846 = arith.mulf %mul3A_1750, %gather3A_1845 : vector<16xf32>
      %get3A_1847 = arith.constant 148 : i32
      %get3A_1848 = arith.index_cast %get3A_1847 : i32 to index
      %get3A_1849 = arith.index_cast %mul3A_82 : i32 to index
      %get3A_1850 = tpu.vector_load %arg5[%get3A_1848, %get3A_1849] {strides = array<i32>} : memref<200x512xi32, #tpu.memory_space<vmem>>, vector<16xi32>,
      %gather3A_1851 = tpu.vector_load_idx %arg6[%get3A_1850] : memref<1008xf32, #tpu.memory_space<vmem>>[vector<16xi32>], vector<16xf32>,
      %mul3A_1852 = arith.mulf %mul3A_1756, %gather3A_1851 : vector<16xf32>
      %get3A_1853 = arith.constant 148 : i32
      %get3A_1854 = arith.index_cast %get3A_1853 : i32 to index
      %get3A_1855 = arith.index_cast %mul3A_88 : i32 to index
      %get3A_1856 = tpu.vector_load %arg5[%get3A_1854, %get3A_1855] {strides = array<i32>} : memref<200x512xi32, #tpu.memory_space<vmem>>, vector<16xi32>,
      %gather3A_1857 = tpu.vector_load_idx %arg6[%get3A_1856] : memref<1008xf32, #tpu.memory_space<vmem>>[vector<16xi32>], vector<16xf32>,
      %mul3A_1858 = arith.mulf %mul3A_1762, %gather3A_1857 : vector<16xf32>
      %get3A_1859 = arith.constant 149 : i32
      %get3A_1860 = arith.index_cast %get3A_1859 : i32 to index
      %get3A_1861 = arith.index_cast %mul3A_82 : i32 to index
      %get3A_1862 = tpu.vector_load %arg5[%get3A_1860, %get3A_1861] {strides = array<i32>} : memref<200x512xi32, #tpu.memory_space<vmem>>, vector<16xi32>,
      %gather3A_1863 = tpu.vector_load_idx %arg6[%get3A_1862] : memref<1008xf32, #tpu.memory_space<vmem>>[vector<16xi32>], vector<16xf32>,
      %mul3A_1864 = arith.mulf %mul3A_1768, %gather3A_1863 : vector<16xf32>
      %get3A_1865 = arith.constant 149 : i32
      %get3A_1866 = arith.index_cast %get3A_1865 : i32 to index
      %get3A_1867 = arith.index_cast %mul3A_88 : i32 to index
      %get3A_1868 = tpu.vector_load %arg5[%get3A_1866, %get3A_1867] {strides = array<i32>} : memref<200x512xi32, #tpu.memory_space<vmem>>, vector<16xi32>,
      %gather3A_1869 = tpu.vector_load_idx %arg6[%get3A_1868] : memref<1008xf32, #tpu.memory_space<vmem>>[vector<16xi32>], vector<16xf32>,
      %mul3A_1870 = arith.mulf %mul3A_1774, %gather3A_1869 : vector<16xf32>
      %get3A_1871 = arith.constant 150 : i32
      %get3A_1872 = arith.index_cast %get3A_1871 : i32 to index
      %get3A_1873 = arith.index_cast %mul3A_82 : i32 to index
      %get3A_1874 = tpu.vector_load %arg5[%get3A_1872, %get3A_1873] {strides = array<i32>} : memref<200x512xi32, #tpu.memory_space<vmem>>, vector<16xi32>,
      %gather3A_1875 = tpu.vector_load_idx %arg6[%get3A_1874] : memref<1008xf32, #tpu.memory_space<vmem>>[vector<16xi32>], vector<16xf32>,
      %mul3A_1876 = arith.mulf %mul3A_1780, %gather3A_1875 : vector<16xf32>
      %get3A_1877 = arith.constant 150 : i32
      %get3A_1878 = arith.index_cast %get3A_1877 : i32 to index
      %get3A_1879 = arith.index_cast %mul3A_88 : i32 to index
      %get3A_1880 = tpu.vector_load %arg5[%get3A_1878, %get3A_1879] {strides = array<i32>} : memref<200x512xi32, #tpu.memory_space<vmem>>, vector<16xi32>,
      %gather3A_1881 = tpu.vector_load_idx %arg6[%get3A_1880] : memref<1008xf32, #tpu.memory_space<vmem>>[vector<16xi32>], vector<16xf32>,
      %mul3A_1882 = arith.mulf %mul3A_1786, %gather3A_1881 : vector<16xf32>
      %get3A_1883 = arith.constant 151 : i32
      %get3A_1884 = arith.index_cast %get3A_1883 : i32 to index
      %get3A_1885 = arith.index_cast %mul3A_82 : i32 to index
      %get3A_1886 = tpu.vector_load %arg5[%get3A_1884, %get3A_1885] {strides = array<i32>} : memref<200x512xi32, #tpu.memory_space<vmem>>, vector<16xi32>,
      %gather3A_1887 = tpu.vector_load_idx %arg6[%get3A_1886] : memref<1008xf32, #tpu.memory_space<vmem>>[vector<16xi32>], vector<16xf32>,
      %mul3A_1888 = arith.mulf %mul3A_1792, %gather3A_1887 : vector<16xf32>
      %get3A_1889 = arith.constant 151 : i32
      %get3A_1890 = arith.index_cast %get3A_1889 : i32 to index
      %get3A_1891 = arith.index_cast %mul3A_88 : i32 to index
      %get3A_1892 = tpu.vector_load %arg5[%get3A_1890, %get3A_1891] {strides = array<i32>} : memref<200x512xi32, #tpu.memory_space<vmem>>, vector<16xi32>,
      %gather3A_1893 = tpu.vector_load_idx %arg6[%get3A_1892] : memref<1008xf32, #tpu.memory_space<vmem>>[vector<16xi32>], vector<16xf32>,
      %mul3A_1894 = arith.mulf %mul3A_1798, %gather3A_1893 : vector<16xf32>
      %get3A_1895 = arith.constant 152 : i32
      %get3A_1896 = arith.index_cast %get3A_1895 : i32 to index
      %get3A_1897 = arith.index_cast %mul3A_82 : i32 to index
      %get3A_1898 = tpu.vector_load %arg5[%get3A_1896, %get3A_1897] {strides = array<i32>} : memref<200x512xi32, #tpu.memory_space<vmem>>, vector<16xi32>,
      %gather3A_1899 = tpu.vector_load_idx %arg6[%get3A_1898] : memref<1008xf32, #tpu.memory_space<vmem>>[vector<16xi32>], vector<16xf32>,
      %mul3A_1900 = arith.mulf %mul3A_1804, %gather3A_1899 : vector<16xf32>
      %get3A_1901 = arith.constant 152 : i32
      %get3A_1902 = arith.index_cast %get3A_1901 : i32 to index
      %get3A_1903 = arith.index_cast %mul3A_88 : i32 to index
      %get3A_1904 = tpu.vector_load %arg5[%get3A_1902, %get3A_1903] {strides = array<i32>} : memref<200x512xi32, #tpu.memory_space<vmem>>, vector<16xi32>,
      %gather3A_1905 = tpu.vector_load_idx %arg6[%get3A_1904] : memref<1008xf32, #tpu.memory_space<vmem>>[vector<16xi32>], vector<16xf32>,
      %mul3A_1906 = arith.mulf %mul3A_1810, %gather3A_1905 : vector<16xf32>
      %get3A_1907 = arith.constant 153 : i32
      %get3A_1908 = arith.index_cast %get3A_1907 : i32 to index
      %get3A_1909 = arith.index_cast %mul3A_82 : i32 to index
      %get3A_1910 = tpu.vector_load %arg5[%get3A_1908, %get3A_1909] {strides = array<i32>} : memref<200x512xi32, #tpu.memory_space<vmem>>, vector<16xi32>,
      %gather3A_1911 = tpu.vector_load_idx %arg6[%get3A_1910] : memref<1008xf32, #tpu.memory_space<vmem>>[vector<16xi32>], vector<16xf32>,
      %mul3A_1912 = arith.mulf %mul3A_1816, %gather3A_1911 : vector<16xf32>
      %get3A_1913 = arith.constant 153 : i32
      %get3A_1914 = arith.index_cast %get3A_1913 : i32 to index
      %get3A_1915 = arith.index_cast %mul3A_88 : i32 to index
      %get3A_1916 = tpu.vector_load %arg5[%get3A_1914, %get3A_1915] {strides = array<i32>} : memref<200x512xi32, #tpu.memory_space<vmem>>, vector<16xi32>,
      %gather3A_1917 = tpu.vector_load_idx %arg6[%get3A_1916] : memref<1008xf32, #tpu.memory_space<vmem>>[vector<16xi32>], vector<16xf32>,
      %mul3A_1918 = arith.mulf %mul3A_1822, %gather3A_1917 : vector<16xf32>
      %get3A_1919 = arith.constant 154 : i32
      %get3A_1920 = arith.index_cast %get3A_1919 : i32 to index
      %get3A_1921 = arith.index_cast %mul3A_82 : i32 to index
      %get3A_1922 = tpu.vector_load %arg5[%get3A_1920, %get3A_1921] {strides = array<i32>} : memref<200x512xi32, #tpu.memory_space<vmem>>, vector<16xi32>,
      %gather3A_1923 = tpu.vector_load_idx %arg6[%get3A_1922] : memref<1008xf32, #tpu.memory_space<vmem>>[vector<16xi32>], vector<16xf32>,
      %mul3A_1924 = arith.mulf %mul3A_1828, %gather3A_1923 : vector<16xf32>
      %get3A_1925 = arith.constant 154 : i32
      %get3A_1926 = arith.index_cast %get3A_1925 : i32 to index
      %get3A_1927 = arith.index_cast %mul3A_88 : i32 to index
      %get3A_1928 = tpu.vector_load %arg5[%get3A_1926, %get3A_1927] {strides = array<i32>} : memref<200x512xi32, #tpu.memory_space<vmem>>, vector<16xi32>,
      %gather3A_1929 = tpu.vector_load_idx %arg6[%get3A_1928] : memref<1008xf32, #tpu.memory_space<vmem>>[vector<16xi32>], vector<16xf32>,
      %mul3A_1930 = arith.mulf %mul3A_1834, %gather3A_1929 : vector<16xf32>
      %get3A_1931 = arith.constant 155 : i32
      %get3A_1932 = arith.index_cast %get3A_1931 : i32 to index
      %get3A_1933 = arith.index_cast %mul3A_82 : i32 to index
      %get3A_1934 = tpu.vector_load %arg5[%get3A_1932, %get3A_1933] {strides = array<i32>} : memref<200x512xi32, #tpu.memory_space<vmem>>, vector<16xi32>,
      %gather3A_1935 = tpu.vector_load_idx %arg6[%get3A_1934] : memref<1008xf32, #tpu.memory_space<vmem>>[vector<16xi32>], vector<16xf32>,
      %mul3A_1936 = arith.mulf %mul3A_1840, %gather3A_1935 : vector<16xf32>
      %get3A_1937 = arith.constant 155 : i32
      %get3A_1938 = arith.index_cast %get3A_1937 : i32 to index
      %get3A_1939 = arith.index_cast %mul3A_88 : i32 to index
      %get3A_1940 = tpu.vector_load %arg5[%get3A_1938, %get3A_1939] {strides = array<i32>} : memref<200x512xi32, #tpu.memory_space<vmem>>, vector<16xi32>,
      %gather3A_1941 = tpu.vector_load_idx %arg6[%get3A_1940] : memref<1008xf32, #tpu.memory_space<vmem>>[vector<16xi32>], vector<16xf32>,
      %mul3A_1942 = arith.mulf %mul3A_1846, %gather3A_1941 : vector<16xf32>
      %get3A_1943 = arith.constant 156 : i32
      %get3A_1944 = arith.index_cast %get3A_1943 : i32 to index
      %get3A_1945 = arith.index_cast %mul3A_82 : i32 to index
      %get3A_1946 = tpu.vector_load %arg5[%get3A_1944, %get3A_1945] {strides = array<i32>} : memref<200x512xi32, #tpu.memory_space<vmem>>, vector<16xi32>,
      %gather3A_1947 = tpu.vector_load_idx %arg6[%get3A_1946] : memref<1008xf32, #tpu.memory_space<vmem>>[vector<16xi32>], vector<16xf32>,
      %mul3A_1948 = arith.mulf %mul3A_1852, %gather3A_1947 : vector<16xf32>
      %get3A_1949 = arith.constant 156 : i32
      %get3A_1950 = arith.index_cast %get3A_1949 : i32 to index
      %get3A_1951 = arith.index_cast %mul3A_88 : i32 to index
      %get3A_1952 = tpu.vector_load %arg5[%get3A_1950, %get3A_1951] {strides = array<i32>} : memref<200x512xi32, #tpu.memory_space<vmem>>, vector<16xi32>,
      %gather3A_1953 = tpu.vector_load_idx %arg6[%get3A_1952] : memref<1008xf32, #tpu.memory_space<vmem>>[vector<16xi32>], vector<16xf32>,
      %mul3A_1954 = arith.mulf %mul3A_1858, %gather3A_1953 : vector<16xf32>
      %get3A_1955 = arith.constant 157 : i32
      %get3A_1956 = arith.index_cast %get3A_1955 : i32 to index
      %get3A_1957 = arith.index_cast %mul3A_82 : i32 to index
      %get3A_1958 = tpu.vector_load %arg5[%get3A_1956, %get3A_1957] {strides = array<i32>} : memref<200x512xi32, #tpu.memory_space<vmem>>, vector<16xi32>,
      %gather3A_1959 = tpu.vector_load_idx %arg6[%get3A_1958] : memref<1008xf32, #tpu.memory_space<vmem>>[vector<16xi32>], vector<16xf32>,
      %mul3A_1960 = arith.mulf %mul3A_1864, %gather3A_1959 : vector<16xf32>
      %get3A_1961 = arith.constant 157 : i32
      %get3A_1962 = arith.index_cast %get3A_1961 : i32 to index
      %get3A_1963 = arith.index_cast %mul3A_88 : i32 to index
      %get3A_1964 = tpu.vector_load %arg5[%get3A_1962, %get3A_1963] {strides = array<i32>} : memref<200x512xi32, #tpu.memory_space<vmem>>, vector<16xi32>,
      %gather3A_1965 = tpu.vector_load_idx %arg6[%get3A_1964] : memref<1008xf32, #tpu.memory_space<vmem>>[vector<16xi32>], vector<16xf32>,
      %mul3A_1966 = arith.mulf %mul3A_1870, %gather3A_1965 : vector<16xf32>
      %get3A_1967 = arith.constant 158 : i32
      %get3A_1968 = arith.index_cast %get3A_1967 : i32 to index
      %get3A_1969 = arith.index_cast %mul3A_82 : i32 to index
      %get3A_1970 = tpu.vector_load %arg5[%get3A_1968, %get3A_1969] {strides = array<i32>} : memref<200x512xi32, #tpu.memory_space<vmem>>, vector<16xi32>,
      %gather3A_1971 = tpu.vector_load_idx %arg6[%get3A_1970] : memref<1008xf32, #tpu.memory_space<vmem>>[vector<16xi32>], vector<16xf32>,
      %mul3A_1972 = arith.mulf %mul3A_1876, %gather3A_1971 : vector<16xf32>
      %get3A_1973 = arith.constant 158 : i32
      %get3A_1974 = arith.index_cast %get3A_1973 : i32 to index
      %get3A_1975 = arith.index_cast %mul3A_88 : i32 to index
      %get3A_1976 = tpu.vector_load %arg5[%get3A_1974, %get3A_1975] {strides = array<i32>} : memref<200x512xi32, #tpu.memory_space<vmem>>, vector<16xi32>,
      %gather3A_1977 = tpu.vector_load_idx %arg6[%get3A_1976] : memref<1008xf32, #tpu.memory_space<vmem>>[vector<16xi32>], vector<16xf32>,
      %mul3A_1978 = arith.mulf %mul3A_1882, %gather3A_1977 : vector<16xf32>
      %get3A_1979 = arith.constant 159 : i32
      %get3A_1980 = arith.index_cast %get3A_1979 : i32 to index
      %get3A_1981 = arith.index_cast %mul3A_82 : i32 to index
      %get3A_1982 = tpu.vector_load %arg5[%get3A_1980, %get3A_1981] {strides = array<i32>} : memref<200x512xi32, #tpu.memory_space<vmem>>, vector<16xi32>,
      %gather3A_1983 = tpu.vector_load_idx %arg6[%get3A_1982] : memref<1008xf32, #tpu.memory_space<vmem>>[vector<16xi32>], vector<16xf32>,
      %mul3A_1984 = arith.mulf %mul3A_1888, %gather3A_1983 : vector<16xf32>
      %get3A_1985 = arith.constant 159 : i32
      %get3A_1986 = arith.index_cast %get3A_1985 : i32 to index
      %get3A_1987 = arith.index_cast %mul3A_88 : i32 to index
      %get3A_1988 = tpu.vector_load %arg5[%get3A_1986, %get3A_1987] {strides = array<i32>} : memref<200x512xi32, #tpu.memory_space<vmem>>, vector<16xi32>,
      %gather3A_1989 = tpu.vector_load_idx %arg6[%get3A_1988] : memref<1008xf32, #tpu.memory_space<vmem>>[vector<16xi32>], vector<16xf32>,
      %mul3A_1990 = arith.mulf %mul3A_1894, %gather3A_1989 : vector<16xf32>
      %get3A_1991 = arith.constant 160 : i32
      %get3A_1992 = arith.index_cast %get3A_1991 : i32 to index
      %get3A_1993 = arith.index_cast %mul3A_82 : i32 to index
      %get3A_1994 = tpu.vector_load %arg5[%get3A_1992, %get3A_1993] {strides = array<i32>} : memref<200x512xi32, #tpu.memory_space<vmem>>, vector<16xi32>,
      %gather3A_1995 = tpu.vector_load_idx %arg6[%get3A_1994] : memref<1008xf32, #tpu.memory_space<vmem>>[vector<16xi32>], vector<16xf32>,
      %mul3A_1996 = arith.mulf %mul3A_1900, %gather3A_1995 : vector<16xf32>
      %get3A_1997 = arith.constant 160 : i32
      %get3A_1998 = arith.index_cast %get3A_1997 : i32 to index
      %get3A_1999 = arith.index_cast %mul3A_88 : i32 to index
      %get3A_2000 = tpu.vector_load %arg5[%get3A_1998, %get3A_1999] {strides = array<i32>} : memref<200x512xi32, #tpu.memory_space<vmem>>, vector<16xi32>,
      %gather3A_2001 = tpu.vector_load_idx %arg6[%get3A_2000] : memref<1008xf32, #tpu.memory_space<vmem>>[vector<16xi32>], vector<16xf32>,
      %mul3A_2002 = arith.mulf %mul3A_1906, %gather3A_2001 : vector<16xf32>
      %get3A_2003 = arith.constant 161 : i32
      %get3A_2004 = arith.index_cast %get3A_2003 : i32 to index
      %get3A_2005 = arith.index_cast %mul3A_82 : i32 to index
      %get3A_2006 = tpu.vector_load %arg5[%get3A_2004, %get3A_2005] {strides = array<i32>} : memref<200x512xi32, #tpu.memory_space<vmem>>, vector<16xi32>,
      %gather3A_2007 = tpu.vector_load_idx %arg6[%get3A_2006] : memref<1008xf32, #tpu.memory_space<vmem>>[vector<16xi32>], vector<16xf32>,
      %mul3A_2008 = arith.mulf %mul3A_1912, %gather3A_2007 : vector<16xf32>
      %get3A_2009 = arith.constant 161 : i32
      %get3A_2010 = arith.index_cast %get3A_2009 : i32 to index
      %get3A_2011 = arith.index_cast %mul3A_88 : i32 to index
      %get3A_2012 = tpu.vector_load %arg5[%get3A_2010, %get3A_2011] {strides = array<i32>} : memref<200x512xi32, #tpu.memory_space<vmem>>, vector<16xi32>,
      %gather3A_2013 = tpu.vector_load_idx %arg6[%get3A_2012] : memref<1008xf32, #tpu.memory_space<vmem>>[vector<16xi32>], vector<16xf32>,
      %mul3A_2014 = arith.mulf %mul3A_1918, %gather3A_2013 : vector<16xf32>
      %get3A_2015 = arith.constant 162 : i32
      %get3A_2016 = arith.index_cast %get3A_2015 : i32 to index
      %get3A_2017 = arith.index_cast %mul3A_82 : i32 to index
      %get3A_2018 = tpu.vector_load %arg5[%get3A_2016, %get3A_2017] {strides = array<i32>} : memref<200x512xi32, #tpu.memory_space<vmem>>, vector<16xi32>,
      %gather3A_2019 = tpu.vector_load_idx %arg6[%get3A_2018] : memref<1008xf32, #tpu.memory_space<vmem>>[vector<16xi32>], vector<16xf32>,
      %mul3A_2020 = arith.mulf %mul3A_1924, %gather3A_2019 : vector<16xf32>
      %get3A_2021 = arith.constant 162 : i32
      %get3A_2022 = arith.index_cast %get3A_2021 : i32 to index
      %get3A_2023 = arith.index_cast %mul3A_88 : i32 to index
      %get3A_2024 = tpu.vector_load %arg5[%get3A_2022, %get3A_2023] {strides = array<i32>} : memref<200x512xi32, #tpu.memory_space<vmem>>, vector<16xi32>,
      %gather3A_2025 = tpu.vector_load_idx %arg6[%get3A_2024] : memref<1008xf32, #tpu.memory_space<vmem>>[vector<16xi32>], vector<16xf32>,
      %mul3A_2026 = arith.mulf %mul3A_1930, %gather3A_2025 : vector<16xf32>
      %get3A_2027 = arith.constant 163 : i32
      %get3A_2028 = arith.index_cast %get3A_2027 : i32 to index
      %get3A_2029 = arith.index_cast %mul3A_82 : i32 to index
      %get3A_2030 = tpu.vector_load %arg5[%get3A_2028, %get3A_2029] {strides = array<i32>} : memref<200x512xi32, #tpu.memory_space<vmem>>, vector<16xi32>,
      %gather3A_2031 = tpu.vector_load_idx %arg6[%get3A_2030] : memref<1008xf32, #tpu.memory_space<vmem>>[vector<16xi32>], vector<16xf32>,
      %mul3A_2032 = arith.mulf %mul3A_1936, %gather3A_2031 : vector<16xf32>
      %get3A_2033 = arith.constant 163 : i32
      %get3A_2034 = arith.index_cast %get3A_2033 : i32 to index
      %get3A_2035 = arith.index_cast %mul3A_88 : i32 to index
      %get3A_2036 = tpu.vector_load %arg5[%get3A_2034, %get3A_2035] {strides = array<i32>} : memref<200x512xi32, #tpu.memory_space<vmem>>, vector<16xi32>,
      %gather3A_2037 = tpu.vector_load_idx %arg6[%get3A_2036] : memref<1008xf32, #tpu.memory_space<vmem>>[vector<16xi32>], vector<16xf32>,
      %mul3A_2038 = arith.mulf %mul3A_1942, %gather3A_2037 : vector<16xf32>
      %get3A_2039 = arith.constant 164 : i32
      %get3A_2040 = arith.index_cast %get3A_2039 : i32 to index
      %get3A_2041 = arith.index_cast %mul3A_82 : i32 to index
      %get3A_2042 = tpu.vector_load %arg5[%get3A_2040, %get3A_2041] {strides = array<i32>} : memref<200x512xi32, #tpu.memory_space<vmem>>, vector<16xi32>,
      %gather3A_2043 = tpu.vector_load_idx %arg6[%get3A_2042] : memref<1008xf32, #tpu.memory_space<vmem>>[vector<16xi32>], vector<16xf32>,
      %mul3A_2044 = arith.mulf %mul3A_1948, %gather3A_2043 : vector<16xf32>
      %get3A_2045 = arith.constant 164 : i32
      %get3A_2046 = arith.index_cast %get3A_2045 : i32 to index
      %get3A_2047 = arith.index_cast %mul3A_88 : i32 to index
      %get3A_2048 = tpu.vector_load %arg5[%get3A_2046, %get3A_2047] {strides = array<i32>} : memref<200x512xi32, #tpu.memory_space<vmem>>, vector<16xi32>,
      %gather3A_2049 = tpu.vector_load_idx %arg6[%get3A_2048] : memref<1008xf32, #tpu.memory_space<vmem>>[vector<16xi32>], vector<16xf32>,
      %mul3A_2050 = arith.mulf %mul3A_1954, %gather3A_2049 : vector<16xf32>
      %get3A_2051 = arith.constant 165 : i32
      %get3A_2052 = arith.index_cast %get3A_2051 : i32 to index
      %get3A_2053 = arith.index_cast %mul3A_82 : i32 to index
      %get3A_2054 = tpu.vector_load %arg5[%get3A_2052, %get3A_2053] {strides = array<i32>} : memref<200x512xi32, #tpu.memory_space<vmem>>, vector<16xi32>,
      %gather3A_2055 = tpu.vector_load_idx %arg6[%get3A_2054] : memref<1008xf32, #tpu.memory_space<vmem>>[vector<16xi32>], vector<16xf32>,
      %mul3A_2056 = arith.mulf %mul3A_1960, %gather3A_2055 : vector<16xf32>
      %get3A_2057 = arith.constant 165 : i32
      %get3A_2058 = arith.index_cast %get3A_2057 : i32 to index
      %get3A_2059 = arith.index_cast %mul3A_88 : i32 to index
      %get3A_2060 = tpu.vector_load %arg5[%get3A_2058, %get3A_2059] {strides = array<i32>} : memref<200x512xi32, #tpu.memory_space<vmem>>, vector<16xi32>,
      %gather3A_2061 = tpu.vector_load_idx %arg6[%get3A_2060] : memref<1008xf32, #tpu.memory_space<vmem>>[vector<16xi32>], vector<16xf32>,
      %mul3A_2062 = arith.mulf %mul3A_1966, %gather3A_2061 : vector<16xf32>
      %get3A_2063 = arith.constant 166 : i32
      %get3A_2064 = arith.index_cast %get3A_2063 : i32 to index
      %get3A_2065 = arith.index_cast %mul3A_82 : i32 to index
      %get3A_2066 = tpu.vector_load %arg5[%get3A_2064, %get3A_2065] {strides = array<i32>} : memref<200x512xi32, #tpu.memory_space<vmem>>, vector<16xi32>,
      %gather3A_2067 = tpu.vector_load_idx %arg6[%get3A_2066] : memref<1008xf32, #tpu.memory_space<vmem>>[vector<16xi32>], vector<16xf32>,
      %mul3A_2068 = arith.mulf %mul3A_1972, %gather3A_2067 : vector<16xf32>
      %get3A_2069 = arith.constant 166 : i32
      %get3A_2070 = arith.index_cast %get3A_2069 : i32 to index
      %get3A_2071 = arith.index_cast %mul3A_88 : i32 to index
      %get3A_2072 = tpu.vector_load %arg5[%get3A_2070, %get3A_2071] {strides = array<i32>} : memref<200x512xi32, #tpu.memory_space<vmem>>, vector<16xi32>,
      %gather3A_2073 = tpu.vector_load_idx %arg6[%get3A_2072] : memref<1008xf32, #tpu.memory_space<vmem>>[vector<16xi32>], vector<16xf32>,
      %mul3A_2074 = arith.mulf %mul3A_1978, %gather3A_2073 : vector<16xf32>
      %get3A_2075 = arith.constant 167 : i32
      %get3A_2076 = arith.index_cast %get3A_2075 : i32 to index
      %get3A_2077 = arith.index_cast %mul3A_82 : i32 to index
      %get3A_2078 = tpu.vector_load %arg5[%get3A_2076, %get3A_2077] {strides = array<i32>} : memref<200x512xi32, #tpu.memory_space<vmem>>, vector<16xi32>,
      %gather3A_2079 = tpu.vector_load_idx %arg6[%get3A_2078] : memref<1008xf32, #tpu.memory_space<vmem>>[vector<16xi32>], vector<16xf32>,
      %mul3A_2080 = arith.mulf %mul3A_1984, %gather3A_2079 : vector<16xf32>
      %get3A_2081 = arith.constant 167 : i32
      %get3A_2082 = arith.index_cast %get3A_2081 : i32 to index
      %get3A_2083 = arith.index_cast %mul3A_88 : i32 to index
      %get3A_2084 = tpu.vector_load %arg5[%get3A_2082, %get3A_2083] {strides = array<i32>} : memref<200x512xi32, #tpu.memory_space<vmem>>, vector<16xi32>,
      %gather3A_2085 = tpu.vector_load_idx %arg6[%get3A_2084] : memref<1008xf32, #tpu.memory_space<vmem>>[vector<16xi32>], vector<16xf32>,
      %mul3A_2086 = arith.mulf %mul3A_1990, %gather3A_2085 : vector<16xf32>
      %get3A_2087 = arith.constant 168 : i32
      %get3A_2088 = arith.index_cast %get3A_2087 : i32 to index
      %get3A_2089 = arith.index_cast %mul3A_82 : i32 to index
      %get3A_2090 = tpu.vector_load %arg5[%get3A_2088, %get3A_2089] {strides = array<i32>} : memref<200x512xi32, #tpu.memory_space<vmem>>, vector<16xi32>,
      %gather3A_2091 = tpu.vector_load_idx %arg6[%get3A_2090] : memref<1008xf32, #tpu.memory_space<vmem>>[vector<16xi32>], vector<16xf32>,
      %mul3A_2092 = arith.mulf %mul3A_1996, %gather3A_2091 : vector<16xf32>
      %get3A_2093 = arith.constant 168 : i32
      %get3A_2094 = arith.index_cast %get3A_2093 : i32 to index
      %get3A_2095 = arith.index_cast %mul3A_88 : i32 to index
      %get3A_2096 = tpu.vector_load %arg5[%get3A_2094, %get3A_2095] {strides = array<i32>} : memref<200x512xi32, #tpu.memory_space<vmem>>, vector<16xi32>,
      %gather3A_2097 = tpu.vector_load_idx %arg6[%get3A_2096] : memref<1008xf32, #tpu.memory_space<vmem>>[vector<16xi32>], vector<16xf32>,
      %mul3A_2098 = arith.mulf %mul3A_2002, %gather3A_2097 : vector<16xf32>
      %get3A_2099 = arith.constant 169 : i32
      %get3A_2100 = arith.index_cast %get3A_2099 : i32 to index
      %get3A_2101 = arith.index_cast %mul3A_82 : i32 to index
      %get3A_2102 = tpu.vector_load %arg5[%get3A_2100, %get3A_2101] {strides = array<i32>} : memref<200x512xi32, #tpu.memory_space<vmem>>, vector<16xi32>,
      %gather3A_2103 = tpu.vector_load_idx %arg6[%get3A_2102] : memref<1008xf32, #tpu.memory_space<vmem>>[vector<16xi32>], vector<16xf32>,
      %mul3A_2104 = arith.mulf %mul3A_2008, %gather3A_2103 : vector<16xf32>
      %get3A_2105 = arith.constant 169 : i32
      %get3A_2106 = arith.index_cast %get3A_2105 : i32 to index
      %get3A_2107 = arith.index_cast %mul3A_88 : i32 to index
      %get3A_2108 = tpu.vector_load %arg5[%get3A_2106, %get3A_2107] {strides = array<i32>} : memref<200x512xi32, #tpu.memory_space<vmem>>, vector<16xi32>,
      %gather3A_2109 = tpu.vector_load_idx %arg6[%get3A_2108] : memref<1008xf32, #tpu.memory_space<vmem>>[vector<16xi32>], vector<16xf32>,
      %mul3A_2110 = arith.mulf %mul3A_2014, %gather3A_2109 : vector<16xf32>
      %get3A_2111 = arith.constant 170 : i32
      %get3A_2112 = arith.index_cast %get3A_2111 : i32 to index
      %get3A_2113 = arith.index_cast %mul3A_82 : i32 to index
      %get3A_2114 = tpu.vector_load %arg5[%get3A_2112, %get3A_2113] {strides = array<i32>} : memref<200x512xi32, #tpu.memory_space<vmem>>, vector<16xi32>,
      %gather3A_2115 = tpu.vector_load_idx %arg6[%get3A_2114] : memref<1008xf32, #tpu.memory_space<vmem>>[vector<16xi32>], vector<16xf32>,
      %mul3A_2116 = arith.mulf %mul3A_2020, %gather3A_2115 : vector<16xf32>
      %get3A_2117 = arith.constant 170 : i32
      %get3A_2118 = arith.index_cast %get3A_2117 : i32 to index
      %get3A_2119 = arith.index_cast %mul3A_88 : i32 to index
      %get3A_2120 = tpu.vector_load %arg5[%get3A_2118, %get3A_2119] {strides = array<i32>} : memref<200x512xi32, #tpu.memory_space<vmem>>, vector<16xi32>,
      %gather3A_2121 = tpu.vector_load_idx %arg6[%get3A_2120] : memref<1008xf32, #tpu.memory_space<vmem>>[vector<16xi32>], vector<16xf32>,
      %mul3A_2122 = arith.mulf %mul3A_2026, %gather3A_2121 : vector<16xf32>
      %get3A_2123 = arith.constant 171 : i32
      %get3A_2124 = arith.index_cast %get3A_2123 : i32 to index
      %get3A_2125 = arith.index_cast %mul3A_82 : i32 to index
      %get3A_2126 = tpu.vector_load %arg5[%get3A_2124, %get3A_2125] {strides = array<i32>} : memref<200x512xi32, #tpu.memory_space<vmem>>, vector<16xi32>,
      %gather3A_2127 = tpu.vector_load_idx %arg6[%get3A_2126] : memref<1008xf32, #tpu.memory_space<vmem>>[vector<16xi32>], vector<16xf32>,
      %mul3A_2128 = arith.mulf %mul3A_2032, %gather3A_2127 : vector<16xf32>
      %get3A_2129 = arith.constant 171 : i32
      %get3A_2130 = arith.index_cast %get3A_2129 : i32 to index
      %get3A_2131 = arith.index_cast %mul3A_88 : i32 to index
      %get3A_2132 = tpu.vector_load %arg5[%get3A_2130, %get3A_2131] {strides = array<i32>} : memref<200x512xi32, #tpu.memory_space<vmem>>, vector<16xi32>,
      %gather3A_2133 = tpu.vector_load_idx %arg6[%get3A_2132] : memref<1008xf32, #tpu.memory_space<vmem>>[vector<16xi32>], vector<16xf32>,
      %mul3A_2134 = arith.mulf %mul3A_2038, %gather3A_2133 : vector<16xf32>
      %get3A_2135 = arith.constant 172 : i32
      %get3A_2136 = arith.index_cast %get3A_2135 : i32 to index
      %get3A_2137 = arith.index_cast %mul3A_82 : i32 to index
      %get3A_2138 = tpu.vector_load %arg5[%get3A_2136, %get3A_2137] {strides = array<i32>} : memref<200x512xi32, #tpu.memory_space<vmem>>, vector<16xi32>,
      %gather3A_2139 = tpu.vector_load_idx %arg6[%get3A_2138] : memref<1008xf32, #tpu.memory_space<vmem>>[vector<16xi32>], vector<16xf32>,
      %mul3A_2140 = arith.mulf %mul3A_2044, %gather3A_2139 : vector<16xf32>
      %get3A_2141 = arith.constant 172 : i32
      %get3A_2142 = arith.index_cast %get3A_2141 : i32 to index
      %get3A_2143 = arith.index_cast %mul3A_88 : i32 to index
      %get3A_2144 = tpu.vector_load %arg5[%get3A_2142, %get3A_2143] {strides = array<i32>} : memref<200x512xi32, #tpu.memory_space<vmem>>, vector<16xi32>,
      %gather3A_2145 = tpu.vector_load_idx %arg6[%get3A_2144] : memref<1008xf32, #tpu.memory_space<vmem>>[vector<16xi32>], vector<16xf32>,
      %mul3A_2146 = arith.mulf %mul3A_2050, %gather3A_2145 : vector<16xf32>
      %get3A_2147 = arith.constant 173 : i32
      %get3A_2148 = arith.index_cast %get3A_2147 : i32 to index
      %get3A_2149 = arith.index_cast %mul3A_82 : i32 to index
      %get3A_2150 = tpu.vector_load %arg5[%get3A_2148, %get3A_2149] {strides = array<i32>} : memref<200x512xi32, #tpu.memory_space<vmem>>, vector<16xi32>,
      %gather3A_2151 = tpu.vector_load_idx %arg6[%get3A_2150] : memref<1008xf32, #tpu.memory_space<vmem>>[vector<16xi32>], vector<16xf32>,
      %mul3A_2152 = arith.mulf %mul3A_2056, %gather3A_2151 : vector<16xf32>
      %get3A_2153 = arith.constant 173 : i32
      %get3A_2154 = arith.index_cast %get3A_2153 : i32 to index
      %get3A_2155 = arith.index_cast %mul3A_88 : i32 to index
      %get3A_2156 = tpu.vector_load %arg5[%get3A_2154, %get3A_2155] {strides = array<i32>} : memref<200x512xi32, #tpu.memory_space<vmem>>, vector<16xi32>,
      %gather3A_2157 = tpu.vector_load_idx %arg6[%get3A_2156] : memref<1008xf32, #tpu.memory_space<vmem>>[vector<16xi32>], vector<16xf32>,
      %mul3A_2158 = arith.mulf %mul3A_2062, %gather3A_2157 : vector<16xf32>
      %get3A_2159 = arith.constant 174 : i32
      %get3A_2160 = arith.index_cast %get3A_2159 : i32 to index
      %get3A_2161 = arith.index_cast %mul3A_82 : i32 to index
      %get3A_2162 = tpu.vector_load %arg5[%get3A_2160, %get3A_2161] {strides = array<i32>} : memref<200x512xi32, #tpu.memory_space<vmem>>, vector<16xi32>,
      %gather3A_2163 = tpu.vector_load_idx %arg6[%get3A_2162] : memref<1008xf32, #tpu.memory_space<vmem>>[vector<16xi32>], vector<16xf32>,
      %mul3A_2164 = arith.mulf %mul3A_2068, %gather3A_2163 : vector<16xf32>
      %get3A_2165 = arith.constant 174 : i32
      %get3A_2166 = arith.index_cast %get3A_2165 : i32 to index
      %get3A_2167 = arith.index_cast %mul3A_88 : i32 to index
      %get3A_2168 = tpu.vector_load %arg5[%get3A_2166, %get3A_2167] {strides = array<i32>} : memref<200x512xi32, #tpu.memory_space<vmem>>, vector<16xi32>,
      %gather3A_2169 = tpu.vector_load_idx %arg6[%get3A_2168] : memref<1008xf32, #tpu.memory_space<vmem>>[vector<16xi32>], vector<16xf32>,
      %mul3A_2170 = arith.mulf %mul3A_2074, %gather3A_2169 : vector<16xf32>
      %get3A_2171 = arith.constant 175 : i32
      %get3A_2172 = arith.index_cast %get3A_2171 : i32 to index
      %get3A_2173 = arith.index_cast %mul3A_82 : i32 to index
      %get3A_2174 = tpu.vector_load %arg5[%get3A_2172, %get3A_2173] {strides = array<i32>} : memref<200x512xi32, #tpu.memory_space<vmem>>, vector<16xi32>,
      %gather3A_2175 = tpu.vector_load_idx %arg6[%get3A_2174] : memref<1008xf32, #tpu.memory_space<vmem>>[vector<16xi32>], vector<16xf32>,
      %mul3A_2176 = arith.mulf %mul3A_2080, %gather3A_2175 : vector<16xf32>
      %get3A_2177 = arith.constant 175 : i32
      %get3A_2178 = arith.index_cast %get3A_2177 : i32 to index
      %get3A_2179 = arith.index_cast %mul3A_88 : i32 to index
      %get3A_2180 = tpu.vector_load %arg5[%get3A_2178, %get3A_2179] {strides = array<i32>} : memref<200x512xi32, #tpu.memory_space<vmem>>, vector<16xi32>,
      %gather3A_2181 = tpu.vector_load_idx %arg6[%get3A_2180] : memref<1008xf32, #tpu.memory_space<vmem>>[vector<16xi32>], vector<16xf32>,
      %mul3A_2182 = arith.mulf %mul3A_2086, %gather3A_2181 : vector<16xf32>
      %get3A_2183 = arith.constant 176 : i32
      %get3A_2184 = arith.index_cast %get3A_2183 : i32 to index
      %get3A_2185 = arith.index_cast %mul3A_82 : i32 to index
      %get3A_2186 = tpu.vector_load %arg5[%get3A_2184, %get3A_2185] {strides = array<i32>} : memref<200x512xi32, #tpu.memory_space<vmem>>, vector<16xi32>,
      %gather3A_2187 = tpu.vector_load_idx %arg6[%get3A_2186] : memref<1008xf32, #tpu.memory_space<vmem>>[vector<16xi32>], vector<16xf32>,
      %mul3A_2188 = arith.mulf %mul3A_2092, %gather3A_2187 : vector<16xf32>
      %get3A_2189 = arith.constant 176 : i32
      %get3A_2190 = arith.index_cast %get3A_2189 : i32 to index
      %get3A_2191 = arith.index_cast %mul3A_88 : i32 to index
      %get3A_2192 = tpu.vector_load %arg5[%get3A_2190, %get3A_2191] {strides = array<i32>} : memref<200x512xi32, #tpu.memory_space<vmem>>, vector<16xi32>,
      %gather3A_2193 = tpu.vector_load_idx %arg6[%get3A_2192] : memref<1008xf32, #tpu.memory_space<vmem>>[vector<16xi32>], vector<16xf32>,
      %mul3A_2194 = arith.mulf %mul3A_2098, %gather3A_2193 : vector<16xf32>
      %get3A_2195 = arith.constant 177 : i32
      %get3A_2196 = arith.index_cast %get3A_2195 : i32 to index
      %get3A_2197 = arith.index_cast %mul3A_82 : i32 to index
      %get3A_2198 = tpu.vector_load %arg5[%get3A_2196, %get3A_2197] {strides = array<i32>} : memref<200x512xi32, #tpu.memory_space<vmem>>, vector<16xi32>,
      %gather3A_2199 = tpu.vector_load_idx %arg6[%get3A_2198] : memref<1008xf32, #tpu.memory_space<vmem>>[vector<16xi32>], vector<16xf32>,
      %mul3A_2200 = arith.mulf %mul3A_2104, %gather3A_2199 : vector<16xf32>
      %get3A_2201 = arith.constant 177 : i32
      %get3A_2202 = arith.index_cast %get3A_2201 : i32 to index
      %get3A_2203 = arith.index_cast %mul3A_88 : i32 to index
      %get3A_2204 = tpu.vector_load %arg5[%get3A_2202, %get3A_2203] {strides = array<i32>} : memref<200x512xi32, #tpu.memory_space<vmem>>, vector<16xi32>,
      %gather3A_2205 = tpu.vector_load_idx %arg6[%get3A_2204] : memref<1008xf32, #tpu.memory_space<vmem>>[vector<16xi32>], vector<16xf32>,
      %mul3A_2206 = arith.mulf %mul3A_2110, %gather3A_2205 : vector<16xf32>
      %get3A_2207 = arith.constant 178 : i32
      %get3A_2208 = arith.index_cast %get3A_2207 : i32 to index
      %get3A_2209 = arith.index_cast %mul3A_82 : i32 to index
      %get3A_2210 = tpu.vector_load %arg5[%get3A_2208, %get3A_2209] {strides = array<i32>} : memref<200x512xi32, #tpu.memory_space<vmem>>, vector<16xi32>,
      %gather3A_2211 = tpu.vector_load_idx %arg6[%get3A_2210] : memref<1008xf32, #tpu.memory_space<vmem>>[vector<16xi32>], vector<16xf32>,
      %mul3A_2212 = arith.mulf %mul3A_2116, %gather3A_2211 : vector<16xf32>
      %get3A_2213 = arith.constant 178 : i32
      %get3A_2214 = arith.index_cast %get3A_2213 : i32 to index
      %get3A_2215 = arith.index_cast %mul3A_88 : i32 to index
      %get3A_2216 = tpu.vector_load %arg5[%get3A_2214, %get3A_2215] {strides = array<i32>} : memref<200x512xi32, #tpu.memory_space<vmem>>, vector<16xi32>,
      %gather3A_2217 = tpu.vector_load_idx %arg6[%get3A_2216] : memref<1008xf32, #tpu.memory_space<vmem>>[vector<16xi32>], vector<16xf32>,
      %mul3A_2218 = arith.mulf %mul3A_2122, %gather3A_2217 : vector<16xf32>
      %get3A_2219 = arith.constant 179 : i32
      %get3A_2220 = arith.index_cast %get3A_2219 : i32 to index
      %get3A_2221 = arith.index_cast %mul3A_82 : i32 to index
      %get3A_2222 = tpu.vector_load %arg5[%get3A_2220, %get3A_2221] {strides = array<i32>} : memref<200x512xi32, #tpu.memory_space<vmem>>, vector<16xi32>,
      %gather3A_2223 = tpu.vector_load_idx %arg6[%get3A_2222] : memref<1008xf32, #tpu.memory_space<vmem>>[vector<16xi32>], vector<16xf32>,
      %mul3A_2224 = arith.mulf %mul3A_2128, %gather3A_2223 : vector<16xf32>
      %get3A_2225 = arith.constant 179 : i32
      %get3A_2226 = arith.index_cast %get3A_2225 : i32 to index
      %get3A_2227 = arith.index_cast %mul3A_88 : i32 to index
      %get3A_2228 = tpu.vector_load %arg5[%get3A_2226, %get3A_2227] {strides = array<i32>} : memref<200x512xi32, #tpu.memory_space<vmem>>, vector<16xi32>,
      %gather3A_2229 = tpu.vector_load_idx %arg6[%get3A_2228] : memref<1008xf32, #tpu.memory_space<vmem>>[vector<16xi32>], vector<16xf32>,
      %mul3A_2230 = arith.mulf %mul3A_2134, %gather3A_2229 : vector<16xf32>
      %get3A_2231 = arith.constant 180 : i32
      %get3A_2232 = arith.index_cast %get3A_2231 : i32 to index
      %get3A_2233 = arith.index_cast %mul3A_82 : i32 to index
      %get3A_2234 = tpu.vector_load %arg5[%get3A_2232, %get3A_2233] {strides = array<i32>} : memref<200x512xi32, #tpu.memory_space<vmem>>, vector<16xi32>,
      %gather3A_2235 = tpu.vector_load_idx %arg6[%get3A_2234] : memref<1008xf32, #tpu.memory_space<vmem>>[vector<16xi32>], vector<16xf32>,
      %mul3A_2236 = arith.mulf %mul3A_2140, %gather3A_2235 : vector<16xf32>
      %get3A_2237 = arith.constant 180 : i32
      %get3A_2238 = arith.index_cast %get3A_2237 : i32 to index
      %get3A_2239 = arith.index_cast %mul3A_88 : i32 to index
      %get3A_2240 = tpu.vector_load %arg5[%get3A_2238, %get3A_2239] {strides = array<i32>} : memref<200x512xi32, #tpu.memory_space<vmem>>, vector<16xi32>,
      %gather3A_2241 = tpu.vector_load_idx %arg6[%get3A_2240] : memref<1008xf32, #tpu.memory_space<vmem>>[vector<16xi32>], vector<16xf32>,
      %mul3A_2242 = arith.mulf %mul3A_2146, %gather3A_2241 : vector<16xf32>
      %get3A_2243 = arith.constant 181 : i32
      %get3A_2244 = arith.index_cast %get3A_2243 : i32 to index
      %get3A_2245 = arith.index_cast %mul3A_82 : i32 to index
      %get3A_2246 = tpu.vector_load %arg5[%get3A_2244, %get3A_2245] {strides = array<i32>} : memref<200x512xi32, #tpu.memory_space<vmem>>, vector<16xi32>,
      %gather3A_2247 = tpu.vector_load_idx %arg6[%get3A_2246] : memref<1008xf32, #tpu.memory_space<vmem>>[vector<16xi32>], vector<16xf32>,
      %mul3A_2248 = arith.mulf %mul3A_2152, %gather3A_2247 : vector<16xf32>
      %get3A_2249 = arith.constant 181 : i32
      %get3A_2250 = arith.index_cast %get3A_2249 : i32 to index
      %get3A_2251 = arith.index_cast %mul3A_88 : i32 to index
      %get3A_2252 = tpu.vector_load %arg5[%get3A_2250, %get3A_2251] {strides = array<i32>} : memref<200x512xi32, #tpu.memory_space<vmem>>, vector<16xi32>,
      %gather3A_2253 = tpu.vector_load_idx %arg6[%get3A_2252] : memref<1008xf32, #tpu.memory_space<vmem>>[vector<16xi32>], vector<16xf32>,
      %mul3A_2254 = arith.mulf %mul3A_2158, %gather3A_2253 : vector<16xf32>
      %get3A_2255 = arith.constant 182 : i32
      %get3A_2256 = arith.index_cast %get3A_2255 : i32 to index
      %get3A_2257 = arith.index_cast %mul3A_82 : i32 to index
      %get3A_2258 = tpu.vector_load %arg5[%get3A_2256, %get3A_2257] {strides = array<i32>} : memref<200x512xi32, #tpu.memory_space<vmem>>, vector<16xi32>,
      %gather3A_2259 = tpu.vector_load_idx %arg6[%get3A_2258] : memref<1008xf32, #tpu.memory_space<vmem>>[vector<16xi32>], vector<16xf32>,
      %mul3A_2260 = arith.mulf %mul3A_2164, %gather3A_2259 : vector<16xf32>
      %get3A_2261 = arith.constant 182 : i32
      %get3A_2262 = arith.index_cast %get3A_2261 : i32 to index
      %get3A_2263 = arith.index_cast %mul3A_88 : i32 to index
      %get3A_2264 = tpu.vector_load %arg5[%get3A_2262, %get3A_2263] {strides = array<i32>} : memref<200x512xi32, #tpu.memory_space<vmem>>, vector<16xi32>,
      %gather3A_2265 = tpu.vector_load_idx %arg6[%get3A_2264] : memref<1008xf32, #tpu.memory_space<vmem>>[vector<16xi32>], vector<16xf32>,
      %mul3A_2266 = arith.mulf %mul3A_2170, %gather3A_2265 : vector<16xf32>
      %get3A_2267 = arith.constant 183 : i32
      %get3A_2268 = arith.index_cast %get3A_2267 : i32 to index
      %get3A_2269 = arith.index_cast %mul3A_82 : i32 to index
      %get3A_2270 = tpu.vector_load %arg5[%get3A_2268, %get3A_2269] {strides = array<i32>} : memref<200x512xi32, #tpu.memory_space<vmem>>, vector<16xi32>,
      %gather3A_2271 = tpu.vector_load_idx %arg6[%get3A_2270] : memref<1008xf32, #tpu.memory_space<vmem>>[vector<16xi32>], vector<16xf32>,
      %mul3A_2272 = arith.mulf %mul3A_2176, %gather3A_2271 : vector<16xf32>
      %get3A_2273 = arith.constant 183 : i32
      %get3A_2274 = arith.index_cast %get3A_2273 : i32 to index
      %get3A_2275 = arith.index_cast %mul3A_88 : i32 to index
      %get3A_2276 = tpu.vector_load %arg5[%get3A_2274, %get3A_2275] {strides = array<i32>} : memref<200x512xi32, #tpu.memory_space<vmem>>, vector<16xi32>,
      %gather3A_2277 = tpu.vector_load_idx %arg6[%get3A_2276] : memref<1008xf32, #tpu.memory_space<vmem>>[vector<16xi32>], vector<16xf32>,
      %mul3A_2278 = arith.mulf %mul3A_2182, %gather3A_2277 : vector<16xf32>
      %get3A_2279 = arith.constant 184 : i32
      %get3A_2280 = arith.index_cast %get3A_2279 : i32 to index
      %get3A_2281 = arith.index_cast %mul3A_82 : i32 to index
      %get3A_2282 = tpu.vector_load %arg5[%get3A_2280, %get3A_2281] {strides = array<i32>} : memref<200x512xi32, #tpu.memory_space<vmem>>, vector<16xi32>,
      %gather3A_2283 = tpu.vector_load_idx %arg6[%get3A_2282] : memref<1008xf32, #tpu.memory_space<vmem>>[vector<16xi32>], vector<16xf32>,
      %mul3A_2284 = arith.mulf %mul3A_2188, %gather3A_2283 : vector<16xf32>
      %get3A_2285 = arith.constant 184 : i32
      %get3A_2286 = arith.index_cast %get3A_2285 : i32 to index
      %get3A_2287 = arith.index_cast %mul3A_88 : i32 to index
      %get3A_2288 = tpu.vector_load %arg5[%get3A_2286, %get3A_2287] {strides = array<i32>} : memref<200x512xi32, #tpu.memory_space<vmem>>, vector<16xi32>,
      %gather3A_2289 = tpu.vector_load_idx %arg6[%get3A_2288] : memref<1008xf32, #tpu.memory_space<vmem>>[vector<16xi32>], vector<16xf32>,
      %mul3A_2290 = arith.mulf %mul3A_2194, %gather3A_2289 : vector<16xf32>
      %get3A_2291 = arith.constant 185 : i32
      %get3A_2292 = arith.index_cast %get3A_2291 : i32 to index
      %get3A_2293 = arith.index_cast %mul3A_82 : i32 to index
      %get3A_2294 = tpu.vector_load %arg5[%get3A_2292, %get3A_2293] {strides = array<i32>} : memref<200x512xi32, #tpu.memory_space<vmem>>, vector<16xi32>,
      %gather3A_2295 = tpu.vector_load_idx %arg6[%get3A_2294] : memref<1008xf32, #tpu.memory_space<vmem>>[vector<16xi32>], vector<16xf32>,
      %mul3A_2296 = arith.mulf %mul3A_2200, %gather3A_2295 : vector<16xf32>
      %get3A_2297 = arith.constant 185 : i32
      %get3A_2298 = arith.index_cast %get3A_2297 : i32 to index
      %get3A_2299 = arith.index_cast %mul3A_88 : i32 to index
      %get3A_2300 = tpu.vector_load %arg5[%get3A_2298, %get3A_2299] {strides = array<i32>} : memref<200x512xi32, #tpu.memory_space<vmem>>, vector<16xi32>,
      %gather3A_2301 = tpu.vector_load_idx %arg6[%get3A_2300] : memref<1008xf32, #tpu.memory_space<vmem>>[vector<16xi32>], vector<16xf32>,
      %mul3A_2302 = arith.mulf %mul3A_2206, %gather3A_2301 : vector<16xf32>
      %get3A_2303 = arith.constant 186 : i32
      %get3A_2304 = arith.index_cast %get3A_2303 : i32 to index
      %get3A_2305 = arith.index_cast %mul3A_82 : i32 to index
      %get3A_2306 = tpu.vector_load %arg5[%get3A_2304, %get3A_2305] {strides = array<i32>} : memref<200x512xi32, #tpu.memory_space<vmem>>, vector<16xi32>,
      %gather3A_2307 = tpu.vector_load_idx %arg6[%get3A_2306] : memref<1008xf32, #tpu.memory_space<vmem>>[vector<16xi32>], vector<16xf32>,
      %mul3A_2308 = arith.mulf %mul3A_2212, %gather3A_2307 : vector<16xf32>
      %get3A_2309 = arith.constant 186 : i32
      %get3A_2310 = arith.index_cast %get3A_2309 : i32 to index
      %get3A_2311 = arith.index_cast %mul3A_88 : i32 to index
      %get3A_2312 = tpu.vector_load %arg5[%get3A_2310, %get3A_2311] {strides = array<i32>} : memref<200x512xi32, #tpu.memory_space<vmem>>, vector<16xi32>,
      %gather3A_2313 = tpu.vector_load_idx %arg6[%get3A_2312] : memref<1008xf32, #tpu.memory_space<vmem>>[vector<16xi32>], vector<16xf32>,
      %mul3A_2314 = arith.mulf %mul3A_2218, %gather3A_2313 : vector<16xf32>
      %get3A_2315 = arith.constant 187 : i32
      %get3A_2316 = arith.index_cast %get3A_2315 : i32 to index
      %get3A_2317 = arith.index_cast %mul3A_82 : i32 to index
      %get3A_2318 = tpu.vector_load %arg5[%get3A_2316, %get3A_2317] {strides = array<i32>} : memref<200x512xi32, #tpu.memory_space<vmem>>, vector<16xi32>,
      %gather3A_2319 = tpu.vector_load_idx %arg6[%get3A_2318] : memref<1008xf32, #tpu.memory_space<vmem>>[vector<16xi32>], vector<16xf32>,
      %mul3A_2320 = arith.mulf %mul3A_2224, %gather3A_2319 : vector<16xf32>
      %get3A_2321 = arith.constant 187 : i32
      %get3A_2322 = arith.index_cast %get3A_2321 : i32 to index
      %get3A_2323 = arith.index_cast %mul3A_88 : i32 to index
      %get3A_2324 = tpu.vector_load %arg5[%get3A_2322, %get3A_2323] {strides = array<i32>} : memref<200x512xi32, #tpu.memory_space<vmem>>, vector<16xi32>,
      %gather3A_2325 = tpu.vector_load_idx %arg6[%get3A_2324] : memref<1008xf32, #tpu.memory_space<vmem>>[vector<16xi32>], vector<16xf32>,
      %mul3A_2326 = arith.mulf %mul3A_2230, %gather3A_2325 : vector<16xf32>
      %get3A_2327 = arith.constant 188 : i32
      %get3A_2328 = arith.index_cast %get3A_2327 : i32 to index
      %get3A_2329 = arith.index_cast %mul3A_82 : i32 to index
      %get3A_2330 = tpu.vector_load %arg5[%get3A_2328, %get3A_2329] {strides = array<i32>} : memref<200x512xi32, #tpu.memory_space<vmem>>, vector<16xi32>,
      %gather3A_2331 = tpu.vector_load_idx %arg6[%get3A_2330] : memref<1008xf32, #tpu.memory_space<vmem>>[vector<16xi32>], vector<16xf32>,
      %mul3A_2332 = arith.mulf %mul3A_2236, %gather3A_2331 : vector<16xf32>
      %get3A_2333 = arith.constant 188 : i32
      %get3A_2334 = arith.index_cast %get3A_2333 : i32 to index
      %get3A_2335 = arith.index_cast %mul3A_88 : i32 to index
      %get3A_2336 = tpu.vector_load %arg5[%get3A_2334, %get3A_2335] {strides = array<i32>} : memref<200x512xi32, #tpu.memory_space<vmem>>, vector<16xi32>,
      %gather3A_2337 = tpu.vector_load_idx %arg6[%get3A_2336] : memref<1008xf32, #tpu.memory_space<vmem>>[vector<16xi32>], vector<16xf32>,
      %mul3A_2338 = arith.mulf %mul3A_2242, %gather3A_2337 : vector<16xf32>
      %get3A_2339 = arith.constant 189 : i32
      %get3A_2340 = arith.index_cast %get3A_2339 : i32 to index
      %get3A_2341 = arith.index_cast %mul3A_82 : i32 to index
      %get3A_2342 = tpu.vector_load %arg5[%get3A_2340, %get3A_2341] {strides = array<i32>} : memref<200x512xi32, #tpu.memory_space<vmem>>, vector<16xi32>,
      %gather3A_2343 = tpu.vector_load_idx %arg6[%get3A_2342] : memref<1008xf32, #tpu.memory_space<vmem>>[vector<16xi32>], vector<16xf32>,
      %mul3A_2344 = arith.mulf %mul3A_2248, %gather3A_2343 : vector<16xf32>
      %get3A_2345 = arith.constant 189 : i32
      %get3A_2346 = arith.index_cast %get3A_2345 : i32 to index
      %get3A_2347 = arith.index_cast %mul3A_88 : i32 to index
      %get3A_2348 = tpu.vector_load %arg5[%get3A_2346, %get3A_2347] {strides = array<i32>} : memref<200x512xi32, #tpu.memory_space<vmem>>, vector<16xi32>,
      %gather3A_2349 = tpu.vector_load_idx %arg6[%get3A_2348] : memref<1008xf32, #tpu.memory_space<vmem>>[vector<16xi32>], vector<16xf32>,
      %mul3A_2350 = arith.mulf %mul3A_2254, %gather3A_2349 : vector<16xf32>
      %get3A_2351 = arith.constant 190 : i32
      %get3A_2352 = arith.index_cast %get3A_2351 : i32 to index
      %get3A_2353 = arith.index_cast %mul3A_82 : i32 to index
      %get3A_2354 = tpu.vector_load %arg5[%get3A_2352, %get3A_2353] {strides = array<i32>} : memref<200x512xi32, #tpu.memory_space<vmem>>, vector<16xi32>,
      %gather3A_2355 = tpu.vector_load_idx %arg6[%get3A_2354] : memref<1008xf32, #tpu.memory_space<vmem>>[vector<16xi32>], vector<16xf32>,
      %mul3A_2356 = arith.mulf %mul3A_2260, %gather3A_2355 : vector<16xf32>
      %get3A_2357 = arith.constant 190 : i32
      %get3A_2358 = arith.index_cast %get3A_2357 : i32 to index
      %get3A_2359 = arith.index_cast %mul3A_88 : i32 to index
      %get3A_2360 = tpu.vector_load %arg5[%get3A_2358, %get3A_2359] {strides = array<i32>} : memref<200x512xi32, #tpu.memory_space<vmem>>, vector<16xi32>,
      %gather3A_2361 = tpu.vector_load_idx %arg6[%get3A_2360] : memref<1008xf32, #tpu.memory_space<vmem>>[vector<16xi32>], vector<16xf32>,
      %mul3A_2362 = arith.mulf %mul3A_2266, %gather3A_2361 : vector<16xf32>
      %get3A_2363 = arith.constant 191 : i32
      %get3A_2364 = arith.index_cast %get3A_2363 : i32 to index
      %get3A_2365 = arith.index_cast %mul3A_82 : i32 to index
      %get3A_2366 = tpu.vector_load %arg5[%get3A_2364, %get3A_2365] {strides = array<i32>} : memref<200x512xi32, #tpu.memory_space<vmem>>, vector<16xi32>,
      %gather3A_2367 = tpu.vector_load_idx %arg6[%get3A_2366] : memref<1008xf32, #tpu.memory_space<vmem>>[vector<16xi32>], vector<16xf32>,
      %mul3A_2368 = arith.mulf %mul3A_2272, %gather3A_2367 : vector<16xf32>
      %get3A_2369 = arith.constant 191 : i32
      %get3A_2370 = arith.index_cast %get3A_2369 : i32 to index
      %get3A_2371 = arith.index_cast %mul3A_88 : i32 to index
      %get3A_2372 = tpu.vector_load %arg5[%get3A_2370, %get3A_2371] {strides = array<i32>} : memref<200x512xi32, #tpu.memory_space<vmem>>, vector<16xi32>,
      %gather3A_2373 = tpu.vector_load_idx %arg6[%get3A_2372] : memref<1008xf32, #tpu.memory_space<vmem>>[vector<16xi32>], vector<16xf32>,
      %mul3A_2374 = arith.mulf %mul3A_2278, %gather3A_2373 : vector<16xf32>
      %get3A_2375 = arith.constant 192 : i32
      %get3A_2376 = arith.index_cast %get3A_2375 : i32 to index
      %get3A_2377 = arith.index_cast %mul3A_82 : i32 to index
      %get3A_2378 = tpu.vector_load %arg5[%get3A_2376, %get3A_2377] {strides = array<i32>} : memref<200x512xi32, #tpu.memory_space<vmem>>, vector<16xi32>,
      %gather3A_2379 = tpu.vector_load_idx %arg6[%get3A_2378] : memref<1008xf32, #tpu.memory_space<vmem>>[vector<16xi32>], vector<16xf32>,
      %mul3A_2380 = arith.mulf %mul3A_2284, %gather3A_2379 : vector<16xf32>
      %get3A_2381 = arith.constant 192 : i32
      %get3A_2382 = arith.index_cast %get3A_2381 : i32 to index
      %get3A_2383 = arith.index_cast %mul3A_88 : i32 to index
      %get3A_2384 = tpu.vector_load %arg5[%get3A_2382, %get3A_2383] {strides = array<i32>} : memref<200x512xi32, #tpu.memory_space<vmem>>, vector<16xi32>,
      %gather3A_2385 = tpu.vector_load_idx %arg6[%get3A_2384] : memref<1008xf32, #tpu.memory_space<vmem>>[vector<16xi32>], vector<16xf32>,
      %mul3A_2386 = arith.mulf %mul3A_2290, %gather3A_2385 : vector<16xf32>
      %get3A_2387 = arith.constant 193 : i32
      %get3A_2388 = arith.index_cast %get3A_2387 : i32 to index
      %get3A_2389 = arith.index_cast %mul3A_82 : i32 to index
      %get3A_2390 = tpu.vector_load %arg5[%get3A_2388, %get3A_2389] {strides = array<i32>} : memref<200x512xi32, #tpu.memory_space<vmem>>, vector<16xi32>,
      %gather3A_2391 = tpu.vector_load_idx %arg6[%get3A_2390] : memref<1008xf32, #tpu.memory_space<vmem>>[vector<16xi32>], vector<16xf32>,
      %mul3A_2392 = arith.mulf %mul3A_2296, %gather3A_2391 : vector<16xf32>
      %get3A_2393 = arith.constant 193 : i32
      %get3A_2394 = arith.index_cast %get3A_2393 : i32 to index
      %get3A_2395 = arith.index_cast %mul3A_88 : i32 to index
      %get3A_2396 = tpu.vector_load %arg5[%get3A_2394, %get3A_2395] {strides = array<i32>} : memref<200x512xi32, #tpu.memory_space<vmem>>, vector<16xi32>,
      %gather3A_2397 = tpu.vector_load_idx %arg6[%get3A_2396] : memref<1008xf32, #tpu.memory_space<vmem>>[vector<16xi32>], vector<16xf32>,
      %mul3A_2398 = arith.mulf %mul3A_2302, %gather3A_2397 : vector<16xf32>
      %get3A_2399 = arith.constant 194 : i32
      %get3A_2400 = arith.index_cast %get3A_2399 : i32 to index
      %get3A_2401 = arith.index_cast %mul3A_82 : i32 to index
      %get3A_2402 = tpu.vector_load %arg5[%get3A_2400, %get3A_2401] {strides = array<i32>} : memref<200x512xi32, #tpu.memory_space<vmem>>, vector<16xi32>,
      %gather3A_2403 = tpu.vector_load_idx %arg6[%get3A_2402] : memref<1008xf32, #tpu.memory_space<vmem>>[vector<16xi32>], vector<16xf32>,
      %mul3A_2404 = arith.mulf %mul3A_2308, %gather3A_2403 : vector<16xf32>
      %get3A_2405 = arith.constant 194 : i32
      %get3A_2406 = arith.index_cast %get3A_2405 : i32 to index
      %get3A_2407 = arith.index_cast %mul3A_88 : i32 to index
      %get3A_2408 = tpu.vector_load %arg5[%get3A_2406, %get3A_2407] {strides = array<i32>} : memref<200x512xi32, #tpu.memory_space<vmem>>, vector<16xi32>,
      %gather3A_2409 = tpu.vector_load_idx %arg6[%get3A_2408] : memref<1008xf32, #tpu.memory_space<vmem>>[vector<16xi32>], vector<16xf32>,
      %mul3A_2410 = arith.mulf %mul3A_2314, %gather3A_2409 : vector<16xf32>
      %get3A_2411 = arith.constant 195 : i32
      %get3A_2412 = arith.index_cast %get3A_2411 : i32 to index
      %get3A_2413 = arith.index_cast %mul3A_82 : i32 to index
      %get3A_2414 = tpu.vector_load %arg5[%get3A_2412, %get3A_2413] {strides = array<i32>} : memref<200x512xi32, #tpu.memory_space<vmem>>, vector<16xi32>,
      %gather3A_2415 = tpu.vector_load_idx %arg6[%get3A_2414] : memref<1008xf32, #tpu.memory_space<vmem>>[vector<16xi32>], vector<16xf32>,
      %mul3A_2416 = arith.mulf %mul3A_2320, %gather3A_2415 : vector<16xf32>
      %get3A_2417 = arith.constant 195 : i32
      %get3A_2418 = arith.index_cast %get3A_2417 : i32 to index
      %get3A_2419 = arith.index_cast %mul3A_88 : i32 to index
      %get3A_2420 = tpu.vector_load %arg5[%get3A_2418, %get3A_2419] {strides = array<i32>} : memref<200x512xi32, #tpu.memory_space<vmem>>, vector<16xi32>,
      %gather3A_2421 = tpu.vector_load_idx %arg6[%get3A_2420] : memref<1008xf32, #tpu.memory_space<vmem>>[vector<16xi32>], vector<16xf32>,
      %mul3A_2422 = arith.mulf %mul3A_2326, %gather3A_2421 : vector<16xf32>
      %get3A_2423 = arith.constant 196 : i32
      %get3A_2424 = arith.index_cast %get3A_2423 : i32 to index
      %get3A_2425 = arith.index_cast %mul3A_82 : i32 to index
      %get3A_2426 = tpu.vector_load %arg5[%get3A_2424, %get3A_2425] {strides = array<i32>} : memref<200x512xi32, #tpu.memory_space<vmem>>, vector<16xi32>,
      %gather3A_2427 = tpu.vector_load_idx %arg6[%get3A_2426] : memref<1008xf32, #tpu.memory_space<vmem>>[vector<16xi32>], vector<16xf32>,
      %mul3A_2428 = arith.mulf %mul3A_2332, %gather3A_2427 : vector<16xf32>
      %get3A_2429 = arith.constant 196 : i32
      %get3A_2430 = arith.index_cast %get3A_2429 : i32 to index
      %get3A_2431 = arith.index_cast %mul3A_88 : i32 to index
      %get3A_2432 = tpu.vector_load %arg5[%get3A_2430, %get3A_2431] {strides = array<i32>} : memref<200x512xi32, #tpu.memory_space<vmem>>, vector<16xi32>,
      %gather3A_2433 = tpu.vector_load_idx %arg6[%get3A_2432] : memref<1008xf32, #tpu.memory_space<vmem>>[vector<16xi32>], vector<16xf32>,
      %mul3A_2434 = arith.mulf %mul3A_2338, %gather3A_2433 : vector<16xf32>
      %get3A_2435 = arith.constant 197 : i32
      %get3A_2436 = arith.index_cast %get3A_2435 : i32 to index
      %get3A_2437 = arith.index_cast %mul3A_82 : i32 to index
      %get3A_2438 = tpu.vector_load %arg5[%get3A_2436, %get3A_2437] {strides = array<i32>} : memref<200x512xi32, #tpu.memory_space<vmem>>, vector<16xi32>,
      %gather3A_2439 = tpu.vector_load_idx %arg6[%get3A_2438] : memref<1008xf32, #tpu.memory_space<vmem>>[vector<16xi32>], vector<16xf32>,
      %mul3A_2440 = arith.mulf %mul3A_2344, %gather3A_2439 : vector<16xf32>
      %get3A_2441 = arith.constant 197 : i32
      %get3A_2442 = arith.index_cast %get3A_2441 : i32 to index
      %get3A_2443 = arith.index_cast %mul3A_88 : i32 to index
      %get3A_2444 = tpu.vector_load %arg5[%get3A_2442, %get3A_2443] {strides = array<i32>} : memref<200x512xi32, #tpu.memory_space<vmem>>, vector<16xi32>,
      %gather3A_2445 = tpu.vector_load_idx %arg6[%get3A_2444] : memref<1008xf32, #tpu.memory_space<vmem>>[vector<16xi32>], vector<16xf32>,
      %mul3A_2446 = arith.mulf %mul3A_2350, %gather3A_2445 : vector<16xf32>
      %get3A_2447 = arith.constant 198 : i32
      %get3A_2448 = arith.index_cast %get3A_2447 : i32 to index
      %get3A_2449 = arith.index_cast %mul3A_82 : i32 to index
      %get3A_2450 = tpu.vector_load %arg5[%get3A_2448, %get3A_2449] {strides = array<i32>} : memref<200x512xi32, #tpu.memory_space<vmem>>, vector<16xi32>,
      %gather3A_2451 = tpu.vector_load_idx %arg6[%get3A_2450] : memref<1008xf32, #tpu.memory_space<vmem>>[vector<16xi32>], vector<16xf32>,
      %mul3A_2452 = arith.mulf %mul3A_2356, %gather3A_2451 : vector<16xf32>
      %get3A_2453 = arith.constant 198 : i32
      %get3A_2454 = arith.index_cast %get3A_2453 : i32 to index
      %get3A_2455 = arith.index_cast %mul3A_88 : i32 to index
      %get3A_2456 = tpu.vector_load %arg5[%get3A_2454, %get3A_2455] {strides = array<i32>} : memref<200x512xi32, #tpu.memory_space<vmem>>, vector<16xi32>,
      %gather3A_2457 = tpu.vector_load_idx %arg6[%get3A_2456] : memref<1008xf32, #tpu.memory_space<vmem>>[vector<16xi32>], vector<16xf32>,
      %mul3A_2458 = arith.mulf %mul3A_2362, %gather3A_2457 : vector<16xf32>
      %get3A_2459 = arith.constant 199 : i32
      %get3A_2460 = arith.index_cast %get3A_2459 : i32 to index
      %get3A_2461 = arith.index_cast %mul3A_82 : i32 to index
      %get3A_2462 = tpu.vector_load %arg5[%get3A_2460, %get3A_2461] {strides = array<i32>} : memref<200x512xi32, #tpu.memory_space<vmem>>, vector<16xi32>,
      %gather3A_2463 = tpu.vector_load_idx %arg6[%get3A_2462] : memref<1008xf32, #tpu.memory_space<vmem>>[vector<16xi32>], vector<16xf32>,
      %mul3A_2464 = arith.mulf %mul3A_2368, %gather3A_2463 : vector<16xf32>
      %get3A_2465 = arith.constant 199 : i32
      %get3A_2466 = arith.index_cast %get3A_2465 : i32 to index
      %get3A_2467 = arith.index_cast %mul3A_88 : i32 to index
      %get3A_2468 = tpu.vector_load %arg5[%get3A_2466, %get3A_2467] {strides = array<i32>} : memref<200x512xi32, #tpu.memory_space<vmem>>, vector<16xi32>,
      %gather3A_2469 = tpu.vector_load_idx %arg6[%get3A_2468] : memref<1008xf32, #tpu.memory_space<vmem>>[vector<16xi32>], vector<16xf32>,
      %mul3A_2470 = arith.mulf %mul3A_2374, %gather3A_2469 : vector<16xf32>
      %mul3A_2471 = arith.mulf %mul3A_2380, %mul3A_2392 : vector<16xf32>
      %mul3A_2472 = arith.mulf %mul3A_2404, %mul3A_2416 : vector<16xf32>
      %mul3A_2473 = arith.mulf %mul3A_2471, %mul3A_2472 : vector<16xf32>
      %mul3A_2474 = arith.mulf %mul3A_2428, %mul3A_2440 : vector<16xf32>
      %mul3A_2475 = arith.mulf %mul3A_2452, %mul3A_2464 : vector<16xf32>
      %mul3A_2476 = arith.mulf %mul3A_2474, %mul3A_2475 : vector<16xf32>
      %mul3A_2477 = arith.mulf %mul3A_2473, %mul3A_2476 : vector<16xf32>
      %sub3A = arith.constant 1.000000e+00 : f32
      %sub3A_2478 = vector.broadcast %sub3A : f32 to vector<16xf32>
      %sub3A_2479 = arith.subf %sub3A_2478, %mul3A_2477 : vector<16xf32>
      %jit3A = arith.constant 9.99999974E-5 : f32
      %jit3A_2480 = arith.constant 0.999989986 : f32
      %max3A = vector.broadcast %jit3A : f32 to vector<16xf32>
      %max3A_2481 = arith.maximumf %max3A, %sub3A_2479 : vector<16xf32>
      %min3A = vector.broadcast %jit3A_2480 : f32 to vector<16xf32>
      %min3A_2482 = arith.minimumf %min3A, %max3A_2481 : vector<16xf32>
      %swap3A = arith.index_cast %mul3A_82 : i32 to index
      %swap3A_2483 = tpu.vector_load %arg7[%swap3A] {strides = array<i32>} : memref<512xf32, #tpu.memory_space<vmem>>, vector<16xf32>,
      tpu.vector_store %arg7[%swap3A], %min3A_2482 {strides = array<i32>} : memref<512xf32, #tpu.memory_space<vmem>>, vector<16xf32>,
      %mul3A_2484 = arith.mulf %mul3A_2386, %mul3A_2398 : vector<16xf32>
      %mul3A_2485 = arith.mulf %mul3A_2410, %mul3A_2422 : vector<16xf32>
      %mul3A_2486 = arith.mulf %mul3A_2484, %mul3A_2485 : vector<16xf32>
      %mul3A_2487 = arith.mulf %mul3A_2434, %mul3A_2446 : vector<16xf32>
      %mul3A_2488 = arith.mulf %mul3A_2458, %mul3A_2470 : vector<16xf32>
      %mul3A_2489 = arith.mulf %mul3A_2487, %mul3A_2488 : vector<16xf32>
      %mul3A_2490 = arith.mulf %mul3A_2486, %mul3A_2489 : vector<16xf32>
      %sub3A_2491 = arith.constant 1.000000e+00 : f32
      %sub3A_2492 = vector.broadcast %sub3A_2491 : f32 to vector<16xf32>
      %sub3A_2493 = arith.subf %sub3A_2492, %mul3A_2490 : vector<16xf32>
      %jit3A_2494 = arith.constant 9.99999974E-5 : f32
      %jit3A_2495 = arith.constant 0.999989986 : f32
      %max3A_2496 = vector.broadcast %jit3A_2494 : f32 to vector<16xf32>
      %max3A_2497 = arith.maximumf %max3A_2496, %sub3A_2493 : vector<16xf32>
      %min3A_2498 = vector.broadcast %jit3A_2495 : f32 to vector<16xf32>
      %min3A_2499 = arith.minimumf %min3A_2498, %max3A_2497 : vector<16xf32>
      %swap3A_2500 = arith.index_cast %mul3A_88 : i32 to index
      %swap3A_2501 = tpu.vector_load %arg7[%swap3A_2500] {strides = array<i32>} : memref<512xf32, #tpu.memory_space<vmem>>, vector<16xf32>,
      tpu.vector_store %arg7[%swap3A_2500], %min3A_2499 {strides = array<i32>} : memref<512xf32, #tpu.memory_space<vmem>>, vector<16xf32>,
    }
    %scan3A_60 = arith.constant 16 : i32
    "tpu.region"() ({
      %run_scoped3A = tpu.sem_alloc : memref<!tpu.dma_semaphore, #tpu.memory_space<semaphore_mem>>
      %dma_start3A_61 = tpu.memref_slice %arg4[%mul3A_2] : memref<16384xf32, #tpu.memory_space<hbm>> -> memref<512xf32, #tpu.memory_space<hbm>>
      %dma_start3A_62 = tpu.memref_slice %arg4[%mul3A_2] : memref<16384xf32, #tpu.memory_space<hbm>> -> memref<512xf32, #tpu.memory_space<hbm>>
      tpu.enqueue_dma source(%arg7 : memref<512xf32, #tpu.memory_space<vmem>>) target(%dma_start3A_62 : memref<512xf32, #tpu.memory_space<hbm>>) target_semaphore(%run_scoped3A : memref<!tpu.dma_semaphore, #tpu.memory_space<semaphore_mem>>)
      %dma_wait3A = tpu.memref_slice %arg4[%mul3A_2] : memref<16384xf32, #tpu.memory_space<hbm>> -> memref<512xf32, #tpu.memory_space<hbm>>
      %dma_wait3A_63 = tpu.memref_slice %arg4[%mul3A_2] : memref<16384xf32, #tpu.memory_space<hbm>> -> memref<512xf32, #tpu.memory_space<hbm>>
      tpu.wait_dma2 semaphore(%run_scoped3A : memref<!tpu.dma_semaphore, #tpu.memory_space<semaphore_mem>>) src(%arg7 : memref<512xf32, #tpu.memory_space<vmem>>) dst(%dma_wait3A_63 : memref<512xf32, #tpu.memory_space<hbm>>)
      tpu.yield
    }) : () -> ()
    return
  }
}

</mosaic_0001>

<sc_bundles>
// kernel: kernel.3.cloned.1.call-start
scs
__scs_entry_jumppad:
0x0: {  	(pc) =	sbr.rel $0x88, $3  }
0x1: {  	(tag) =	ssettag $0x0;
	lr =	simm.s32 $0x1  }
0x2: {  	[smem:$0x3F9F] =	sst lr;
	_ =	strace $0xD0000000  }
0x3: {  	_ = 	snop  }
0x4: {  	_ = 	snop  }
0x5: {  	_ = 	snop  }
0x6: {  	_ = 	snop  }
0x7: {  	_ = 	snop  }
__scs_overlays_trampoline_lowered:
0x8: {  	[smem:$0x3FAE] =	sst s0  }
0x9: {  	[smem:$0x3FAF] =	sst s1  }
0xa: {  	[smem:$0x3FB0] =	sst s2  }
0xb: {  	[smem:$0x3FB1] =	sst s3  }
0xc: {  	[smem:$0x3FB2] =	sst s4  }
0xd: {  	[smem:$0x3FB3] =	sst s5  }
0xe: {  	[smem:$0x3FB4] =	sst s6  }
0xf: {  	[smem:$0x3FB5] =	sst s7  }
0x10: {  	[smem:$0x3FB6] =	sst s8  }
0x11: {  	[smem:$0x3FB7] =	sst s9;
	s0 =	simm.s32 @!p0 $0x0  }
0x12: {  	s1 =	sld [smem:$0x3F9D];
	s0 =	simm.s32 @p0 $0x1  }
0x13: {  	[smem:$0x3FB8] =	sst s0;
	s0 =	simm.s32 @!p1 $0x0  }
0x14: {  	s2 =	sld [smem:$0x3F9C];
	s0 =	simm.s32 @p1 $0x1  }
0x15: {  	[smem:$0x3FB9] =	sst s0;
	s0 =	simm.s32 @!p2 $0x0  }
0x16: {  	s3 =	sld [smem:$0x3FDB];
	s0 =	simm.s32 @p2 $0x1  }
0x17: {  	s4 =	simm.s32 $0x1BF5;
	[smem:$0x3FBB] =	sst s0  }
0x18: {  	s0 =	sld [smem:$0x3F9E];
	_ =	swait.ge [sflag:s4], $0x0  }
0x19: {  	s7 =	sld [smem:$0x3F9F]  }
0x1a: {  	s8 =	sadd.s32 $0xFFFFE003, lr  }
0x1b: {  	s9 =	sadd.s32 $0xFFFFFEF7, lr;
	s5 =	simm.s32 $0xFFFFFFFF;
	p2 =	slt.u32 s8, $0xFFFFF086  }
0x1c: {  	p1 =	slt.u32 s9, $0xF7A;
	s5 =	simm.s32 @!p2 $0x0  }
0x1d: {  	s5 =	simm.s32 @p1 $0x1;
	p0 =	seq.s32 s7, s2  }
0x1e: {  	s7 =	smul.u32 @!p0 $0xF7A, s2;
	p2 =	seq.s32 @!p0 s5, $0x0  }
0x1f: {  	s9 =	smul.u32 $0xF7A, s1;
	s8 =	simm.s32 @!p0 $0x1BF5;
	p2 =	por !p2, p0  }
0x20: {  	[sflag:s8] =	ssyncset.s32 @!p0 $0xFFFFF086;
	s6 =	sadd.s32 @!p0 s3, s7;
	s7 =	simm.s32 @!p0 $0x108  }
0x21: {  	s3 =	sadd.s32 s3, s9;
	s6 =	sadd.s32 @!p0 $0x88, s6;
	s7 =	simm.s32 @p2 $0x1082  }
0x22: {  	[simem:s7], [sflag:s8] =	dma.local @!p0 [hbm:s6], $0xF7A  }
0x23: {  	s9 =	sor.u32 $0xD0000000, s2;
	s6 =	simm.s32 $0x108;
	_ =	swait.ge @!p0 [sflag:s8], $0x0  }
0x24: {  	s3 =	sadd.s32 $0x88, s3;
	s6 =	simm.s32 @!p1 $0x1082;
	[sflag:s4] =	ssyncset.s32 $0xFFFFF086  }
0x25: {  	[simem:s6], [sflag:s4] =	dma.local [hbm:s3], $0xF7A  }
0x26: {  	[smem:$0x3F9F] =	sst s1;
	(tag) =	ssettag s2;
	_ =	strace s9  }
0x27: {  	s1 =	sld [smem:$0x3FAF]  }
0x28: {  	s2 =	sld [smem:$0x3FB0]  }
0x29: {  	s4 =	sld [smem:$0x3FB2]  }
0x2a: {  	p0 =	seq.s32 s5, $0x0;
	s5 =	sld [smem:$0x3FB3]  }
0x2b: {  	s6 =	sld [smem:$0x3FB4]  }
0x2c: {  	s7 =	sld [smem:$0x3FB5]  }
0x2d: {  	s3 =	simm.s32 $0x108;
	s8 =	sld [smem:$0x3FB6]  }
0x2e: {  	s3 =	simm.s32 @!p0 $0x1082;
	s9 =	sld [smem:$0x3FB7]  }
0x2f: {  	lr =	sadd.s32 s0, s3;
	s0 =	sld [smem:$0x3FAE]  }
0x30: {  	s3 =	sld [smem:$0x3FB1]  }
0x31: {  	[smem:$0x3FBA] =	sst s10  }
0x32: {  	s10 =	sld [smem:$0x3FB8];
	_ =	sdelay $0x3  }
0x33: {  	p0 =	seq.s32 s10, $0x1;
	s10 =	sld [smem:$0x3FBA];
	_ =	sdelay $0x3  }
0x34: {  	[smem:$0x3FBA] =	sst s10  }
0x35: {  	s10 =	sld [smem:$0x3FB9];
	_ =	sdelay $0x3  }
0x36: {  	p1 =	seq.s32 s10, $0x1;
	s10 =	sld [smem:$0x3FBA];
	_ =	sdelay $0x3  }
0x37: {  	[smem:$0x3FBA] =	sst s10  }
0x38: {  	s10 =	sld [smem:$0x3FBB]  }
0x39: {  	_ = 	snop;
	(pc) =	sbr.ind lr, $3  }
0x3a: {  	_ = 	snop  }
0x3b: {  	_ = 	snop  }
0x3c: {  	p2 =	seq.s32 s10, $0x1;
	s10 =	sld [smem:$0x3FBA]  }
0x3d: {  	_ =	shalt  }
0x3e: {  	_ =	shalt  }
0x3f: {  	_ =	shalt  }
0x40: {  	_ =	shalt  }
0x41: {  	_ =	shalt  }
0x42: {  	_ =	shalt  }
0x43: {  	_ =	shalt  }
0x44: {  	_ =	shalt  }
0x45: {  	_ =	shalt  }
0x46: {  	_ =	shalt  }
0x47: {  	_ =	shalt  }
0x48: {  	_ =	shalt  }
0x49: {  	_ =	shalt  }
0x4a: {  	_ =	shalt  }
0x4b: {  	_ =	shalt  }
0x4c: {  	_ =	shalt  }
0x4d: {  	_ =	shalt  }
0x4e: {  	_ =	shalt  }
0x4f: {  	_ =	shalt  }
0x50: {  	_ =	shalt  }
0x51: {  	_ =	shalt  }
0x52: {  	_ =	shalt  }
0x53: {  	_ =	shalt  }
0x54: {  	_ =	shalt  }
0x55: {  	_ =	shalt  }
0x56: {  	_ =	shalt  }
0x57: {  	_ =	shalt  }
0x58: {  	_ =	shalt  }
0x59: {  	_ =	shalt  }
0x5a: {  	_ =	shalt  }
0x5b: {  	_ =	shalt  }
0x5c: {  	_ =	shalt  }
0x5d: {  	_ =	shalt  }
0x5e: {  	_ =	shalt  }
0x5f: {  	_ =	shalt  }
0x60: {  	_ =	shalt  }
0x61: {  	_ =	shalt  }
0x62: {  	_ =	shalt  }
0x63: {  	_ =	shalt  }
0x64: {  	_ =	shalt  }
0x65: {  	_ =	shalt  }
0x66: {  	_ =	shalt  }
0x67: {  	_ =	shalt  }
0x68: {  	_ =	shalt  }
0x69: {  	_ =	shalt  }
0x6a: {  	_ =	shalt  }
0x6b: {  	_ =	shalt  }
0x6c: {  	_ =	shalt  }
0x6d: {  	_ =	shalt  }
0x6e: {  	_ =	shalt  }
0x6f: {  	_ =	shalt  }
0x70: {  	_ =	shalt  }
0x71: {  	_ =	shalt  }
0x72: {  	_ =	shalt  }
0x73: {  	_ =	shalt  }
0x74: {  	_ =	shalt  }
0x75: {  	_ =	shalt  }
0x76: {  	_ =	shalt  }
0x77: {  	_ =	shalt  }
0x78: {  	_ =	shalt  }
0x79: {  	_ =	shalt  }
0x7a: {  	_ =	shalt  }
0x7b: {  	_ =	shalt  }
0x7c: {  	_ =	shalt  }
0x7d: {  	_ =	shalt  }
0x7e: {  	_ =	shalt  }
0x7f: {  	_ =	shalt  }
0x80: {  	_ =	shalt  }
0x81: {  	_ =	shalt  }
0x82: {  	_ =	shalt  }
0x83: {  	_ =	shalt  }
0x84: {  	_ =	shalt  }
0x85: {  	_ =	shalt  }
0x86: {  	_ =	shalt  }
0x87: {  	_ =	shalt  }
.Lfunc_end0:
.L_simem_size_0:
called_computation_lowered:
.L_overlay_start_0:
0x88: {  	s2 =	sld [smem:$0x3FD9]  }
0x89: {  	s3 =	sld [smem:$0x3FFE];
	_ =	sdelay $0x1  }
0x8a: {  	s1 =	srdreg.scid  }
0x8b: {  	s0 =	sand.u32 $0x1, s1  }
0x8c: {  	s17 =	sshll.u32 s0, $0xA;
	s2 =	sadd.s32 s3, s2  }
0x8d: {  	s2 =	sadd.s32 s2, s17  }
0x8e: {  	[smem:$0x3FC6] =	sst s2  }
0x8f: {  	_ = 	snop  }
0x90: {  	s2 =	sld [smem:$0x3FC9]  }
0x91: {  	s18 =	sld [smem:$0x3FD0];
	(tm) =	ssettm $0x1  }
0x92: {  	s4 =	sld [smem:$0x3FFB];
	_ =	sdelay $0x3  }
0x93: {  	_ =	strace s4  }
0x94: {  	s4 =	sld [smem:$0x3FFC];
	_ =	sdelay $0x3  }
0x95: {  	_ =	strace s4  }
0x96: {  	s4 =	sld [smem:$0x3FFD];
	_ =	sdelay $0x3  }
0x97: {  	_ =	strace s4  }
0x98: {  	_ =	strace $0x8FFFFFFF  }
0x99: {  	s19 =	sld [smem:$0x3FDB];
	_ =	sdelay $0x1  }
0x9a: {  	s5 =	simm.s32 $_scs_section_size  }
0x9b: {  	s6 =	simm.s32 $_size__tile_overlayer_lowered;
	s7 =	simm.s32 $_tile_overlayer_lowered  }
0x9c: {  	s22 =	simm.s32 $0x1BFF;
	s21 =	sshll.u32 s7, $0x1;
	s4 =	sadd.s32 s5, s19  }
0x9d: {  	s8 =	simm.s32 $0x0;
	s20 =	sshll.u32 s6, $0x1;
	s6 =	sadd.s32 s21, s4  }
0x9e: {  	[timem:s8], [sflag:s22] =	dma.local [hbm:s6], s20  }
0x9f: {  	_ =	swait.ge [sflag:s22], s20  }
0xa0: {  	s5 =	ssub.s32 $0x0, s20;
	[sflag:s22] =	ssyncset.done $0x0  }
0xa1: {  	[sflag:s22] =	ssyncadd.s32 s5;
	_ =	sdelay $0x1  }
0xa2: {  	s23 =	simm.s32 $0x1B8B  }
0xa3: {  	_ =	swait.ge [sflag:s23], $0x1  }
0xa4: {  	[sflag:s23] =	ssyncset.done $0x0  }
0xa5: {  	s25 =	simm.s32 $0x1B8E;
	s24 =	sld [smem:$0x3FFE];
	[sflag:s23] =	ssyncadd.s32 $0xFFFFFFFF  }
0xa6: {  	s26 =	simm.s32 $execute0_lowered;
	[smem:$0x3FD2] =	sst s25  }
0xa7: {  	s6 =	sshll.u32 s26, $0x1;
	_ =	strace $0x80000046;
	[dreg:$0x1] =	wrdreg $0xFFFFFFFF  }
0xa8: {  	s28 =	simm.s32 $_size_execute0_lowered;
	s4 =	sadd.s32 s4, s6;
	[dreg:$0x0] =	wrdreg $0x0  }
0xa9: {  	s6 =	sshll.u32 s28, $0x1;
	[dreg:$0x2] =	wrdreg s4  }
0xaa: {  	[dreg:$0x3] =	wrdreg s6  }
0xab: {  	[dreg:$0x4] =	wrdreg $0xC0  }
0xac: {  	_ =	task [dreg:s8], $0x5FFFF  }
0xad: {  	[dreg:$0x1] =	wrdreg $0xFFFFFFFF  }
0xae: {  	[dreg:$0x0] =	wrdreg $0x60  }
0xaf: {  	[dreg:$0x2] =	wrdreg s2  }
0xb0: {  	[dreg:$0x3] =	wrdreg s24  }
0xb1: {  	[dreg:$0x4] =	wrdreg s18  }
0xb2: {  	[dreg:$0x5] =	wrdreg $0x9  }
0xb3: {  	_ =	task.clear_ibuf [dreg:s8], $0x6FFFF;
	_ =	strace $0x90000046  }
0xb4: {  	s29 =	simm.s32 $0x9;
	_ =	strace $0x80000048  }
0xb5: {  	_ =	swait.ge [sflag:s29], $0x1  }
0xb6: {  	[sflag:s29] =	ssyncadd.s32 $0xFFFFFFFF  }
0xb7: {  	_ =	strace $0x90000048  }
0xb8: {  	_ =	sfence  }
0xb9: {  	s30 =	sld [smem:$0x0];
	_ =	sdelay $0x2  }
0xba: {  	s31 =	sshll.u32 s1, $0xD;
	s1 =	sshrl.u32 s1, $0x2  }
0xbb: {  	s3 =	sand.u32 $0x4000, s31;
	s1 =	sadd.s32 s1, s30  }
0xbc: {  	s0 =	sor.u32 s3, s0;
	s1 =	sshll.u32 s1, $0x11  }
0xbd: {  	s0 =	sor.u32 s1, s0  }
0xbe: {  	s0 =	sadd.s32 $0x8F2B, s0  }
0xbf: {  	[sflag:s0] =	ssyncadd.remote.s32 $0x1  }
0xc0: {  	_ =	sfence.sel $0xFFFF  }
0xc1: {  	[dreg:$0x0] =	wrdreg $0xFFFFFFFF;
	(pc) =	sbr.abs _section_cstart, $3  }
0xc2: {  	[dreg:$0x1] =	wrdreg $0xFFFFFFFF  }
0xc3: {  	_ =	task.clear_ibuf [dreg:s8], $0x2FFFF;
	_ =	strace $0x9FFFFFFF  }
0xc4: {  	(tm) =	ssettm $0x7FFFFFFF  }
0xc5: {  	_ =	shalt  }
tec
execute0_lowered:
.L_overlay_start_1:
0x0: {  	(tag) =	ssettag $0x1  }
0x1: {  	v0 =	vimm.s32 $0x3E7;
	vm0 =	vcmask $0x300  }
0x2: {  	vm14 =	vcmask $0x704;
	v0 =	vsel vm0, $0x3E8, v0  }
0x3: {  	vm15 =	vcmask $0xB08;
	v0 =	vsel vm14, $0x3E9, v0  }
0x4: {  	vm4 =	vcmask $0xF0C;
	v0 =	vsel vm15, $0x3EA, v0  }
0x5: {  	s4 =	rddreg [dreg:$0x0];
	vm5 =	vcmask $0x1310;
	v0 =	vsel vm4, $0x3EB, v0  }
0x6: {  	s3 =	rddreg [dreg:$0x1];
	vm6 =	vcmask $0x1714;
	v0 =	vsel vm5, $0x3EC, v0  }
0x7: {  	s8 =	rddreg [dreg:$0x2];
	vm7 =	vcmask $0x1B18;
	v0 =	vsel vm6, $0x3ED, v0  }
0x8: {  	s0 =	rddreg [dreg:$0x3];
	s5 =	srdreg.scid;
	vm8 =	vcmask $0x1F1C;
	s2 =	simm.s32 $0x0;
	v0 =	vsel vm7, $0x3EE, v0  }
0x9: {  	s1 =	stileid.u32;
	vm9 =	vcmask $0x2320;
	s11 =	simm.s32 $0x1;
	s12 =	simm.s32 $0x19400;
	v0 =	vsel vm8, $0x3EF, v0  }
0xa: {  	vm10 =	vcmask $0x2724;
	s13 =	simm.s32 $0x6;
	s14 =	simm.s32 $0x0;
	s5 =	sand.u32 $0x1, s5;
	v0 =	vsel vm9, $0x3E0, v0  }
0xb: {  	vm11 =	vcmask $0x2B28;
	[smem:$0x7FF] =	sst s2;
	s6 =	sshll.u32 s1, $0xA;
	s3 =	sadd.s32 $0x400, s3;
	v0 =	vsel vm10, $0x3E1, v0  }
.Ltmp0:
0xc: {  	vm12 =	vcmask $0x2F2C;
	s7 =	sshll.u32 s5, $0x9;
	s5 =	ssub.s32 $0x2, s5;
	v0 =	vsel vm11, $0x3E2, v0;
	(pc) =	sbr.rel .LBB2_1-.Ltmp0, $4  }
0xd: {  	vm13 =	vcmask $0x3330;
	_ =	strace $0x80000047;
	s6 =	sor.u32 s7, s6;
	s31 =	sshrl.u32 s5, $0x1;
	v0 =	vsel vm12, $0x3E3, v0  }
0xe: {  	vm14 =	vcmask $0x3734;
	s4 =	sadd.s32 s4, s6;
	s9 =	ssub.s32 s5, s31;
	s10 =	sshrl.u32 s6, $0x3;
	v0 =	vsel vm13, $0x3E4, v0  }
0xf: {  	vm15 =	vcmask $0x3B38;
	s5 =	sadd.s32 $0x80, s4;
	s6 =	sadd.s32 $0x100, s4;
	s7 =	sadd.s32 $0x180, s4;
	v0 =	vsel vm14, $0x3E5, v0  }
0x10: {  	s8 =	sadd.s32 s8, s10;
	s9 =	smax.u32 s9, $0x1;
	s10 =	simm.s32 $0x19000;
	v35 =	vsel vm15, $0x3E6, v0  }
.LBB2_23:
0x11: {  	s14 =	sadd.s32 $0x1, s14  }
0x12: {  	p0 =	sne.s32 s14, s9  }
.Ltmp1:
0x13: {  	_ = 	snop;
	(pc) =	sbr.rel @!p0 .LBB2_24-.Ltmp1, $4  }
0x14: {  	[hbm4b:s8+s2] =	stream.linear.scatter [tilespmem:s12], [sflag:$0x6], $0x200, $0x38;
	[tilespmem:$0x19600] =	vst v63  }
0x15: {  	_ =	swait.ge [sflag:s13], $0x200  }
0x16: {  	[sflag:s13] =	ssyncset.done $0x0  }
0x17: {  	[sflag:s13] =	ssyncadd.s32 $0xFFFFFE00  }
.LBB2_1:
0x18: {  	[tilespmem:s10], [sflag:$0x1] =	stream.linear.gather [hbm4b:s3+s2], $0x400, $0x38;
	[tilespmem:$0x19600] =	vst v63  }
0x19: {  	s15 =	simm.s32 $0x4000;
	s16 =	sadd.s32 $0x0, s4;
	s17 =	simm.s32 $0x0  }
.LBB2_2:
0x1a: {  	[tilespmem:s17], [sflag:$0x2] =	stream.linear.gather [hbm4b:s16+s2], $0x400, $0x38;
	[tilespmem:$0x19600] =	vst v63  }
0x1b: {  	s17 =	smov.u32 s15;
	p0 =	sne.s32 s15, $0x60000  }
.Ltmp2:
0x1c: {  	s15 =	sadd.s32 $0x4000, s15;
	(pc) =	sbr.rel @p0 .LBB2_2-.Ltmp2, $2  }
0x1d: {  	_ =	sdelay $0x2  }
0x1e: {  	s16 =	sadd.s32 s17, s4;
	s17 =	sshra.s32 s17, $0x2  }
0x1f: {  	[tilespmem:s17], [sflag:$0x2] =	stream.linear.gather [hbm4b:s16+s2], $0x400, $0x38;
	[tilespmem:$0x19600] =	vst v63  }
0x20: {  	s15 =	simm.s32 $0x4000;
	s16 =	sadd.s32 $0x0, s5;
	s17 =	simm.s32 $0x400  }
.LBB2_4:
0x21: {  	[tilespmem:s17], [sflag:$0x3] =	stream.linear.gather [hbm4b:s16+s2], $0x400, $0x38;
	[tilespmem:$0x19600] =	vst v63  }
0x22: {  	s16 =	smov.u32 s15;
	p0 =	sne.s32 s15, $0x60000  }
.Ltmp3:
0x23: {  	s15 =	sadd.s32 $0x4000, s15;
	(pc) =	sbr.rel @p0 .LBB2_4-.Ltmp3, $3  }
0x24: {  	_ =	sdelay $0x1  }
0x25: {  	s17 =	sshra.s32 s16, $0x2  }
0x26: {  	s16 =	sadd.s32 s16, s5;
	s17 =	sadd.s32 $0x400, s17  }
0x27: {  	[tilespmem:s17], [sflag:$0x3] =	stream.linear.gather [hbm4b:s16+s2], $0x400, $0x38;
	[tilespmem:$0x19600] =	vst v63  }
0x28: {  	s15 =	simm.s32 $0x4000;
	s16 =	sadd.s32 $0x0, s6;
	s17 =	simm.s32 $0x800  }
.LBB2_6:
0x29: {  	[tilespmem:s17], [sflag:$0x4] =	stream.linear.gather [hbm4b:s16+s2], $0x400, $0x38;
	[tilespmem:$0x19600] =	vst v63  }
0x2a: {  	s16 =	smov.u32 s15;
	p0 =	sne.s32 s15, $0x60000  }
.Ltmp4:
0x2b: {  	s15 =	sadd.s32 $0x4000, s15;
	(pc) =	sbr.rel @p0 .LBB2_6-.Ltmp4, $3  }
0x2c: {  	_ =	sdelay $0x1  }
0x2d: {  	s17 =	sshra.s32 s16, $0x2  }
0x2e: {  	s16 =	sadd.s32 s16, s6;
	s17 =	sadd.s32 $0x800, s17  }
0x2f: {  	[tilespmem:s17], [sflag:$0x4] =	stream.linear.gather [hbm4b:s16+s2], $0x400, $0x38;
	[tilespmem:$0x19600] =	vst v63  }
0x30: {  	s15 =	simm.s32 $0x4000;
	s16 =	sadd.s32 $0x0, s7;
	s17 =	simm.s32 $0xC00  }
.LBB2_8:
0x31: {  	[tilespmem:s17], [sflag:$0x5] =	stream.linear.gather [hbm4b:s16+s2], $0x400, $0x38;
	[tilespmem:$0x19600] =	vst v63  }
0x32: {  	s16 =	smov.u32 s15;
	p0 =	sne.s32 s15, $0x60000  }
.Ltmp5:
0x33: {  	s15 =	sadd.s32 $0x4000, s15;
	(pc) =	sbr.rel @p0 .LBB2_8-.Ltmp5, $3  }
0x34: {  	_ =	sdelay $0x1  }
0x35: {  	s17 =	sshra.s32 s16, $0x2  }
0x36: {  	s16 =	sadd.s32 s16, s7;
	s17 =	sadd.s32 $0xC00, s17  }
0x37: {  	[tilespmem:s17], [sflag:$0x5] =	stream.linear.gather [hbm4b:s16+s2], $0x400, $0x38;
	[tilespmem:$0x19600] =	vst v63  }
0x38: {  	_ =	swait.ge [sflag:s11], $0x400  }
0x39: {  	[sflag:s11] =	ssyncset.done $0x0  }
0x3a: {  	s16 =	simm.s32 $0x19000;
	[sflag:s11] =	ssyncadd.s32 $0xFFFFFC00  }
0x3b: {  	s15 =	simm.s32 $0x0;
	s18 =	simm.s32 $0x10;
	s17 =	simm.s32 $0x0;
	v1 =	vld [tilespmem:s16+$0x0]  }
.LBB2_10:
0x3c: {  	p0 =	sne.s32 s18, $0x3E0;
	_ =	sdelay $0x3  }
0x3d: {  	v1 =	vmul.f32 $1.442695020e+00, v1;
	_ =	sdelay $0x1  }
0x3e: {  	(erf) = vpow2.f32 v1;
	_ =	sdelay $0x8  }
0x3f: {  	v1 =	vpop (erf)  }
0x40: {  	v1 =	vadd.f32 $1.000000000e+00, v1;
	_ =	sdelay $0x1  }
0x41: {  	(erf) = vrcp.f32 v1;
	_ =	sdelay $0x7  }
.Ltmp6:
0x42: {  	v0 =	vmov s17;
	s17 =	smov.u32 s18;
	(pc) =	sbr.rel @p0 .LBB2_10-.Ltmp6, $4  }
0x43: {  	vm0 =	veq.s32 v0, v35;
	v1 =	vpop (erf)  }
0x44: {  	v1 =	vsel vm0, $0x3F800000, v1  }
0x45: {  	[tilespmem:s16+$0x0] =	vst v1;
	s16 =	sadd.s32 $0x10, s16  }
0x46: {  	s18 =	sadd.s32 $0x10, s18;
	v1 =	vld [tilespmem:s16+$0x0]  }
0x47: {  	_ =	sdelay $0x3  }
0x48: {  	v1 =	vmul.f32 $1.442695020e+00, v1;
	_ =	sdelay $0x1  }
0x49: {  	(erf) = vpow2.f32 v1;
	_ =	sdelay $0x8  }
0x4a: {  	v1 =	vpop (erf)  }
0x4b: {  	v1 =	vadd.f32 $1.000000000e+00, v1;
	_ =	sdelay $0x1  }
0x4c: {  	(erf) = vrcp.f32 v1;
	_ =	sdelay $0x6  }
.Ltmp7:
0x4d: {  	_ = 	snop;
	(pc) =	sbr.rel .LBB2_12-.Ltmp7, $4  }
0x4e: {  	v62 =	vmov s17  }
0x4f: {  	vm0 =	veq.s32 v62, v35;
	v63 =	vpop (erf)  }
0x50: {  	v1 =	vsel vm0, $0x3F800000, v63  }
0x51: {  	s17 =	simm.s32 $0x0;
	s18 =	simm.s32 $0x0;
	[tilespmem:s16+$0x0] =	vst v1;
	s16 =	simm.s32 $0x19400  }
.LBB2_20:
0x52: {  	s19 =	simm.s32 $0x4  }
.LBB2_21:
0x53: {  	_ =	swait.ge [sflag:s19], $0x6400  }
0x54: {  	[sflag:s19] =	ssyncset.done $0x0  }
0x55: {  	[sflag:s19] =	ssyncadd.s32 $0xFFFF9C00  }
.LBB2_22:
0x56: {  	s20 =	sand.u32 $0x60, s15;
	s21 =	sand.u32 $0xC00, s17  }
0x57: {  	s22 =	sor.u32 s20, s21  }
0x58: {  	v1 =	vld [tilespmem:s22+$0x0]  }
0x59: {  	v3 =	vld [tilespmem:s22+$0x80]  }
0x5a: {  	v5 =	vld [tilespmem:s22+$0x100]  }
0x5b: {  	v7 =	vld [tilespmem:s22+$0x180]  }
0x5c: {  	v51 =	vld [tilespmem:s22+$0x200]  }
0x5d: {  	v53 =	vld [tilespmem:s22+$0x280]  }
0x5e: {  	s19 =	sor.u32 $0x10, s20;
	v55 =	vld [tilespmem:s22+$0x300]  }
0x5f: {  	s23 =	sor.u32 s19, s21;
	v8 =	vld [tilespmem:s22+$0x380]  }
0x60: {  	v2 =	vld [tilespmem:s23+$0x0]  }
0x61: {  	v4 =	vld [tilespmem:s23+$0x80]  }
0x62: {  	v6 =	vld [tilespmem:s23+$0x100]  }
0x63: {  	v50 =	vld [tilespmem:s23+$0x180]  }
0x64: {  	v52 =	vld [tilespmem:s23+$0x200]  }
0x65: {  	v54 =	vld [tilespmem:s23+$0x280]  }
0x66: {  	s29 =	sor.u32 $0x1000, s21;
	v56 =	vld [tilespmem:s23+$0x300]  }
0x67: {  	s30 =	sor.u32 s20, s29;
	v57 =	vld [tilespmem:s23+$0x380]  }
0x68: {  	s31 =	sor.u32 $0x1080, s21;
	s22 =	sor.u32 s19, s29;
	v58 =	vld [tilespmem:s30+$0x0]  }
0x69: {  	s24 =	sor.u32 s20, s31;
	v59 =	vld [tilespmem:s22+$0x0]  }
0x6a: {  	s26 =	sor.u32 $0x1100, s21;
	s25 =	sor.u32 s19, s31;
	v60 =	vld [tilespmem:s24+$0x0]  }
0x6b: {  	s28 =	sor.u32 s20, s26;
	v61 =	vld [tilespmem:s25+$0x0]  }
0x6c: {  	s29 =	sor.u32 s19, s26;
	v62 =	vld [tilespmem:s28+$0x0];
	s30 =	sor.u32 $0x1180, s21  }
0x6d: {  	v63 =	vld [tilespmem:s29+$0x0];
	s31 =	sor.u32 s20, s30  }
0x6e: {  	s24 =	sor.u32 $0x1200, s21;
	s23 =	sor.u32 s19, s30;
	v15 =	vld [tilespmem:s31+$0x0]  }
0x6f: {  	s25 =	sor.u32 s20, s24;
	v33 =	vld [tilespmem:s23+$0x0]  }
0x70: {  	s28 =	sor.u32 $0x1280, s21;
	s26 =	sor.u32 s19, s24;
	v34 =	vld [tilespmem:s25+$0x0]  }
0x71: {  	s29 =	sor.u32 s20, s28;
	v42 =	vld [tilespmem:s26+$0x0]  }
0x72: {  	s30 =	sor.u32 s19, s28;
	v43 =	vld [tilespmem:s29+$0x0];
	s31 =	sor.u32 $0x1300, s21  }
0x73: {  	v44 =	vld [tilespmem:s30+$0x0];
	s24 =	sor.u32 s20, s31  }
0x74: {  	s26 =	sor.u32 $0x1380, s21;
	s25 =	sor.u32 s19, s31;
	v45 =	vld [tilespmem:s24+$0x0]  }
0x75: {  	s28 =	sor.u32 s20, s26;
	v46 =	vld [tilespmem:s25+$0x0]  }
0x76: {  	s30 =	sor.u32 $0x2000, s21;
	s29 =	sor.u32 s19, s26;
	v47 =	vld [tilespmem:s28+$0x0]  }
0x77: {  	s31 =	sor.u32 s20, s30;
	v48 =	vld [tilespmem:s29+$0x0]  }
0x78: {  	v49 =	vld [tilespmem:s31+$0x0]  }
0x79: {  	v11 =	vld.idx.msk [tilespmem:v1+s10+$0x0], $0xffff  }
0x7a: {  	v9 =	vld.idx.msk [tilespmem:v3+s10+$0x0], $0xffff  }
0x7b: {  	v12 =	vld.idx.msk [tilespmem:v5+s10+$0x0], $0xffff  }
0x7c: {  	v0 =	vld.idx.msk [tilespmem:v7+s10+$0x0], $0xffff  }
0x7d: {  	v17 =	vld.idx.msk [tilespmem:v51+s10+$0x0], $0xffff  }
0x7e: {  	v18 =	vld.idx.msk [tilespmem:v53+s10+$0x0], $0xffff  }
0x7f: {  	s24 =	sor.u32 $0x2080, s21;
	v19 =	vld.idx.msk [tilespmem:v55+s10+$0x0], $0xffff  }
0x80: {  	s28 =	sor.u32 $0x2100, s21;
	s25 =	sor.u32 s20, s24;
	v20 =	vld.idx.msk [tilespmem:v8+s10+$0x0], $0xffff  }
0x81: {  	s31 =	sor.u32 $0x2180, s21;
	s29 =	sor.u32 s20, s28;
	v51 =	vld [tilespmem:s25+$0x0]  }
0x82: {  	s26 =	sor.u32 s19, s24;
	s24 =	sor.u32 s20, s31;
	v53 =	vld [tilespmem:s29+$0x0]  }
0x83: {  	v55 =	vld [tilespmem:s24+$0x0]  }
0x84: {  	v14 =	vld.idx.msk [tilespmem:v2+s10+$0x0], $0xffff  }
0x85: {  	v10 =	vld.idx.msk [tilespmem:v4+s10+$0x0], $0xffff  }
0x86: {  	v13 =	vld.idx.msk [tilespmem:v6+s10+$0x0], $0xffff  }
0x87: {  	v16 =	vld.idx.msk [tilespmem:v50+s10+$0x0], $0xffff  }
0x88: {  	v23 =	vld.idx.msk [tilespmem:v52+s10+$0x0], $0xffff  }
0x89: {  	v22 =	vld.idx.msk [tilespmem:v54+s10+$0x0], $0xffff  }
0x8a: {  	v21 =	vld.idx.msk [tilespmem:v56+s10+$0x0], $0xffff  }
0x8b: {  	v24 =	vld.idx.msk [tilespmem:v57+s10+$0x0], $0xffff  }
0x8c: {  	v29 =	vld.idx.msk [tilespmem:v58+s10+$0x0], $0xffff  }
0x8d: {  	v30 =	vld.idx.msk [tilespmem:v59+s10+$0x0], $0xffff  }
0x8e: {  	v27 =	vld.idx.msk [tilespmem:v60+s10+$0x0], $0xffff  }
0x8f: {  	v28 =	vld.idx.msk [tilespmem:v61+s10+$0x0], $0xffff  }
0x90: {  	v25 =	vld.idx.msk [tilespmem:v62+s10+$0x0], $0xffff  }
0x91: {  	s23 =	sor.u32 s19, s30;
	v26 =	vld.idx.msk [tilespmem:v63+s10+$0x0], $0xffff  }
0x92: {  	v50 =	vld [tilespmem:s23+$0x0]  }
0x93: {  	s30 =	sor.u32 s19, s28;
	v52 =	vld [tilespmem:s26+$0x0]  }
0x94: {  	s25 =	sor.u32 s19, s31;
	s24 =	sor.u32 $0x2300, s21;
	v54 =	vld [tilespmem:s30+$0x0]  }
0x95: {  	v56 =	vld [tilespmem:s25+$0x0];
	s25 =	sor.u32 s20, s24  }
0x96: {  	v61 =	vld [tilespmem:s25+$0x0]  }
0x97: {  	v39 =	vld.idx.msk [tilespmem:v33+s10+$0x0], $0xffff  }
0x98: {  	v37 =	vld.idx.msk [tilespmem:v34+s10+$0x0], $0xffff  }
0x99: {  	v38 =	vld.idx.msk [tilespmem:v42+s10+$0x0], $0xffff  }
0x9a: {  	s26 =	sor.u32 $0x2200, s21;
	v34 =	vld.idx.msk [tilespmem:v43+s10+$0x0], $0xffff  }
0x9b: {  	s28 =	sor.u32 s20, s26;
	v36 =	vld.idx.msk [tilespmem:v44+s10+$0x0], $0xffff  }
0x9c: {  	s30 =	sor.u32 $0x2280, s21;
	s29 =	sor.u32 s19, s26;
	v57 =	vld [tilespmem:s28+$0x0]  }
0x9d: {  	s31 =	sor.u32 s20, s30;
	v58 =	vld [tilespmem:s29+$0x0]  }
0x9e: {  	s23 =	sor.u32 s19, s30;
	v59 =	vld [tilespmem:s31+$0x0]  }
0x9f: {  	s26 =	sor.u32 s19, s24;
	v60 =	vld [tilespmem:s23+$0x0]  }
0xa0: {  	v62 =	vld [tilespmem:s26+$0x0]  }
0xa1: {  	s28 =	sor.u32 $0x2380, s21;
	v32 =	vld.idx.msk [tilespmem:v45+s10+$0x0], $0xffff  }
0xa2: {  	s29 =	sor.u32 s20, s28;
	v33 =	vld.idx.msk [tilespmem:v46+s10+$0x0], $0xffff  }
0xa3: {  	v63 =	vld [tilespmem:s29+$0x0]  }
0xa4: {  	s31 =	sor.u32 $0x3000, s21;
	v41 =	vld.idx.msk [tilespmem:v53+s10+$0x0], $0xffff  }
0xa5: {  	s26 =	sor.u32 $0x3080, s21;
	s24 =	sor.u32 s20, s31;
	v53 =	vld.idx.msk [tilespmem:v57+s10+$0x0], $0xffff  }
0xa6: {  	s29 =	sor.u32 s19, s26;
	v57 =	vld [tilespmem:s24+$0x0];
	s24 =	sor.u32 $0x3180, s21  }
0xa7: {  	s30 =	sor.u32 s19, s28;
	s28 =	sor.u32 s20, s26;
	v5 =	vld [tilespmem:s29+$0x0];
	s26 =	sor.u32 s19, s24  }
0xa8: {  	v1 =	vld [tilespmem:s26+$0x0]  }
0xa9: {  	v43 =	vld.idx.msk [tilespmem:v51+s10+$0x0], $0xffff  }
0xaa: {  	v51 =	vld.idx.msk [tilespmem:v59+s10+$0x0], $0xffff  }
0xab: {  	v59 =	vld [tilespmem:s28+$0x0];
	s28 =	sor.u32 $0x3200, s21  }
0xac: {  	v40 =	vld.idx.msk [tilespmem:v55+s10+$0x0], $0xffff;
	s29 =	sor.u32 s20, s28  }
0xad: {  	v2 =	vld [tilespmem:s29+$0x0]  }
0xae: {  	v55 =	vld.idx.msk [tilespmem:v56+s10+$0x0], $0xffff  }
0xaf: {  	v56 =	vld [tilespmem:s30+$0x0]  }
0xb0: {  	s25 =	sor.u32 s19, s31;
	s30 =	sor.u32 $0x3100, s21;
	v1 =	vld.idx.msk [tilespmem:v1+s10+$0x0], $0xffff  }
0xb1: {  	v31 =	vld.idx.msk [tilespmem:v47+s10+$0x0], $0xffff;
	s31 =	sor.u32 s20, s30;
	s23 =	sor.u32 s19, s30;
	s30 =	sor.u32 s19, s28  }
0xb2: {  	v3 =	vld [tilespmem:s30+$0x0]  }
0xb3: {  	v47 =	vld.idx.msk [tilespmem:v48+s10+$0x0], $0xffff  }
0xb4: {  	v45 =	vld.idx.msk [tilespmem:v49+s10+$0x0], $0xffff  }
0xb5: {  	[tilespmem:$0x1EE40] =	vst v1;
	v1 =	vld.idx.msk [tilespmem:v2+s10+$0x0], $0xffff  }
0xb6: {  	v46 =	vld.idx.msk [tilespmem:v50+s10+$0x0], $0xffff  }
0xb7: {  	v44 =	vld.idx.msk [tilespmem:v52+s10+$0x0], $0xffff  }
0xb8: {  	v42 =	vld.idx.msk [tilespmem:v54+s10+$0x0], $0xffff  }
0xb9: {  	v54 =	vld.idx.msk [tilespmem:v58+s10+$0x0], $0xffff  }
0xba: {  	[tilespmem:$0x1EE50] =	vst v1;
	v1 =	vld.idx.msk [tilespmem:v3+s10+$0x0], $0xffff  }
0xbb: {  	v52 =	vld.idx.msk [tilespmem:v60+s10+$0x0], $0xffff  }
0xbc: {  	v6 =	vld [tilespmem:s31+$0x0];
	s31 =	sor.u32 $0x3280, s21  }
0xbd: {  	v58 =	vld [tilespmem:s25+$0x0];
	s25 =	sor.u32 s20, s24;
	s24 =	sor.u32 s20, s31;
	s30 =	sor.u32 $0x3380, s21  }
0xbe: {  	v4 =	vld [tilespmem:s24+$0x0];
	s24 =	sor.u32 s19, s30  }
0xbf: {  	[tilespmem:$0x1EE60] =	vst v1;
	v1 =	vld [tilespmem:s24+$0x0]  }
0xc0: {  	v8 =	vld [tilespmem:s25+$0x0]  }
0xc1: {  	s25 =	sor.u32 s19, s31;
	v60 =	vld.idx.msk [tilespmem:v5+s10+$0x0], $0xffff  }
0xc2: {  	s26 =	sor.u32 $0x3300, s21;
	v5 =	vld [tilespmem:s25+$0x0];
	s25 =	sor.u32 $0x4000, s21  }
0xc3: {  	v49 =	vld.idx.msk [tilespmem:v61+s10+$0x0], $0xffff;
	s28 =	sor.u32 s20, s26;
	s29 =	sor.u32 s19, s26;
	s26 =	sor.u32 s20, s25  }
0xc4: {  	v2 =	vld [tilespmem:s26+$0x0]  }
0xc5: {  	v50 =	vld.idx.msk [tilespmem:v62+s10+$0x0], $0xffff  }
0xc6: {  	v7 =	vld [tilespmem:s23+$0x0]  }
0xc7: {  	v1 =	vld.idx.msk [tilespmem:v1+s10+$0x0], $0xffff  }
0xc8: {  	s23 =	sor.u32 s19, s25;
	v61 =	vld.idx.msk [tilespmem:v57+s10+$0x0], $0xffff  }
0xc9: {  	v3 =	vld [tilespmem:s23+$0x0]  }
0xca: {  	v57 =	vld.idx.msk [tilespmem:v6+s10+$0x0], $0xffff  }
0xcb: {  	v6 =	vld [tilespmem:s28+$0x0]  }
0xcc: {  	[tilespmem:$0x1EEC0] =	vst v1;
	v1 =	vld.idx.msk [tilespmem:v2+s10+$0x0], $0xffff  }
0xcd: {  	v62 =	vld.idx.msk [tilespmem:v58+s10+$0x0], $0xffff  }
0xce: {  	v58 =	vld.idx.msk [tilespmem:v7+s10+$0x0], $0xffff  }
0xcf: {  	v7 =	vld [tilespmem:s29+$0x0]  }
0xd0: {  	v5 =	vld.idx.msk [tilespmem:v5+s10+$0x0], $0xffff  }
0xd1: {  	[tilespmem:$0x1EED0] =	vst v1;
	v1 =	vld.idx.msk [tilespmem:v3+s10+$0x0], $0xffff  }
0xd2: {  	v48 =	vld.idx.msk [tilespmem:v63+s10+$0x0], $0xffff  }
0xd3: {  	v63 =	vld.idx.msk [tilespmem:v56+s10+$0x0], $0xffff;
	s24 =	sor.u32 $0x4080, s21  }
0xd4: {  	s26 =	sor.u32 $0x4180, s21;
	v6 =	vld.idx.msk [tilespmem:v6+s10+$0x0], $0xffff;
	s29 =	sor.u32 s19, s24  }
0xd5: {  	[tilespmem:$0x1EE80] =	vst v5;
	v5 =	vld [tilespmem:s29+$0x0];
	s29 =	sor.u32 s19, s26  }
0xd6: {  	[tilespmem:$0x1EEE0] =	vst v1;
	v1 =	vld [tilespmem:s29+$0x0]  }
0xd7: {  	s31 =	sor.u32 s20, s30;
	v56 =	vld.idx.msk [tilespmem:v8+s10+$0x0], $0xffff  }
0xd8: {  	s30 =	sor.u32 $0x4100, s21;
	v8 =	vld [tilespmem:s31+$0x0]  }
0xd9: {  	s25 =	sor.u32 s19, s30;
	s31 =	sor.u32 s20, s30;
	s30 =	sor.u32 $0x4200, s21;
	v7 =	vld.idx.msk [tilespmem:v7+s10+$0x0], $0xffff  }
0xda: {  	[tilespmem:$0x1EE90] =	vst v6;
	v6 =	vld [tilespmem:s31+$0x0];
	s31 =	sor.u32 s20, s30  }
0xdb: {  	v2 =	vld [tilespmem:s31+$0x0];
	_ =	sdelay $0x2  }
0xdc: {  	v1 =	vld.idx.msk [tilespmem:v1+s10+$0x0], $0xffff  }
0xdd: {  	[tilespmem:$0x1EEA0] =	vst v7;
	v7 =	vld [tilespmem:s25+$0x0];
	s25 =	sor.u32 s19, s30  }
0xde: {  	v3 =	vld [tilespmem:s25+$0x0];
	_ =	sdelay $0x2  }
0xdf: {  	[tilespmem:$0x1EF40] =	vst v1;
	v1 =	vld.idx.msk [tilespmem:v2+s10+$0x0], $0xffff  }
0xe0: {  	v4 =	vld.idx.msk [tilespmem:v4+s10+$0x0], $0xffff  }
0xe1: {  	v8 =	vld.idx.msk [tilespmem:v8+s10+$0x0], $0xffff;
	_ =	sdelay $0x1  }
0xe2: {  	v5 =	vld.idx.msk [tilespmem:v5+s10+$0x0], $0xffff  }
0xe3: {  	s28 =	sor.u32 s20, s24;
	[tilespmem:$0x1EF50] =	vst v1;
	v1 =	vld.idx.msk [tilespmem:v3+s10+$0x0], $0xffff  }
0xe4: {  	[tilespmem:$0x1EE70] =	vst v4;
	v4 =	vld [tilespmem:s28+$0x0];
	s28 =	sor.u32 s20, s26  }
0xe5: {  	[tilespmem:$0x1EEB0] =	vst v8;
	s26 =	sor.u32 $0x4280, s21;
	v8 =	vld [tilespmem:s28+$0x0]  }
0xe6: {  	s28 =	sor.u32 s20, s26;
	v6 =	vld.idx.msk [tilespmem:v6+s10+$0x0], $0xffff;
	s29 =	sor.u32 s19, s26;
	s26 =	sor.u32 $0x4380, s21  }
0xe7: {  	[tilespmem:$0x1EF00] =	vst v5;
	v5 =	vld [tilespmem:s29+$0x0];
	s29 =	sor.u32 s19, s26  }
0xe8: {  	[tilespmem:$0x1EF60] =	vst v1;
	v1 =	vld [tilespmem:s29+$0x0];
	_ =	sdelay $0x1  }
0xe9: {  	s30 =	sor.u32 $0x4300, s21  }
0xea: {  	v7 =	vld.idx.msk [tilespmem:v7+s10+$0x0], $0xffff;
	s31 =	sor.u32 s20, s30;
	s25 =	sor.u32 s19, s30;
	s30 =	sor.u32 $0x5000, s21  }
0xeb: {  	[tilespmem:$0x1EF10] =	vst v6;
	v6 =	vld [tilespmem:s31+$0x0];
	s31 =	sor.u32 s20, s30  }
0xec: {  	v2 =	vld [tilespmem:s31+$0x0];
	_ =	sdelay $0x2  }
0xed: {  	v1 =	vld.idx.msk [tilespmem:v1+s10+$0x0], $0xffff  }
0xee: {  	[tilespmem:$0x1EF20] =	vst v7;
	v7 =	vld [tilespmem:s25+$0x0];
	s25 =	sor.u32 s19, s30  }
0xef: {  	v3 =	vld [tilespmem:s25+$0x0];
	_ =	sdelay $0x2  }
0xf0: {  	[tilespmem:$0x1EFC0] =	vst v1;
	v1 =	vld.idx.msk [tilespmem:v2+s10+$0x0], $0xffff  }
0xf1: {  	v4 =	vld.idx.msk [tilespmem:v4+s10+$0x0], $0xffff;
	_ =	sdelay $0x1  }
0xf2: {  	v8 =	vld.idx.msk [tilespmem:v8+s10+$0x0], $0xffff  }
0xf3: {  	v5 =	vld.idx.msk [tilespmem:v5+s10+$0x0], $0xffff  }
0xf4: {  	[tilespmem:$0x1EFD0] =	vst v1;
	v1 =	vld.idx.msk [tilespmem:v3+s10+$0x0], $0xffff  }
0xf5: {  	[tilespmem:$0x1EEF0] =	vst v4;
	v4 =	vld [tilespmem:s28+$0x0]  }
0xf6: {  	v6 =	vld.idx.msk [tilespmem:v6+s10+$0x0], $0xffff;
	s28 =	sor.u32 s20, s26;
	s26 =	sor.u32 $0x5080, s21  }
0xf7: {  	[tilespmem:$0x1EF30] =	vst v8;
	v8 =	vld [tilespmem:s28+$0x0];
	s28 =	sor.u32 s20, s26;
	s29 =	sor.u32 s19, s26;
	s26 =	sor.u32 $0x5180, s21  }
0xf8: {  	[tilespmem:$0x1EF80] =	vst v5;
	v5 =	vld [tilespmem:s29+$0x0];
	s29 =	sor.u32 s19, s26  }
0xf9: {  	[tilespmem:$0x1EFE0] =	vst v1;
	v1 =	vld [tilespmem:s29+$0x0];
	_ =	sdelay $0x1  }
0xfa: {  	s30 =	sor.u32 $0x5100, s21  }
0xfb: {  	v7 =	vld.idx.msk [tilespmem:v7+s10+$0x0], $0xffff;
	s31 =	sor.u32 s20, s30;
	s25 =	sor.u32 s19, s30;
	s30 =	sor.u32 $0x5200, s21  }
0xfc: {  	[tilespmem:$0x1EF90] =	vst v6;
	v6 =	vld [tilespmem:s31+$0x0];
	s31 =	sor.u32 s20, s30  }
0xfd: {  	v2 =	vld [tilespmem:s31+$0x0];
	_ =	sdelay $0x2  }
0xfe: {  	v1 =	vld.idx.msk [tilespmem:v1+s10+$0x0], $0xffff  }
0xff: {  	[tilespmem:$0x1EFA0] =	vst v7;
	v7 =	vld [tilespmem:s25+$0x0];
	s25 =	sor.u32 s19, s30  }
0x100: {  	v3 =	vld [tilespmem:s25+$0x0];
	_ =	sdelay $0x2  }
0x101: {  	[tilespmem:$0x1F040] =	vst v1;
	v1 =	vld.idx.msk [tilespmem:v2+s10+$0x0], $0xffff  }
0x102: {  	v4 =	vld.idx.msk [tilespmem:v4+s10+$0x0], $0xffff;
	_ =	sdelay $0x1  }
0x103: {  	v8 =	vld.idx.msk [tilespmem:v8+s10+$0x0], $0xffff  }
0x104: {  	v5 =	vld.idx.msk [tilespmem:v5+s10+$0x0], $0xffff  }
0x105: {  	[tilespmem:$0x1F050] =	vst v1;
	v1 =	vld.idx.msk [tilespmem:v3+s10+$0x0], $0xffff  }
0x106: {  	[tilespmem:$0x1EF70] =	vst v4;
	v4 =	vld [tilespmem:s28+$0x0]  }
0x107: {  	v6 =	vld.idx.msk [tilespmem:v6+s10+$0x0], $0xffff;
	s28 =	sor.u32 s20, s26;
	s26 =	sor.u32 $0x5280, s21  }
0x108: {  	[tilespmem:$0x1EFB0] =	vst v8;
	v8 =	vld [tilespmem:s28+$0x0];
	s28 =	sor.u32 s20, s26;
	s29 =	sor.u32 s19, s26;
	s26 =	sor.u32 $0x5380, s21  }
0x109: {  	[tilespmem:$0x1F000] =	vst v5;
	v5 =	vld [tilespmem:s29+$0x0];
	s29 =	sor.u32 s19, s26  }
0x10a: {  	[tilespmem:$0x1F060] =	vst v1;
	v1 =	vld [tilespmem:s29+$0x0];
	_ =	sdelay $0x1  }
0x10b: {  	s30 =	sor.u32 $0x5300, s21  }
0x10c: {  	v7 =	vld.idx.msk [tilespmem:v7+s10+$0x0], $0xffff;
	s31 =	sor.u32 s20, s30;
	s25 =	sor.u32 s19, s30;
	s30 =	sor.u32 $0x6000, s21  }
0x10d: {  	[tilespmem:$0x1F010] =	vst v6;
	v6 =	vld [tilespmem:s31+$0x0];
	s31 =	sor.u32 s20, s30  }
0x10e: {  	v2 =	vld [tilespmem:s31+$0x0];
	_ =	sdelay $0x2  }
0x10f: {  	v1 =	vld.idx.msk [tilespmem:v1+s10+$0x0], $0xffff  }
0x110: {  	[tilespmem:$0x1F020] =	vst v7;
	v7 =	vld [tilespmem:s25+$0x0];
	s25 =	sor.u32 s19, s30  }
0x111: {  	v3 =	vld [tilespmem:s25+$0x0];
	_ =	sdelay $0x2  }
0x112: {  	[tilespmem:$0x1F0C0] =	vst v1;
	v1 =	vld.idx.msk [tilespmem:v2+s10+$0x0], $0xffff  }
0x113: {  	v4 =	vld.idx.msk [tilespmem:v4+s10+$0x0], $0xffff;
	_ =	sdelay $0x1  }
0x114: {  	v8 =	vld.idx.msk [tilespmem:v8+s10+$0x0], $0xffff  }
0x115: {  	v5 =	vld.idx.msk [tilespmem:v5+s10+$0x0], $0xffff  }
0x116: {  	[tilespmem:$0x1F0D0] =	vst v1;
	v1 =	vld.idx.msk [tilespmem:v3+s10+$0x0], $0xffff  }
0x117: {  	[tilespmem:$0x1EFF0] =	vst v4;
	v4 =	vld [tilespmem:s28+$0x0]  }
0x118: {  	v6 =	vld.idx.msk [tilespmem:v6+s10+$0x0], $0xffff;
	s28 =	sor.u32 s20, s26;
	s26 =	sor.u32 $0x6080, s21  }
0x119: {  	[tilespmem:$0x1F030] =	vst v8;
	v8 =	vld [tilespmem:s28+$0x0];
	s28 =	sor.u32 s20, s26;
	s29 =	sor.u32 s19, s26;
	s26 =	sor.u32 $0x6180, s21  }
0x11a: {  	[tilespmem:$0x1F080] =	vst v5;
	v5 =	vld [tilespmem:s29+$0x0];
	s29 =	sor.u32 s19, s26  }
0x11b: {  	[tilespmem:$0x1F0E0] =	vst v1;
	v1 =	vld [tilespmem:s29+$0x0];
	_ =	sdelay $0x1  }
0x11c: {  	s30 =	sor.u32 $0x6100, s21  }
0x11d: {  	v7 =	vld.idx.msk [tilespmem:v7+s10+$0x0], $0xffff;
	s31 =	sor.u32 s20, s30;
	s25 =	sor.u32 s19, s30;
	s30 =	sor.u32 $0x6200, s21  }
0x11e: {  	[tilespmem:$0x1F090] =	vst v6;
	v6 =	vld [tilespmem:s31+$0x0];
	s31 =	sor.u32 s20, s30  }
0x11f: {  	v2 =	vld [tilespmem:s31+$0x0];
	_ =	sdelay $0x2  }
0x120: {  	v1 =	vld.idx.msk [tilespmem:v1+s10+$0x0], $0xffff  }
0x121: {  	[tilespmem:$0x1F0A0] =	vst v7;
	v7 =	vld [tilespmem:s25+$0x0];
	s25 =	sor.u32 s19, s30  }
0x122: {  	v3 =	vld [tilespmem:s25+$0x0];
	_ =	sdelay $0x2  }
0x123: {  	[tilespmem:$0x1F140] =	vst v1;
	v1 =	vld.idx.msk [tilespmem:v2+s10+$0x0], $0xffff  }
0x124: {  	v4 =	vld.idx.msk [tilespmem:v4+s10+$0x0], $0xffff;
	_ =	sdelay $0x1  }
0x125: {  	v8 =	vld.idx.msk [tilespmem:v8+s10+$0x0], $0xffff  }
0x126: {  	v5 =	vld.idx.msk [tilespmem:v5+s10+$0x0], $0xffff  }
0x127: {  	[tilespmem:$0x1F150] =	vst v1;
	v1 =	vld.idx.msk [tilespmem:v3+s10+$0x0], $0xffff  }
0x128: {  	[tilespmem:$0x1F070] =	vst v4;
	v4 =	vld [tilespmem:s28+$0x0]  }
0x129: {  	v6 =	vld.idx.msk [tilespmem:v6+s10+$0x0], $0xffff;
	s28 =	sor.u32 s20, s26;
	s26 =	sor.u32 $0x6280, s21  }
0x12a: {  	[tilespmem:$0x1F0B0] =	vst v8;
	v8 =	vld [tilespmem:s28+$0x0];
	s28 =	sor.u32 s20, s26;
	s29 =	sor.u32 s19, s26;
	s26 =	sor.u32 $0x6380, s21  }
0x12b: {  	[tilespmem:$0x1F100] =	vst v5;
	v5 =	vld [tilespmem:s29+$0x0];
	s29 =	sor.u32 s19, s26  }
0x12c: {  	[tilespmem:$0x1F160] =	vst v1;
	v1 =	vld [tilespmem:s29+$0x0];
	_ =	sdelay $0x1  }
0x12d: {  	s30 =	sor.u32 $0x6300, s21  }
0x12e: {  	v7 =	vld.idx.msk [tilespmem:v7+s10+$0x0], $0xffff;
	s31 =	sor.u32 s20, s30;
	s25 =	sor.u32 s19, s30;
	s30 =	sor.u32 $0x7000, s21  }
0x12f: {  	[tilespmem:$0x1F110] =	vst v6;
	v6 =	vld [tilespmem:s31+$0x0];
	s31 =	sor.u32 s20, s30  }
0x130: {  	v2 =	vld [tilespmem:s31+$0x0];
	_ =	sdelay $0x1  }
0x131: {  	v4 =	vld.idx.msk [tilespmem:v4+s10+$0x0], $0xffff  }
0x132: {  	v1 =	vld.idx.msk [tilespmem:v1+s10+$0x0], $0xffff  }
0x133: {  	[tilespmem:$0x1F120] =	vst v7;
	v7 =	vld [tilespmem:s25+$0x0];
	s25 =	sor.u32 s19, s30  }
0x134: {  	v3 =	vld [tilespmem:s25+$0x0];
	_ =	sdelay $0x2  }
0x135: {  	[tilespmem:$0x1F1C0] =	vst v1;
	v1 =	vld.idx.msk [tilespmem:v2+s10+$0x0], $0xffff;
	_ =	sdelay $0x1  }
0x136: {  	[tilespmem:$0x1F0F0] =	vst v4;
	v4 =	vld [tilespmem:s28+$0x0]  }
0x137: {  	v8 =	vld.idx.msk [tilespmem:v8+s10+$0x0], $0xffff  }
0x138: {  	v5 =	vld.idx.msk [tilespmem:v5+s10+$0x0], $0xffff  }
0x139: {  	[tilespmem:$0x1F1D0] =	vst v1;
	v1 =	vld.idx.msk [tilespmem:v3+s10+$0x0], $0xffff;
	_ =	sdelay $0x1  }
0x13a: {  	v6 =	vld.idx.msk [tilespmem:v6+s10+$0x0], $0xffff;
	s28 =	sor.u32 s20, s26;
	s26 =	sor.u32 $0x7080, s21  }
0x13b: {  	[tilespmem:$0x1F130] =	vst v8;
	v8 =	vld [tilespmem:s28+$0x0];
	s28 =	sor.u32 s20, s26;
	s29 =	sor.u32 s19, s26;
	s26 =	sor.u32 $0x7180, s21  }
0x13c: {  	[tilespmem:$0x1F180] =	vst v5;
	v5 =	vld [tilespmem:s29+$0x0];
	s29 =	sor.u32 s19, s26  }
0x13d: {  	[tilespmem:$0x1F1E0] =	vst v1;
	v1 =	vld [tilespmem:s29+$0x0];
	_ =	sdelay $0x1  }
0x13e: {  	v4 =	vld.idx.msk [tilespmem:v4+s10+$0x0], $0xffff;
	s30 =	sor.u32 $0x7100, s21  }
0x13f: {  	v7 =	vld.idx.msk [tilespmem:v7+s10+$0x0], $0xffff;
	s31 =	sor.u32 s20, s30;
	s25 =	sor.u32 s19, s30;
	s30 =	sor.u32 $0x7200, s21  }
0x140: {  	[tilespmem:$0x1F190] =	vst v6;
	v6 =	vld [tilespmem:s31+$0x0];
	s31 =	sor.u32 s20, s30  }
0x141: {  	v2 =	vld [tilespmem:s31+$0x0];
	_ =	sdelay $0x1  }
0x142: {  	[tilespmem:$0x1F170] =	vst v4;
	v4 =	vld [tilespmem:s28+$0x0]  }
0x143: {  	v1 =	vld.idx.msk [tilespmem:v1+s10+$0x0], $0xffff  }
0x144: {  	[tilespmem:$0x1F1A0] =	vst v7;
	v7 =	vld [tilespmem:s25+$0x0];
	s25 =	sor.u32 s19, s30  }
0x145: {  	v3 =	vld [tilespmem:s25+$0x0];
	_ =	sdelay $0x2  }
0x146: {  	[tilespmem:$0x1F240] =	vst v1;
	v1 =	vld.idx.msk [tilespmem:v2+s10+$0x0], $0xffff  }
0x147: {  	v8 =	vld.idx.msk [tilespmem:v8+s10+$0x0], $0xffff;
	_ =	sdelay $0x1  }
0x148: {  	v4 =	vld.idx.msk [tilespmem:v4+s10+$0x0], $0xffff  }
0x149: {  	v5 =	vld.idx.msk [tilespmem:v5+s10+$0x0], $0xffff  }
0x14a: {  	s28 =	sor.u32 s20, s26;
	[tilespmem:$0x1F250] =	vst v1;
	v1 =	vld.idx.msk [tilespmem:v3+s10+$0x0], $0xffff  }
0x14b: {  	[tilespmem:$0x1F1B0] =	vst v8;
	s26 =	sor.u32 $0x7280, s21;
	v8 =	vld [tilespmem:s28+$0x0]  }
0x14c: {  	v6 =	vld.idx.msk [tilespmem:v6+s10+$0x0], $0xffff;
	s28 =	sor.u32 s20, s26  }
0x14d: {  	[tilespmem:$0x1F1F0] =	vst v4;
	v4 =	vld [tilespmem:s28+$0x0];
	s29 =	sor.u32 s19, s26;
	s26 =	sor.u32 $0x7380, s21  }
0x14e: {  	[tilespmem:$0x1F200] =	vst v5;
	v5 =	vld [tilespmem:s29+$0x0];
	s29 =	sor.u32 s19, s26  }
0x14f: {  	[tilespmem:$0x1F260] =	vst v1;
	v1 =	vld [tilespmem:s29+$0x0]  }
0x150: {  	s30 =	sor.u32 $0x7300, s21  }
0x151: {  	v7 =	vld.idx.msk [tilespmem:v7+s10+$0x0], $0xffff;
	s31 =	sor.u32 s20, s30  }
0x152: {  	[tilespmem:$0x1F210] =	vst v6;
	v6 =	vld [tilespmem:s31+$0x0];
	s25 =	sor.u32 s19, s30;
	s30 =	sor.u32 $0x8000, s21  }
0x153: {  	v8 =	vld.idx.msk [tilespmem:v8+s10+$0x0], $0xffff;
	s31 =	sor.u32 s20, s30  }
0x154: {  	v2 =	vld [tilespmem:s31+$0x0]  }
0x155: {  	v4 =	vld.idx.msk [tilespmem:v4+s10+$0x0], $0xffff  }
0x156: {  	[tilespmem:$0x1F220] =	vst v7;
	v7 =	vld [tilespmem:s25+$0x0]  }
0x157: {  	s28 =	sor.u32 s20, s26;
	v1 =	vld.idx.msk [tilespmem:v1+s10+$0x0], $0xffff  }
0x158: {  	[tilespmem:$0x1F230] =	vst v8;
	s25 =	sor.u32 s19, s30;
	v8 =	vld [tilespmem:s28+$0x0]  }
0x159: {  	s26 =	sor.u32 $0x8080, s21;
	v3 =	vld [tilespmem:s25+$0x0]  }
0x15a: {  	v6 =	vld.idx.msk [tilespmem:v6+s10+$0x0], $0xffff;
	s28 =	sor.u32 s20, s26  }
0x15b: {  	[tilespmem:$0x1F270] =	vst v4;
	v4 =	vld [tilespmem:s28+$0x0]  }
0x15c: {  	[tilespmem:$0x1F2C0] =	vst v1;
	v1 =	vld.idx.msk [tilespmem:v2+s10+$0x0], $0xffff  }
0x15d: {  	s30 =	sor.u32 $0x8100, s21;
	v5 =	vld.idx.msk [tilespmem:v5+s10+$0x0], $0xffff  }
0x15e: {  	v7 =	vld.idx.msk [tilespmem:v7+s10+$0x0], $0xffff;
	s31 =	sor.u32 s20, s30  }
0x15f: {  	[tilespmem:$0x1F290] =	vst v6;
	v6 =	vld [tilespmem:s31+$0x0]  }
0x160: {  	v8 =	vld.idx.msk [tilespmem:v8+s10+$0x0], $0xffff  }
0x161: {  	s29 =	sor.u32 s19, s26;
	[tilespmem:$0x1F2D0] =	vst v1;
	v1 =	vld.idx.msk [tilespmem:v3+s10+$0x0], $0xffff  }
0x162: {  	[tilespmem:$0x1F280] =	vst v5;
	v5 =	vld [tilespmem:s29+$0x0]  }
0x163: {  	v4 =	vld.idx.msk [tilespmem:v4+s10+$0x0], $0xffff;
	s25 =	sor.u32 s19, s30  }
0x164: {  	[tilespmem:$0x1F2A0] =	vst v7;
	v7 =	vld [tilespmem:s25+$0x0];
	s26 =	sor.u32 $0x8180, s21  }
0x165: {  	s29 =	sor.u32 s19, s26  }
0x166: {  	[tilespmem:$0x1F2E0] =	vst v1;
	v1 =	vld [tilespmem:s29+$0x0]  }
0x167: {  	v6 =	vld.idx.msk [tilespmem:v6+s10+$0x0], $0xffff;
	s28 =	sor.u32 s20, s26;
	s26 =	sor.u32 $0x8280, s21  }
0x168: {  	[tilespmem:$0x1F2B0] =	vst v8;
	v8 =	vld [tilespmem:s28+$0x0];
	s28 =	sor.u32 s20, s26  }
0x169: {  	[tilespmem:$0x1F2F0] =	vst v4;
	s30 =	sor.u32 $0x8200, s21;
	v4 =	vld [tilespmem:s28+$0x0]  }
0x16a: {  	s31 =	sor.u32 s20, s30;
	v5 =	vld.idx.msk [tilespmem:v5+s10+$0x0], $0xffff  }
0x16b: {  	s25 =	sor.u32 s19, s30;
	s30 =	sor.u32 $0x8300, s21;
	v2 =	vld [tilespmem:s31+$0x0]  }
0x16c: {  	v7 =	vld.idx.msk [tilespmem:v7+s10+$0x0], $0xffff;
	s31 =	sor.u32 s20, s30  }
0x16d: {  	[tilespmem:$0x1F310] =	vst v6;
	v6 =	vld [tilespmem:s31+$0x0]  }
0x16e: {  	s29 =	sor.u32 s19, s26;
	v1 =	vld.idx.msk [tilespmem:v1+s10+$0x0], $0xffff  }
0x16f: {  	[tilespmem:$0x1F300] =	vst v5;
	v5 =	vld [tilespmem:s29+$0x0]  }
0x170: {  	v3 =	vld [tilespmem:s25+$0x0];
	_ =	sdelay $0x1  }
0x171: {  	v8 =	vld.idx.msk [tilespmem:v8+s10+$0x0], $0xffff  }
0x172: {  	[tilespmem:$0x1F340] =	vst v1;
	v1 =	vld.idx.msk [tilespmem:v2+s10+$0x0], $0xffff  }
0x173: {  	v4 =	vld.idx.msk [tilespmem:v4+s10+$0x0], $0xffff;
	s25 =	sor.u32 s19, s30  }
0x174: {  	[tilespmem:$0x1F320] =	vst v7;
	v7 =	vld [tilespmem:s25+$0x0]  }
0x175: {  	v6 =	vld.idx.msk [tilespmem:v6+s10+$0x0], $0xffff  }
0x176: {  	s26 =	sor.u32 $0x8380, s21;
	v5 =	vld.idx.msk [tilespmem:v5+s10+$0x0], $0xffff  }
0x177: {  	s28 =	sor.u32 s20, s26;
	[tilespmem:$0x1F350] =	vst v1;
	v1 =	vld.idx.msk [tilespmem:v3+s10+$0x0], $0xffff  }
0x178: {  	[tilespmem:$0x1F330] =	vst v8;
	v8 =	vld [tilespmem:s28+$0x0]  }
0x179: {  	[tilespmem:$0x1F370] =	vst v4  }
0x17a: {  	[tilespmem:$0x1F390] =	vst v6  }
0x17b: {  	v15 =	vld.idx.msk [tilespmem:v15+s10+$0x0], $0xffff;
	[tilespmem:$0x1F380] =	vst v5  }
0x17c: {  	v59 =	vld.idx.msk [tilespmem:v59+s10+$0x0], $0xffff;
	[tilespmem:$0x1F360] =	vst v1  }
0x17d: {  	s29 =	sor.u32 s19, s26;
	s26 =	sor.u32 $0x9080, s21;
	v1 =	vld.idx.msk [tilespmem:v7+s10+$0x0], $0xffff  }
0x17e: {  	s28 =	sor.u32 s20, s26  }
0x17f: {  	s30 =	sor.u32 $0x9000, s21;
	v4 =	vld [tilespmem:s28+$0x0]  }
0x180: {  	s31 =	sor.u32 s20, s30;
	v8 =	vld.idx.msk [tilespmem:v8+s10+$0x0], $0xffff  }
0x181: {  	v2 =	vld [tilespmem:s31+$0x0]  }
0x182: {  	s25 =	sor.u32 s19, s30;
	[tilespmem:$0x1F3A0] =	vst v1;
	v1 =	vld [tilespmem:s29+$0x0]  }
0x183: {  	s30 =	sor.u32 $0x9100, s21;
	v3 =	vld [tilespmem:s25+$0x0];
	s29 =	sor.u32 s19, s26  }
0x184: {  	s31 =	sor.u32 s20, s30;
	v5 =	vld [tilespmem:s29+$0x0]  }
0x185: {  	s23 =	sor.u32 s19, s30;
	v6 =	vld [tilespmem:s31+$0x0]  }
0x186: {  	s25 =	sor.u32 $0x9180, s21;
	v7 =	vld [tilespmem:s23+$0x0]  }
0x187: {  	s26 =	sor.u32 s20, s25;
	v4 =	vld.idx.msk [tilespmem:v4+s10+$0x0], $0xffff  }
0x188: {  	[tilespmem:$0x1F3B0] =	vst v8;
	v8 =	vld [tilespmem:s26+$0x0];
	_ =	sdelay $0x1  }
0x189: {  	v1 =	vld.idx.msk [tilespmem:v1+s10+$0x0], $0xffff;
	_ =	sdelay $0x1  }
0x18a: {  	[tilespmem:$0x1F3F0] =	vst v4;
	v4 =	vld.idx.msk [tilespmem:v5+s10+$0x0], $0xffff  }
0x18b: {  	v5 =	vld.idx.msk [tilespmem:v6+s10+$0x0], $0xffff  }
0x18c: {  	v6 =	vld.idx.msk [tilespmem:v7+s10+$0x0], $0xffff  }
0x18d: {  	[tilespmem:$0x1F3C0] =	vst v1;
	v1 =	vld.idx.msk [tilespmem:v2+s10+$0x0], $0xffff  }
0x18e: {  	s28 =	sor.u32 s19, s25;
	v7 =	vld.idx.msk [tilespmem:v8+s10+$0x0], $0xffff  }
0x18f: {  	v8 =	vld [tilespmem:s28+$0x0];
	_ =	sdelay $0x2  }
0x190: {  	[tilespmem:$0x1F3D0] =	vst v1;
	v1 =	vld.idx.msk [tilespmem:v3+s10+$0x0], $0xffff;
	_ =	sdelay $0x4  }
0x191: {  	[tilespmem:$0x1F3E0] =	vst v1;
	v1 =	vld.idx.msk [tilespmem:v8+s10+$0x0], $0xffff;
	_ =	sdelay $0x2  }
0x192: {  	s29 =	sor.u32 $0x9200, s21  }
0x193: {  	s30 =	sor.u32 s20, s29  }
0x194: {  	[tilespmem:$0x1F440] =	vst v1;
	v1 =	vld [tilespmem:s30+$0x0];
	_ =	sdelay $0x3  }
0x195: {  	s22 =	sor.u32 s19, s29  }
0x196: {  	v2 =	vld [tilespmem:s22+$0x0];
	_ =	sdelay $0x2  }
0x197: {  	s31 =	sor.u32 $0x9280, s21;
	v1 =	vld.idx.msk [tilespmem:v1+s10+$0x0], $0xffff  }
0x198: {  	s25 =	sor.u32 s20, s31  }
0x199: {  	v3 =	vld [tilespmem:s25+$0x0];
	_ =	sdelay $0x2  }
0x19a: {  	[tilespmem:$0x1F450] =	vst v1;
	v1 =	vld.idx.msk [tilespmem:v2+s10+$0x0], $0xffff;
	_ =	sdelay $0x4  }
0x19b: {  	[tilespmem:$0x1F460] =	vst v1;
	v1 =	vld.idx.msk [tilespmem:v3+s10+$0x0], $0xffff;
	_ =	sdelay $0x1  }
0x19c: {  	s28 =	sor.u32 $0x9300, s21  }
0x19d: {  	s29 =	sor.u32 s20, s28;
	s30 =	sor.u32 s19, s28;
	s28 =	sor.u32 $0xA000, s21  }
0x19e: {  	[tilespmem:$0x1F410] =	vst v5;
	v5 =	vld [tilespmem:s29+$0x0];
	s29 =	sor.u32 s20, s28  }
0x19f: {  	[tilespmem:$0x1F470] =	vst v1;
	v1 =	vld [tilespmem:s29+$0x0];
	_ =	sdelay $0x3  }
0x1a0: {  	s22 =	sor.u32 s19, s28  }
0x1a1: {  	s26 =	sor.u32 s19, s31;
	v2 =	vld [tilespmem:s22+$0x0]  }
0x1a2: {  	[tilespmem:$0x1F400] =	vst v4;
	v4 =	vld [tilespmem:s26+$0x0]  }
0x1a3: {  	[tilespmem:$0x1F420] =	vst v6;
	v6 =	vld [tilespmem:s30+$0x0]  }
0x1a4: {  	s31 =	sor.u32 $0x9380, s21;
	s30 =	sor.u32 $0xA080, s21;
	v1 =	vld.idx.msk [tilespmem:v1+s10+$0x0], $0xffff  }
0x1a5: {  	s26 =	sor.u32 s19, s31;
	s25 =	sor.u32 s20, s31;
	s31 =	sor.u32 s20, s30  }
0x1a6: {  	v3 =	vld [tilespmem:s31+$0x0];
	_ =	sdelay $0x2  }
0x1a7: {  	[tilespmem:$0x1F4D0] =	vst v1;
	v1 =	vld.idx.msk [tilespmem:v2+s10+$0x0], $0xffff;
	_ =	sdelay $0x2  }
0x1a8: {  	v4 =	vld.idx.msk [tilespmem:v4+s10+$0x0], $0xffff;
	_ =	sdelay $0x1  }
0x1a9: {  	[tilespmem:$0x1F4E0] =	vst v1;
	v1 =	vld.idx.msk [tilespmem:v3+s10+$0x0], $0xffff;
	_ =	sdelay $0x1  }
0x1aa: {  	[tilespmem:$0x1F430] =	vst v7;
	v7 =	vld [tilespmem:s25+$0x0];
	s24 =	sor.u32 s19, s30  }
0x1ab: {  	s25 =	sor.u32 $0xA100, s21;
	[tilespmem:$0x1F480] =	vst v4;
	v4 =	vld [tilespmem:s24+$0x0];
	s24 =	sor.u32 $0xA200, s21  }
0x1ac: {  	v8 =	vld [tilespmem:s26+$0x0];
	s26 =	sor.u32 s20, s25;
	s28 =	sor.u32 s19, s25;
	s25 =	sor.u32 s20, s24  }
0x1ad: {  	[tilespmem:$0x1F4F0] =	vst v1;
	v1 =	vld [tilespmem:s25+$0x0];
	_ =	sdelay $0x1  }
0x1ae: {  	v5 =	vld.idx.msk [tilespmem:v5+s10+$0x0], $0xffff;
	_ =	sdelay $0x1  }
0x1af: {  	v6 =	vld.idx.msk [tilespmem:v6+s10+$0x0], $0xffff;
	s22 =	sor.u32 s19, s24  }
0x1b0: {  	v2 =	vld [tilespmem:s22+$0x0];
	_ =	sdelay $0x1  }
0x1b1: {  	[tilespmem:$0x1F490] =	vst v5;
	v5 =	vld [tilespmem:s26+$0x0]  }
0x1b2: {  	s26 =	sor.u32 $0xA280, s21;
	v1 =	vld.idx.msk [tilespmem:v1+s10+$0x0], $0xffff  }
0x1b3: {  	[tilespmem:$0x1F4A0] =	vst v6;
	v6 =	vld [tilespmem:s28+$0x0];
	s28 =	sor.u32 s20, s26  }
0x1b4: {  	v3 =	vld [tilespmem:s28+$0x0];
	_ =	sdelay $0x2  }
0x1b5: {  	[tilespmem:$0x1F550] =	vst v1;
	v1 =	vld.idx.msk [tilespmem:v2+s10+$0x0], $0xffff;
	_ =	sdelay $0x1  }
0x1b6: {  	v7 =	vld.idx.msk [tilespmem:v7+s10+$0x0], $0xffff  }
0x1b7: {  	v4 =	vld.idx.msk [tilespmem:v4+s10+$0x0], $0xffff  }
0x1b8: {  	v8 =	vld.idx.msk [tilespmem:v8+s10+$0x0], $0xffff  }
0x1b9: {  	s29 =	sor.u32 $0xA180, s21;
	[tilespmem:$0x1F560] =	vst v1;
	v1 =	vld.idx.msk [tilespmem:v3+s10+$0x0], $0xffff  }
0x1ba: {  	s30 =	sor.u32 s20, s29  }
0x1bb: {  	[tilespmem:$0x1F4B0] =	vst v7;
	s31 =	sor.u32 s19, s29;
	s29 =	sor.u32 s19, s26;
	v7 =	vld [tilespmem:s30+$0x0]  }
0x1bc: {  	[tilespmem:$0x1F500] =	vst v4;
	s30 =	sor.u32 $0xA300, s21;
	v4 =	vld [tilespmem:s29+$0x0];
	s29 =	sor.u32 $0xB000, s21  }
0x1bd: {  	[tilespmem:$0x1F4C0] =	vst v8;
	v8 =	vld [tilespmem:s31+$0x0];
	s31 =	sor.u32 s20, s30;
	s24 =	sor.u32 s19, s30;
	s30 =	sor.u32 s20, s29  }
0x1be: {  	[tilespmem:$0x1F570] =	vst v1;
	v1 =	vld [tilespmem:s30+$0x0];
	_ =	sdelay $0x1  }
0x1bf: {  	v5 =	vld.idx.msk [tilespmem:v5+s10+$0x0], $0xffff;
	_ =	sdelay $0x1  }
0x1c0: {  	s22 =	sor.u32 s19, s29  }
0x1c1: {  	v2 =	vld [tilespmem:s22+$0x0];
	_ =	sdelay $0x1  }
0x1c2: {  	[tilespmem:$0x1F510] =	vst v5;
	v5 =	vld [tilespmem:s31+$0x0]  }
0x1c3: {  	s31 =	sor.u32 $0xB080, s21;
	s25 =	sor.u32 $0xA380, s21;
	v1 =	vld.idx.msk [tilespmem:v1+s10+$0x0], $0xffff  }
0x1c4: {  	s26 =	sor.u32 s20, s25;
	s28 =	sor.u32 s19, s25;
	s25 =	sor.u32 s20, s31  }
0x1c5: {  	v3 =	vld [tilespmem:s25+$0x0]  }
0x1c6: {  	v6 =	vld.idx.msk [tilespmem:v6+s10+$0x0], $0xffff;
	_ =	sdelay $0x1  }
0x1c7: {  	[tilespmem:$0x1F5D0] =	vst v1;
	v1 =	vld.idx.msk [tilespmem:v2+s10+$0x0], $0xffff;
	_ =	sdelay $0x1  }
0x1c8: {  	v8 =	vld.idx.msk [tilespmem:v8+s10+$0x0], $0xffff  }
0x1c9: {  	[tilespmem:$0x1F520] =	vst v6;
	v6 =	vld [tilespmem:s24+$0x0]  }
0x1ca: {  	v5 =	vld.idx.msk [tilespmem:v5+s10+$0x0], $0xffff  }
0x1cb: {  	[tilespmem:$0x1F5E0] =	vst v1;
	v1 =	vld.idx.msk [tilespmem:v3+s10+$0x0], $0xffff;
	_ =	sdelay $0x1  }
0x1cc: {  	[tilespmem:$0x1F540] =	vst v8;
	v8 =	vld [tilespmem:s28+$0x0];
	s28 =	sor.u32 $0xB100, s21  }
0x1cd: {  	v7 =	vld.idx.msk [tilespmem:v7+s10+$0x0], $0xffff;
	s29 =	sor.u32 s20, s28;
	s30 =	sor.u32 s19, s28;
	s28 =	sor.u32 $0xB200, s21  }
0x1ce: {  	[tilespmem:$0x1F590] =	vst v5;
	v5 =	vld [tilespmem:s29+$0x0];
	s29 =	sor.u32 s20, s28  }
0x1cf: {  	[tilespmem:$0x1F5F0] =	vst v1;
	v1 =	vld [tilespmem:s29+$0x0]  }
0x1d0: {  	v4 =	vld.idx.msk [tilespmem:v4+s10+$0x0], $0xffff  }
0x1d1: {  	v6 =	vld.idx.msk [tilespmem:v6+s10+$0x0], $0xffff;
	_ =	sdelay $0x1  }
0x1d2: {  	[tilespmem:$0x1F530] =	vst v7;
	v7 =	vld [tilespmem:s26+$0x0];
	s22 =	sor.u32 s19, s28  }
0x1d3: {  	s26 =	sor.u32 s19, s31;
	v2 =	vld [tilespmem:s22+$0x0]  }
0x1d4: {  	[tilespmem:$0x1F580] =	vst v4;
	v4 =	vld [tilespmem:s26+$0x0]  }
0x1d5: {  	[tilespmem:$0x1F5A0] =	vst v6;
	v6 =	vld [tilespmem:s30+$0x0]  }
0x1d6: {  	s31 =	sor.u32 $0xB180, s21;
	s30 =	sor.u32 $0xB280, s21;
	v1 =	vld.idx.msk [tilespmem:v1+s10+$0x0], $0xffff  }
0x1d7: {  	s26 =	sor.u32 s19, s31;
	s25 =	sor.u32 s20, s31;
	s31 =	sor.u32 s20, s30  }
0x1d8: {  	v3 =	vld [tilespmem:s31+$0x0];
	_ =	sdelay $0x2  }
0x1d9: {  	[tilespmem:$0x1F650] =	vst v1;
	v1 =	vld.idx.msk [tilespmem:v2+s10+$0x0], $0xffff;
	_ =	sdelay $0x1  }
0x1da: {  	v7 =	vld.idx.msk [tilespmem:v7+s10+$0x0], $0xffff  }
0x1db: {  	v4 =	vld.idx.msk [tilespmem:v4+s10+$0x0], $0xffff  }
0x1dc: {  	v8 =	vld.idx.msk [tilespmem:v8+s10+$0x0], $0xffff  }
0x1dd: {  	[tilespmem:$0x1F660] =	vst v1;
	v1 =	vld.idx.msk [tilespmem:v3+s10+$0x0], $0xffff;
	_ =	sdelay $0x1  }
0x1de: {  	[tilespmem:$0x1F5B0] =	vst v7;
	v7 =	vld [tilespmem:s25+$0x0];
	s24 =	sor.u32 s19, s30  }
0x1df: {  	[tilespmem:$0x1F600] =	vst v4;
	s25 =	sor.u32 $0xB300, s21;
	v4 =	vld [tilespmem:s24+$0x0];
	s24 =	sor.u32 $0xC000, s21  }
0x1e0: {  	[tilespmem:$0x1F5C0] =	vst v8;
	v8 =	vld [tilespmem:s26+$0x0];
	s26 =	sor.u32 s20, s25;
	s28 =	sor.u32 s19, s25;
	s25 =	sor.u32 s20, s24  }
0x1e1: {  	[tilespmem:$0x1F670] =	vst v1;
	v1 =	vld [tilespmem:s25+$0x0];
	_ =	sdelay $0x1  }
0x1e2: {  	v5 =	vld.idx.msk [tilespmem:v5+s10+$0x0], $0xffff;
	_ =	sdelay $0x1  }
0x1e3: {  	v6 =	vld.idx.msk [tilespmem:v6+s10+$0x0], $0xffff;
	s22 =	sor.u32 s19, s24  }
0x1e4: {  	v2 =	vld [tilespmem:s22+$0x0];
	_ =	sdelay $0x1  }
0x1e5: {  	[tilespmem:$0x1F610] =	vst v5;
	v5 =	vld [tilespmem:s26+$0x0]  }
0x1e6: {  	s26 =	sor.u32 $0xC080, s21;
	v1 =	vld.idx.msk [tilespmem:v1+s10+$0x0], $0xffff  }
0x1e7: {  	[tilespmem:$0x1F620] =	vst v6;
	v6 =	vld [tilespmem:s28+$0x0];
	s28 =	sor.u32 s20, s26  }
0x1e8: {  	v3 =	vld [tilespmem:s28+$0x0];
	_ =	sdelay $0x2  }
0x1e9: {  	[tilespmem:$0x1F6D0] =	vst v1;
	v1 =	vld.idx.msk [tilespmem:v2+s10+$0x0], $0xffff;
	_ =	sdelay $0x1  }
0x1ea: {  	v7 =	vld.idx.msk [tilespmem:v7+s10+$0x0], $0xffff  }
0x1eb: {  	v4 =	vld.idx.msk [tilespmem:v4+s10+$0x0], $0xffff  }
0x1ec: {  	v8 =	vld.idx.msk [tilespmem:v8+s10+$0x0], $0xffff  }
0x1ed: {  	s29 =	sor.u32 $0xB380, s21;
	[tilespmem:$0x1F6E0] =	vst v1;
	v1 =	vld.idx.msk [tilespmem:v3+s10+$0x0], $0xffff  }
0x1ee: {  	s30 =	sor.u32 s20, s29  }
0x1ef: {  	[tilespmem:$0x1F630] =	vst v7;
	s31 =	sor.u32 s19, s29;
	s29 =	sor.u32 s19, s26;
	v7 =	vld [tilespmem:s30+$0x0]  }
0x1f0: {  	[tilespmem:$0x1F680] =	vst v4;
	s30 =	sor.u32 $0xC100, s21;
	v4 =	vld [tilespmem:s29+$0x0];
	s29 =	sor.u32 $0xC200, s21  }
0x1f1: {  	[tilespmem:$0x1F640] =	vst v8;
	v8 =	vld [tilespmem:s31+$0x0];
	s31 =	sor.u32 s20, s30;
	s24 =	sor.u32 s19, s30;
	s30 =	sor.u32 s20, s29  }
0x1f2: {  	[tilespmem:$0x1F6F0] =	vst v1;
	v1 =	vld [tilespmem:s30+$0x0];
	_ =	sdelay $0x1  }
0x1f3: {  	v5 =	vld.idx.msk [tilespmem:v5+s10+$0x0], $0xffff;
	_ =	sdelay $0x1  }
0x1f4: {  	s22 =	sor.u32 s19, s29  }
0x1f5: {  	v2 =	vld [tilespmem:s22+$0x0];
	_ =	sdelay $0x1  }
0x1f6: {  	[tilespmem:$0x1F690] =	vst v5;
	v5 =	vld [tilespmem:s31+$0x0]  }
0x1f7: {  	s31 =	sor.u32 $0xC280, s21;
	s25 =	sor.u32 $0xC180, s21;
	v1 =	vld.idx.msk [tilespmem:v1+s10+$0x0], $0xffff  }
0x1f8: {  	s26 =	sor.u32 s20, s25;
	s28 =	sor.u32 s19, s25;
	s25 =	sor.u32 s20, s31  }
0x1f9: {  	v3 =	vld [tilespmem:s25+$0x0]  }
0x1fa: {  	v6 =	vld.idx.msk [tilespmem:v6+s10+$0x0], $0xffff;
	_ =	sdelay $0x1  }
0x1fb: {  	[tilespmem:$0x1F750] =	vst v1;
	v1 =	vld.idx.msk [tilespmem:v2+s10+$0x0], $0xffff;
	_ =	sdelay $0x1  }
0x1fc: {  	v8 =	vld.idx.msk [tilespmem:v8+s10+$0x0], $0xffff  }
0x1fd: {  	[tilespmem:$0x1F6A0] =	vst v6;
	v6 =	vld [tilespmem:s24+$0x0]  }
0x1fe: {  	v5 =	vld.idx.msk [tilespmem:v5+s10+$0x0], $0xffff  }
0x1ff: {  	[tilespmem:$0x1F760] =	vst v1;
	v1 =	vld.idx.msk [tilespmem:v3+s10+$0x0], $0xffff;
	_ =	sdelay $0x1  }
0x200: {  	[tilespmem:$0x1F6C0] =	vst v8;
	v8 =	vld [tilespmem:s28+$0x0];
	s28 =	sor.u32 $0xC300, s21  }
0x201: {  	v7 =	vld.idx.msk [tilespmem:v7+s10+$0x0], $0xffff;
	s29 =	sor.u32 s20, s28;
	s30 =	sor.u32 s19, s28;
	s28 =	sor.u32 $0xD000, s21  }
0x202: {  	[tilespmem:$0x1F710] =	vst v5;
	v5 =	vld [tilespmem:s29+$0x0];
	s29 =	sor.u32 s20, s28  }
0x203: {  	[tilespmem:$0x1F770] =	vst v1;
	v1 =	vld [tilespmem:s29+$0x0]  }
0x204: {  	v4 =	vld.idx.msk [tilespmem:v4+s10+$0x0], $0xffff  }
0x205: {  	v6 =	vld.idx.msk [tilespmem:v6+s10+$0x0], $0xffff;
	_ =	sdelay $0x1  }
0x206: {  	[tilespmem:$0x1F6B0] =	vst v7;
	v7 =	vld [tilespmem:s26+$0x0];
	s22 =	sor.u32 s19, s28  }
0x207: {  	s26 =	sor.u32 s19, s31;
	v2 =	vld [tilespmem:s22+$0x0]  }
0x208: {  	[tilespmem:$0x1F700] =	vst v4;
	v4 =	vld [tilespmem:s26+$0x0]  }
0x209: {  	[tilespmem:$0x1F720] =	vst v6;
	v6 =	vld [tilespmem:s30+$0x0]  }
0x20a: {  	s31 =	sor.u32 $0xC380, s21;
	s30 =	sor.u32 $0xD080, s21;
	v1 =	vld.idx.msk [tilespmem:v1+s10+$0x0], $0xffff  }
0x20b: {  	s26 =	sor.u32 s19, s31;
	s25 =	sor.u32 s20, s31;
	s31 =	sor.u32 s20, s30  }
0x20c: {  	v3 =	vld [tilespmem:s31+$0x0];
	_ =	sdelay $0x2  }
0x20d: {  	[tilespmem:$0x1F7D0] =	vst v1;
	v1 =	vld.idx.msk [tilespmem:v2+s10+$0x0], $0xffff;
	_ =	sdelay $0x1  }
0x20e: {  	v7 =	vld.idx.msk [tilespmem:v7+s10+$0x0], $0xffff  }
0x20f: {  	v4 =	vld.idx.msk [tilespmem:v4+s10+$0x0], $0xffff  }
0x210: {  	v8 =	vld.idx.msk [tilespmem:v8+s10+$0x0], $0xffff  }
0x211: {  	[tilespmem:$0x1F7E0] =	vst v1;
	v1 =	vld.idx.msk [tilespmem:v3+s10+$0x0], $0xffff;
	_ =	sdelay $0x1  }
0x212: {  	[tilespmem:$0x1F730] =	vst v7;
	v7 =	vld [tilespmem:s25+$0x0];
	s24 =	sor.u32 s19, s30  }
0x213: {  	[tilespmem:$0x1F780] =	vst v4;
	s25 =	sor.u32 $0xD100, s21;
	v4 =	vld [tilespmem:s24+$0x0];
	s24 =	sor.u32 $0xD200, s21  }
0x214: {  	[tilespmem:$0x1F740] =	vst v8;
	v8 =	vld [tilespmem:s26+$0x0];
	s26 =	sor.u32 s20, s25;
	s28 =	sor.u32 s19, s25;
	s25 =	sor.u32 s20, s24  }
0x215: {  	[tilespmem:$0x1F7F0] =	vst v1;
	v1 =	vld [tilespmem:s25+$0x0];
	_ =	sdelay $0x1  }
0x216: {  	v5 =	vld.idx.msk [tilespmem:v5+s10+$0x0], $0xffff;
	_ =	sdelay $0x1  }
0x217: {  	v6 =	vld.idx.msk [tilespmem:v6+s10+$0x0], $0xffff;
	s22 =	sor.u32 s19, s24  }
0x218: {  	v2 =	vld [tilespmem:s22+$0x0];
	_ =	sdelay $0x1  }
0x219: {  	[tilespmem:$0x1F790] =	vst v5;
	v5 =	vld [tilespmem:s26+$0x0]  }
0x21a: {  	s26 =	sor.u32 $0xD280, s21;
	v1 =	vld.idx.msk [tilespmem:v1+s10+$0x0], $0xffff  }
0x21b: {  	[tilespmem:$0x1F7A0] =	vst v6;
	v6 =	vld [tilespmem:s28+$0x0];
	s28 =	sor.u32 s20, s26  }
0x21c: {  	v3 =	vld [tilespmem:s28+$0x0];
	_ =	sdelay $0x2  }
0x21d: {  	[tilespmem:$0x1F850] =	vst v1;
	v1 =	vld.idx.msk [tilespmem:v2+s10+$0x0], $0xffff;
	_ =	sdelay $0x1  }
0x21e: {  	v7 =	vld.idx.msk [tilespmem:v7+s10+$0x0], $0xffff  }
0x21f: {  	v4 =	vld.idx.msk [tilespmem:v4+s10+$0x0], $0xffff  }
0x220: {  	v8 =	vld.idx.msk [tilespmem:v8+s10+$0x0], $0xffff  }
0x221: {  	s29 =	sor.u32 $0xD180, s21;
	[tilespmem:$0x1F860] =	vst v1;
	v1 =	vld.idx.msk [tilespmem:v3+s10+$0x0], $0xffff  }
0x222: {  	s30 =	sor.u32 s20, s29  }
0x223: {  	[tilespmem:$0x1F7B0] =	vst v7;
	s31 =	sor.u32 s19, s29;
	s29 =	sor.u32 s19, s26;
	v7 =	vld [tilespmem:s30+$0x0]  }
0x224: {  	[tilespmem:$0x1F800] =	vst v4;
	s30 =	sor.u32 $0xD300, s21;
	v4 =	vld [tilespmem:s29+$0x0];
	s29 =	sor.u32 $0xE000, s21  }
0x225: {  	[tilespmem:$0x1F7C0] =	vst v8;
	v8 =	vld [tilespmem:s31+$0x0];
	s31 =	sor.u32 s20, s30;
	s24 =	sor.u32 s19, s30;
	s30 =	sor.u32 s20, s29  }
0x226: {  	[tilespmem:$0x1F870] =	vst v1;
	v1 =	vld [tilespmem:s30+$0x0];
	_ =	sdelay $0x1  }
0x227: {  	v5 =	vld.idx.msk [tilespmem:v5+s10+$0x0], $0xffff;
	_ =	sdelay $0x1  }
0x228: {  	s22 =	sor.u32 s19, s29  }
0x229: {  	v2 =	vld [tilespmem:s22+$0x0];
	_ =	sdelay $0x1  }
0x22a: {  	[tilespmem:$0x1F810] =	vst v5;
	v5 =	vld [tilespmem:s31+$0x0]  }
0x22b: {  	s31 =	sor.u32 $0xE080, s21;
	s25 =	sor.u32 $0xD380, s21;
	v1 =	vld.idx.msk [tilespmem:v1+s10+$0x0], $0xffff  }
0x22c: {  	s26 =	sor.u32 s20, s25;
	s28 =	sor.u32 s19, s25;
	s25 =	sor.u32 s20, s31  }
0x22d: {  	v3 =	vld [tilespmem:s25+$0x0]  }
0x22e: {  	v6 =	vld.idx.msk [tilespmem:v6+s10+$0x0], $0xffff;
	_ =	sdelay $0x1  }
0x22f: {  	[tilespmem:$0x1F8D0] =	vst v1;
	v1 =	vld.idx.msk [tilespmem:v2+s10+$0x0], $0xffff;
	_ =	sdelay $0x1  }
0x230: {  	v8 =	vld.idx.msk [tilespmem:v8+s10+$0x0], $0xffff  }
0x231: {  	[tilespmem:$0x1F820] =	vst v6;
	v6 =	vld [tilespmem:s24+$0x0]  }
0x232: {  	v5 =	vld.idx.msk [tilespmem:v5+s10+$0x0], $0xffff  }
0x233: {  	[tilespmem:$0x1F8E0] =	vst v1;
	v1 =	vld.idx.msk [tilespmem:v3+s10+$0x0], $0xffff;
	_ =	sdelay $0x1  }
0x234: {  	[tilespmem:$0x1F840] =	vst v8;
	v8 =	vld [tilespmem:s28+$0x0];
	s28 =	sor.u32 $0xE100, s21  }
0x235: {  	v7 =	vld.idx.msk [tilespmem:v7+s10+$0x0], $0xffff;
	s29 =	sor.u32 s20, s28;
	s30 =	sor.u32 s19, s28;
	s28 =	sor.u32 $0xE200, s21  }
0x236: {  	[tilespmem:$0x1F890] =	vst v5;
	v5 =	vld [tilespmem:s29+$0x0];
	s29 =	sor.u32 s20, s28  }
0x237: {  	[tilespmem:$0x1F8F0] =	vst v1;
	v1 =	vld [tilespmem:s29+$0x0]  }
0x238: {  	v4 =	vld.idx.msk [tilespmem:v4+s10+$0x0], $0xffff  }
0x239: {  	v6 =	vld.idx.msk [tilespmem:v6+s10+$0x0], $0xffff;
	_ =	sdelay $0x1  }
0x23a: {  	[tilespmem:$0x1F830] =	vst v7;
	v7 =	vld [tilespmem:s26+$0x0];
	s22 =	sor.u32 s19, s28  }
0x23b: {  	s26 =	sor.u32 s19, s31;
	v2 =	vld [tilespmem:s22+$0x0]  }
0x23c: {  	[tilespmem:$0x1F880] =	vst v4;
	v4 =	vld [tilespmem:s26+$0x0]  }
0x23d: {  	[tilespmem:$0x1F8A0] =	vst v6;
	v6 =	vld [tilespmem:s30+$0x0]  }
0x23e: {  	s31 =	sor.u32 $0xE180, s21;
	s30 =	sor.u32 $0xE280, s21;
	v1 =	vld.idx.msk [tilespmem:v1+s10+$0x0], $0xffff  }
0x23f: {  	s26 =	sor.u32 s19, s31;
	s25 =	sor.u32 s20, s31;
	s31 =	sor.u32 s20, s30  }
0x240: {  	v3 =	vld [tilespmem:s31+$0x0];
	_ =	sdelay $0x2  }
0x241: {  	[tilespmem:$0x1F950] =	vst v1;
	v1 =	vld.idx.msk [tilespmem:v2+s10+$0x0], $0xffff;
	_ =	sdelay $0x1  }
0x242: {  	v7 =	vld.idx.msk [tilespmem:v7+s10+$0x0], $0xffff  }
0x243: {  	v4 =	vld.idx.msk [tilespmem:v4+s10+$0x0], $0xffff  }
0x244: {  	v8 =	vld.idx.msk [tilespmem:v8+s10+$0x0], $0xffff  }
0x245: {  	[tilespmem:$0x1F960] =	vst v1;
	v1 =	vld.idx.msk [tilespmem:v3+s10+$0x0], $0xffff;
	_ =	sdelay $0x1  }
0x246: {  	[tilespmem:$0x1F8B0] =	vst v7;
	v7 =	vld [tilespmem:s25+$0x0];
	s24 =	sor.u32 s19, s30  }
0x247: {  	[tilespmem:$0x1F900] =	vst v4;
	s25 =	sor.u32 $0xE300, s21;
	v4 =	vld [tilespmem:s24+$0x0];
	s24 =	sor.u32 $0xF000, s21  }
0x248: {  	[tilespmem:$0x1F8C0] =	vst v8;
	v8 =	vld [tilespmem:s26+$0x0];
	s26 =	sor.u32 s20, s25;
	s28 =	sor.u32 s19, s25;
	s25 =	sor.u32 s20, s24  }
0x249: {  	[tilespmem:$0x1F970] =	vst v1;
	v1 =	vld [tilespmem:s25+$0x0];
	_ =	sdelay $0x1  }
0x24a: {  	v5 =	vld.idx.msk [tilespmem:v5+s10+$0x0], $0xffff;
	_ =	sdelay $0x1  }
0x24b: {  	v6 =	vld.idx.msk [tilespmem:v6+s10+$0x0], $0xffff;
	s22 =	sor.u32 s19, s24  }
0x24c: {  	v2 =	vld [tilespmem:s22+$0x0];
	_ =	sdelay $0x1  }
0x24d: {  	[tilespmem:$0x1F910] =	vst v5;
	v5 =	vld [tilespmem:s26+$0x0]  }
0x24e: {  	s26 =	sor.u32 $0xF080, s21;
	v1 =	vld.idx.msk [tilespmem:v1+s10+$0x0], $0xffff  }
0x24f: {  	[tilespmem:$0x1F920] =	vst v6;
	v6 =	vld [tilespmem:s28+$0x0];
	s28 =	sor.u32 s20, s26  }
0x250: {  	v3 =	vld [tilespmem:s28+$0x0];
	_ =	sdelay $0x2  }
0x251: {  	[tilespmem:$0x1F9D0] =	vst v1;
	v1 =	vld.idx.msk [tilespmem:v2+s10+$0x0], $0xffff;
	_ =	sdelay $0x1  }
0x252: {  	v7 =	vld.idx.msk [tilespmem:v7+s10+$0x0], $0xffff  }
0x253: {  	v4 =	vld.idx.msk [tilespmem:v4+s10+$0x0], $0xffff  }
0x254: {  	v8 =	vld.idx.msk [tilespmem:v8+s10+$0x0], $0xffff  }
0x255: {  	s29 =	sor.u32 $0xE380, s21;
	[tilespmem:$0x1F9E0] =	vst v1;
	v1 =	vld.idx.msk [tilespmem:v3+s10+$0x0], $0xffff  }
0x256: {  	s30 =	sor.u32 s20, s29  }
0x257: {  	[tilespmem:$0x1F930] =	vst v7;
	s31 =	sor.u32 s19, s29;
	s29 =	sor.u32 s19, s26;
	v7 =	vld [tilespmem:s30+$0x0]  }
0x258: {  	[tilespmem:$0x1F980] =	vst v4;
	s30 =	sor.u32 $0xF100, s21;
	v4 =	vld [tilespmem:s29+$0x0];
	s29 =	sor.u32 $0xF200, s21  }
0x259: {  	[tilespmem:$0x1F940] =	vst v8;
	v8 =	vld [tilespmem:s31+$0x0];
	s31 =	sor.u32 s20, s30;
	s24 =	sor.u32 s19, s30;
	s30 =	sor.u32 s20, s29  }
0x25a: {  	[tilespmem:$0x1F9F0] =	vst v1;
	v1 =	vld [tilespmem:s30+$0x0];
	_ =	sdelay $0x1  }
0x25b: {  	v5 =	vld.idx.msk [tilespmem:v5+s10+$0x0], $0xffff;
	_ =	sdelay $0x1  }
0x25c: {  	s22 =	sor.u32 s19, s29  }
0x25d: {  	v2 =	vld [tilespmem:s22+$0x0];
	_ =	sdelay $0x1  }
0x25e: {  	[tilespmem:$0x1F990] =	vst v5;
	v5 =	vld [tilespmem:s31+$0x0]  }
0x25f: {  	s31 =	sor.u32 $0xF280, s21;
	s25 =	sor.u32 $0xF180, s21;
	v1 =	vld.idx.msk [tilespmem:v1+s10+$0x0], $0xffff  }
0x260: {  	s26 =	sor.u32 s20, s25;
	s28 =	sor.u32 s19, s25;
	s25 =	sor.u32 s20, s31  }
0x261: {  	v3 =	vld [tilespmem:s25+$0x0]  }
0x262: {  	v6 =	vld.idx.msk [tilespmem:v6+s10+$0x0], $0xffff;
	_ =	sdelay $0x1  }
0x263: {  	[tilespmem:$0x1FA50] =	vst v1;
	v1 =	vld.idx.msk [tilespmem:v2+s10+$0x0], $0xffff;
	_ =	sdelay $0x1  }
0x264: {  	v8 =	vld.idx.msk [tilespmem:v8+s10+$0x0], $0xffff  }
0x265: {  	[tilespmem:$0x1F9A0] =	vst v6;
	v6 =	vld [tilespmem:s24+$0x0]  }
0x266: {  	v5 =	vld.idx.msk [tilespmem:v5+s10+$0x0], $0xffff  }
0x267: {  	[tilespmem:$0x1FA60] =	vst v1;
	v1 =	vld.idx.msk [tilespmem:v3+s10+$0x0], $0xffff;
	_ =	sdelay $0x1  }
0x268: {  	[tilespmem:$0x1F9C0] =	vst v8;
	v8 =	vld [tilespmem:s28+$0x0];
	s28 =	sor.u32 $0xF300, s21  }
0x269: {  	v7 =	vld.idx.msk [tilespmem:v7+s10+$0x0], $0xffff;
	s29 =	sor.u32 s20, s28;
	s30 =	sor.u32 s19, s28;
	s28 =	sor.u32 $0x10000, s21  }
0x26a: {  	[tilespmem:$0x1FA10] =	vst v5;
	v5 =	vld [tilespmem:s29+$0x0];
	s29 =	sor.u32 s20, s28  }
0x26b: {  	[tilespmem:$0x1FA70] =	vst v1;
	v1 =	vld [tilespmem:s29+$0x0]  }
0x26c: {  	v4 =	vld.idx.msk [tilespmem:v4+s10+$0x0], $0xffff  }
0x26d: {  	v6 =	vld.idx.msk [tilespmem:v6+s10+$0x0], $0xffff;
	_ =	sdelay $0x1  }
0x26e: {  	[tilespmem:$0x1F9B0] =	vst v7;
	v7 =	vld [tilespmem:s26+$0x0];
	s22 =	sor.u32 s19, s28  }
0x26f: {  	s26 =	sor.u32 s19, s31;
	v2 =	vld [tilespmem:s22+$0x0]  }
0x270: {  	[tilespmem:$0x1FA00] =	vst v4;
	v4 =	vld [tilespmem:s26+$0x0]  }
0x271: {  	[tilespmem:$0x1FA20] =	vst v6;
	v6 =	vld [tilespmem:s30+$0x0]  }
0x272: {  	s31 =	sor.u32 $0xF380, s21;
	s30 =	sor.u32 $0x10080, s21;
	v1 =	vld.idx.msk [tilespmem:v1+s10+$0x0], $0xffff  }
0x273: {  	s26 =	sor.u32 s19, s31;
	s25 =	sor.u32 s20, s31;
	s31 =	sor.u32 s20, s30  }
0x274: {  	v3 =	vld [tilespmem:s31+$0x0];
	_ =	sdelay $0x2  }
0x275: {  	[tilespmem:$0x1FAD0] =	vst v1;
	v1 =	vld.idx.msk [tilespmem:v2+s10+$0x0], $0xffff;
	_ =	sdelay $0x1  }
0x276: {  	v7 =	vld.idx.msk [tilespmem:v7+s10+$0x0], $0xffff  }
0x277: {  	v4 =	vld.idx.msk [tilespmem:v4+s10+$0x0], $0xffff  }
0x278: {  	v8 =	vld.idx.msk [tilespmem:v8+s10+$0x0], $0xffff  }
0x279: {  	[tilespmem:$0x1FAE0] =	vst v1;
	v1 =	vld.idx.msk [tilespmem:v3+s10+$0x0], $0xffff;
	_ =	sdelay $0x1  }
0x27a: {  	[tilespmem:$0x1FA30] =	vst v7;
	v7 =	vld [tilespmem:s25+$0x0];
	s24 =	sor.u32 s19, s30  }
0x27b: {  	[tilespmem:$0x1FA80] =	vst v4;
	s25 =	sor.u32 $0x10100, s21;
	v4 =	vld [tilespmem:s24+$0x0];
	s24 =	sor.u32 $0x10200, s21  }
0x27c: {  	[tilespmem:$0x1FA40] =	vst v8;
	v8 =	vld [tilespmem:s26+$0x0];
	s26 =	sor.u32 s20, s25;
	s28 =	sor.u32 s19, s25;
	s25 =	sor.u32 s20, s24  }
0x27d: {  	[tilespmem:$0x1FAF0] =	vst v1;
	v1 =	vld [tilespmem:s25+$0x0];
	_ =	sdelay $0x1  }
0x27e: {  	v5 =	vld.idx.msk [tilespmem:v5+s10+$0x0], $0xffff;
	_ =	sdelay $0x1  }
0x27f: {  	v6 =	vld.idx.msk [tilespmem:v6+s10+$0x0], $0xffff;
	s22 =	sor.u32 s19, s24  }
0x280: {  	v2 =	vld [tilespmem:s22+$0x0];
	_ =	sdelay $0x1  }
0x281: {  	[tilespmem:$0x1FA90] =	vst v5;
	v5 =	vld [tilespmem:s26+$0x0]  }
0x282: {  	s26 =	sor.u32 $0x10280, s21;
	v1 =	vld.idx.msk [tilespmem:v1+s10+$0x0], $0xffff  }
0x283: {  	[tilespmem:$0x1FAA0] =	vst v6;
	v6 =	vld [tilespmem:s28+$0x0];
	s28 =	sor.u32 s20, s26  }
0x284: {  	v3 =	vld [tilespmem:s28+$0x0];
	_ =	sdelay $0x2  }
0x285: {  	[tilespmem:$0x1FB50] =	vst v1;
	v1 =	vld.idx.msk [tilespmem:v2+s10+$0x0], $0xffff;
	_ =	sdelay $0x1  }
0x286: {  	v7 =	vld.idx.msk [tilespmem:v7+s10+$0x0], $0xffff  }
0x287: {  	v4 =	vld.idx.msk [tilespmem:v4+s10+$0x0], $0xffff  }
0x288: {  	v8 =	vld.idx.msk [tilespmem:v8+s10+$0x0], $0xffff  }
0x289: {  	s29 =	sor.u32 $0x10180, s21;
	[tilespmem:$0x1FB60] =	vst v1;
	v1 =	vld.idx.msk [tilespmem:v3+s10+$0x0], $0xffff  }
0x28a: {  	s30 =	sor.u32 s20, s29  }
0x28b: {  	[tilespmem:$0x1FAB0] =	vst v7;
	s31 =	sor.u32 s19, s29;
	s29 =	sor.u32 s19, s26;
	v7 =	vld [tilespmem:s30+$0x0]  }
0x28c: {  	[tilespmem:$0x1FB00] =	vst v4;
	s30 =	sor.u32 $0x10300, s21;
	v4 =	vld [tilespmem:s29+$0x0];
	s29 =	sor.u32 $0x11000, s21  }
0x28d: {  	[tilespmem:$0x1FAC0] =	vst v8;
	v8 =	vld [tilespmem:s31+$0x0];
	s31 =	sor.u32 s20, s30;
	s24 =	sor.u32 s19, s30;
	s30 =	sor.u32 s20, s29  }
0x28e: {  	[tilespmem:$0x1FB70] =	vst v1;
	v1 =	vld [tilespmem:s30+$0x0];
	_ =	sdelay $0x1  }
0x28f: {  	v5 =	vld.idx.msk [tilespmem:v5+s10+$0x0], $0xffff;
	_ =	sdelay $0x1  }
0x290: {  	s22 =	sor.u32 s19, s29  }
0x291: {  	v2 =	vld [tilespmem:s22+$0x0];
	_ =	sdelay $0x1  }
0x292: {  	[tilespmem:$0x1FB10] =	vst v5;
	v5 =	vld [tilespmem:s31+$0x0]  }
0x293: {  	s31 =	sor.u32 $0x11080, s21;
	s25 =	sor.u32 $0x10380, s21;
	v1 =	vld.idx.msk [tilespmem:v1+s10+$0x0], $0xffff  }
0x294: {  	v6 =	vld.idx.msk [tilespmem:v6+s10+$0x0], $0xffff;
	s26 =	sor.u32 s20, s25;
	s28 =	sor.u32 s19, s25;
	s25 =	sor.u32 s20, s31  }
0x295: {  	v3 =	vld [tilespmem:s25+$0x0];
	_ =	sdelay $0x2  }
0x296: {  	[tilespmem:$0x1FBD0] =	vst v1;
	v1 =	vld.idx.msk [tilespmem:v2+s10+$0x0], $0xffff  }
0x297: {  	[tilespmem:$0x1FB20] =	vst v6;
	v6 =	vld [tilespmem:s24+$0x0]  }
0x298: {  	v8 =	vld.idx.msk [tilespmem:v8+s10+$0x0], $0xffff  }
0x299: {  	v7 =	vld.idx.msk [tilespmem:v7+s10+$0x0], $0xffff  }
0x29a: {  	v5 =	vld.idx.msk [tilespmem:v5+s10+$0x0], $0xffff  }
0x29b: {  	[tilespmem:$0x1FBE0] =	vst v1;
	v1 =	vld.idx.msk [tilespmem:v3+s10+$0x0], $0xffff  }
0x29c: {  	v4 =	vld.idx.msk [tilespmem:v4+s10+$0x0], $0xffff  }
0x29d: {  	[tilespmem:$0x1FB40] =	vst v8;
	v8 =	vld [tilespmem:s28+$0x0];
	s28 =	sor.u32 $0x11100, s21  }
0x29e: {  	[tilespmem:$0x1FB30] =	vst v7;
	v7 =	vld [tilespmem:s26+$0x0];
	s29 =	sor.u32 s20, s28;
	s30 =	sor.u32 s19, s28;
	s28 =	sor.u32 $0x11200, s21  }
0x29f: {  	[tilespmem:$0x1FB90] =	vst v5;
	v5 =	vld [tilespmem:s29+$0x0];
	s29 =	sor.u32 s20, s28  }
0x2a0: {  	[tilespmem:$0x1FBF0] =	vst v1;
	v1 =	vld [tilespmem:s29+$0x0];
	_ =	sdelay $0x1  }
0x2a1: {  	v6 =	vld.idx.msk [tilespmem:v6+s10+$0x0], $0xffff;
	s26 =	sor.u32 s19, s31  }
0x2a2: {  	[tilespmem:$0x1FB80] =	vst v4;
	v4 =	vld [tilespmem:s26+$0x0]  }
0x2a3: {  	s22 =	sor.u32 s19, s28  }
0x2a4: {  	v2 =	vld [tilespmem:s22+$0x0]  }
0x2a5: {  	v7 =	vld.idx.msk [tilespmem:v7+s10+$0x0], $0xffff  }
0x2a6: {  	[tilespmem:$0x1FBA0] =	vst v6;
	v6 =	vld [tilespmem:s30+$0x0]  }
0x2a7: {  	s31 =	sor.u32 $0x11180, s21;
	s30 =	sor.u32 $0x11280, s21;
	v1 =	vld.idx.msk [tilespmem:v1+s10+$0x0], $0xffff  }
0x2a8: {  	s26 =	sor.u32 s19, s31;
	v8 =	vld.idx.msk [tilespmem:v8+s10+$0x0], $0xffff;
	s25 =	sor.u32 s20, s31;
	s31 =	sor.u32 s20, s30  }
0x2a9: {  	v3 =	vld [tilespmem:s31+$0x0]  }
0x2aa: {  	v4 =	vld.idx.msk [tilespmem:v4+s10+$0x0], $0xffff  }
0x2ab: {  	v5 =	vld.idx.msk [tilespmem:v5+s10+$0x0], $0xffff  }
0x2ac: {  	[tilespmem:$0x1FC50] =	vst v1;
	v1 =	vld.idx.msk [tilespmem:v2+s10+$0x0], $0xffff  }
0x2ad: {  	[tilespmem:$0x1FBC0] =	vst v8;
	v8 =	vld [tilespmem:s26+$0x0]  }
0x2ae: {  	[tilespmem:$0x1FBB0] =	vst v7;
	v7 =	vld [tilespmem:s25+$0x0];
	s25 =	sor.u32 $0x11300, s21  }
0x2af: {  	s26 =	sor.u32 s20, s25;
	v6 =	vld.idx.msk [tilespmem:v6+s10+$0x0], $0xffff  }
0x2b0: {  	[tilespmem:$0x1FC10] =	vst v5;
	v5 =	vld [tilespmem:s26+$0x0]  }
0x2b1: {  	s24 =	sor.u32 s19, s30;
	[tilespmem:$0x1FC60] =	vst v1;
	v1 =	vld.idx.msk [tilespmem:v3+s10+$0x0], $0xffff  }
0x2b2: {  	[tilespmem:$0x1FC00] =	vst v4;
	v4 =	vld [tilespmem:s24+$0x0]  }
0x2b3: {  	s28 =	sor.u32 s19, s25  }
0x2b4: {  	s24 =	sor.u32 $0x12000, s21;
	[tilespmem:$0x1FC20] =	vst v6;
	v6 =	vld [tilespmem:s28+$0x0]  }
0x2b5: {  	s25 =	sor.u32 s20, s24  }
0x2b6: {  	[tilespmem:$0x1FC70] =	vst v1;
	v1 =	vld [tilespmem:s25+$0x0]  }
0x2b7: {  	v8 =	vld.idx.msk [tilespmem:v8+s10+$0x0], $0xffff  }
0x2b8: {  	v7 =	vld.idx.msk [tilespmem:v7+s10+$0x0], $0xffff  }
0x2b9: {  	v5 =	vld.idx.msk [tilespmem:v5+s10+$0x0], $0xffff  }
0x2ba: {  	v4 =	vld.idx.msk [tilespmem:v4+s10+$0x0], $0xffff;
	s22 =	sor.u32 s19, s24  }
0x2bb: {  	s29 =	sor.u32 $0x11380, s21;
	v2 =	vld [tilespmem:s22+$0x0]  }
0x2bc: {  	v6 =	vld.idx.msk [tilespmem:v6+s10+$0x0], $0xffff;
	s30 =	sor.u32 s20, s29  }
0x2bd: {  	[tilespmem:$0x1FC30] =	vst v7;
	v7 =	vld [tilespmem:s30+$0x0]  }
0x2be: {  	s26 =	sor.u32 $0x12080, s21;
	s31 =	sor.u32 s19, s29;
	v1 =	vld.idx.msk [tilespmem:v1+s10+$0x0], $0xffff  }
0x2bf: {  	[tilespmem:$0x1FC40] =	vst v8;
	s28 =	sor.u32 s20, s26;
	v8 =	vld [tilespmem:s31+$0x0]  }
0x2c0: {  	s29 =	sor.u32 s19, s26;
	s30 =	sor.u32 $0x12100, s21;
	v3 =	vld [tilespmem:s28+$0x0]  }
0x2c1: {  	[tilespmem:$0x1FC80] =	vst v4;
	v4 =	vld [tilespmem:s29+$0x0];
	s31 =	sor.u32 s20, s30  }
0x2c2: {  	[tilespmem:$0x1FC90] =	vst v5;
	v5 =	vld [tilespmem:s31+$0x0]  }
0x2c3: {  	[tilespmem:$0x1FCD0] =	vst v1;
	v1 =	vld.idx.msk [tilespmem:v2+s10+$0x0], $0xffff;
	_ =	sdelay $0x1  }
0x2c4: {  	s24 =	sor.u32 s19, s30  }
0x2c5: {  	[tilespmem:$0x1FCA0] =	vst v6;
	v6 =	vld [tilespmem:s24+$0x0]  }
0x2c6: {  	v8 =	vld.idx.msk [tilespmem:v8+s10+$0x0], $0xffff  }
0x2c7: {  	[tilespmem:$0x1FCE0] =	vst v1;
	v1 =	vld.idx.msk [tilespmem:v3+s10+$0x0], $0xffff  }
0x2c8: {  	v7 =	vld.idx.msk [tilespmem:v7+s10+$0x0], $0xffff  }
0x2c9: {  	v4 =	vld.idx.msk [tilespmem:v4+s10+$0x0], $0xffff;
	s25 =	sor.u32 $0x12180, s21  }
0x2ca: {  	s29 =	sor.u32 $0x12200, s21;
	v5 =	vld.idx.msk [tilespmem:v5+s10+$0x0], $0xffff;
	s28 =	sor.u32 s19, s25  }
0x2cb: {  	s30 =	sor.u32 s20, s29;
	[tilespmem:$0x1FCC0] =	vst v8;
	v8 =	vld [tilespmem:s28+$0x0]  }
0x2cc: {  	s26 =	sor.u32 s20, s25;
	[tilespmem:$0x1FCF0] =	vst v1;
	v1 =	vld [tilespmem:s30+$0x0]  }
0x2cd: {  	[tilespmem:$0x1FCB0] =	vst v7;
	v7 =	vld [tilespmem:s26+$0x0];
	s28 =	sor.u32 $0x12300, s21  }
0x2ce: {  	s22 =	sor.u32 s19, s29;
	s29 =	sor.u32 s20, s28  }
0x2cf: {  	[tilespmem:$0x1FD10] =	vst v5;
	v5 =	vld [tilespmem:s29+$0x0]  }
0x2d0: {  	s31 =	sor.u32 $0x12280, s21;
	v6 =	vld.idx.msk [tilespmem:v6+s10+$0x0], $0xffff  }
0x2d1: {  	s26 =	sor.u32 s19, s31;
	v2 =	vld [tilespmem:s22+$0x0]  }
0x2d2: {  	[tilespmem:$0x1FD00] =	vst v4;
	v4 =	vld [tilespmem:s26+$0x0]  }
0x2d3: {  	v8 =	vld.idx.msk [tilespmem:v8+s10+$0x0], $0xffff  }
0x2d4: {  	v1 =	vld.idx.msk [tilespmem:v1+s10+$0x0], $0xffff  }
0x2d5: {  	s25 =	sor.u32 s20, s31;
	v7 =	vld.idx.msk [tilespmem:v7+s10+$0x0], $0xffff  }
0x2d6: {  	s31 =	sor.u32 $0x12380, s21;
	v3 =	vld [tilespmem:s25+$0x0]  }
0x2d7: {  	s26 =	sor.u32 s19, s31;
	v5 =	vld.idx.msk [tilespmem:v5+s10+$0x0], $0xffff  }
0x2d8: {  	[tilespmem:$0x1FD40] =	vst v8;
	v8 =	vld [tilespmem:s26+$0x0]  }
0x2d9: {  	s30 =	sor.u32 s19, s28;
	[tilespmem:$0x1FD50] =	vst v1;
	v1 =	vld.idx.msk [tilespmem:v2+s10+$0x0], $0xffff  }
0x2da: {  	[tilespmem:$0x1FD20] =	vst v6;
	v6 =	vld [tilespmem:s30+$0x0];
	_ =	sdelay $0x1  }
0x2db: {  	v4 =	vld.idx.msk [tilespmem:v4+s10+$0x0], $0xffff;
	s25 =	sor.u32 s20, s31  }
0x2dc: {  	[tilespmem:$0x1FD30] =	vst v7;
	v7 =	vld [tilespmem:s25+$0x0];
	s25 =	sor.u32 $0x13100, s21  }
0x2dd: {  	s26 =	sor.u32 s20, s25;
	[tilespmem:$0x1FD60] =	vst v1;
	v1 =	vld.idx.msk [tilespmem:v3+s10+$0x0], $0xffff  }
0x2de: {  	[tilespmem:$0x1FD90] =	vst v5;
	v5 =	vld [tilespmem:s26+$0x0];
	s30 =	sor.u32 $0x13080, s21  }
0x2df: {  	v8 =	vld.idx.msk [tilespmem:v8+s10+$0x0], $0xffff;
	s24 =	sor.u32 s19, s30  }
0x2e0: {  	[tilespmem:$0x1FD80] =	vst v4;
	s28 =	sor.u32 $0x13000, s21;
	v4 =	vld [tilespmem:s24+$0x0]  }
0x2e1: {  	s29 =	sor.u32 s20, s28;
	v6 =	vld.idx.msk [tilespmem:v6+s10+$0x0], $0xffff  }
0x2e2: {  	s22 =	sor.u32 s19, s28;
	[tilespmem:$0x1FD70] =	vst v1;
	v1 =	vld [tilespmem:s29+$0x0]  }
0x2e3: {  	s31 =	sor.u32 s20, s30;
	v2 =	vld [tilespmem:s22+$0x0]  }
0x2e4: {  	v3 =	vld [tilespmem:s31+$0x0]  }
0x2e5: {  	s28 =	sor.u32 s19, s25;
	v7 =	vld.idx.msk [tilespmem:v7+s10+$0x0], $0xffff  }
0x2e6: {  	[tilespmem:$0x1FDA0] =	vst v6;
	v6 =	vmul.f32 v29, v11;
	v29 =	vmul.f32 v30, v14;
	v30 =	vld [tilespmem:s28+$0x0];
	s29 =	sor.u32 $0x13180, s21  }
0x2e7: {  	v9 =	vmul.f32 v27, v9;
	v27 =	vld.idx.msk [tilespmem:v5+s10+$0x0], $0xffff;
	s30 =	sor.u32 s20, s29  }
0x2e8: {  	s31 =	sor.u32 s19, s29;
	v11 =	vld [tilespmem:s30+$0x0]  }
0x2e9: {  	v14 =	vld [tilespmem:s31+$0x0]  }
0x2ea: {  	v16 =	vmul.f32 v39, v16;
	v39 =	vld.idx.msk [tilespmem:v1+s10+$0x0], $0xffff  }
0x2eb: {  	[tilespmem:$0x1FDC0] =	vst v8;
	v1 =	vmul.f32 v37, v17;
	v37 =	vld.idx.msk [tilespmem:v2+s10+$0x0], $0xffff  }
0x2ec: {  	[tilespmem:$0x1FDB0] =	vst v7;
	v2 =	vmul.f32 v34, v18;
	v18 =	vmul.f32 v36, v22;
	v36 =	vld.idx.msk [tilespmem:v3+s10+$0x0], $0xffff  }
0x2ed: {  	v10 =	vmul.f32 v28, v10;
	s24 =	sor.u32 $0x13200, s21;
	v17 =	vmul.f32 v38, v23;
	v38 =	vld.idx.msk [tilespmem:v4+s10+$0x0], $0xffff;
	[tilespmem:$0x1FDD0] =	vst v27  }
0x2ee: {  	v12 =	vmul.f32 v25, v12;
	v15 =	vmul.f32 v15, v0;
	s25 =	sor.u32 s20, s24;
	v0 =	vld.idx.msk [tilespmem:v30+s10+$0x0], $0xffff  }
0x2ef: {  	v13 =	vmul.f32 v26, v13;
	s22 =	sor.u32 s19, s24;
	v28 =	vmul.f32 v45, v6;
	s30 =	sor.u32 $0x13300, s21;
	v45 =	vld [tilespmem:s25+$0x0]  }
0x2f0: {  	v25 =	vmul.f32 v31, v20;
	v26 =	vmul.f32 v47, v24;
	s31 =	sor.u32 s20, s30;
	v47 =	vld [tilespmem:s22+$0x0]  }
0x2f1: {  	v31 =	vmul.f32 v44, v10;
	v44 =	vmul.f32 v55, v16;
	s24 =	sor.u32 s19, s30;
	v55 =	vld [tilespmem:s31+$0x0]  }
0x2f2: {  	v5 =	vmul.f32 v61, v28;
	v61 =	vld [tilespmem:s24+$0x0]  }
0x2f3: {  	v4 =	vmul.f32 v48, v25;
	v25 =	vld [tilespmem:$0x1EE40]  }
0x2f4: {  	v20 =	vmul.f32 v63, v26;
	v29 =	vmul.f32 v46, v29;
	v26 =	vld [tilespmem:$0x1EE50]  }
0x2f5: {  	v27 =	vld [tilespmem:$0x1EE60]  }
0x2f6: {  	v6 =	vmul.f32 v62, v29;
	v29 =	vld [tilespmem:$0x1EE70]  }
0x2f7: {  	v3 =	vmul.f32 v32, v19;
	v19 =	vmul.f32 v33, v21;
	v21 =	vld [tilespmem:$0x1F0E0]  }
0x2f8: {  	v24 =	vld [tilespmem:$0x1F790]  }
0x2f9: {  	v22 =	vld [tilespmem:$0x1F8E0]  }
0x2fa: {  	s26 =	sor.u32 $0x13280, s21;
	v32 =	vld.idx.msk [tilespmem:v11+s10+$0x0], $0xffff  }
0x2fb: {  	s28 =	sor.u32 s20, s26;
	v33 =	vmul.f32 v41, v12;
	v41 =	vld.idx.msk [tilespmem:v14+s10+$0x0], $0xffff  }
0x2fc: {  	s29 =	sor.u32 s19, s26;
	v2 =	vmul.f32 v51, v2;
	v51 =	vmul.f32 v52, v18;
	v52 =	vld [tilespmem:s28+$0x0]  }
0x2fd: {  	v34 =	vmul.f32 v42, v13;
	v46 =	vmul.f32 v54, v17;
	v54 =	vld [tilespmem:s29+$0x0]  }
0x2fe: {  	v30 =	vmul.f32 v43, v9;
	v9 =	vmul.f32 v57, v33;
	v33 =	vld [tilespmem:$0x1EE90]  }
0x2ff: {  	v10 =	vmul.f32 v58, v34;
	v34 =	vld [tilespmem:$0x1EEA0]  }
0x300: {  	v3 =	vmul.f32 v49, v3;
	v49 =	vld [tilespmem:$0x1EED0]  }
0x301: {  	v1 =	vmul.f32 v53, v1;
	v53 =	vmul.f32 v50, v19;
	v50 =	vld [tilespmem:$0x1EEE0]  }
0x302: {  	v58 =	vld [tilespmem:$0x1EF30]  }
0x303: {  	s25 =	sor.u32 $0x13380, s21;
	v17 =	vld [tilespmem:$0x1F0B0]  }
0x304: {  	s26 =	sor.u32 s20, s25;
	v18 =	vld [tilespmem:$0x1F0C0]  }
0x305: {  	s28 =	sor.u32 s19, s25;
	v62 =	vld [tilespmem:s26+$0x0]  }
0x306: {  	v43 =	vmul.f32 v40, v15;
	v63 =	vld [tilespmem:s28+$0x0]  }
0x307: {  	v7 =	vmul.f32 v59, v30;
	v30 =	vld [tilespmem:$0x1EE80]  }
0x308: {  	s29 =	sor.u32 $0x14000, s21;
	v11 =	vmul.f32 v56, v43;
	v56 =	vld [tilespmem:$0x1EF20]  }
0x309: {  	s30 =	sor.u32 s20, s29;
	v59 =	vld [tilespmem:$0x1EF40]  }
0x30a: {  	v8 =	vmul.f32 v60, v31;
	v60 =	vld [tilespmem:s30+$0x0]  }
0x30b: {  	v28 =	vmul.f32 v27, v46;
	v46 =	vld [tilespmem:$0x1EEC0]  }
0x30c: {  	v1 =	vmul.f32 v26, v1;
	v26 =	vld [tilespmem:$0x1EF70]  }
0x30d: {  	v27 =	vld [tilespmem:$0x1EF80]  }
0x30e: {  	v2 =	vmul.f32 v29, v2;
	v29 =	vld [tilespmem:$0x1EF90]  }
0x30f: {  	s28 =	sor.u32 $0x14100, s21;
	v43 =	vmul.f32 v34, v53;
	v53 =	vld [tilespmem:$0x1EF00]  }
0x310: {  	s22 =	sor.u32 s19, s29;
	s29 =	sor.u32 s20, s28;
	v3 =	vmul.f32 v33, v3;
	v33 =	vld [tilespmem:$0x1EFC0]  }
0x311: {  	v34 =	vld [tilespmem:s29+$0x0]  }
0x312: {  	v5 =	vmul.f32 v49, v5;
	v49 =	vld [tilespmem:$0x1F010]  }
0x313: {  	v6 =	vmul.f32 v50, v6;
	v50 =	vld [tilespmem:$0x1F020]  }
0x314: {  	v11 =	vmul.f32 v58, v11;
	v58 =	vld [tilespmem:$0x1F070]  }
0x315: {  	v12 =	vmul.f32 v25, v44;
	v31 =	vmul.f32 v30, v51;
	v30 =	vld [tilespmem:$0x1EFA0]  }
0x316: {  	v10 =	vmul.f32 v56, v10;
	v56 =	vld [tilespmem:$0x1F060]  }
0x317: {  	v12 =	vmul.f32 v59, v12;
	v59 =	vld [tilespmem:$0x1F080]  }
0x318: {  	v40 =	vld.idx.msk [tilespmem:v45+s10+$0x0], $0xffff  }
0x319: {  	v42 =	vld.idx.msk [tilespmem:v47+s10+$0x0], $0xffff  }
0x31a: {  	v45 =	vld [tilespmem:$0x1EEB0]  }
0x31b: {  	v48 =	vld.idx.msk [tilespmem:v55+s10+$0x0], $0xffff  }
0x31c: {  	v51 =	vld.idx.msk [tilespmem:v61+s10+$0x0], $0xffff  }
0x31d: {  	v55 =	vld [tilespmem:$0x1EF10]  }
0x31e: {  	v61 =	vld [tilespmem:$0x1EF50]  }
0x31f: {  	[tilespmem:$0x1FDF0] =	vst v32;
	v32 =	vld.idx.msk [tilespmem:v52+s10+$0x0], $0xffff  }
0x320: {  	v44 =	vld.idx.msk [tilespmem:v54+s10+$0x0], $0xffff  }
0x321: {  	v52 =	vld [tilespmem:$0x1EEF0]  }
0x322: {  	v54 =	vld.idx.msk [tilespmem:v62+s10+$0x0], $0xffff  }
0x323: {  	v57 =	vld.idx.msk [tilespmem:v63+s10+$0x0], $0xffff  }
0x324: {  	s31 =	sor.u32 $0x14080, s21;
	v62 =	vld [tilespmem:$0x1EF60]  }
0x325: {  	s26 =	sor.u32 s19, s31;
	v63 =	vld [tilespmem:s22+$0x0]  }
0x326: {  	v14 =	vmul.f32 v27, v31;
	v31 =	vld [tilespmem:s26+$0x0]  }
0x327: {  	v47 =	vmul.f32 v46, v20;
	v46 =	vld [tilespmem:$0x1EFF0]  }
0x328: {  	v20 =	vld [tilespmem:$0x1F0D0]  }
0x329: {  	v2 =	vmul.f32 v26, v2;
	v26 =	vld [tilespmem:$0x1F0F0]  }
0x32a: {  	v27 =	vld [tilespmem:$0x1F100]  }
0x32b: {  	v3 =	vmul.f32 v29, v3;
	v29 =	vld [tilespmem:$0x1F110]  }
0x32c: {  	v8 =	vmul.f32 v53, v8;
	v53 =	vld [tilespmem:$0x1F040]  }
0x32d: {  	v10 =	vmul.f32 v50, v10;
	v50 =	vld [tilespmem:$0x1F1A0]  }
0x32e: {  	v15 =	vmul.f32 v30, v43;
	v43 =	vld [tilespmem:$0x1EFD0]  }
0x32f: {  	v16 =	vmul.f32 v33, v47;
	v47 =	vld [tilespmem:$0x1F000]  }
0x330: {  	v30 =	vld [tilespmem:$0x1F120]  }
0x331: {  	v33 =	vld [tilespmem:$0x1F140]  }
0x332: {  	v2 =	vmul.f32 v58, v2;
	v58 =	vld [tilespmem:$0x1F1F0]  }
0x333: {  	s25 =	sor.u32 s20, s31;
	s31 =	sor.u32 $0x14180, s21;
	s30 =	sor.u32 s19, s28;
	v14 =	vmul.f32 v59, v14;
	v59 =	vld [tilespmem:$0x1F200]  }
0x334: {  	s26 =	sor.u32 s19, s31;
	v4 =	vmul.f32 v45, v4;
	v45 =	vld [tilespmem:s30+$0x0]  }
0x335: {  	[tilespmem:$0x1FE30] =	vst v51;
	v51 =	vld [tilespmem:s26+$0x0]  }
0x336: {  	v9 =	vmul.f32 v55, v9;
	v55 =	vld [tilespmem:$0x1F050]  }
0x337: {  	v1 =	vmul.f32 v61, v1;
	v61 =	vld [tilespmem:$0x1F090]  }
0x338: {  	[tilespmem:$0x1FE00] =	vst v32;
	v32 =	vld [tilespmem:$0x1EFB0]  }
0x339: {  	[tilespmem:$0x1FE10] =	vst v44;
	v44 =	vld [tilespmem:$0x1EFE0]  }
0x33a: {  	s28 =	sor.u32 $0x14200, s21;
	v7 =	vmul.f32 v52, v7;
	v52 =	vld [tilespmem:$0x1F030]  }
0x33b: {  	s29 =	sor.u32 s20, s28;
	v19 =	vld.idx.msk [tilespmem:v34+s10+$0x0], $0xffff  }
0x33c: {  	v34 =	vld [tilespmem:s29+$0x0]  }
0x33d: {  	v16 =	vmul.f32 v18, v16;
	v18 =	vld [tilespmem:$0x1F4C0]  }
0x33e: {  	v13 =	vmul.f32 v62, v28;
	v28 =	vld [tilespmem:s25+$0x0]  }
0x33f: {  	[tilespmem:$0x1FE40] =	vst v54;
	v54 =	vld.idx.msk [tilespmem:v60+s10+$0x0], $0xffff  }
0x340: {  	v62 =	vld [tilespmem:$0x1F0A0]  }
0x341: {  	s25 =	sor.u32 s20, s31;
	v9 =	vmul.f32 v49, v9;
	v49 =	vld [tilespmem:$0x1F190]  }
0x342: {  	[tilespmem:$0x1FE20] =	vst v48;
	v48 =	vld [tilespmem:s25+$0x0]  }
0x343: {  	v7 =	vmul.f32 v46, v7;
	v46 =	vld [tilespmem:$0x1F170]  }
0x344: {  	v12 =	vmul.f32 v53, v12;
	v53 =	vld [tilespmem:$0x1F1C0]  }
0x345: {  	v5 =	vmul.f32 v43, v5;
	v43 =	vld [tilespmem:$0x1F150]  }
0x346: {  	v8 =	vmul.f32 v47, v8;
	v47 =	vld [tilespmem:$0x1F180]  }
0x347: {  	v13 =	vmul.f32 v56, v13;
	v56 =	vld [tilespmem:$0x1F1E0]  }
0x348: {  	v9 =	vmul.f32 v29, v9;
	v29 =	vld [tilespmem:$0x1F250]  }
0x349: {  	v10 =	vmul.f32 v30, v10;
	v30 =	vld [tilespmem:$0x1F260]  }
0x34a: {  	[tilespmem:$0x1FE50] =	vst v57;
	v57 =	vld.idx.msk [tilespmem:v63+s10+$0x0], $0xffff  }
0x34b: {  	v63 =	vld.idx.msk [tilespmem:v31+s10+$0x0], $0xffff  }
0x34c: {  	v1 =	vmul.f32 v55, v1;
	v55 =	vld [tilespmem:$0x1F1D0]  }
0x34d: {  	v3 =	vmul.f32 v61, v3;
	v61 =	vld [tilespmem:$0x1F210]  }
0x34e: {  	v7 =	vmul.f32 v26, v7;
	v26 =	vld [tilespmem:$0x1F230]  }
0x34f: {  	v12 =	vmul.f32 v33, v12;
	v33 =	vld [tilespmem:$0x1F280]  }
0x350: {  	v4 =	vmul.f32 v32, v4;
	v32 =	vld [tilespmem:$0x1F130]  }
0x351: {  	v6 =	vmul.f32 v44, v6;
	v44 =	vld [tilespmem:$0x1F160]  }
0x352: {  	v11 =	vmul.f32 v52, v11;
	v52 =	vld [tilespmem:$0x1F1B0]  }
0x353: {  	s25 =	sor.u32 $0x14300, s21;
	v8 =	vmul.f32 v27, v8;
	v27 =	vld [tilespmem:$0x1F240]  }
0x354: {  	s26 =	sor.u32 s20, s25;
	v5 =	vmul.f32 v20, v5;
	v20 =	vld [tilespmem:$0x1F4D0]  }
0x355: {  	[tilespmem:$0x1FE60] =	vst v54;
	v54 =	vld [tilespmem:s26+$0x0]  }
0x356: {  	v15 =	vmul.f32 v62, v15;
	v62 =	vld [tilespmem:$0x1F220]  }
0x357: {  	v3 =	vmul.f32 v49, v3;
	v49 =	vld [tilespmem:$0x1F2D0]  }
0x358: {  	v7 =	vmul.f32 v58, v7;
	v58 =	vld [tilespmem:$0x1F330]  }
0x359: {  	v25 =	vld.idx.msk [tilespmem:v45+s10+$0x0], $0xffff  }
0x35a: {  	s22 =	sor.u32 s19, s28;
	s30 =	sor.u32 $0x14280, s21;
	v31 =	vld.idx.msk [tilespmem:v51+s10+$0x0], $0xffff  }
0x35b: {  	s24 =	sor.u32 s19, s30;
	v45 =	vld [tilespmem:s22+$0x0]  }
0x35c: {  	v51 =	vld [tilespmem:s24+$0x0]  }
0x35d: {  	v2 =	vmul.f32 v46, v2;
	v46 =	vld [tilespmem:$0x1F2B0]  }
0x35e: {  	v16 =	vmul.f32 v53, v16;
	v53 =	vld [tilespmem:$0x1F300]  }
0x35f: {  	v8 =	vmul.f32 v59, v8;
	v59 =	vld [tilespmem:$0x1F340]  }
0x360: {  	v4 =	vmul.f32 v17, v4;
	v17 =	vld [tilespmem:$0x1F4B0]  }
0x361: {  	v6 =	vmul.f32 v21, v6;
	v21 =	vld [tilespmem:$0x1F4E0]  }
0x362: {  	v1 =	vmul.f32 v43, v1;
	v43 =	vld [tilespmem:$0x1F290]  }
0x363: {  	v14 =	vmul.f32 v47, v14;
	v47 =	vld [tilespmem:$0x1F2C0]  }
0x364: {  	v15 =	vmul.f32 v50, v15;
	v50 =	vld [tilespmem:$0x1F2E0]  }
0x365: {  	s28 =	sor.u32 s19, s25;
	v60 =	vld.idx.msk [tilespmem:v28+s10+$0x0], $0xffff  }
0x366: {  	[tilespmem:$0x1FE70] =	vst v57;
	v57 =	vld [tilespmem:s28+$0x0]  }
0x367: {  	v5 =	vmul.f32 v55, v5;
	v55 =	vld [tilespmem:$0x1F310]  }
0x368: {  	v6 =	vmul.f32 v56, v6;
	v56 =	vld [tilespmem:$0x1F320]  }
0x369: {  	v9 =	vmul.f32 v61, v9;
	v61 =	vld [tilespmem:$0x1F350]  }
0x36a: {  	s31 =	sor.u32 s20, s30;
	v28 =	vld.idx.msk [tilespmem:v48+s10+$0x0], $0xffff  }
0x36b: {  	v48 =	vld [tilespmem:s31+$0x0]  }
0x36c: {  	v11 =	vmul.f32 v32, v11;
	v32 =	vld [tilespmem:$0x1F270]  }
0x36d: {  	v13 =	vmul.f32 v44, v13;
	v44 =	vld [tilespmem:$0x1F2A0]  }
0x36e: {  	v4 =	vmul.f32 v52, v4;
	v52 =	vld [tilespmem:$0x1F2F0]  }
0x36f: {  	v12 =	vmul.f32 v27, v12;
	v27 =	vld [tilespmem:$0x1F380]  }
0x370: {  	s29 =	sor.u32 $0x14380, s21;
	v1 =	vmul.f32 v29, v1;
	v29 =	vld [tilespmem:$0x1F390]  }
0x371: {  	s31 =	sor.u32 s19, s29;
	v14 =	vmul.f32 v33, v14;
	v33 =	vld [tilespmem:$0x1F3C0]  }
0x372: {  	[tilespmem:$0x1FE90] =	vst v63;
	v63 =	vld [tilespmem:s31+$0x0]  }
0x373: {  	v10 =	vmul.f32 v62, v10;
	v62 =	vld [tilespmem:$0x1F360]  }
0x374: {  	v5 =	vmul.f32 v49, v5;
	v49 =	vld [tilespmem:$0x1F410]  }
0x375: {  	v11 =	vmul.f32 v26, v11;
	v26 =	vld [tilespmem:$0x1F370]  }
0x376: {  	v13 =	vmul.f32 v30, v13;
	v30 =	vld [tilespmem:$0x1F3A0]  }
0x377: {  	v4 =	vmul.f32 v46, v4;
	v46 =	vld [tilespmem:$0x1F3F0]  }
0x378: {  	v8 =	vmul.f32 v53, v8;
	v53 =	vld [tilespmem:$0x1F440]  }
0x379: {  	v12 =	vmul.f32 v59, v12;
	v59 =	vld [tilespmem:$0x1F480]  }
0x37a: {  	v3 =	vmul.f32 v43, v3;
	v43 =	vld [tilespmem:$0x1F3D0]  }
0x37b: {  	v16 =	vmul.f32 v47, v16;
	v47 =	vld [tilespmem:$0x1F400]  }
0x37c: {  	s30 =	sor.u32 s20, s29;
	v6 =	vmul.f32 v50, v6;
	v50 =	vld [tilespmem:$0x1F420]  }
0x37d: {  	[tilespmem:$0x1FE80] =	vst v60;
	v60 =	vld [tilespmem:s30+$0x0]  }
0x37e: {  	v9 =	vmul.f32 v55, v9;
	v55 =	vld [tilespmem:$0x1F450]  }
0x37f: {  	v10 =	vmul.f32 v56, v10;
	v56 =	vld [tilespmem:$0x1F460]  }
0x380: {  	v11 =	vmul.f32 v58, v11;
	v58 =	vld [tilespmem:$0x1F470]  }
0x381: {  	v1 =	vmul.f32 v61, v1;
	v61 =	vld [tilespmem:$0x1F490]  }
0x382: {  	[tilespmem:$0x1FEC0] =	vst v28;
	v28 =	vld.idx.msk [tilespmem:v34+s10+$0x0], $0xffff  }
0x383: {  	[tilespmem:$0x1FED0] =	vst v31;
	v31 =	vld.idx.msk [tilespmem:v45+s10+$0x0], $0xffff  }
0x384: {  	v45 =	vld.idx.msk [tilespmem:v51+s10+$0x0], $0xffff  }
0x385: {  	v2 =	vmul.f32 v32, v2;
	v32 =	vld [tilespmem:$0x1F3B0]  }
0x386: {  	v15 =	vmul.f32 v44, v15;
	v44 =	vld [tilespmem:$0x1F3E0]  }
0x387: {  	v7 =	vmul.f32 v52, v7;
	v52 =	vld [tilespmem:$0x1F430]  }
0x388: {  	v14 =	vmul.f32 v27, v14;
	v27 =	vld [tilespmem:$0x1F500]  }
0x389: {  	v3 =	vmul.f32 v29, v3;
	v29 =	vld [tilespmem:$0x1F510]  }
0x38a: {  	v16 =	vmul.f32 v33, v16;
	v33 =	vld [tilespmem:$0x1F540]  }
0x38b: {  	v13 =	vmul.f32 v62, v13;
	v62 =	vld [tilespmem:$0x1F4A0]  }
0x38c: {  	v9 =	vmul.f32 v49, v9;
	v49 =	vld [tilespmem:$0x1F590]  }
0x38d: {  	v51 =	vld.idx.msk [tilespmem:v57+s10+$0x0], $0xffff  }
0x38e: {  	v2 =	vmul.f32 v26, v2;
	v26 =	vld [tilespmem:$0x1F4F0]  }
0x38f: {  	v15 =	vmul.f32 v30, v15;
	v30 =	vld [tilespmem:$0x1F520]  }
0x390: {  	v7 =	vmul.f32 v46, v7;
	v46 =	vld [tilespmem:$0x1F570]  }
0x391: {  	v12 =	vmul.f32 v53, v12;
	v53 =	vld [tilespmem:$0x1F5C0]  }
0x392: {  	v14 =	vmul.f32 v59, v14;
	v59 =	vld [tilespmem:$0x1F600]  }
0x393: {  	v34 =	vld.idx.msk [tilespmem:v48+s10+$0x0], $0xffff  }
0x394: {  	v48 =	vld.idx.msk [tilespmem:v54+s10+$0x0], $0xffff  }
0x395: {  	v5 =	vmul.f32 v43, v5;
	v43 =	vld [tilespmem:$0x1F550]  }
0x396: {  	v8 =	vmul.f32 v47, v8;
	v47 =	vld [tilespmem:$0x1F580]  }
0x397: {  	s24 =	sor.u32 $0x15000, s21;
	v10 =	vmul.f32 v50, v10;
	v50 =	vld [tilespmem:$0x1F5A0]  }
0x398: {  	s22 =	sor.u32 s19, s24;
	v57 =	vld.idx.msk [tilespmem:v63+s10+$0x0], $0xffff  }
0x399: {  	v63 =	vld [tilespmem:s22+$0x0]  }
0x39a: {  	v1 =	vmul.f32 v55, v1;
	v55 =	vld [tilespmem:$0x1F5D0]  }
0x39b: {  	v13 =	vmul.f32 v56, v13;
	v56 =	vld [tilespmem:$0x1F5E0]  }
0x39c: {  	s26 =	sor.u32 $0x15080, s21;
	v2 =	vmul.f32 v58, v2;
	v58 =	vld [tilespmem:$0x1F5F0]  }
0x39d: {  	s28 =	sor.u32 s20, s26;
	v3 =	vmul.f32 v61, v3;
	v61 =	vld [tilespmem:$0x1F610]  }
0x39e: {  	s29 =	sor.u32 s19, s26;
	s30 =	sor.u32 $0x15100, s21;
	[tilespmem:$0x1FEE0] =	vst v28;
	v28 =	vld [tilespmem:s28+$0x0]  }
0x39f: {  	s25 =	sor.u32 s20, s24;
	s24 =	sor.u32 s19, s30;
	[tilespmem:$0x1FEF0] =	vst v31;
	v31 =	vld [tilespmem:s29+$0x0]  }
0x3a0: {  	[tilespmem:$0x1FF10] =	vst v45;
	v45 =	vld [tilespmem:s24+$0x0]  }
0x3a1: {  	v4 =	vmul.f32 v32, v4;
	v32 =	vld [tilespmem:$0x1F530]  }
0x3a2: {  	v6 =	vmul.f32 v44, v6;
	v44 =	vld [tilespmem:$0x1F560]  }
0x3a3: {  	v11 =	vmul.f32 v52, v11;
	v52 =	vld [tilespmem:$0x1F5B0]  }
0x3a4: {  	v8 =	vmul.f32 v27, v8;
	v27 =	vld [tilespmem:$0x1F640]  }
0x3a5: {  	v9 =	vmul.f32 v29, v9;
	v29 =	vld [tilespmem:$0x1F650]  }
0x3a6: {  	v12 =	vmul.f32 v33, v12;
	v33 =	vld [tilespmem:$0x1F680]  }
0x3a7: {  	v15 =	vmul.f32 v62, v15;
	v62 =	vld [tilespmem:$0x1F620]  }
0x3a8: {  	v3 =	vmul.f32 v49, v3;
	v49 =	vld [tilespmem:$0x1F700]  }
0x3a9: {  	v54 =	vld.idx.msk [tilespmem:v60+s10+$0x0], $0xffff  }
0x3aa: {  	v60 =	vld [tilespmem:s25+$0x0]  }
0x3ab: {  	v7 =	vmul.f32 v26, v7;
	v26 =	vld [tilespmem:$0x1F630]  }
0x3ac: {  	v16 =	vmul.f32 v18, v16;
	v10 =	vmul.f32 v30, v10;
	v30 =	vld [tilespmem:$0x1F660]  }
0x3ad: {  	v2 =	vmul.f32 v46, v2;
	v46 =	vld [tilespmem:$0x1F6D0]  }
0x3ae: {  	v16 =	vmul.f32 v53, v16;
	v53 =	vld [tilespmem:$0x1F740]  }
0x3af: {  	s31 =	sor.u32 s20, s30;
	v6 =	vmul.f32 v21, v6;
	v21 =	vld [tilespmem:$0x1F8D0]  }
0x3b0: {  	[tilespmem:$0x1FF00] =	vst v34;
	v34 =	vld [tilespmem:s31+$0x0]  }
0x3b1: {  	v1 =	vmul.f32 v43, v1;
	v43 =	vld [tilespmem:$0x1F6A0]  }
0x3b2: {  	s25 =	sor.u32 $0x15180, s21;
	v14 =	vmul.f32 v47, v14;
	v47 =	vld [tilespmem:$0x1F6E0]  }
0x3b3: {  	s26 =	sor.u32 s20, s25;
	v15 =	vmul.f32 v50, v15;
	v50 =	vld [tilespmem:$0x1F710]  }
0x3b4: {  	v5 =	vmul.f32 v20, v5;
	[tilespmem:$0x1FF20] =	vst v48;
	s28 =	sor.u32 s19, s25;
	v48 =	vld [tilespmem:s26+$0x0]  }
0x3b5: {  	[tilespmem:$0x1FF30] =	vst v51;
	v51 =	vld [tilespmem:s28+$0x0]  }
0x3b6: {  	v5 =	vmul.f32 v55, v5;
	v55 =	vld [tilespmem:$0x1F760]  }
0x3b7: {  	v7 =	vmul.f32 v58, v7;
	v58 =	vld [tilespmem:$0x1F780]  }
0x3b8: {  	v4 =	vmul.f32 v17, v4;
	v11 =	vmul.f32 v32, v11;
	v32 =	vld [tilespmem:$0x1F670]  }
0x3b9: {  	v13 =	vmul.f32 v44, v13;
	v44 =	vld [tilespmem:$0x1F6B0]  }
0x3ba: {  	v8 =	vmul.f32 v59, v8;
	v4 =	vmul.f32 v52, v4;
	v52 =	vld [tilespmem:$0x1F730]  }
0x3bb: {  	v12 =	vmul.f32 v27, v12;
	v27 =	vld [tilespmem:$0x1F7C0]  }
0x3bc: {  	v8 =	vmul.f32 v49, v8;
	v49 =	vld [tilespmem:$0x1F810]  }
0x3bd: {  	[tilespmem:$0x1FF50] =	vst v57;
	v57 =	vld.idx.msk [tilespmem:v63+s10+$0x0], $0xffff  }
0x3be: {  	v11 =	vmul.f32 v26, v11;
	v26 =	vld [tilespmem:$0x1F7B0]  }
0x3bf: {  	v5 =	vmul.f32 v46, v5;
	v46 =	vld [tilespmem:$0x1F7F0]  }
0x3c0: {  	v12 =	vmul.f32 v53, v12;
	v53 =	vld [tilespmem:$0x1F840]  }
0x3c1: {  	s29 =	sor.u32 $0x15200, s21;
	v63 =	vld.idx.msk [tilespmem:v31+s10+$0x0], $0xffff  }
0x3c2: {  	[tilespmem:$0x1FEB0] =	vst v25;
	s22 =	sor.u32 s19, s29;
	v25 =	vld.idx.msk [tilespmem:v45+s10+$0x0], $0xffff  }
0x3c3: {  	v6 =	vmul.f32 v56, v6;
	v45 =	vld [tilespmem:s22+$0x0]  }
0x3c4: {  	v9 =	vmul.f32 v61, v9;
	v15 =	vmul.f32 v43, v15;
	v43 =	vld [tilespmem:$0x1F7D0]  }
0x3c5: {  	v13 =	vmul.f32 v30, v13;
	v6 =	vmul.f32 v47, v6;
	v47 =	vld [tilespmem:$0x1F800]  }
0x3c6: {  	v14 =	vmul.f32 v33, v14;
	v9 =	vmul.f32 v50, v9;
	v50 =	vld [tilespmem:$0x1F820]  }
0x3c7: {  	v13 =	vmul.f32 v55, v13;
	v55 =	vld [tilespmem:$0x1F860]  }
0x3c8: {  	v14 =	vmul.f32 v58, v14;
	v58 =	vld [tilespmem:$0x1F890]  }
0x3c9: {  	[tilespmem:$0x1FF40] =	vst v54;
	v54 =	vld.idx.msk [tilespmem:v60+s10+$0x0], $0xffff  }
0x3ca: {  	v60 =	vld.idx.msk [tilespmem:v28+s10+$0x0], $0xffff  }
0x3cb: {  	v4 =	vmul.f32 v44, v4;
	v44 =	vld [tilespmem:$0x1F7E0]  }
0x3cc: {  	v11 =	vmul.f32 v52, v11;
	v52 =	vld [tilespmem:$0x1F830]  }
0x3cd: {  	[tilespmem:$0x1FEA0] =	vst v19;
	s30 =	sor.u32 s20, s29;
	v19 =	vld.idx.msk [tilespmem:v34+s10+$0x0], $0xffff  }
0x3ce: {  	v34 =	vld [tilespmem:s30+$0x0]  }
0x3cf: {  	v9 =	vmul.f32 v49, v9;
	v49 =	vld [tilespmem:$0x1F960]  }
0x3d0: {  	s31 =	sor.u32 $0x15280, s21;
	v28 =	vld.idx.msk [tilespmem:v48+s10+$0x0], $0xffff  }
0x3d1: {  	s25 =	sor.u32 s20, s31;
	v31 =	vld.idx.msk [tilespmem:v51+s10+$0x0], $0xffff  }
0x3d2: {  	s26 =	sor.u32 s19, s31;
	s28 =	sor.u32 $0x15300, s21;
	v48 =	vld [tilespmem:s25+$0x0]  }
0x3d3: {  	s30 =	sor.u32 s19, s28;
	v51 =	vld [tilespmem:s26+$0x0]  }
0x3d4: {  	s31 =	sor.u32 $0x15380, s21;
	[tilespmem:$0x1FF70] =	vst v57;
	v57 =	vld [tilespmem:s30+$0x0]  }
0x3d5: {  	s29 =	sor.u32 s20, s28;
	s28 =	sor.u32 $0x16000, s21;
	s26 =	sor.u32 s19, s31;
	v12 =	vmul.f32 v53, v12;
	v53 =	vld [tilespmem:$0x1F990]  }
0x3d6: {  	s22 =	sor.u32 s19, s28;
	[tilespmem:$0x1FF90] =	vst v63;
	v63 =	vld [tilespmem:s26+$0x0]  }
0x3d7: {  	v56 =	vld [tilespmem:s22+$0x0]  }
0x3d8: {  	[tilespmem:$0x1FFB0] =	vst v25;
	v25 =	vld [tilespmem:$0x1F7A0]  }
0x3d9: {  	s30 =	sor.u32 $0x16080, s21;
	v5 =	vmul.f32 v43, v5;
	v43 =	vld [tilespmem:$0x1F900]  }
0x3da: {  	s25 =	sor.u32 s20, s31;
	s31 =	sor.u32 s20, s30;
	v8 =	vmul.f32 v47, v8;
	v47 =	vld [tilespmem:$0x1F940]  }
0x3db: {  	s24 =	sor.u32 s19, s30;
	v59 =	vld [tilespmem:s31+$0x0]  }
0x3dc: {  	v20 =	vld [tilespmem:s24+$0x0]  }
0x3dd: {  	v13 =	vmul.f32 v55, v13;
	v55 =	vld [tilespmem:$0x1F9B0]  }
0x3de: {  	[tilespmem:$0x1FF60] =	vst v54;
	v54 =	vld [tilespmem:s29+$0x0]  }
0x3df: {  	[tilespmem:$0x1FF80] =	vst v60;
	v60 =	vld [tilespmem:s25+$0x0]  }
0x3e0: {  	s24 =	sor.u32 $0x16200, s21;
	s29 =	sor.u32 s20, s28;
	v6 =	vmul.f32 v44, v6;
	v44 =	vld [tilespmem:$0x1F910]  }
0x3e1: {  	s22 =	sor.u32 s19, s24;
	v17 =	vld [tilespmem:s29+$0x0]  }
0x3e2: {  	v61 =	vld [tilespmem:s22+$0x0]  }
0x3e3: {  	v13 =	vmul.f32 v49, v13;
	v49 =	vld [tilespmem:$0x1FA60]  }
0x3e4: {  	[tilespmem:$0x1FFD0] =	vst v31;
	v31 =	vld.idx.msk [tilespmem:v45+s10+$0x0], $0xffff  }
0x3e5: {  	v45 =	vld [tilespmem:$0x1F6C0]  }
0x3e6: {  	[tilespmem:$0x1FFC0] =	vst v28;
	v28 =	vld.idx.msk [tilespmem:v34+s10+$0x0], $0xffff  }
0x3e7: {  	v34 =	vld [tilespmem:$0x1F690]  }
0x3e8: {  	v33 =	vld.idx.msk [tilespmem:v48+s10+$0x0], $0xffff  }
0x3e9: {  	v2 =	vmul.f32 v32, v2;
	v32 =	vld.idx.msk [tilespmem:v51+s10+$0x0], $0xffff  }
0x3ea: {  	v30 =	vld.idx.msk [tilespmem:v57+s10+$0x0], $0xffff  }
0x3eb: {  	v48 =	vld [tilespmem:$0x1F6F0]  }
0x3ec: {  	v51 =	vld [tilespmem:$0x1F720]  }
0x3ed: {  	v57 =	vld [tilespmem:$0x1F770]  }
0x3ee: {  	v4 =	vmul.f32 v26, v4;
	v26 =	vld.idx.msk [tilespmem:v56+s10+$0x0], $0xffff  }
0x3ef: {  	s25 =	sor.u32 $0x16100, s21;
	v56 =	vld [tilespmem:$0x1F870]  }
0x3f0: {  	s28 =	sor.u32 s19, s25;
	v13 =	vmul.f32 v49, v13;
	v49 =	vld [tilespmem:$0x1FB60]  }
0x3f1: {  	v16 =	vmul.f32 v45, v16;
	v45 =	vld [tilespmem:s28+$0x0]  }
0x3f2: {  	v15 =	vmul.f32 v25, v15;
	v25 =	vld.idx.msk [tilespmem:v59+s10+$0x0], $0xffff  }
0x3f3: {  	v59 =	vld [tilespmem:$0x1F8A0]  }
0x3f4: {  	v23 =	vld.idx.msk [tilespmem:v20+s10+$0x0], $0xffff  }
0x3f5: {  	v20 =	vld [tilespmem:$0x1F8C0]  }
0x3f6: {  	[tilespmem:$0x1FFF0] =	vst v31;
	v31 =	vld.idx.msk [tilespmem:v54+s10+$0x0], $0xffff  }
0x3f7: {  	v1 =	vmul.f32 v29, v1;
	v29 =	vld.idx.msk [tilespmem:v60+s10+$0x0], $0xffff  }
0x3f8: {  	v54 =	vld [tilespmem:$0x1F750]  }
0x3f9: {  	v60 =	vld [tilespmem:$0x1F8B0]  }
0x3fa: {  	s26 =	sor.u32 s20, s25;
	[tilespmem:$0x1FFE0] =	vst v28;
	v28 =	vld.idx.msk [tilespmem:v63+s10+$0x0], $0xffff  }
0x3fb: {  	v3 =	vmul.f32 v34, v3;
	v34 =	vld [tilespmem:s26+$0x0]  }
0x3fc: {  	v16 =	vmul.f32 v27, v16;
	v27 =	vld.idx.msk [tilespmem:v17+s10+$0x0], $0xffff  }
0x3fd: {  	s29 =	sor.u32 $0x16180, s21;
	v61 =	vld.idx.msk [tilespmem:v61+s10+$0x0], $0xffff  }
0x3fe: {  	v10 =	vmul.f32 v62, v10;
	s30 =	sor.u32 s20, s29;
	v17 =	vld [tilespmem:$0x1FAE0]  }
0x3ff: {  	s31 =	sor.u32 s19, s29;
	v7 =	vmul.f32 v48, v7;
	v48 =	vld [tilespmem:s30+$0x0]  }
0x400: {  	s26 =	sor.u32 $0x16280, s21;
	v10 =	vmul.f32 v51, v10;
	v51 =	vld [tilespmem:s31+$0x0]  }
0x401: {  	v2 =	vmul.f32 v57, v2;
	v57 =	vld [tilespmem:$0x1F880];
	s28 =	sor.u32 s20, s26  }
0x402: {  	v11 =	vmul.f32 v52, v11;
	v52 =	vld [tilespmem:s28+$0x0]  }
0x403: {  	v7 =	vmul.f32 v46, v7;
	v46 =	vld [tilespmem:$0x1F930]  }
0x404: {  	s30 =	sor.u32 $0x16300, s21;
	v10 =	vmul.f32 v50, v10;
	v50 =	vld [tilespmem:$0x1F970]  }
0x405: {  	s31 =	sor.u32 s20, s30;
	v2 =	vmul.f32 v56, v2;
	v56 =	vld [tilespmem:$0x1F9C0]  }
0x406: {  	v3 =	vmul.f32 v24, v3;
	v15 =	vmul.f32 v59, v15;
	v59 =	vld [tilespmem:s31+$0x0]  }
0x407: {  	v1 =	vmul.f32 v54, v1;
	v54 =	vld [tilespmem:$0x1F850]  }
0x408: {  	v3 =	vmul.f32 v58, v3;
	v58 =	vld [tilespmem:$0x1F9E0]  }
0x409: {  	[tilespmem:$0x1FDE0] =	vst v0;
	v0 =	vmul.f32 v21, v5;
	v21 =	vld.idx.msk [tilespmem:v45+s10+$0x0], $0xffff  }
0x40a: {  	v45 =	vld [tilespmem:$0x1F920]  }
0x40b: {  	v4 =	vmul.f32 v60, v4;
	v14 =	vmul.f32 v57, v14;
	v57 =	vld [tilespmem:$0x1F9D0]  }
0x40c: {  	v3 =	vmul.f32 v53, v3;
	v53 =	vld [tilespmem:$0x1FAA0]  }
0x40d: {  	v4 =	vmul.f32 v55, v4;
	v55 =	vld [tilespmem:$0x1FAC0]  }
0x40e: {  	v24 =	vld.idx.msk [tilespmem:v34+s10+$0x0], $0xffff  }
0x40f: {  	v16 =	vmul.f32 v20, v16;
	v34 =	vld [tilespmem:$0x1F8F0]  }
0x410: {  	v2 =	vmul.f32 v50, v2;
	v50 =	vld [tilespmem:$0x1FA70]  }
0x411: {  	v60 =	vmul.f32 v56, v16;
	v16 =	vld [tilespmem:$0x1FAD0]  }
0x412: {  	v5 =	vmul.f32 v22, v6;
	v22 =	vld.idx.msk [tilespmem:v48+s10+$0x0], $0xffff  }
0x413: {  	v20 =	vld.idx.msk [tilespmem:v51+s10+$0x0], $0xffff  }
0x414: {  	v48 =	vld [tilespmem:$0x1F950]  }
0x415: {  	v51 =	vld [tilespmem:$0x1F980]  }
0x416: {  	s25 =	sor.u32 s20, s24;
	s24 =	sor.u32 s19, s30;
	v1 =	vmul.f32 v54, v1;
	v54 =	vld [tilespmem:$0x1F9A0]  }
0x417: {  	v5 =	vmul.f32 v58, v5;
	v58 =	vld [tilespmem:s24+$0x0]  }
0x418: {  	v62 =	vld.idx.msk [tilespmem:v52+s10+$0x0], $0xffff  }
0x419: {  	v52 =	vld [tilespmem:$0x1FA90];
	v6 =	vmul.f32 v34, v7;
	v7 =	vmul.f32 v43, v8  }
0x41a: {  	v59 =	vld.idx.msk [tilespmem:v59+s10+$0x0], $0xffff;
	v8 =	vmul.f32 v44, v9;
	v9 =	vmul.f32 v45, v10  }
0x41b: {  	v10 =	vmul.f32 v46, v11;
	v11 =	vmul.f32 v47, v12;
	v12 =	vld [tilespmem:s25+$0x0]  }
0x41c: {  	v34 =	vld [tilespmem:$0x1F9F0]  }
0x41d: {  	v43 =	vld [tilespmem:$0x1FA00]  }
0x41e: {  	v44 =	vld [tilespmem:$0x1FA10]  }
0x41f: {  	v45 =	vld [tilespmem:$0x1FA20]  }
0x420: {  	v46 =	vld [tilespmem:$0x1FA30]  }
0x421: {  	v47 =	vld [tilespmem:$0x1FA40]  }
0x422: {  	s29 =	sor.u32 s19, s26;
	v2 =	vmul.f32 v50, v2;
	v50 =	vld [tilespmem:$0x1FB70]  }
0x423: {  	v63 =	vmul.f32 v54, v15;
	v15 =	vld [tilespmem:s29+$0x0]  }
0x424: {  	v1 =	vmul.f32 v48, v1;
	v48 =	vld [tilespmem:$0x1FA50]  }
0x425: {  	s25 =	sor.u32 $0x16380, s21;
	v14 =	vmul.f32 v51, v14;
	v51 =	vld [tilespmem:$0x1FA80]  }
0x426: {  	s26 =	sor.u32 s20, s25;
	v54 =	vld [tilespmem:$0x1FAB0]  }
0x427: {  	v0 =	vmul.f32 v57, v0;
	s28 =	sor.u32 s19, s25;
	v57 =	vld [tilespmem:s26+$0x0]  }
0x428: {  	s29 =	sor.u32 $0x17000, s21;
	v56 =	vld [tilespmem:s28+$0x0]  }
0x429: {  	v3 =	vmul.f32 v52, v3;
	s22 =	sor.u32 s19, s29;
	v52 =	vld [tilespmem:$0x1FB90]  }
0x42a: {  	v60 =	vmul.f32 v55, v60;
	v55 =	vld [tilespmem:s22+$0x0]  }
0x42b: {  	v63 =	vmul.f32 v53, v63;
	v53 =	vld [tilespmem:$0x1FBA0]  }
0x42c: {  	v5 =	vmul.f32 v17, v5;
	v17 =	vld.idx.msk [tilespmem:v58+s10+$0x0], $0xffff  }
0x42d: {  	v6 =	vmul.f32 v34, v6;
	v34 =	vld [tilespmem:$0x1FAF0]  }
0x42e: {  	v7 =	vmul.f32 v43, v7;
	v43 =	vld [tilespmem:$0x1FB00]  }
0x42f: {  	v8 =	vmul.f32 v44, v8;
	v44 =	vld [tilespmem:$0x1FB10]  }
0x430: {  	v9 =	vmul.f32 v45, v9;
	v45 =	vld [tilespmem:$0x1FB20]  }
0x431: {  	v10 =	vmul.f32 v46, v10;
	v46 =	vld [tilespmem:$0x1FB30]  }
0x432: {  	v11 =	vmul.f32 v47, v11;
	v47 =	vld [tilespmem:$0x1FB40]  }
0x433: {  	s31 =	sor.u32 $0x17080, s21;
	v1 =	vmul.f32 v48, v1;
	v48 =	vld [tilespmem:$0x1FB50]  }
0x434: {  	s25 =	sor.u32 s20, s31;
	v14 =	vmul.f32 v51, v14;
	v51 =	vld [tilespmem:$0x1FB80]  }
0x435: {  	s26 =	sor.u32 s19, s31;
	v4 =	vmul.f32 v54, v4;
	v54 =	vld [tilespmem:s25+$0x0]  }
0x436: {  	v3 =	vmul.f32 v52, v3;
	v52 =	vld [tilespmem:s26+$0x0]  }
0x437: {  	[tilespmem:$0x1FFA0] =	vst v19;
	s28 =	sor.u32 $0x17100, s21;
	v19 =	vld.idx.msk [tilespmem:v12+s10+$0x0], $0xffff  }
0x438: {  	s30 =	sor.u32 s20, s29;
	s31 =	sor.u32 $0x17180, s21;
	s29 =	sor.u32 s20, s28;
	v12 =	vld [tilespmem:$0x1FBB0]  }
0x439: {  	s26 =	sor.u32 s19, s31;
	v63 =	vmul.f32 v53, v63;
	v53 =	vld [tilespmem:s29+$0x0]  }
0x43a: {  	v13 =	vmul.f32 v49, v13;
	v49 =	vld [tilespmem:s26+$0x0]  }
0x43b: {  	v18 =	vld.idx.msk [tilespmem:v15+s10+$0x0], $0xffff  }
0x43c: {  	v15 =	vld [tilespmem:$0x1FBC0]  }
0x43d: {  	v57 =	vld.idx.msk [tilespmem:v57+s10+$0x0], $0xffff  }
0x43e: {  	v0 =	vmul.f32 v16, v0;
	v16 =	vld.idx.msk [tilespmem:v56+s10+$0x0], $0xffff  }
0x43f: {  	v56 =	vld [tilespmem:s30+$0x0]  }
0x440: {  	v6 =	vmul.f32 v34, v6;
	v34 =	vld [tilespmem:$0x1FBD0]  }
0x441: {  	v7 =	vmul.f32 v43, v7;
	v43 =	vld [tilespmem:$0x1FBE0]  }
0x442: {  	v8 =	vmul.f32 v44, v8;
	v44 =	vld [tilespmem:$0x1FBF0]  }
0x443: {  	v58 =	vmul.f32 v45, v9;
	v45 =	vld [tilespmem:$0x1FC00]  }
0x444: {  	v10 =	vmul.f32 v46, v10;
	v46 =	vld [tilespmem:$0x1FC10]  }
0x445: {  	v11 =	vmul.f32 v47, v11;
	s30 =	sor.u32 s19, s28;
	v47 =	vld [tilespmem:$0x1FC20]  }
0x446: {  	v2 =	vmul.f32 v50, v2;
	s25 =	sor.u32 s20, s31;
	v50 =	vld [tilespmem:s30+$0x0]  }
0x447: {  	v14 =	vmul.f32 v51, v14;
	v51 =	vld [tilespmem:s25+$0x0]  }
0x448: {  	v1 =	vmul.f32 v48, v1;
	v48 =	vld [tilespmem:$0x1FC30]  }
0x449: {  	v55 =	vld.idx.msk [tilespmem:v55+s10+$0x0], $0xffff  }
0x44a: {  	v4 =	vmul.f32 v12, v4;
	v12 =	vld [tilespmem:$0x1FC40]  }
0x44b: {  	v60 =	vmul.f32 v15, v60;
	v15 =	vld [tilespmem:$0x1FC50]  }
0x44c: {  	v54 =	vld.idx.msk [tilespmem:v54+s10+$0x0], $0xffff  }
0x44d: {  	v0 =	vmul.f32 v34, v0;
	v34 =	vld [tilespmem:$0x1FC60]  }
0x44e: {  	v5 =	vmul.f32 v43, v5;
	v43 =	vld [tilespmem:$0x1FC70]  }
0x44f: {  	v6 =	vmul.f32 v44, v6;
	v44 =	vld [tilespmem:$0x1FC80]  }
0x450: {  	v7 =	vmul.f32 v45, v7;
	v45 =	vld [tilespmem:$0x1FC90]  }
0x451: {  	v8 =	vmul.f32 v46, v8;
	v46 =	vld [tilespmem:$0x1FCA0]  }
0x452: {  	v52 =	vld.idx.msk [tilespmem:v52+s10+$0x0], $0xffff  }
0x453: {  	v58 =	vmul.f32 v47, v58;
	v47 =	vld [tilespmem:$0x1FCB0]  }
0x454: {  	v10 =	vmul.f32 v48, v10;
	v48 =	vld [tilespmem:$0x1FCC0]  }
0x455: {  	v53 =	vld.idx.msk [tilespmem:v53+s10+$0x0], $0xffff  }
0x456: {  	v56 =	vld.idx.msk [tilespmem:v56+s10+$0x0], $0xffff  }
0x457: {  	v11 =	vmul.f32 v12, v11;
	v12 =	vld [tilespmem:$0x1FCD0]  }
0x458: {  	v1 =	vmul.f32 v15, v1;
	v15 =	vld [tilespmem:$0x1FCE0]  }
0x459: {  	v50 =	vld.idx.msk [tilespmem:v50+s10+$0x0], $0xffff  }
0x45a: {  	v51 =	vld.idx.msk [tilespmem:v51+s10+$0x0], $0xffff  }
0x45b: {  	v13 =	vmul.f32 v34, v13;
	v34 =	vld [tilespmem:$0x1FCF0]  }
0x45c: {  	v2 =	vmul.f32 v43, v2;
	v43 =	vld [tilespmem:$0x1FD00]  }
0x45d: {  	v9 =	vmul.f32 v44, v14;
	v44 =	vld [tilespmem:$0x1FD10]  }
0x45e: {  	v14 =	vmul.f32 v45, v3;
	v45 =	vld [tilespmem:$0x1FD20]  }
0x45f: {  	v63 =	vmul.f32 v46, v63;
	v46 =	vld [tilespmem:$0x1FD30]  }
0x460: {  	v4 =	vmul.f32 v47, v4;
	v47 =	vld [tilespmem:$0x1FD40]  }
0x461: {  	s28 =	sor.u32 $0x17200, s21;
	v60 =	vmul.f32 v48, v60;
	v48 =	vld [tilespmem:$0x1FD50]  }
0x462: {  	s22 =	sor.u32 s19, s28;
	v3 =	vmul.f32 v12, v0;
	v12 =	vld [tilespmem:$0x1FD60]  }
0x463: {  	v0 =	vld [tilespmem:s22+$0x0]  }
0x464: {  	s29 =	sor.u32 s20, s28;
	v5 =	vmul.f32 v15, v5;
	v15 =	vld.idx.msk [tilespmem:v49+s10+$0x0], $0xffff  }
0x465: {  	v49 =	vld [tilespmem:s29+$0x0]  }
0x466: {  	v6 =	vmul.f32 v34, v6;
	v34 =	vld [tilespmem:$0x1FD70]  }
0x467: {  	v7 =	vmul.f32 v43, v7;
	v43 =	vld [tilespmem:$0x1FD80]  }
0x468: {  	s30 =	sor.u32 $0x17280, s21;
	v8 =	vmul.f32 v44, v8;
	v44 =	vld [tilespmem:$0x1FD90]  }
0x469: {  	s24 =	sor.u32 s19, s30;
	v58 =	vmul.f32 v45, v58;
	v45 =	vld [tilespmem:$0x1FDA0]  }
0x46a: {  	v11 =	vmul.f32 v47, v11;
	v47 =	vld [tilespmem:s24+$0x0]  }
0x46b: {  	v2 =	vmul.f32 v34, v2;
	v34 =	vld [tilespmem:$0x1FDC0]  }
0x46c: {  	v10 =	vmul.f32 v46, v10;
	v46 =	vld [tilespmem:$0x1FDB0]  }
0x46d: {  	s31 =	sor.u32 s20, s30;
	v3 =	vmul.f32 v39, v3;
	v39 =	vld [tilespmem:$0x1FDD0]  }
0x46e: {  	v1 =	vmul.f32 v48, v1;
	v48 =	vld [tilespmem:s31+$0x0]  }
0x46f: {  	v5 =	vmul.f32 v37, v5;
	v37 =	vld [tilespmem:$0x1FE10]  }
0x470: {  	v60 =	vmul.f32 v34, v60;
	v34 =	vld [tilespmem:$0x1FDF0]  }
0x471: {  	v6 =	vmul.f32 v36, v6;
	v36 =	vld [tilespmem:$0x1FE00]  }
0x472: {  	v7 =	vmul.f32 v38, v7;
	v38 =	vld [tilespmem:$0x1FE20]  }
0x473: {  	v11 =	vmul.f32 v41, v11;
	v41 =	vld [tilespmem:$0x1FE50]  }
0x474: {  	s25 =	sor.u32 $0x17300, s21;
	v1 =	vmul.f32 v40, v1;
	v40 =	vld [tilespmem:$0x1FE40]  }
0x475: {  	s26 =	sor.u32 s20, s25;
	v10 =	vmul.f32 v34, v10;
	v34 =	vld [tilespmem:$0x1FE70]  }
0x476: {  	s28 =	sor.u32 s19, s25;
	s29 =	sor.u32 $0x17380, s21;
	v4 =	vmul.f32 v46, v4;
	v46 =	vld [tilespmem:s26+$0x0]  }
0x477: {  	s30 =	sor.u32 s20, s29;
	v14 =	vmul.f32 v44, v14;
	v44 =	vld [tilespmem:s28+$0x0]  }
0x478: {  	v63 =	vmul.f32 v45, v63;
	v45 =	vld [tilespmem:s30+$0x0]  }
0x479: {  	v9 =	vmul.f32 v43, v9;
	v43 =	vld [tilespmem:$0x1FDE0]  }
0x47a: {  	v13 =	vmul.f32 v12, v13;
	v5 =	vmul.f32 v34, v5;
	v34 =	vld [tilespmem:$0x1FEF0]  }
0x47b: {  	v8 =	vmul.f32 v39, v8;
	v39 =	vld [tilespmem:$0x1FE30]  }
0x47c: {  	s24 =	sor.u32 $0x18000, s21;
	v13 =	vmul.f32 v42, v13;
	v42 =	vld [tilespmem:$0x1FE60]  }
0x47d: {  	s25 =	sor.u32 s20, s24;
	v12 =	vld.idx.msk [tilespmem:v0+s10+$0x0], $0xffff  }
0x47e: {  	v0 =	vld [tilespmem:s25+$0x0]  }
0x47f: {  	v13 =	vmul.f32 v34, v13;
	v34 =	vld [tilespmem:$0x1FF20]  }
0x480: {  	v2 =	vmul.f32 v36, v2;
	v36 =	vld [tilespmem:$0x1FE80]  }
0x481: {  	v9 =	vmul.f32 v37, v9;
	v37 =	vld [tilespmem:$0x1FE90]  }
0x482: {  	v14 =	vmul.f32 v38, v14;
	v38 =	vld [tilespmem:$0x1FEA0]  }
0x483: {  	v47 =	vld.idx.msk [tilespmem:v47+s10+$0x0], $0xffff  }
0x484: {  	v14 =	vmul.f32 v34, v14;
	v34 =	vld [tilespmem:$0x1FF40]  }
0x485: {  	v4 =	vmul.f32 v40, v4;
	v40 =	vld [tilespmem:$0x1FEC0]  }
0x486: {  	s31 =	sor.u32 s19, s29;
	v48 =	vld.idx.msk [tilespmem:v48+s10+$0x0], $0xffff  }
0x487: {  	v58 =	vmul.f32 v43, v58;
	v43 =	vld [tilespmem:s31+$0x0]  }
0x488: {  	v63 =	vmul.f32 v39, v63;
	v39 =	vld [tilespmem:$0x1FEB0]  }
0x489: {  	v4 =	vmul.f32 v34, v4;
	v34 =	vld [tilespmem:$0x1FF60]  }
0x48a: {  	s22 =	sor.u32 s19, s24;
	s30 =	sor.u32 $0x18100, s21;
	v3 =	vmul.f32 v42, v3;
	v42 =	vld [tilespmem:$0x1FEE0]  }
0x48b: {  	s26 =	sor.u32 $0x18080, s21;
	s24 =	sor.u32 s19, s30;
	s25 =	sor.u32 $0x18180, s21;
	v60 =	vmul.f32 v41, v60;
	v41 =	vld [tilespmem:$0x1FED0]  }
0x48c: {  	s28 =	sor.u32 s20, s26;
	s29 =	sor.u32 s19, s26;
	s26 =	sor.u32 s20, s25;
	v8 =	vmul.f32 v38, v8;
	v38 =	vld [tilespmem:s24+$0x0]  }
0x48d: {  	v7 =	vmul.f32 v37, v7;
	v37 =	vld [tilespmem:s26+$0x0]  }
0x48e: {  	v3 =	vmul.f32 v34, v3;
	v34 =	vld [tilespmem:$0x1FF70]  }
0x48f: {  	v10 =	vmul.f32 v40, v10;
	v40 =	vld [tilespmem:$0x1FF00]  }
0x490: {  	v46 =	vld.idx.msk [tilespmem:v46+s10+$0x0], $0xffff  }
0x491: {  	v44 =	vld.idx.msk [tilespmem:v44+s10+$0x0], $0xffff  }
0x492: {  	v11 =	vmul.f32 v41, v11;
	v41 =	vld [tilespmem:$0x1FF10]  }
0x493: {  	v5 =	vmul.f32 v34, v5;
	v34 =	vld [tilespmem:$0x1FF80]  }
0x494: {  	v2 =	vmul.f32 v40, v2;
	v40 =	vld [tilespmem:$0x1FF30]  }
0x495: {  	v45 =	vld.idx.msk [tilespmem:v45+s10+$0x0], $0xffff  }
0x496: {  	v6 =	vmul.f32 v36, v6;
	v0 =	vld.idx.msk [tilespmem:v0+s10+$0x0], $0xffff  }
0x497: {  	v9 =	vmul.f32 v41, v9;
	v41 =	vld [tilespmem:s28+$0x0]  }
0x498: {  	v6 =	vmul.f32 v34, v6;
	v34 =	vld [tilespmem:$0x1FF90]  }
0x499: {  	v63 =	vmul.f32 v40, v63;
	v40 =	vld [tilespmem:$0x1FF50]  }
0x49a: {  	v1 =	vmul.f32 v42, v1;
	v42 =	vld [tilespmem:s22+$0x0]  }
0x49b: {  	v58 =	vmul.f32 v39, v58;
	v39 =	vld [tilespmem:s29+$0x0]  }
0x49c: {  	v43 =	vld.idx.msk [tilespmem:v43+s10+$0x0], $0xffff  }
0x49d: {  	s31 =	sor.u32 s20, s30;
	v7 =	vmul.f32 v34, v7;
	v34 =	vld [tilespmem:$0x1FFA0]  }
0x49e: {  	s28 =	sor.u32 s19, s25;
	v60 =	vmul.f32 v40, v60;
	v40 =	vld [tilespmem:s31+$0x0]  }
0x49f: {  	v36 =	vld [tilespmem:s28+$0x0];
	s31 =	sor.u32 $0x18280, s21  }
0x4a0: {  	v9 =	vmul.f32 v32, v9;
	v32 =	vld.idx.msk [tilespmem:v41+s10+$0x0], $0xffff;
	s24 =	sor.u32 s20, s31  }
0x4a1: {  	v2 =	vmul.f32 v33, v2;
	v33 =	vld [tilespmem:s24+$0x0]  }
0x4a2: {  	s29 =	sor.u32 $0x18200, s21;
	v8 =	vmul.f32 v34, v8;
	v34 =	vld [tilespmem:$0x1FFB0]  }
0x4a3: {  	s26 =	sor.u32 $0x18300, s21;
	s30 =	sor.u32 s20, s29;
	v14 =	vmul.f32 v31, v14;
	v31 =	vld.idx.msk [tilespmem:v39+s10+$0x0], $0xffff;
	s21 =	sor.u32 $0x18380, s21  }
0x4a4: {  	s28 =	sor.u32 s20, s26;
	v2 =	vmul.f32 v62, v2;
	s20 =	sor.u32 s20, s21;
	v28 =	vmul.f32 v28, v60;
	v60 =	vld [tilespmem:s30+$0x0]  }
0x4a5: {  	v9 =	vmul.f32 v18, v9;
	v30 =	vmul.f32 v30, v63;
	v39 =	vld [tilespmem:s20+$0x0]  }
0x4a6: {  	v2 =	vmul.f32 v48, v2;
	v4 =	vmul.f32 v29, v4;
	v29 =	vld.idx.msk [tilespmem:v40+s10+$0x0], $0xffff  }
0x4a7: {  	v17 =	vmul.f32 v17, v30;
	s30 =	sor.u32 s19, s21;
	v58 =	vmul.f32 v34, v58;
	v34 =	vld [tilespmem:$0x1FFC0]  }
0x4a8: {  	v9 =	vmul.f32 v47, v9;
	v14 =	vmul.f32 v59, v14;
	v40 =	vld [tilespmem:s30+$0x0]  }
0x4a9: {  	v17 =	vmul.f32 v44, v17;
	v16 =	vmul.f32 v16, v28;
	v18 =	vld.idx.msk [tilespmem:v33+s10+$0x0], $0xffff  }
0x4aa: {  	s22 =	sor.u32 s19, s29;
	s29 =	sor.u32 s19, s26;
	v14 =	vmul.f32 v46, v14;
	v5 =	vmul.f32 v26, v5;
	v26 =	vld.idx.msk [tilespmem:v38+s10+$0x0], $0xffff  }
0x4ab: {  	v16 =	vmul.f32 v43, v16;
	v3 =	vmul.f32 v27, v3;
	v38 =	vld [tilespmem:s29+$0x0]  }
0x4ac: {  	v7 =	vmul.f32 v23, v7;
	v10 =	vmul.f32 v34, v10;
	v34 =	vld [tilespmem:$0x1FFD0]  }
0x4ad: {  	v4 =	vmul.f32 v57, v4;
	v6 =	vmul.f32 v25, v6;
	v23 =	vld.idx.msk [tilespmem:v37+s10+$0x0], $0xffff  }
0x4ae: {  	v3 =	vmul.f32 v56, v3;
	v7 =	vmul.f32 v52, v7;
	v52 =	vld.idx.msk [tilespmem:v39+s10+$0x0], $0xffff  }
0x4af: {  	s25 =	sor.u32 s19, s31;
	v6 =	vmul.f32 v54, v6;
	v21 =	vmul.f32 v21, v58;
	v58 =	vld.idx.msk [tilespmem:v36+s10+$0x0], $0xffff  }
0x4b0: {  	v4 =	vmul.f32 v45, v4;
	v0 =	vmul.f32 v0, v3;
	v36 =	vld [tilespmem:s25+$0x0]  }
0x4b1: {  	v6 =	vmul.f32 v32, v6;
	v11 =	vmul.f32 v34, v11;
	v34 =	vld [tilespmem:$0x1FFE0]  }
0x4b2: {  	v2 =	vmul.f32 v18, v2;
	v37 =	vld [tilespmem:s28+$0x0];
	v8 =	vmul.f32 v24, v8  }
0x4b3: {  	v63 =	vld [tilespmem:s22+$0x0];
	v5 =	vmul.f32 v55, v5;
	v0 =	vmul.f32 v6, v0  }
0x4b4: {  	v7 =	vmul.f32 v31, v7;
	v8 =	vmul.f32 v53, v8;
	v53 =	vld.idx.msk [tilespmem:v40+s10+$0x0], $0xffff  }
0x4b5: {  	v49 =	vld.idx.msk [tilespmem:v49+s10+$0x0], $0xffff;
	v4 =	vmul.f32 v52, v4;
	v10 =	vmul.f32 v22, v10  }
0x4b6: {  	v8 =	vmul.f32 v29, v8;
	v1 =	vmul.f32 v34, v1;
	v34 =	vld [tilespmem:$0x1FFF0]  }
0x4b7: {  	v41 =	vld.idx.msk [tilespmem:v60+s10+$0x0], $0xffff;
	v21 =	vmul.f32 v50, v21;
	v10 =	vmul.f32 v51, v10  }
0x4b8: {  	v51 =	vld.idx.msk [tilespmem:v38+s10+$0x0], $0xffff;
	v11 =	vmul.f32 v20, v11;
	v1 =	vmul.f32 v19, v1  }
0x4b9: {  	v55 =	vmul.f32 v53, v16;
	v48 =	vld.idx.msk [tilespmem:v36+s10+$0x0], $0xffff;
	v10 =	vmul.f32 v23, v10  }
0x4ba: {  	v11 =	vmul.f32 v15, v11;
	v1 =	vmul.f32 v49, v1;
	v49 =	vld.idx.msk [tilespmem:v37+s10+$0x0], $0xffff  }
0x4bb: {  	v21 =	vmul.f32 v26, v21;
	v13 =	vmul.f32 v34, v13;
	v34 =	vld.idx.msk [tilespmem:v42+s10+$0x0], $0xffff  }
0x4bc: {  	v56 =	vmul.f32 v10, v8;
	v11 =	vmul.f32 v58, v11;
	v42 =	vld.idx.msk [tilespmem:v63+s10+$0x0], $0xffff  }
0x4bd: {  	v1 =	vmul.f32 v41, v1;
	v13 =	vmul.f32 v61, v13  }
0x4be: {  	v9 =	vmul.f32 v48, v9;
	v58 =	vmul.f32 v11, v21  }
0x4bf: {  	v1 =	vmul.f32 v2, v1;
	v12 =	vmul.f32 v12, v13  }
0x4c0: {  	v54 =	vmul.f32 v49, v14;
	v50 =	vmul.f32 v34, v5  }
0x4c1: {  	v5 =	vmul.f32 v51, v17;
	v12 =	vmul.f32 v42, v12  }
0x4c2: {  	v57 =	vmul.f32 v4, v54;
	v3 =	vmul.f32 v7, v50  }
0x4c3: {  	v5 =	vmul.f32 v55, v5;
	v59 =	vmul.f32 v9, v12  }
0x4c4: {  	v0 =	vmul.f32 v56, v0;
	v1 =	vmul.f32 v57, v1  }
0x4c5: {  	v60 =	vmul.f32 v58, v3;
	v61 =	vmul.f32 v5, v59  }
0x4c6: {  	v0 =	vmul.f32 v1, v0  }
0x4c7: {  	s18 =	sadd.s32 $0x1, s18;
	v62 =	vmul.f32 v61, v60  }
0x4c8: {  	p0 =	sne.s32 s18, $0x10;
	v0 =	vsub.f32 $1.000000000e+00, v0  }
.Ltmp8:
0x4c9: {  	v1 =	vsub.f32 $1.000000000e+00, v62;
	(pc) =	sbr.rel @!p0 .LBB2_23-.Ltmp8, $4  }
0x4ca: {  	v0 =	vmax.f32 v0, $9.999999740e-05  }
0x4cb: {  	s31 =	sand.u32 $0x180, s15;
	v0 =	vmin.f32 v0, $9.999899860e-01;
	v1 =	vmax.f32 v1, $9.999999740e-05  }
0x4cc: {  	s19 =	sor.u32 s19, s31;
	[tilespmem:s16+$0x0] =	vst v0;
	v63 =	vmin.f32 v1, $9.999899860e-01  }
0x4cd: {  	s17 =	sadd.s32 $0x100, s17;
	s15 =	sadd.s32 $0x20, s15;
	s16 =	sadd.s32 $0x20, s16;
	[tilespmem:s19+$0x19400] =	vst v63  }
.LBB2_12:
0x4ce: {  	p0 =	sgt.s32 s18, $0x7  }
.Ltmp9:
0x4cf: {  	_ = 	snop;
	(pc) =	sbr.rel @p0 .LBB2_15-.Ltmp9, $1  }
0x4d0: {  	_ =	sdelay $0x3  }
0x4d1: {  	p0 =	seq.s32 s18, $0x0  }
.Ltmp10:
0x4d2: {  	_ = 	snop;
	(pc) =	sbr.rel @p0 .LBB2_14-.Ltmp10, $1  }
0x4d3: {  	_ =	sdelay $0x3  }
0x4d4: {  	p0 =	seq.s32 s18, $0x4  }
.Ltmp11:
0x4d5: {  	_ = 	snop;
	(pc) =	sbr.rel @!p0 .LBB2_22-.Ltmp11, $1  }
0x4d6: {  	_ =	sdelay $0x3  }
.Ltmp12:
0x4d7: {  	(pc) =	sbr.rel .LBB2_21-.Ltmp12, $2  }
0x4d8: {  	_ =	sdelay $0x2  }
0x4d9: {  	s19 =	simm.s32 $0x3  }
.LBB2_15:
0x4da: {  	p0 =	seq.s32 s18, $0x8  }
.Ltmp13:
0x4db: {  	_ = 	snop;
	(pc) =	sbr.rel @p0 .LBB2_20-.Ltmp13, $1  }
0x4dc: {  	_ =	sdelay $0x3  }
0x4dd: {  	p0 =	seq.s32 s18, $0xC  }
.Ltmp14:
0x4de: {  	_ = 	snop;
	(pc) =	sbr.rel @!p0 .LBB2_22-.Ltmp14, $1  }
0x4df: {  	_ =	sdelay $0x3  }
.Ltmp15:
0x4e0: {  	(pc) =	sbr.rel .LBB2_21-.Ltmp15, $2  }
0x4e1: {  	_ =	sdelay $0x2  }
0x4e2: {  	s19 =	simm.s32 $0x5  }
.LBB2_14:
.Ltmp16:
0x4e3: {  	(pc) =	sbr.rel .LBB2_21-.Ltmp16, $2  }
0x4e4: {  	_ =	sdelay $0x2  }
0x4e5: {  	s19 =	simm.s32 $0x2  }
.LBB2_24:
0x4e6: {  	_ =	sfence.sel $0x180000  }
0x4e7: {  	[bflag:$0x0] =	sbarrier.arrive $0xFFFF  }
0x4e8: {  	p0 =	sne.s32 s1, $0x0;
	_ =	strace $0x90000047  }
0x4e9: {  	s0 =	sadd.s32 @!p0 $0x100000, s0;
	[bflag:$0x2] =	sbarrier.arrive $0xFFFF  }
0x4ea: {  	[sflag:s0] =	ssyncadd.tile.s32 @!p0 $0x1;
	_ =	shalt  }
.Lfunc_end2:
_tile_overlayer_lowered:
.L_overlay_start_2:
0x4eb: {  	(tag) =	ssettag $0x2  }
0x4ec: {  	s0 =	rddreg [dreg:$0x0];
	s2 =	stileid.u32  }
0x4ed: {  	s1 =	rddreg [dreg:$0x1];
	p0 =	sne.s32 s2, $0x0  }
0x4ee: {  	s3 =	rddreg [dreg:$0x2];
	[bflag:$0x3] =	sbarrier.arrive $0xFFFF;
	s2 =	simm.s32 @!p0 $0x1C06  }
0x4ef: {  	[timem:s3], [sflag:s2] =	dma.local @!p0 [hbm:s0], s1  }
0x4f0: {  	s0 =	simm.s32 @!p0 $0x6  }
0x4f1: {  	_ =	swait.ge @!p0 [sflag:s0], s1  }
0x4f2: {  	s1 =	ssub.s32 @!p0 $0x0, s1;
	[sflag:s0] =	ssyncset.done @!p0 $0x0  }
0x4f3: {  	[sflag:s0] =	ssyncadd.s32 @!p0 s1  }
0x4f4: {  	[bflag:$0x3] =	sbarrier.arrive $0xFFFF  }
0x4f5: {  	_ =	shalt  }

</sc_bundles>
